<compile_context>
chip_gen: v7x
topology: tpu7x:2x2x1
jax: 0.10.2.dev20260603
libtpu: 0.0.44.dev20260713+nightly
codegen_flags: <defaults>
</compile_context>

<pallas_src>
import jax
import jax.numpy as jnp
from jax import lax
from jax.experimental import pallas as pl
from jax.experimental.pallas import tpu as pltpu
from jax.experimental.pallas import tpu_sc as plsc

_B = 16384
_N_SPARSE = 26
_N_DENSE = 13
_VOCAB = 100000
_EDIM = 16
_HID1 = 256
_HID2 = 128
_N_FEAT = _N_SPARSE + _N_DENSE
_EFLAT = _N_SPARSE * _EDIM

_NC, _NS = 2, 16
_NW = _NC * _NS
_ROWS = _B * _N_SPARSE
_STREAM = 128



_VFULL = _VOCAB // 128
_VTAIL = _VOCAB - _VFULL * 128
_VCHUNK = 1024
_NFULL = (_VFULL * 128) // _VCHUNK
_VPART = _VFULL * 128 - _NFULL * _VCHUNK
_CPF = 128
_RBLK = _N_SPARSE * _CPF
_IPW = _RBLK // _NW


def _relayout_body(tt, tail, out, vin0, vin1, vout0, vout1,
                   si0, si1, so0, so1):
    wid = lax.axis_index("s") * _NC + lax.axis_index("c")
    iota = lax.iota(jnp.int32, 16)
    rot = [lax.bitwise_and(iota + e0, 15) for e0 in range(_EDIM)]
    sidx = [iota * _EDIM + rot[e0] for e0 in range(_EDIM)]
    vins, vouts = (vin0, vin1), (vout0, vout1)
    sins, souts = (si0, si1), (so0, so1)

    def coords(i):
        bid = wid + i * _NW
        f = lax.shift_right_logical(bid, _CPF.bit_length() - 1)
        c = lax.bitwise_and(bid, _CPF - 1)
        return f, c

    def in_copy(i, b, n):
        f, c = coords(i)
        return pltpu.make_async_copy(
            tt.at[f, :, pl.ds(c * _VCHUNK, n)],
            vins[b].at[:, pl.ds(0, n)], sins[b])

    def out_copy(i, b, n):
        f, c = coords(i)
        base = (f * _VOCAB + c * _VCHUNK) * _EDIM
        return pltpu.make_async_copy(
            vouts[b].at[pl.ds(0, n * _EDIM)],
            out.at[pl.ds(base, n * _EDIM)], souts[b])

    def start_in(i, b):
        f, c = coords(i)

        @pl.when(jnp.logical_and(i < _IPW, c < _NFULL))
        def _():
            in_copy(i, b, _VCHUNK).start()

        @pl.when(jnp.logical_and(i < _IPW, c == _NFULL))
        def _():
            in_copy(i, b, _VPART).start()

    def transpose(b, ngroups):
        def grp(t, carry):
            for u in range(4):
                v0 = t * 64 + u * 16
                col = iota + v0
                xs = [plsc.load_gather(vins[b], [rot[e0], col])
                      for e0 in range(_EDIM)]
                ref = vouts[b].at[pl.ds(v0 * _EDIM, 16 * _EDIM)]
                for e0 in range(_EDIM):
                    plsc.store_scatter(ref, [sidx[e0]], xs[e0])
            return carry

        lax.fori_loop(0, ngroups, grp, 0)

    def step(i, b):
        f, c = coords(i)
        full = c < _NFULL
        part = c == _NFULL

        @pl.when(full)
        def _():
            in_copy(i, b, _VCHUNK).wait()

        @pl.when(part)
        def _():
            in_copy(i, b, _VPART).wait()

        fp, cp = coords(i - 2)

        @pl.when(jnp.logical_and(i - 2 >= 0, cp < _NFULL))
        def _():
            out_copy(i - 2, b, _VCHUNK).wait()

        @pl.when(jnp.logical_and(i - 2 >= 0, cp == _NFULL))
        def _():
            out_copy(i - 2, b, _VPART).wait()

        @pl.when(jnp.logical_or(full, part))
        def _():
            transpose(b, jnp.where(full, _VCHUNK // 64, _VPART // 64))

        @pl.when(full)
        def _():
            out_copy(i, b, _VCHUNK).start()

        @pl.when(part)
        def _():
            out_copy(i, b, _VPART).start()

        start_in(i + 2, b)

    start_in(jnp.int32(0), 0)
    start_in(jnp.int32(1), 1)

    def pair(i2, carry):
        step(i2 * 2, 0)
        step(i2 * 2 + 1, 1)
        return carry

    lax.fori_loop(0, _IPW // 2, pair, 0)

    for i in (_IPW - 2, _IPW - 1):
        fz, cz = coords(jnp.int32(i))

        @pl.when(cz < _NFULL)
        def _():
            out_copy(jnp.int32(i), i % 2, _VCHUNK).wait()

        @pl.when(cz == _NFULL)
        def _():
            out_copy(jnp.int32(i), i % 2, _VPART).wait()

    @pl.when(wid < _N_SPARSE)
    def _():
        f = wid
        n = _VTAIL * _EDIM
        pltpu.sync_copy(tail.at[pl.ds(f * n, n)], vout0.at[pl.ds(0, n)])
        base = (f * _VOCAB + _VFULL * 128) * _EDIM
        pltpu.sync_copy(vout0.at[pl.ds(0, n)], out.at[pl.ds(base, n)])


def _sc_relayout(tt, tail):
    mesh = plsc.VectorSubcoreMesh(core_axis_name="c", subcore_axis_name="s")
    f = pl.kernel(
        _relayout_body,
        mesh=mesh,
        out_type=jax.ShapeDtypeStruct((_N_SPARSE * _VOCAB * _EDIM,),
                                      jnp.float32),
        scratch_types=[
            pltpu.VMEM((16, _VCHUNK), jnp.float32),
            pltpu.VMEM((16, _VCHUNK), jnp.float32),
            pltpu.VMEM((_VCHUNK * _EDIM,), jnp.float32),
            pltpu.VMEM((_VCHUNK * _EDIM,), jnp.float32),
            pltpu.SemaphoreType.DMA,
            pltpu.SemaphoreType.DMA,
            pltpu.SemaphoreType.DMA,
            pltpu.SemaphoreType.DMA,
        ],
        compiler_params=pltpu.CompilerParams(use_tc_tiling_on_sc=True,
                                             needs_layout_passes=False),
    )
    return f(tt, tail)


def _make_gather_body(rpw, spc, nchunk):
    chunk_rows = _STREAM * spc

    def _gather_body(tbl, idx, out, idx_v, rows_v, sem):
        wid = lax.axis_index("s") * _NC + lax.axis_index("c")
        base = wid * rpw
        pltpu.sync_copy(idx.at[wid], idx_v)

        def chunk(c, carry):
            cps = [
                pltpu.async_copy(
                    tbl.at[idx_v.at[c * spc + j]],
                    rows_v.at[pl.ds(j * _STREAM, _STREAM)],
                    sem,
                )
                for j in range(spc)
            ]
            for cp in cps:
                cp.wait()
            pltpu.sync_copy(rows_v,
                            out.at[pl.ds(base + c * chunk_rows, chunk_rows)])
            return carry

        lax.fori_loop(0, nchunk, chunk, 0)

    return _gather_body


def _sc_gather(tbl_flat, idx, rows):
    rpw = rows // _NW
    nstreams = rpw // _STREAM
    spc = 4 if nstreams % 8 else 8
    nchunk = nstreams // spc
    mesh = plsc.VectorSubcoreMesh(core_axis_name="c", subcore_axis_name="s")
    f = pl.kernel(
        _make_gather_body(rpw, spc, nchunk),
        mesh=mesh,
        out_type=jax.ShapeDtypeStruct((rows, _EDIM), jnp.float32),
        scratch_types=[
            pltpu.VMEM((nstreams, _STREAM), jnp.int32),
            pltpu.VMEM((_STREAM * spc, _EDIM), jnp.float32),
            pltpu.SemaphoreType.DMA,
        ],
        compiler_params=pltpu.CompilerParams(use_tc_tiling_on_sc=False),
    )
    return f(tbl_flat, idx)


_BS = 1024


def _mlp_body(emb, x, w1e, w1d, b1, w2, b2, wout, wlin, blin, out):
    xv = x[...]
    h1 = jnp.dot(emb[...], w1e[...], preferred_element_type=jnp.float32)
    h1 = h1 + jnp.dot(xv[:, _N_SPARSE:], w1d[...],
                      preferred_element_type=jnp.float32)
    h1 = jnp.maximum(h1 + b1[...], 0.0)
    h2 = jnp.dot(h1, w2[...], preferred_element_type=jnp.float32)
    h2 = jnp.maximum(h2 + b2[...], 0.0)
    dlogit = jnp.sum(h2 * wout[...], axis=1, keepdims=True)
    wlogit = jnp.sum(xv * wlin[...], axis=1, keepdims=True) + blin[...]
    wlogit = jnp.maximum(wlogit, 0.0)
    z = wlogit + dlogit
    out[...] = 1.0 / (1.0 + jnp.exp(-z))


def _mlp(emb, X, w1e, w1d, b1, w2, b2, wout, wlin, blin):
    grid = (emb.shape[0] // _BS,)
    full = lambda r, c: pl.BlockSpec((r, c), lambda i: (0, 0))
    return pl.pallas_call(
        _mlp_body,
        grid=grid,
        in_specs=[
            pl.BlockSpec((_BS, _EFLAT), lambda i: (i, 0)),
            pl.BlockSpec((_BS, _N_FEAT), lambda i: (i, 0)),
            full(_EFLAT, _HID1),
            full(_N_DENSE, _HID1),
            full(1, _HID1),
            full(_HID1, _HID2),
            full(1, _HID2),
            full(1, _HID2),
            full(1, _N_FEAT),
            full(1, 1),
        ],
        out_specs=pl.BlockSpec((_BS, 1), lambda i: (i, 0)),
        out_shape=jax.ShapeDtypeStruct((emb.shape[0], 1), jnp.float32),
        compiler_params=pltpu.CompilerParams(
            dimension_semantics=("arbitrary",)),
    )(emb, X, w1e, w1d, b1, w2, b2, wout, wlin, blin)


_HB = _B // 2
_HROWS = _HB * _N_SPARSE


def kernel(X, tables, W_lin, b_lin, W1, b1, W2, b2, W_out):
    offs = (jnp.arange(_N_SPARSE, dtype=jnp.int32) * _VOCAB)[None, :]
    idx = X[:, :_N_SPARSE].astype(jnp.int32) + offs
    idx = idx.reshape(2, _NW, _HROWS // _NW // _STREAM, _STREAM)
    tt = jnp.transpose(tables, (0, 2, 1))
    tail = tables[:, _VFULL * 128:, :].reshape(-1)
    tbl_flat = _sc_relayout(tt, tail).reshape(_N_SPARSE * _VOCAB, _EDIM)
    emb_a = _sc_gather(tbl_flat, idx[0], _HROWS).reshape(_HB, _EFLAT)
    emb_b = _sc_gather(tbl_flat, idx[1], _HROWS).reshape(_HB, _EFLAT)
    w = (W1[:, :_EFLAT].T, W1[:, _EFLAT:].T, b1[None, :],
         W2.T, b2[None, :], W_out, W_lin, b_lin[None, :])
    out_a = _mlp(emb_a, X[:_HB], *w)
    out_b = _mlp(emb_b, X[_HB:], *w)
    return jnp.concatenate([out_a, out_b], axis=0)

# --- scband reference (transcript-rebuilt; emitter-appended) ---
"""Pipeline reference for scband-wide-deep-17729624998358 (READ-ONLY COPY).

The authoritative reference and input builder live on the scoring server;
editing this copy changes nothing except your own understanding.
"""

import jax, jax.numpy as jnp
import numpy as np

B = 16384
N_SPARSE = 26
N_DENSE = 13
VOCAB = 100000
EDIM = 16
HID1 = 256
HID2 = 128
DNN_IN = N_DENSE + EDIM * N_SPARSE  # 429
N_FEAT = N_SPARSE + N_DENSE  # 39


def setup_inputs(seed: int = 0) -> dict:
    key = jax.random.key(seed)
    ks = jax.random.split(key, 10)
    # X: float tensor; first 26 columns are sparse ids (cast to int in forward), last 13 dense
    X = jax.random.randint(ks[0], (B, N_FEAT), 0, VOCAB).astype(jnp.float32)
    # 26 embedding tables of shape [VOCAB, EDIM], stacked (torch nn.Embedding default init N(0,1))
    tables = jax.random.normal(ks[1], (N_SPARSE, VOCAB, EDIM), dtype=jnp.float32)
    # wide linear: Linear(39, 1), weight init N(0, 1e-5)
    W_lin = jax.random.normal(ks[2], (1, N_FEAT), dtype=jnp.float32) * 1e-5
    b_lin = jnp.zeros((1,), dtype=jnp.float32)
    # DNN: 429 -> 256 -> 128, weights init N(0, 1e-4)
    W1 = jax.random.normal(ks[3], (HID1, DNN_IN), dtype=jnp.float32) * 1e-4
    b1 = jnp.zeros((HID1,), dtype=jnp.float32)
    W2 = jax.random.normal(ks[4], (HID2, HID1), dtype=jnp.float32) * 1e-4
    b2 = jnp.zeros((HID2,), dtype=jnp.float32)
    # dnn_linear: Linear(128, 1, bias=False)
    W_out = jax.random.normal(ks[5], (1, HID2), dtype=jnp.float32) * 0.05
    return {"X": X, "tables": tables, "W_lin": W_lin, "b_lin": b_lin,
            "W1": W1, "b1": b1, "W2": W2, "b2": b2, "W_out": W_out}


def reference(X, tables, W_lin, b_lin, W1, b1, W2, b2, W_out):
    # wide part: one Linear + ReLU (dropout is identity in eval)
    logit = jax.nn.relu(X @ W_lin.T + b_lin)  # [B, 1]
    # sparse embedding lookups (SparseCore gather)
    idx = X[:, :N_SPARSE].astype(jnp.int32)  # [B, 26]
    emb = jnp.stack([jnp.take(tables[f], idx[:, f], axis=0) for f in range(N_SPARSE)], axis=1)  # [B, 26, 16]
    sparse_input = emb.reshape(X.shape[0], -1)  # [B, 416]
    dense_input = X[:, N_SPARSE:]  # [B, 13]
    dnn_input = jnp.concatenate([sparse_input, dense_input], axis=1)  # [B, 429]
    # deep part (note: original DNN has 'fc - dropout(fc)' no-op, so dropout never applied)
    h = jax.nn.relu(dnn_input @ W1.T + b1)
    h = jax.nn.relu(h @ W2.T + b2)
    dnn_logit = h @ W_out.T  # [B, 1]
    y_pred = jax.nn.sigmoid(logit + dnn_logit)
    return y_pred

if __name__ == "__main__":
    import jax
    _d = setup_inputs()
    print(jax.jit(kernel)(*tuple(_d.values())))

</pallas_src>

<mosaic_0001>
#map = affine_map<(d0, d1) -> (0, 0)>
#map1 = affine_map<(d0, d1) -> (0, 0, 0)>
module attributes {stable_mosaic.version = 14 : i64} {
  func.func @_gather_body(%arg0: i32, %arg1: i32, %arg2: memref<2600000x16xf32, #tpu.memory_space<hbm>>, %arg3: memref<32x52x128xi32, #tpu.memory_space<hbm>>, %arg4: memref<212992x16xf32, #tpu.memory_space<hbm>>, %arg5: memref<52x128xi32, #tpu.memory_space<vmem>>, %arg6: memref<512x16xf32, #tpu.memory_space<vmem>>, %arg7: memref<!tpu.dma_semaphore, #tpu.memory_space<semaphore_mem>>) attributes {dimension_semantics = [#tpu.dimension_semantics<core_parallel>, #tpu.dimension_semantics<subcore_parallel>], iteration_bounds = array<i64: 2, 16>, scalar_prefetch = 0 : i64, scratch_operands = 3 : i64, tpu.core_type = #tpu.core_type<sc_vector_subcore>, window_params = [{transform_indices = #map}, {transform_indices = #map1}, {transform_indices = #map}]} {
    %mul3A = arith.constant 2 : i32
    %mul3A_0 = arith.muli %arg1, %mul3A : i32
    %add3A = arith.addi %mul3A_0, %arg0 : i32
    %mul3A_1 = arith.constant 6656 : i32
    %mul3A_2 = arith.muli %add3A, %mul3A_1 : i32
    "tpu.region"() ({
      %run_scoped3A = tpu.sem_alloc : memref<!tpu.dma_semaphore, #tpu.memory_space<semaphore_mem>>
      %dma_start3A = arith.constant 0 : i32
      %dma_start3A_8 = arith.constant 0 : i32
      %dma_start3A_9 = tpu.memref_slice %arg3[%add3A, %dma_start3A, %dma_start3A_8] : memref<32x52x128xi32, #tpu.memory_space<hbm>> -> memref<1x52x128xi32, #tpu.memory_space<hbm>>
      %dma_start3A_10 = tpu.memref_squeeze %dma_start3A_9 : memref<1x52x128xi32, #tpu.memory_space<hbm>> -> memref<52x128xi32, #tpu.memory_space<hbm>>
      %dma_start3A_11 = arith.constant 0 : i32
      %dma_start3A_12 = arith.constant 0 : i32
      %dma_start3A_13 = tpu.memref_slice %arg3[%add3A, %dma_start3A_11, %dma_start3A_12] : memref<32x52x128xi32, #tpu.memory_space<hbm>> -> memref<1x52x128xi32, #tpu.memory_space<hbm>>
      %dma_start3A_14 = tpu.memref_squeeze %dma_start3A_13 : memref<1x52x128xi32, #tpu.memory_space<hbm>> -> memref<52x128xi32, #tpu.memory_space<hbm>>
      tpu.enqueue_dma source(%dma_start3A_14 : memref<52x128xi32, #tpu.memory_space<hbm>>) target(%arg5 : memref<52x128xi32, #tpu.memory_space<vmem>>) target_semaphore(%run_scoped3A : memref<!tpu.dma_semaphore, #tpu.memory_space<semaphore_mem>>)
      %dma_wait3A = arith.constant 0 : i32
      %dma_wait3A_15 = arith.constant 0 : i32
      %dma_wait3A_16 = tpu.memref_slice %arg3[%add3A, %dma_wait3A, %dma_wait3A_15] : memref<32x52x128xi32, #tpu.memory_space<hbm>> -> memref<1x52x128xi32, #tpu.memory_space<hbm>>
      %dma_wait3A_17 = tpu.memref_squeeze %dma_wait3A_16 : memref<1x52x128xi32, #tpu.memory_space<hbm>> -> memref<52x128xi32, #tpu.memory_space<hbm>>
      %dma_wait3A_18 = arith.constant 0 : i32
      %dma_wait3A_19 = arith.constant 0 : i32
      %dma_wait3A_20 = tpu.memref_slice %arg3[%add3A, %dma_wait3A_18, %dma_wait3A_19] : memref<32x52x128xi32, #tpu.memory_space<hbm>> -> memref<1x52x128xi32, #tpu.memory_space<hbm>>
      %dma_wait3A_21 = tpu.memref_squeeze %dma_wait3A_20 : memref<1x52x128xi32, #tpu.memory_space<hbm>> -> memref<52x128xi32, #tpu.memory_space<hbm>>
      tpu.wait_dma2 semaphore(%run_scoped3A : memref<!tpu.dma_semaphore, #tpu.memory_space<semaphore_mem>>) src(%dma_wait3A_21 : memref<52x128xi32, #tpu.memory_space<hbm>>) dst(%arg5 : memref<52x128xi32, #tpu.memory_space<vmem>>)
      tpu.yield
    }) : () -> ()
    %scan3A = arith.constant 0 : i32
    %scan3A_3 = arith.constant 0 : i32
    %scan3A_4 = arith.constant 13 : i32
    %scan3A_5 = arith.addi %scan3A_3, %scan3A_4 : i32
    %scan3A_6 = arith.constant 1 : i32
    scf.for %scan3A_8 = %scan3A_3 to %scan3A_5 step %scan3A_6  : i32 {
      %mul3A_9 = arith.constant 4 : i32
      %mul3A_10 = arith.muli %scan3A_8, %mul3A_9 : i32
      %add3A_11 = arith.constant 0 : i32
      %add3A_12 = arith.addi %mul3A_10, %add3A_11 : i32
      %dma_start3A = arith.constant 0 : i32
      %dma_start3A_13 = arith.constant 0 : i32
      %dma_start3A_14 = tpu.memref_slice %arg6[%dma_start3A, %dma_start3A_13] : memref<512x16xf32, #tpu.memory_space<vmem>> -> memref<128x16xf32, #tpu.memory_space<vmem>>
      %dma_start3A_15 = arith.constant 0 : i32
      %dma_start3A_16 = tpu.memref_slice %arg5[%add3A_12, %dma_start3A_15] : memref<52x128xi32, #tpu.memory_space<vmem>> -> memref<1x128xi32, #tpu.memory_space<vmem>>
      %dma_start3A_17 = tpu.memref_squeeze %dma_start3A_16 : memref<1x128xi32, #tpu.memory_space<vmem>> -> memref<128xi32, #tpu.memory_space<vmem>>
      %dma_start3A_18 = arith.constant 0 : i32
      %dma_start3A_19 = arith.constant 0 : i32
      %dma_start3A_20 = tpu.memref_slice %arg2[%dma_start3A_18, %dma_start3A_19] : memref<2600000x16xf32, #tpu.memory_space<hbm>> -> memref<2600000x16xf32, #tpu.memory_space<hbm>>
      tpu.enqueue_indirect_dma source(%dma_start3A_20 : memref<2600000x16xf32, #tpu.memory_space<hbm>>) target(%dma_start3A_14 : memref<128x16xf32, #tpu.memory_space<vmem>>) offsets(%dma_start3A_17 : memref<128xi32, #tpu.memory_space<vmem>>) semaphore(%arg7 : memref<!tpu.dma_semaphore, #tpu.memory_space<semaphore_mem>>)
      %mul3A_21 = arith.constant 4 : i32
      %mul3A_22 = arith.muli %scan3A_8, %mul3A_21 : i32
      %add3A_23 = arith.constant 1 : i32
      %add3A_24 = arith.addi %mul3A_22, %add3A_23 : i32
      %dma_start3A_25 = arith.constant 128 : i32
      %dma_start3A_26 = arith.constant 0 : i32
      %dma_start3A_27 = tpu.memref_slice %arg6[%dma_start3A_25, %dma_start3A_26] : memref<512x16xf32, #tpu.memory_space<vmem>> -> memref<128x16xf32, #tpu.memory_space<vmem>>
      %dma_start3A_28 = arith.constant 0 : i32
      %dma_start3A_29 = tpu.memref_slice %arg5[%add3A_24, %dma_start3A_28] : memref<52x128xi32, #tpu.memory_space<vmem>> -> memref<1x128xi32, #tpu.memory_space<vmem>>
      %dma_start3A_30 = tpu.memref_squeeze %dma_start3A_29 : memref<1x128xi32, #tpu.memory_space<vmem>> -> memref<128xi32, #tpu.memory_space<vmem>>
      %dma_start3A_31 = arith.constant 0 : i32
      %dma_start3A_32 = arith.constant 0 : i32
      %dma_start3A_33 = tpu.memref_slice %arg2[%dma_start3A_31, %dma_start3A_32] : memref<2600000x16xf32, #tpu.memory_space<hbm>> -> memref<2600000x16xf32, #tpu.memory_space<hbm>>
      tpu.enqueue_indirect_dma source(%dma_start3A_33 : memref<2600000x16xf32, #tpu.memory_space<hbm>>) target(%dma_start3A_27 : memref<128x16xf32, #tpu.memory_space<vmem>>) offsets(%dma_start3A_30 : memref<128xi32, #tpu.memory_space<vmem>>) semaphore(%arg7 : memref<!tpu.dma_semaphore, #tpu.memory_space<semaphore_mem>>)
      %mul3A_34 = arith.constant 4 : i32
      %mul3A_35 = arith.muli %scan3A_8, %mul3A_34 : i32
      %add3A_36 = arith.constant 2 : i32
      %add3A_37 = arith.addi %mul3A_35, %add3A_36 : i32
      %dma_start3A_38 = arith.constant 256 : i32
      %dma_start3A_39 = arith.constant 0 : i32
      %dma_start3A_40 = tpu.memref_slice %arg6[%dma_start3A_38, %dma_start3A_39] : memref<512x16xf32, #tpu.memory_space<vmem>> -> memref<128x16xf32, #tpu.memory_space<vmem>>
      %dma_start3A_41 = arith.constant 0 : i32
      %dma_start3A_42 = tpu.memref_slice %arg5[%add3A_37, %dma_start3A_41] : memref<52x128xi32, #tpu.memory_space<vmem>> -> memref<1x128xi32, #tpu.memory_space<vmem>>
      %dma_start3A_43 = tpu.memref_squeeze %dma_start3A_42 : memref<1x128xi32, #tpu.memory_space<vmem>> -> memref<128xi32, #tpu.memory_space<vmem>>
      %dma_start3A_44 = arith.constant 0 : i32
      %dma_start3A_45 = arith.constant 0 : i32
      %dma_start3A_46 = tpu.memref_slice %arg2[%dma_start3A_44, %dma_start3A_45] : memref<2600000x16xf32, #tpu.memory_space<hbm>> -> memref<2600000x16xf32, #tpu.memory_space<hbm>>
      tpu.enqueue_indirect_dma source(%dma_start3A_46 : memref<2600000x16xf32, #tpu.memory_space<hbm>>) target(%dma_start3A_40 : memref<128x16xf32, #tpu.memory_space<vmem>>) offsets(%dma_start3A_43 : memref<128xi32, #tpu.memory_space<vmem>>) semaphore(%arg7 : memref<!tpu.dma_semaphore, #tpu.memory_space<semaphore_mem>>)
      %mul3A_47 = arith.constant 4 : i32
      %mul3A_48 = arith.muli %scan3A_8, %mul3A_47 : i32
      %add3A_49 = arith.constant 3 : i32
      %add3A_50 = arith.addi %mul3A_48, %add3A_49 : i32
      %dma_start3A_51 = arith.constant 384 : i32
      %dma_start3A_52 = arith.constant 0 : i32
      %dma_start3A_53 = tpu.memref_slice %arg6[%dma_start3A_51, %dma_start3A_52] : memref<512x16xf32, #tpu.memory_space<vmem>> -> memref<128x16xf32, #tpu.memory_space<vmem>>
      %dma_start3A_54 = arith.constant 0 : i32
      %dma_start3A_55 = tpu.memref_slice %arg5[%add3A_50, %dma_start3A_54] : memref<52x128xi32, #tpu.memory_space<vmem>> -> memref<1x128xi32, #tpu.memory_space<vmem>>
      %dma_start3A_56 = tpu.memref_squeeze %dma_start3A_55 : memref<1x128xi32, #tpu.memory_space<vmem>> -> memref<128xi32, #tpu.memory_space<vmem>>
      %dma_start3A_57 = arith.constant 0 : i32
      %dma_start3A_58 = arith.constant 0 : i32
      %dma_start3A_59 = tpu.memref_slice %arg2[%dma_start3A_57, %dma_start3A_58] : memref<2600000x16xf32, #tpu.memory_space<hbm>> -> memref<2600000x16xf32, #tpu.memory_space<hbm>>
      tpu.enqueue_indirect_dma source(%dma_start3A_59 : memref<2600000x16xf32, #tpu.memory_space<hbm>>) target(%dma_start3A_53 : memref<128x16xf32, #tpu.memory_space<vmem>>) offsets(%dma_start3A_56 : memref<128xi32, #tpu.memory_space<vmem>>) semaphore(%arg7 : memref<!tpu.dma_semaphore, #tpu.memory_space<semaphore_mem>>)
      %dma_wait3A = arith.constant 0 : i32
      %dma_wait3A_60 = arith.constant 0 : i32
      %dma_wait3A_61 = tpu.memref_slice %arg6[%dma_wait3A, %dma_wait3A_60] : memref<512x16xf32, #tpu.memory_space<vmem>> -> memref<128x16xf32, #tpu.memory_space<vmem>>
      %dma_wait3A_62 = arith.constant 0 : i32
      %dma_wait3A_63 = tpu.memref_slice %arg5[%add3A_12, %dma_wait3A_62] : memref<52x128xi32, #tpu.memory_space<vmem>> -> memref<1x128xi32, #tpu.memory_space<vmem>>
      %dma_wait3A_64 = tpu.memref_squeeze %dma_wait3A_63 : memref<1x128xi32, #tpu.memory_space<vmem>> -> memref<128xi32, #tpu.memory_space<vmem>>
      %dma_wait3A_65 = arith.constant 0 : i32
      %dma_wait3A_66 = arith.constant 0 : i32
      %dma_wait3A_67 = tpu.memref_slice %arg2[%dma_wait3A_65, %dma_wait3A_66] : memref<2600000x16xf32, #tpu.memory_space<hbm>> -> memref<2600000x16xf32, #tpu.memory_space<hbm>>
      tpu.wait_indirect_dma semaphore(%arg7 : memref<!tpu.dma_semaphore, #tpu.memory_space<semaphore_mem>>) src(%dma_wait3A_67 : memref<2600000x16xf32, #tpu.memory_space<hbm>>) dst(%dma_wait3A_61 : memref<128x16xf32, #tpu.memory_space<vmem>>)
      %dma_wait3A_68 = arith.constant 128 : i32
      %dma_wait3A_69 = arith.constant 0 : i32
      %dma_wait3A_70 = tpu.memref_slice %arg6[%dma_wait3A_68, %dma_wait3A_69] : memref<512x16xf32, #tpu.memory_space<vmem>> -> memref<128x16xf32, #tpu.memory_space<vmem>>
      %dma_wait3A_71 = arith.constant 0 : i32
      %dma_wait3A_72 = tpu.memref_slice %arg5[%add3A_24, %dma_wait3A_71] : memref<52x128xi32, #tpu.memory_space<vmem>> -> memref<1x128xi32, #tpu.memory_space<vmem>>
      %dma_wait3A_73 = tpu.memref_squeeze %dma_wait3A_72 : memref<1x128xi32, #tpu.memory_space<vmem>> -> memref<128xi32, #tpu.memory_space<vmem>>
      %dma_wait3A_74 = arith.constant 0 : i32
      %dma_wait3A_75 = arith.constant 0 : i32
      %dma_wait3A_76 = tpu.memref_slice %arg2[%dma_wait3A_74, %dma_wait3A_75] : memref<2600000x16xf32, #tpu.memory_space<hbm>> -> memref<2600000x16xf32, #tpu.memory_space<hbm>>
      tpu.wait_indirect_dma semaphore(%arg7 : memref<!tpu.dma_semaphore, #tpu.memory_space<semaphore_mem>>) src(%dma_wait3A_76 : memref<2600000x16xf32, #tpu.memory_space<hbm>>) dst(%dma_wait3A_70 : memref<128x16xf32, #tpu.memory_space<vmem>>)
      %dma_wait3A_77 = arith.constant 256 : i32
      %dma_wait3A_78 = arith.constant 0 : i32
      %dma_wait3A_79 = tpu.memref_slice %arg6[%dma_wait3A_77, %dma_wait3A_78] : memref<512x16xf32, #tpu.memory_space<vmem>> -> memref<128x16xf32, #tpu.memory_space<vmem>>
      %dma_wait3A_80 = arith.constant 0 : i32
      %dma_wait3A_81 = tpu.memref_slice %arg5[%add3A_37, %dma_wait3A_80] : memref<52x128xi32, #tpu.memory_space<vmem>> -> memref<1x128xi32, #tpu.memory_space<vmem>>
      %dma_wait3A_82 = tpu.memref_squeeze %dma_wait3A_81 : memref<1x128xi32, #tpu.memory_space<vmem>> -> memref<128xi32, #tpu.memory_space<vmem>>
      %dma_wait3A_83 = arith.constant 0 : i32
      %dma_wait3A_84 = arith.constant 0 : i32
      %dma_wait3A_85 = tpu.memref_slice %arg2[%dma_wait3A_83, %dma_wait3A_84] : memref<2600000x16xf32, #tpu.memory_space<hbm>> -> memref<2600000x16xf32, #tpu.memory_space<hbm>>
      tpu.wait_indirect_dma semaphore(%arg7 : memref<!tpu.dma_semaphore, #tpu.memory_space<semaphore_mem>>) src(%dma_wait3A_85 : memref<2600000x16xf32, #tpu.memory_space<hbm>>) dst(%dma_wait3A_79 : memref<128x16xf32, #tpu.memory_space<vmem>>)
      %dma_wait3A_86 = arith.constant 384 : i32
      %dma_wait3A_87 = arith.constant 0 : i32
      %dma_wait3A_88 = tpu.memref_slice %arg6[%dma_wait3A_86, %dma_wait3A_87] : memref<512x16xf32, #tpu.memory_space<vmem>> -> memref<128x16xf32, #tpu.memory_space<vmem>>
      %dma_wait3A_89 = arith.constant 0 : i32
      %dma_wait3A_90 = tpu.memref_slice %arg5[%add3A_50, %dma_wait3A_89] : memref<52x128xi32, #tpu.memory_space<vmem>> -> memref<1x128xi32, #tpu.memory_space<vmem>>
      %dma_wait3A_91 = tpu.memref_squeeze %dma_wait3A_90 : memref<1x128xi32, #tpu.memory_space<vmem>> -> memref<128xi32, #tpu.memory_space<vmem>>
      %dma_wait3A_92 = arith.constant 0 : i32
      %dma_wait3A_93 = arith.constant 0 : i32
      %dma_wait3A_94 = tpu.memref_slice %arg2[%dma_wait3A_92, %dma_wait3A_93] : memref<2600000x16xf32, #tpu.memory_space<hbm>> -> memref<2600000x16xf32, #tpu.memory_space<hbm>>
      tpu.wait_indirect_dma semaphore(%arg7 : memref<!tpu.dma_semaphore, #tpu.memory_space<semaphore_mem>>) src(%dma_wait3A_94 : memref<2600000x16xf32, #tpu.memory_space<hbm>>) dst(%dma_wait3A_88 : memref<128x16xf32, #tpu.memory_space<vmem>>)
      %mul3A_95 = arith.constant 512 : i32
      %mul3A_96 = arith.muli %scan3A_8, %mul3A_95 : i32
      %add3A_97 = arith.addi %mul3A_2, %mul3A_96 : i32
      "tpu.region"() ({
        %run_scoped3A = tpu.sem_alloc : memref<!tpu.dma_semaphore, #tpu.memory_space<semaphore_mem>>
        %dma_start3A_98 = arith.constant 0 : i32
        %dma_start3A_99 = tpu.memref_slice %arg4[%add3A_97, %dma_start3A_98] : memref<212992x16xf32, #tpu.memory_space<hbm>> -> memref<512x16xf32, #tpu.memory_space<hbm>>
        %dma_start3A_100 = arith.constant 0 : i32
        %dma_start3A_101 = tpu.memref_slice %arg4[%add3A_97, %dma_start3A_100] : memref<212992x16xf32, #tpu.memory_space<hbm>> -> memref<512x16xf32, #tpu.memory_space<hbm>>
        tpu.enqueue_dma source(%arg6 : memref<512x16xf32, #tpu.memory_space<vmem>>) target(%dma_start3A_101 : memref<512x16xf32, #tpu.memory_space<hbm>>) target_semaphore(%run_scoped3A : memref<!tpu.dma_semaphore, #tpu.memory_space<semaphore_mem>>)
        %dma_wait3A_102 = arith.constant 0 : i32
        %dma_wait3A_103 = tpu.memref_slice %arg4[%add3A_97, %dma_wait3A_102] : memref<212992x16xf32, #tpu.memory_space<hbm>> -> memref<512x16xf32, #tpu.memory_space<hbm>>
        %dma_wait3A_104 = arith.constant 0 : i32
        %dma_wait3A_105 = tpu.memref_slice %arg4[%add3A_97, %dma_wait3A_104] : memref<212992x16xf32, #tpu.memory_space<hbm>> -> memref<512x16xf32, #tpu.memory_space<hbm>>
        tpu.wait_dma2 semaphore(%run_scoped3A : memref<!tpu.dma_semaphore, #tpu.memory_space<semaphore_mem>>) src(%arg6 : memref<512x16xf32, #tpu.memory_space<vmem>>) dst(%dma_wait3A_105 : memref<512x16xf32, #tpu.memory_space<hbm>>)
        tpu.yield
      }) : () -> ()
    }
    %scan3A_7 = arith.constant 13 : i32
    return
  }
}

#map = affine_map<(d0, d1) -> (0, 0, 0)>
#map1 = affine_map<(d0, d1) -> (0)>
module attributes {stable_mosaic.version = 14 : i64} {
  func.func @_relayout_body(%arg0: i32, %arg1: i32, %arg2: memref<26x16x100000xf32, #tpu.memory_space<hbm>>, %arg3: memref<13312xf32, #tpu.memory_space<hbm>>, %arg4: memref<41600000xf32, #tpu.memory_space<hbm>>, %arg5: memref<16x1024xf32, #tpu.memory_space<vmem>>, %arg6: memref<16x1024xf32, #tpu.memory_space<vmem>>, %arg7: memref<16384xf32, #tpu.memory_space<vmem>>, %arg8: memref<16384xf32, #tpu.memory_space<vmem>>, %arg9: memref<!tpu.dma_semaphore, #tpu.memory_space<semaphore_mem>>, %arg10: memref<!tpu.dma_semaphore, #tpu.memory_space<semaphore_mem>>, %arg11: memref<!tpu.dma_semaphore, #tpu.memory_space<semaphore_mem>>, %arg12: memref<!tpu.dma_semaphore, #tpu.memory_space<semaphore_mem>>) attributes {dimension_semantics = [#tpu.dimension_semantics<core_parallel>, #tpu.dimension_semantics<subcore_parallel>], iteration_bounds = array<i64: 2, 16>, scalar_prefetch = 0 : i64, scratch_operands = 8 : i64, tpu.core_type = #tpu.core_type<sc_vector_subcore>, window_params = [{transform_indices = #map}, {transform_indices = #map1}, {transform_indices = #map1}]} {
    %mul3A = arith.constant 2 : i32
    %mul3A_0 = arith.muli %arg1, %mul3A : i32
    %add3A = arith.addi %mul3A_0, %arg0 : i32
    %iota3A = tpu.iota {dimensions = array<i32: 0>} : vector<16xi32>
    %add3A_1 = arith.constant 0 : i32
    %add3A_2 = vector.broadcast %add3A_1 : i32 to vector<16xi32>
    %add3A_3 = arith.addi %iota3A, %add3A_2 : vector<16xi32>
    %and3A = arith.constant 15 : i32
    %and3A_4 = vector.broadcast %and3A : i32 to vector<16xi32>
    %and3A_5 = arith.andi %add3A_3, %and3A_4 : vector<16xi32>
    %add3A_6 = arith.constant 1 : i32
    %add3A_7 = vector.broadcast %add3A_6 : i32 to vector<16xi32>
    %add3A_8 = arith.addi %iota3A, %add3A_7 : vector<16xi32>
    %and3A_9 = arith.constant 15 : i32
    %and3A_10 = vector.broadcast %and3A_9 : i32 to vector<16xi32>
    %and3A_11 = arith.andi %add3A_8, %and3A_10 : vector<16xi32>
    %add3A_12 = arith.constant 2 : i32
    %add3A_13 = vector.broadcast %add3A_12 : i32 to vector<16xi32>
    %add3A_14 = arith.addi %iota3A, %add3A_13 : vector<16xi32>
    %and3A_15 = arith.constant 15 : i32
    %and3A_16 = vector.broadcast %and3A_15 : i32 to vector<16xi32>
    %and3A_17 = arith.andi %add3A_14, %and3A_16 : vector<16xi32>
    %add3A_18 = arith.constant 3 : i32
    %add3A_19 = vector.broadcast %add3A_18 : i32 to vector<16xi32>
    %add3A_20 = arith.addi %iota3A, %add3A_19 : vector<16xi32>
    %and3A_21 = arith.constant 15 : i32
    %and3A_22 = vector.broadcast %and3A_21 : i32 to vector<16xi32>
    %and3A_23 = arith.andi %add3A_20, %and3A_22 : vector<16xi32>
    %add3A_24 = arith.constant 4 : i32
    %add3A_25 = vector.broadcast %add3A_24 : i32 to vector<16xi32>
    %add3A_26 = arith.addi %iota3A, %add3A_25 : vector<16xi32>
    %and3A_27 = arith.constant 15 : i32
    %and3A_28 = vector.broadcast %and3A_27 : i32 to vector<16xi32>
    %and3A_29 = arith.andi %add3A_26, %and3A_28 : vector<16xi32>
    %add3A_30 = arith.constant 5 : i32
    %add3A_31 = vector.broadcast %add3A_30 : i32 to vector<16xi32>
    %add3A_32 = arith.addi %iota3A, %add3A_31 : vector<16xi32>
    %and3A_33 = arith.constant 15 : i32
    %and3A_34 = vector.broadcast %and3A_33 : i32 to vector<16xi32>
    %and3A_35 = arith.andi %add3A_32, %and3A_34 : vector<16xi32>
    %add3A_36 = arith.constant 6 : i32
    %add3A_37 = vector.broadcast %add3A_36 : i32 to vector<16xi32>
    %add3A_38 = arith.addi %iota3A, %add3A_37 : vector<16xi32>
    %and3A_39 = arith.constant 15 : i32
    %and3A_40 = vector.broadcast %and3A_39 : i32 to vector<16xi32>
    %and3A_41 = arith.andi %add3A_38, %and3A_40 : vector<16xi32>
    %add3A_42 = arith.constant 7 : i32
    %add3A_43 = vector.broadcast %add3A_42 : i32 to vector<16xi32>
    %add3A_44 = arith.addi %iota3A, %add3A_43 : vector<16xi32>
    %and3A_45 = arith.constant 15 : i32
    %and3A_46 = vector.broadcast %and3A_45 : i32 to vector<16xi32>
    %and3A_47 = arith.andi %add3A_44, %and3A_46 : vector<16xi32>
    %add3A_48 = arith.constant 8 : i32
    %add3A_49 = vector.broadcast %add3A_48 : i32 to vector<16xi32>
    %add3A_50 = arith.addi %iota3A, %add3A_49 : vector<16xi32>
    %and3A_51 = arith.constant 15 : i32
    %and3A_52 = vector.broadcast %and3A_51 : i32 to vector<16xi32>
    %and3A_53 = arith.andi %add3A_50, %and3A_52 : vector<16xi32>
    %add3A_54 = arith.constant 9 : i32
    %add3A_55 = vector.broadcast %add3A_54 : i32 to vector<16xi32>
    %add3A_56 = arith.addi %iota3A, %add3A_55 : vector<16xi32>
    %and3A_57 = arith.constant 15 : i32
    %and3A_58 = vector.broadcast %and3A_57 : i32 to vector<16xi32>
    %and3A_59 = arith.andi %add3A_56, %and3A_58 : vector<16xi32>
    %add3A_60 = arith.constant 10 : i32
    %add3A_61 = vector.broadcast %add3A_60 : i32 to vector<16xi32>
    %add3A_62 = arith.addi %iota3A, %add3A_61 : vector<16xi32>
    %and3A_63 = arith.constant 15 : i32
    %and3A_64 = vector.broadcast %and3A_63 : i32 to vector<16xi32>
    %and3A_65 = arith.andi %add3A_62, %and3A_64 : vector<16xi32>
    %add3A_66 = arith.constant 11 : i32
    %add3A_67 = vector.broadcast %add3A_66 : i32 to vector<16xi32>
    %add3A_68 = arith.addi %iota3A, %add3A_67 : vector<16xi32>
    %and3A_69 = arith.constant 15 : i32
    %and3A_70 = vector.broadcast %and3A_69 : i32 to vector<16xi32>
    %and3A_71 = arith.andi %add3A_68, %and3A_70 : vector<16xi32>
    %add3A_72 = arith.constant 12 : i32
    %add3A_73 = vector.broadcast %add3A_72 : i32 to vector<16xi32>
    %add3A_74 = arith.addi %iota3A, %add3A_73 : vector<16xi32>
    %and3A_75 = arith.constant 15 : i32
    %and3A_76 = vector.broadcast %and3A_75 : i32 to vector<16xi32>
    %and3A_77 = arith.andi %add3A_74, %and3A_76 : vector<16xi32>
    %add3A_78 = arith.constant 13 : i32
    %add3A_79 = vector.broadcast %add3A_78 : i32 to vector<16xi32>
    %add3A_80 = arith.addi %iota3A, %add3A_79 : vector<16xi32>
    %and3A_81 = arith.constant 15 : i32
    %and3A_82 = vector.broadcast %and3A_81 : i32 to vector<16xi32>
    %and3A_83 = arith.andi %add3A_80, %and3A_82 : vector<16xi32>
    %add3A_84 = arith.constant 14 : i32
    %add3A_85 = vector.broadcast %add3A_84 : i32 to vector<16xi32>
    %add3A_86 = arith.addi %iota3A, %add3A_85 : vector<16xi32>
    %and3A_87 = arith.constant 15 : i32
    %and3A_88 = vector.broadcast %and3A_87 : i32 to vector<16xi32>
    %and3A_89 = arith.andi %add3A_86, %and3A_88 : vector<16xi32>
    %add3A_90 = arith.constant 15 : i32
    %add3A_91 = vector.broadcast %add3A_90 : i32 to vector<16xi32>
    %add3A_92 = arith.addi %iota3A, %add3A_91 : vector<16xi32>
    %and3A_93 = arith.constant 15 : i32
    %and3A_94 = vector.broadcast %and3A_93 : i32 to vector<16xi32>
    %and3A_95 = arith.andi %add3A_92, %and3A_94 : vector<16xi32>
    %mul3A_96 = arith.constant 16 : i32
    %mul3A_97 = vector.broadcast %mul3A_96 : i32 to vector<16xi32>
    %mul3A_98 = arith.muli %iota3A, %mul3A_97 : vector<16xi32>
    %add3A_99 = arith.addi %mul3A_98, %and3A_5 : vector<16xi32>
    %mul3A_100 = arith.constant 16 : i32
    %mul3A_101 = vector.broadcast %mul3A_100 : i32 to vector<16xi32>
    %mul3A_102 = arith.muli %iota3A, %mul3A_101 : vector<16xi32>
    %add3A_103 = arith.addi %mul3A_102, %and3A_11 : vector<16xi32>
    %mul3A_104 = arith.constant 16 : i32
    %mul3A_105 = vector.broadcast %mul3A_104 : i32 to vector<16xi32>
    %mul3A_106 = arith.muli %iota3A, %mul3A_105 : vector<16xi32>
    %add3A_107 = arith.addi %mul3A_106, %and3A_17 : vector<16xi32>
    %mul3A_108 = arith.constant 16 : i32
    %mul3A_109 = vector.broadcast %mul3A_108 : i32 to vector<16xi32>
    %mul3A_110 = arith.muli %iota3A, %mul3A_109 : vector<16xi32>
    %add3A_111 = arith.addi %mul3A_110, %and3A_23 : vector<16xi32>
    %mul3A_112 = arith.constant 16 : i32
    %mul3A_113 = vector.broadcast %mul3A_112 : i32 to vector<16xi32>
    %mul3A_114 = arith.muli %iota3A, %mul3A_113 : vector<16xi32>
    %add3A_115 = arith.addi %mul3A_114, %and3A_29 : vector<16xi32>
    %mul3A_116 = arith.constant 16 : i32
    %mul3A_117 = vector.broadcast %mul3A_116 : i32 to vector<16xi32>
    %mul3A_118 = arith.muli %iota3A, %mul3A_117 : vector<16xi32>
    %add3A_119 = arith.addi %mul3A_118, %and3A_35 : vector<16xi32>
    %mul3A_120 = arith.constant 16 : i32
    %mul3A_121 = vector.broadcast %mul3A_120 : i32 to vector<16xi32>
    %mul3A_122 = arith.muli %iota3A, %mul3A_121 : vector<16xi32>
    %add3A_123 = arith.addi %mul3A_122, %and3A_41 : vector<16xi32>
    %mul3A_124 = arith.constant 16 : i32
    %mul3A_125 = vector.broadcast %mul3A_124 : i32 to vector<16xi32>
    %mul3A_126 = arith.muli %iota3A, %mul3A_125 : vector<16xi32>
    %add3A_127 = arith.addi %mul3A_126, %and3A_47 : vector<16xi32>
    %mul3A_128 = arith.constant 16 : i32
    %mul3A_129 = vector.broadcast %mul3A_128 : i32 to vector<16xi32>
    %mul3A_130 = arith.muli %iota3A, %mul3A_129 : vector<16xi32>
    %add3A_131 = arith.addi %mul3A_130, %and3A_53 : vector<16xi32>
    %mul3A_132 = arith.constant 16 : i32
    %mul3A_133 = vector.broadcast %mul3A_132 : i32 to vector<16xi32>
    %mul3A_134 = arith.muli %iota3A, %mul3A_133 : vector<16xi32>
    %add3A_135 = arith.addi %mul3A_134, %and3A_59 : vector<16xi32>
    %mul3A_136 = arith.constant 16 : i32
    %mul3A_137 = vector.broadcast %mul3A_136 : i32 to vector<16xi32>
    %mul3A_138 = arith.muli %iota3A, %mul3A_137 : vector<16xi32>
    %add3A_139 = arith.addi %mul3A_138, %and3A_65 : vector<16xi32>
    %mul3A_140 = arith.constant 16 : i32
    %mul3A_141 = vector.broadcast %mul3A_140 : i32 to vector<16xi32>
    %mul3A_142 = arith.muli %iota3A, %mul3A_141 : vector<16xi32>
    %add3A_143 = arith.addi %mul3A_142, %and3A_71 : vector<16xi32>
    %mul3A_144 = arith.constant 16 : i32
    %mul3A_145 = vector.broadcast %mul3A_144 : i32 to vector<16xi32>
    %mul3A_146 = arith.muli %iota3A, %mul3A_145 : vector<16xi32>
    %add3A_147 = arith.addi %mul3A_146, %and3A_77 : vector<16xi32>
    %mul3A_148 = arith.constant 16 : i32
    %mul3A_149 = vector.broadcast %mul3A_148 : i32 to vector<16xi32>
    %mul3A_150 = arith.muli %iota3A, %mul3A_149 : vector<16xi32>
    %add3A_151 = arith.addi %mul3A_150, %and3A_83 : vector<16xi32>
    %mul3A_152 = arith.constant 16 : i32
    %mul3A_153 = vector.broadcast %mul3A_152 : i32 to vector<16xi32>
    %mul3A_154 = arith.muli %iota3A, %mul3A_153 : vector<16xi32>
    %add3A_155 = arith.addi %mul3A_154, %and3A_89 : vector<16xi32>
    %mul3A_156 = arith.constant 16 : i32
    %mul3A_157 = vector.broadcast %mul3A_156 : i32 to vector<16xi32>
    %mul3A_158 = arith.muli %iota3A, %mul3A_157 : vector<16xi32>
    %add3A_159 = arith.addi %mul3A_158, %and3A_95 : vector<16xi32>
    %mul3A_160 = arith.constant 0 : i32
    %mul3A_161 = arith.constant 32 : i32
    %mul3A_162 = arith.muli %mul3A_160, %mul3A_161 : i32
    %add3A_163 = arith.addi %add3A, %mul3A_162 : i32
    %shift_right_logical3A = arith.constant 7 : i32
    %shift_right_logical3A_164 = arith.shrui %add3A_163, %shift_right_logical3A : i32
    %and3A_165 = arith.constant 127 : i32
    %and3A_166 = arith.andi %add3A_163, %and3A_165 : i32
    %lt3A = arith.constant 0 : i32
    %lt3A_167 = arith.constant 104 : i32
    %lt3A_168 = arith.cmpi slt, %lt3A, %lt3A_167 : i32
    %lt3A_169 = arith.constant 97 : i32
    %lt3A_170 = arith.cmpi slt, %and3A_166, %lt3A_169 : i32
    %and3A_171 = arith.andi %lt3A_168, %lt3A_170 : i1
    %convert_element_type3A = arith.extui %and3A_171 : i1 to i32
    %cond3A = arith.constant 0 : i32
    %cond3A_172 = arith.constant 0 : i32
    %cond3A_173 = arith.cmpi ne, %convert_element_type3A, %cond3A_172 : i32
    scf.if %cond3A_173 {
      %mul3A_257 = arith.constant 32 : i32
      %mul3A_258 = arith.muli %cond3A, %mul3A_257 : i32
      %add3A_259 = arith.addi %add3A, %mul3A_258 : i32
      %shift_right_logical3A_260 = arith.constant 7 : i32
      %shift_right_logical3A_261 = arith.shrui %add3A_259, %shift_right_logical3A_260 : i32
      %and3A_262 = arith.constant 127 : i32
      %and3A_263 = arith.andi %add3A_259, %and3A_262 : i32
      %mul3A_264 = arith.constant 1024 : i32
      %mul3A_265 = arith.muli %and3A_263, %mul3A_264 : i32
      %dma_start3A = arith.constant 0 : i32
      %dma_start3A_266 = arith.constant 0 : i32
      %dma_start3A_267 = tpu.memref_slice %arg5[%dma_start3A, %dma_start3A_266] : memref<16x1024xf32, #tpu.memory_space<vmem>> -> memref<16x1024xf32, #tpu.memory_space<vmem>>
      %dma_start3A_268 = arith.constant 0 : i32
      %dma_start3A_269 = tpu.memref_slice %arg2[%shift_right_logical3A_261, %dma_start3A_268, %mul3A_265] : memref<26x16x100000xf32, #tpu.memory_space<hbm>> -> memref<1x16x1024xf32, #tpu.memory_space<hbm>>
      %dma_start3A_270 = tpu.memref_squeeze %dma_start3A_269 : memref<1x16x1024xf32, #tpu.memory_space<hbm>> -> memref<16x1024xf32, #tpu.memory_space<hbm>>
      %dma_start3A_271 = arith.constant 0 : i32
      %dma_start3A_272 = arith.constant 0 : i32
      %dma_start3A_273 = tpu.memref_slice %arg5[%dma_start3A_271, %dma_start3A_272] : memref<16x1024xf32, #tpu.memory_space<vmem>> -> memref<16x1024xf32, #tpu.memory_space<vmem>>
      %dma_start3A_274 = arith.constant 0 : i32
      %dma_start3A_275 = tpu.memref_slice %arg2[%shift_right_logical3A_261, %dma_start3A_274, %mul3A_265] : memref<26x16x100000xf32, #tpu.memory_space<hbm>> -> memref<1x16x1024xf32, #tpu.memory_space<hbm>>
      %dma_start3A_276 = tpu.memref_squeeze %dma_start3A_275 : memref<1x16x1024xf32, #tpu.memory_space<hbm>> -> memref<16x1024xf32, #tpu.memory_space<hbm>>
      tpu.enqueue_dma source(%dma_start3A_276 : memref<16x1024xf32, #tpu.memory_space<hbm>>) target(%dma_start3A_273 : memref<16x1024xf32, #tpu.memory_space<vmem>>) target_semaphore(%arg9 : memref<!tpu.dma_semaphore, #tpu.memory_space<semaphore_mem>>)
    } else {
    }
    %lt3A_174 = arith.constant 0 : i32
    %lt3A_175 = arith.constant 104 : i32
    %lt3A_176 = arith.cmpi slt, %lt3A_174, %lt3A_175 : i32
    %eq3A = arith.constant 97 : i32
    %eq3A_177 = arith.cmpi eq, %and3A_166, %eq3A : i32
    %and3A_178 = arith.andi %lt3A_176, %eq3A_177 : i1
    %convert_element_type3A_179 = arith.extui %and3A_178 : i1 to i32
    %cond3A_180 = arith.constant 0 : i32
    %cond3A_181 = arith.constant 0 : i32
    %cond3A_182 = arith.cmpi ne, %convert_element_type3A_179, %cond3A_181 : i32
    scf.if %cond3A_182 {
      %mul3A_257 = arith.constant 32 : i32
      %mul3A_258 = arith.muli %cond3A_180, %mul3A_257 : i32
      %add3A_259 = arith.addi %add3A, %mul3A_258 : i32
      %shift_right_logical3A_260 = arith.constant 7 : i32
      %shift_right_logical3A_261 = arith.shrui %add3A_259, %shift_right_logical3A_260 : i32
      %and3A_262 = arith.constant 127 : i32
      %and3A_263 = arith.andi %add3A_259, %and3A_262 : i32
      %mul3A_264 = arith.constant 1024 : i32
      %mul3A_265 = arith.muli %and3A_263, %mul3A_264 : i32
      %dma_start3A = arith.constant 0 : i32
      %dma_start3A_266 = arith.constant 0 : i32
      %dma_start3A_267 = tpu.memref_slice %arg5[%dma_start3A, %dma_start3A_266] : memref<16x1024xf32, #tpu.memory_space<vmem>> -> memref<16x640xf32, #tpu.memory_space<vmem>>
      %dma_start3A_268 = arith.constant 0 : i32
      %dma_start3A_269 = tpu.memref_slice %arg2[%shift_right_logical3A_261, %dma_start3A_268, %mul3A_265] : memref<26x16x100000xf32, #tpu.memory_space<hbm>> -> memref<1x16x640xf32, #tpu.memory_space<hbm>>
      %dma_start3A_270 = tpu.memref_squeeze %dma_start3A_269 : memref<1x16x640xf32, #tpu.memory_space<hbm>> -> memref<16x640xf32, #tpu.memory_space<hbm>>
      %dma_start3A_271 = arith.constant 0 : i32
      %dma_start3A_272 = arith.constant 0 : i32
      %dma_start3A_273 = tpu.memref_slice %arg5[%dma_start3A_271, %dma_start3A_272] : memref<16x1024xf32, #tpu.memory_space<vmem>> -> memref<16x640xf32, #tpu.memory_space<vmem>>
      %dma_start3A_274 = arith.constant 0 : i32
      %dma_start3A_275 = tpu.memref_slice %arg2[%shift_right_logical3A_261, %dma_start3A_274, %mul3A_265] : memref<26x16x100000xf32, #tpu.memory_space<hbm>> -> memref<1x16x640xf32, #tpu.memory_space<hbm>>
      %dma_start3A_276 = tpu.memref_squeeze %dma_start3A_275 : memref<1x16x640xf32, #tpu.memory_space<hbm>> -> memref<16x640xf32, #tpu.memory_space<hbm>>
      tpu.enqueue_dma source(%dma_start3A_276 : memref<16x640xf32, #tpu.memory_space<hbm>>) target(%dma_start3A_273 : memref<16x640xf32, #tpu.memory_space<vmem>>) target_semaphore(%arg9 : memref<!tpu.dma_semaphore, #tpu.memory_space<semaphore_mem>>)
    } else {
    }
    %mul3A_183 = arith.constant 1 : i32
    %mul3A_184 = arith.constant 32 : i32
    %mul3A_185 = arith.muli %mul3A_183, %mul3A_184 : i32
    %add3A_186 = arith.addi %add3A, %mul3A_185 : i32
    %shift_right_logical3A_187 = arith.constant 7 : i32
    %shift_right_logical3A_188 = arith.shrui %add3A_186, %shift_right_logical3A_187 : i32
    %and3A_189 = arith.constant 127 : i32
    %and3A_190 = arith.andi %add3A_186, %and3A_189 : i32
    %lt3A_191 = arith.constant 1 : i32
    %lt3A_192 = arith.constant 104 : i32
    %lt3A_193 = arith.cmpi slt, %lt3A_191, %lt3A_192 : i32
    %lt3A_194 = arith.constant 97 : i32
    %lt3A_195 = arith.cmpi slt, %and3A_190, %lt3A_194 : i32
    %and3A_196 = arith.andi %lt3A_193, %lt3A_195 : i1
    %convert_element_type3A_197 = arith.extui %and3A_196 : i1 to i32
    %cond3A_198 = arith.constant 1 : i32
    %cond3A_199 = arith.constant 0 : i32
    %cond3A_200 = arith.cmpi ne, %convert_element_type3A_197, %cond3A_199 : i32
    scf.if %cond3A_200 {
      %mul3A_257 = arith.constant 32 : i32
      %mul3A_258 = arith.muli %cond3A_198, %mul3A_257 : i32
      %add3A_259 = arith.addi %add3A, %mul3A_258 : i32
      %shift_right_logical3A_260 = arith.constant 7 : i32
      %shift_right_logical3A_261 = arith.shrui %add3A_259, %shift_right_logical3A_260 : i32
      %and3A_262 = arith.constant 127 : i32
      %and3A_263 = arith.andi %add3A_259, %and3A_262 : i32
      %mul3A_264 = arith.constant 1024 : i32
      %mul3A_265 = arith.muli %and3A_263, %mul3A_264 : i32
      %dma_start3A = arith.constant 0 : i32
      %dma_start3A_266 = arith.constant 0 : i32
      %dma_start3A_267 = tpu.memref_slice %arg6[%dma_start3A, %dma_start3A_266] : memref<16x1024xf32, #tpu.memory_space<vmem>> -> memref<16x1024xf32, #tpu.memory_space<vmem>>
      %dma_start3A_268 = arith.constant 0 : i32
      %dma_start3A_269 = tpu.memref_slice %arg2[%shift_right_logical3A_261, %dma_start3A_268, %mul3A_265] : memref<26x16x100000xf32, #tpu.memory_space<hbm>> -> memref<1x16x1024xf32, #tpu.memory_space<hbm>>
      %dma_start3A_270 = tpu.memref_squeeze %dma_start3A_269 : memref<1x16x1024xf32, #tpu.memory_space<hbm>> -> memref<16x1024xf32, #tpu.memory_space<hbm>>
      %dma_start3A_271 = arith.constant 0 : i32
      %dma_start3A_272 = arith.constant 0 : i32
      %dma_start3A_273 = tpu.memref_slice %arg6[%dma_start3A_271, %dma_start3A_272] : memref<16x1024xf32, #tpu.memory_space<vmem>> -> memref<16x1024xf32, #tpu.memory_space<vmem>>
      %dma_start3A_274 = arith.constant 0 : i32
      %dma_start3A_275 = tpu.memref_slice %arg2[%shift_right_logical3A_261, %dma_start3A_274, %mul3A_265] : memref<26x16x100000xf32, #tpu.memory_space<hbm>> -> memref<1x16x1024xf32, #tpu.memory_space<hbm>>
      %dma_start3A_276 = tpu.memref_squeeze %dma_start3A_275 : memref<1x16x1024xf32, #tpu.memory_space<hbm>> -> memref<16x1024xf32, #tpu.memory_space<hbm>>
      tpu.enqueue_dma source(%dma_start3A_276 : memref<16x1024xf32, #tpu.memory_space<hbm>>) target(%dma_start3A_273 : memref<16x1024xf32, #tpu.memory_space<vmem>>) target_semaphore(%arg10 : memref<!tpu.dma_semaphore, #tpu.memory_space<semaphore_mem>>)
    } else {
    }
    %lt3A_201 = arith.constant 1 : i32
    %lt3A_202 = arith.constant 104 : i32
    %lt3A_203 = arith.cmpi slt, %lt3A_201, %lt3A_202 : i32
    %eq3A_204 = arith.constant 97 : i32
    %eq3A_205 = arith.cmpi eq, %and3A_190, %eq3A_204 : i32
    %and3A_206 = arith.andi %lt3A_203, %eq3A_205 : i1
    %convert_element_type3A_207 = arith.extui %and3A_206 : i1 to i32
    %cond3A_208 = arith.constant 1 : i32
    %cond3A_209 = arith.constant 0 : i32
    %cond3A_210 = arith.cmpi ne, %convert_element_type3A_207, %cond3A_209 : i32
    scf.if %cond3A_210 {
      %mul3A_257 = arith.constant 32 : i32
      %mul3A_258 = arith.muli %cond3A_208, %mul3A_257 : i32
      %add3A_259 = arith.addi %add3A, %mul3A_258 : i32
      %shift_right_logical3A_260 = arith.constant 7 : i32
      %shift_right_logical3A_261 = arith.shrui %add3A_259, %shift_right_logical3A_260 : i32
      %and3A_262 = arith.constant 127 : i32
      %and3A_263 = arith.andi %add3A_259, %and3A_262 : i32
      %mul3A_264 = arith.constant 1024 : i32
      %mul3A_265 = arith.muli %and3A_263, %mul3A_264 : i32
      %dma_start3A = arith.constant 0 : i32
      %dma_start3A_266 = arith.constant 0 : i32
      %dma_start3A_267 = tpu.memref_slice %arg6[%dma_start3A, %dma_start3A_266] : memref<16x1024xf32, #tpu.memory_space<vmem>> -> memref<16x640xf32, #tpu.memory_space<vmem>>
      %dma_start3A_268 = arith.constant 0 : i32
      %dma_start3A_269 = tpu.memref_slice %arg2[%shift_right_logical3A_261, %dma_start3A_268, %mul3A_265] : memref<26x16x100000xf32, #tpu.memory_space<hbm>> -> memref<1x16x640xf32, #tpu.memory_space<hbm>>
      %dma_start3A_270 = tpu.memref_squeeze %dma_start3A_269 : memref<1x16x640xf32, #tpu.memory_space<hbm>> -> memref<16x640xf32, #tpu.memory_space<hbm>>
      %dma_start3A_271 = arith.constant 0 : i32
      %dma_start3A_272 = arith.constant 0 : i32
      %dma_start3A_273 = tpu.memref_slice %arg6[%dma_start3A_271, %dma_start3A_272] : memref<16x1024xf32, #tpu.memory_space<vmem>> -> memref<16x640xf32, #tpu.memory_space<vmem>>
      %dma_start3A_274 = arith.constant 0 : i32
      %dma_start3A_275 = tpu.memref_slice %arg2[%shift_right_logical3A_261, %dma_start3A_274, %mul3A_265] : memref<26x16x100000xf32, #tpu.memory_space<hbm>> -> memref<1x16x640xf32, #tpu.memory_space<hbm>>
      %dma_start3A_276 = tpu.memref_squeeze %dma_start3A_275 : memref<1x16x640xf32, #tpu.memory_space<hbm>> -> memref<16x640xf32, #tpu.memory_space<hbm>>
      tpu.enqueue_dma source(%dma_start3A_276 : memref<16x640xf32, #tpu.memory_space<hbm>>) target(%dma_start3A_273 : memref<16x640xf32, #tpu.memory_space<vmem>>) target_semaphore(%arg10 : memref<!tpu.dma_semaphore, #tpu.memory_space<semaphore_mem>>)
    } else {
    }
    %scan3A = arith.constant 0 : i32
    %scan3A_211 = arith.constant 0 : i32
    %scan3A_212 = arith.constant 52 : i32
    %scan3A_213 = arith.addi %scan3A_211, %scan3A_212 : i32
    %scan3A_214 = arith.constant 1 : i32
    scf.for %scan3A_257 = %scan3A_211 to %scan3A_213 step %scan3A_214  : i32 {
      %mul3A_258 = arith.constant 2 : i32
      %mul3A_259 = arith.muli %scan3A_257, %mul3A_258 : i32
      %mul3A_260 = arith.constant 32 : i32
      %mul3A_261 = arith.muli %mul3A_259, %mul3A_260 : i32
      %add3A_262 = arith.addi %add3A, %mul3A_261 : i32
      %shift_right_logical3A_263 = arith.constant 7 : i32
      %shift_right_logical3A_264 = arith.shrui %add3A_262, %shift_right_logical3A_263 : i32
      %and3A_265 = arith.constant 127 : i32
      %and3A_266 = arith.andi %add3A_262, %and3A_265 : i32
      %lt3A_267 = arith.constant 97 : i32
      %lt3A_268 = arith.cmpi slt, %and3A_266, %lt3A_267 : i32
      %eq3A_269 = arith.constant 97 : i32
      %eq3A_270 = arith.cmpi eq, %and3A_266, %eq3A_269 : i32
      %convert_element_type3A_271 = arith.extui %lt3A_268 : i1 to i32
      %cond3A_272 = arith.constant 0 : i32
      %cond3A_273 = arith.cmpi ne, %convert_element_type3A_271, %cond3A_272 : i32
      scf.if %cond3A_273 {
        %mul3A_423 = arith.constant 32 : i32
        %mul3A_424 = arith.muli %mul3A_259, %mul3A_423 : i32
        %add3A_425 = arith.addi %add3A, %mul3A_424 : i32
        %shift_right_logical3A_426 = arith.constant 7 : i32
        %shift_right_logical3A_427 = arith.shrui %add3A_425, %shift_right_logical3A_426 : i32
        %and3A_428 = arith.constant 127 : i32
        %and3A_429 = arith.andi %add3A_425, %and3A_428 : i32
        %mul3A_430 = arith.constant 1024 : i32
        %mul3A_431 = arith.muli %and3A_429, %mul3A_430 : i32
        %dma_wait3A = arith.constant 0 : i32
        %dma_wait3A_432 = arith.constant 0 : i32
        %dma_wait3A_433 = tpu.memref_slice %arg5[%dma_wait3A, %dma_wait3A_432] : memref<16x1024xf32, #tpu.memory_space<vmem>> -> memref<16x1024xf32, #tpu.memory_space<vmem>>
        %dma_wait3A_434 = arith.constant 0 : i32
        %dma_wait3A_435 = tpu.memref_slice %arg2[%shift_right_logical3A_427, %dma_wait3A_434, %mul3A_431] : memref<26x16x100000xf32, #tpu.memory_space<hbm>> -> memref<1x16x1024xf32, #tpu.memory_space<hbm>>
        %dma_wait3A_436 = tpu.memref_squeeze %dma_wait3A_435 : memref<1x16x1024xf32, #tpu.memory_space<hbm>> -> memref<16x1024xf32, #tpu.memory_space<hbm>>
        %dma_wait3A_437 = arith.constant 0 : i32
        %dma_wait3A_438 = arith.constant 0 : i32
        %dma_wait3A_439 = tpu.memref_slice %arg5[%dma_wait3A_437, %dma_wait3A_438] : memref<16x1024xf32, #tpu.memory_space<vmem>> -> memref<16x1024xf32, #tpu.memory_space<vmem>>
        %dma_wait3A_440 = arith.constant 0 : i32
        %dma_wait3A_441 = tpu.memref_slice %arg2[%shift_right_logical3A_427, %dma_wait3A_440, %mul3A_431] : memref<26x16x100000xf32, #tpu.memory_space<hbm>> -> memref<1x16x1024xf32, #tpu.memory_space<hbm>>
        %dma_wait3A_442 = tpu.memref_squeeze %dma_wait3A_441 : memref<1x16x1024xf32, #tpu.memory_space<hbm>> -> memref<16x1024xf32, #tpu.memory_space<hbm>>
        tpu.wait_dma2 semaphore(%arg9 : memref<!tpu.dma_semaphore, #tpu.memory_space<semaphore_mem>>) src(%dma_wait3A_442 : memref<16x1024xf32, #tpu.memory_space<hbm>>) dst(%dma_wait3A_439 : memref<16x1024xf32, #tpu.memory_space<vmem>>)
      } else {
      }
      %convert_element_type3A_274 = arith.extui %eq3A_270 : i1 to i32
      %cond3A_275 = arith.constant 0 : i32
      %cond3A_276 = arith.cmpi ne, %convert_element_type3A_274, %cond3A_275 : i32
      scf.if %cond3A_276 {
        %mul3A_423 = arith.constant 32 : i32
        %mul3A_424 = arith.muli %mul3A_259, %mul3A_423 : i32
        %add3A_425 = arith.addi %add3A, %mul3A_424 : i32
        %shift_right_logical3A_426 = arith.constant 7 : i32
        %shift_right_logical3A_427 = arith.shrui %add3A_425, %shift_right_logical3A_426 : i32
        %and3A_428 = arith.constant 127 : i32
        %and3A_429 = arith.andi %add3A_425, %and3A_428 : i32
        %mul3A_430 = arith.constant 1024 : i32
        %mul3A_431 = arith.muli %and3A_429, %mul3A_430 : i32
        %dma_wait3A = arith.constant 0 : i32
        %dma_wait3A_432 = arith.constant 0 : i32
        %dma_wait3A_433 = tpu.memref_slice %arg5[%dma_wait3A, %dma_wait3A_432] : memref<16x1024xf32, #tpu.memory_space<vmem>> -> memref<16x640xf32, #tpu.memory_space<vmem>>
        %dma_wait3A_434 = arith.constant 0 : i32
        %dma_wait3A_435 = tpu.memref_slice %arg2[%shift_right_logical3A_427, %dma_wait3A_434, %mul3A_431] : memref<26x16x100000xf32, #tpu.memory_space<hbm>> -> memref<1x16x640xf32, #tpu.memory_space<hbm>>
        %dma_wait3A_436 = tpu.memref_squeeze %dma_wait3A_435 : memref<1x16x640xf32, #tpu.memory_space<hbm>> -> memref<16x640xf32, #tpu.memory_space<hbm>>
        %dma_wait3A_437 = arith.constant 0 : i32
        %dma_wait3A_438 = arith.constant 0 : i32
        %dma_wait3A_439 = tpu.memref_slice %arg5[%dma_wait3A_437, %dma_wait3A_438] : memref<16x1024xf32, #tpu.memory_space<vmem>> -> memref<16x640xf32, #tpu.memory_space<vmem>>
        %dma_wait3A_440 = arith.constant 0 : i32
        %dma_wait3A_441 = tpu.memref_slice %arg2[%shift_right_logical3A_427, %dma_wait3A_440, %mul3A_431] : memref<26x16x100000xf32, #tpu.memory_space<hbm>> -> memref<1x16x640xf32, #tpu.memory_space<hbm>>
        %dma_wait3A_442 = tpu.memref_squeeze %dma_wait3A_441 : memref<1x16x640xf32, #tpu.memory_space<hbm>> -> memref<16x640xf32, #tpu.memory_space<hbm>>
        tpu.wait_dma2 semaphore(%arg9 : memref<!tpu.dma_semaphore, #tpu.memory_space<semaphore_mem>>) src(%dma_wait3A_442 : memref<16x640xf32, #tpu.memory_space<hbm>>) dst(%dma_wait3A_439 : memref<16x640xf32, #tpu.memory_space<vmem>>)
      } else {
      }
      %sub3A = arith.constant 2 : i32
      %sub3A_277 = arith.subi %mul3A_259, %sub3A : i32
      %mul3A_278 = arith.constant 32 : i32
      %mul3A_279 = arith.muli %sub3A_277, %mul3A_278 : i32
      %add3A_280 = arith.addi %add3A, %mul3A_279 : i32
      %shift_right_logical3A_281 = arith.constant 7 : i32
      %shift_right_logical3A_282 = arith.shrui %add3A_280, %shift_right_logical3A_281 : i32
      %and3A_283 = arith.constant 127 : i32
      %and3A_284 = arith.andi %add3A_280, %and3A_283 : i32
      %sub3A_285 = arith.constant 2 : i32
      %sub3A_286 = arith.subi %mul3A_259, %sub3A_285 : i32
      %ge3A = arith.constant 0 : i32
      %ge3A_287 = arith.cmpi sge, %sub3A_286, %ge3A : i32
      %lt3A_288 = arith.constant 97 : i32
      %lt3A_289 = arith.cmpi slt, %and3A_284, %lt3A_288 : i32
      %and3A_290 = arith.andi %ge3A_287, %lt3A_289 : i1
      %convert_element_type3A_291 = arith.extui %and3A_290 : i1 to i32
      %cond3A_292 = arith.constant 0 : i32
      %cond3A_293 = arith.cmpi ne, %convert_element_type3A_291, %cond3A_292 : i32
      scf.if %cond3A_293 {
        %sub3A_423 = arith.constant 2 : i32
        %sub3A_424 = arith.subi %mul3A_259, %sub3A_423 : i32
        %mul3A_425 = arith.constant 32 : i32
        %mul3A_426 = arith.muli %sub3A_424, %mul3A_425 : i32
        %add3A_427 = arith.addi %add3A, %mul3A_426 : i32
        %shift_right_logical3A_428 = arith.constant 7 : i32
        %shift_right_logical3A_429 = arith.shrui %add3A_427, %shift_right_logical3A_428 : i32
        %and3A_430 = arith.constant 127 : i32
        %and3A_431 = arith.andi %add3A_427, %and3A_430 : i32
        %mul3A_432 = arith.constant 100000 : i32
        %mul3A_433 = arith.muli %shift_right_logical3A_429, %mul3A_432 : i32
        %mul3A_434 = arith.constant 1024 : i32
        %mul3A_435 = arith.muli %and3A_431, %mul3A_434 : i32
        %add3A_436 = arith.addi %mul3A_433, %mul3A_435 : i32
        %mul3A_437 = arith.constant 16 : i32
        %mul3A_438 = arith.muli %add3A_436, %mul3A_437 : i32
        %dma_wait3A = arith.constant 0 : i32
        %dma_wait3A_439 = tpu.memref_slice %arg7[%dma_wait3A] : memref<16384xf32, #tpu.memory_space<vmem>> -> memref<16384xf32, #tpu.memory_space<vmem>>
        %dma_wait3A_440 = tpu.memref_slice %arg4[%mul3A_438] : memref<41600000xf32, #tpu.memory_space<hbm>> -> memref<16384xf32, #tpu.memory_space<hbm>>
        %dma_wait3A_441 = tpu.memref_slice %arg4[%mul3A_438] : memref<41600000xf32, #tpu.memory_space<hbm>> -> memref<16384xf32, #tpu.memory_space<hbm>>
        %dma_wait3A_442 = arith.constant 0 : i32
        %dma_wait3A_443 = tpu.memref_slice %arg7[%dma_wait3A_442] : memref<16384xf32, #tpu.memory_space<vmem>> -> memref<16384xf32, #tpu.memory_space<vmem>>
        tpu.wait_dma2 semaphore(%arg11 : memref<!tpu.dma_semaphore, #tpu.memory_space<semaphore_mem>>) src(%dma_wait3A_443 : memref<16384xf32, #tpu.memory_space<vmem>>) dst(%dma_wait3A_441 : memref<16384xf32, #tpu.memory_space<hbm>>)
      } else {
      }
      %sub3A_294 = arith.constant 2 : i32
      %sub3A_295 = arith.subi %mul3A_259, %sub3A_294 : i32
      %ge3A_296 = arith.constant 0 : i32
      %ge3A_297 = arith.cmpi sge, %sub3A_295, %ge3A_296 : i32
      %eq3A_298 = arith.constant 97 : i32
      %eq3A_299 = arith.cmpi eq, %and3A_284, %eq3A_298 : i32
      %and3A_300 = arith.andi %ge3A_297, %eq3A_299 : i1
      %convert_element_type3A_301 = arith.extui %and3A_300 : i1 to i32
      %cond3A_302 = arith.constant 0 : i32
      %cond3A_303 = arith.cmpi ne, %convert_element_type3A_301, %cond3A_302 : i32
      scf.if %cond3A_303 {
        %sub3A_423 = arith.constant 2 : i32
        %sub3A_424 = arith.subi %mul3A_259, %sub3A_423 : i32
        %mul3A_425 = arith.constant 32 : i32
        %mul3A_426 = arith.muli %sub3A_424, %mul3A_425 : i32
        %add3A_427 = arith.addi %add3A, %mul3A_426 : i32
        %shift_right_logical3A_428 = arith.constant 7 : i32
        %shift_right_logical3A_429 = arith.shrui %add3A_427, %shift_right_logical3A_428 : i32
        %and3A_430 = arith.constant 127 : i32
        %and3A_431 = arith.andi %add3A_427, %and3A_430 : i32
        %mul3A_432 = arith.constant 100000 : i32
        %mul3A_433 = arith.muli %shift_right_logical3A_429, %mul3A_432 : i32
        %mul3A_434 = arith.constant 1024 : i32
        %mul3A_435 = arith.muli %and3A_431, %mul3A_434 : i32
        %add3A_436 = arith.addi %mul3A_433, %mul3A_435 : i32
        %mul3A_437 = arith.constant 16 : i32
        %mul3A_438 = arith.muli %add3A_436, %mul3A_437 : i32
        %dma_wait3A = arith.constant 0 : i32
        %dma_wait3A_439 = tpu.memref_slice %arg7[%dma_wait3A] : memref<16384xf32, #tpu.memory_space<vmem>> -> memref<10240xf32, #tpu.memory_space<vmem>>
        %dma_wait3A_440 = tpu.memref_slice %arg4[%mul3A_438] : memref<41600000xf32, #tpu.memory_space<hbm>> -> memref<10240xf32, #tpu.memory_space<hbm>>
        %dma_wait3A_441 = tpu.memref_slice %arg4[%mul3A_438] : memref<41600000xf32, #tpu.memory_space<hbm>> -> memref<10240xf32, #tpu.memory_space<hbm>>
        %dma_wait3A_442 = arith.constant 0 : i32
        %dma_wait3A_443 = tpu.memref_slice %arg7[%dma_wait3A_442] : memref<16384xf32, #tpu.memory_space<vmem>> -> memref<10240xf32, #tpu.memory_space<vmem>>
        tpu.wait_dma2 semaphore(%arg11 : memref<!tpu.dma_semaphore, #tpu.memory_space<semaphore_mem>>) src(%dma_wait3A_443 : memref<10240xf32, #tpu.memory_space<vmem>>) dst(%dma_wait3A_441 : memref<10240xf32, #tpu.memory_space<hbm>>)
      } else {
      }
      %or3A = arith.ori %lt3A_268, %eq3A_270 : i1
      %convert_element_type3A_304 = arith.extui %or3A : i1 to i32
      %cond3A_305 = arith.constant 0 : i32
      %cond3A_306 = arith.cmpi ne, %convert_element_type3A_304, %cond3A_305 : i32
      scf.if %cond3A_306 {
        %jit3A = arith.constant 16 : i32
        %jit3A_423 = arith.constant 10 : i32
        %select_n3A = arith.select %lt3A_268, %jit3A, %jit3A_423 : i32
        %while3A = arith.constant 0 : i32
        %while3A_424 = arith.constant 0 : i32
        %while3A_425 = arith.subi %select_n3A, %while3A_424 : i32
        %while3A_426 = arith.addi %while3A_424, %while3A_425 : i32
        %while3A_427 = arith.constant 1 : i32
        %while3A_428 = arith.divsi %while3A_425, %while3A_427 : i32
        %while3A_429 = arith.muli %while3A_428, %while3A_427 : i32
        %while3A_430 = arith.addi %while3A_424, %while3A_429 : i32
        %while3A_431 = arith.constant 1 : i32
        scf.for %while3A_433 = %while3A_424 to %while3A_430 step %while3A_431  : i32 {
          %mul3A_434 = arith.constant 64 : i32
          %mul3A_435 = arith.muli %while3A_433, %mul3A_434 : i32
          %add3A_436 = arith.constant 0 : i32
          %add3A_437 = arith.addi %mul3A_435, %add3A_436 : i32
          %add3A_438 = vector.broadcast %add3A_437 : i32 to vector<16xi32>
          %add3A_439 = arith.addi %iota3A, %add3A_438 : vector<16xi32>
          %gather3A = tpu.vector_load_idx %arg5[%and3A_5, %add3A_439] : memref<16x1024xf32, #tpu.memory_space<vmem>>[vector<16xi32>, vector<16xi32>], vector<16xf32>,
          %gather3A_440 = tpu.vector_load_idx %arg5[%and3A_11, %add3A_439] : memref<16x1024xf32, #tpu.memory_space<vmem>>[vector<16xi32>, vector<16xi32>], vector<16xf32>,
          %gather3A_441 = tpu.vector_load_idx %arg5[%and3A_17, %add3A_439] : memref<16x1024xf32, #tpu.memory_space<vmem>>[vector<16xi32>, vector<16xi32>], vector<16xf32>,
          %gather3A_442 = tpu.vector_load_idx %arg5[%and3A_23, %add3A_439] : memref<16x1024xf32, #tpu.memory_space<vmem>>[vector<16xi32>, vector<16xi32>], vector<16xf32>,
          %gather3A_443 = tpu.vector_load_idx %arg5[%and3A_29, %add3A_439] : memref<16x1024xf32, #tpu.memory_space<vmem>>[vector<16xi32>, vector<16xi32>], vector<16xf32>,
          %gather3A_444 = tpu.vector_load_idx %arg5[%and3A_35, %add3A_439] : memref<16x1024xf32, #tpu.memory_space<vmem>>[vector<16xi32>, vector<16xi32>], vector<16xf32>,
          %gather3A_445 = tpu.vector_load_idx %arg5[%and3A_41, %add3A_439] : memref<16x1024xf32, #tpu.memory_space<vmem>>[vector<16xi32>, vector<16xi32>], vector<16xf32>,
          %gather3A_446 = tpu.vector_load_idx %arg5[%and3A_47, %add3A_439] : memref<16x1024xf32, #tpu.memory_space<vmem>>[vector<16xi32>, vector<16xi32>], vector<16xf32>,
          %gather3A_447 = tpu.vector_load_idx %arg5[%and3A_53, %add3A_439] : memref<16x1024xf32, #tpu.memory_space<vmem>>[vector<16xi32>, vector<16xi32>], vector<16xf32>,
          %gather3A_448 = tpu.vector_load_idx %arg5[%and3A_59, %add3A_439] : memref<16x1024xf32, #tpu.memory_space<vmem>>[vector<16xi32>, vector<16xi32>], vector<16xf32>,
          %gather3A_449 = tpu.vector_load_idx %arg5[%and3A_65, %add3A_439] : memref<16x1024xf32, #tpu.memory_space<vmem>>[vector<16xi32>, vector<16xi32>], vector<16xf32>,
          %gather3A_450 = tpu.vector_load_idx %arg5[%and3A_71, %add3A_439] : memref<16x1024xf32, #tpu.memory_space<vmem>>[vector<16xi32>, vector<16xi32>], vector<16xf32>,
          %gather3A_451 = tpu.vector_load_idx %arg5[%and3A_77, %add3A_439] : memref<16x1024xf32, #tpu.memory_space<vmem>>[vector<16xi32>, vector<16xi32>], vector<16xf32>,
          %gather3A_452 = tpu.vector_load_idx %arg5[%and3A_83, %add3A_439] : memref<16x1024xf32, #tpu.memory_space<vmem>>[vector<16xi32>, vector<16xi32>], vector<16xf32>,
          %gather3A_453 = tpu.vector_load_idx %arg5[%and3A_89, %add3A_439] : memref<16x1024xf32, #tpu.memory_space<vmem>>[vector<16xi32>, vector<16xi32>], vector<16xf32>,
          %gather3A_454 = tpu.vector_load_idx %arg5[%and3A_95, %add3A_439] : memref<16x1024xf32, #tpu.memory_space<vmem>>[vector<16xi32>, vector<16xi32>], vector<16xf32>,
          %mul3A_455 = arith.constant 16 : i32
          %mul3A_456 = arith.muli %add3A_437, %mul3A_455 : i32
          %scatter3A = tpu.memref_slice %arg7[%mul3A_456] : memref<16384xf32, #tpu.memory_space<vmem>> -> memref<256xf32, #tpu.memory_space<vmem>>
          tpu.vector_store_idx %scatter3A[%add3A_99], %gather3A : memref<256xf32, #tpu.memory_space<vmem>>[vector<16xi32>], vector<16xf32>,
          %scatter3A_457 = tpu.memref_slice %arg7[%mul3A_456] : memref<16384xf32, #tpu.memory_space<vmem>> -> memref<256xf32, #tpu.memory_space<vmem>>
          tpu.vector_store_idx %scatter3A_457[%add3A_103], %gather3A_440 : memref<256xf32, #tpu.memory_space<vmem>>[vector<16xi32>], vector<16xf32>,
          %scatter3A_458 = tpu.memref_slice %arg7[%mul3A_456] : memref<16384xf32, #tpu.memory_space<vmem>> -> memref<256xf32, #tpu.memory_space<vmem>>
          tpu.vector_store_idx %scatter3A_458[%add3A_107], %gather3A_441 : memref<256xf32, #tpu.memory_space<vmem>>[vector<16xi32>], vector<16xf32>,
          %scatter3A_459 = tpu.memref_slice %arg7[%mul3A_456] : memref<16384xf32, #tpu.memory_space<vmem>> -> memref<256xf32, #tpu.memory_space<vmem>>
          tpu.vector_store_idx %scatter3A_459[%add3A_111], %gather3A_442 : memref<256xf32, #tpu.memory_space<vmem>>[vector<16xi32>], vector<16xf32>,
          %scatter3A_460 = tpu.memref_slice %arg7[%mul3A_456] : memref<16384xf32, #tpu.memory_space<vmem>> -> memref<256xf32, #tpu.memory_space<vmem>>
          tpu.vector_store_idx %scatter3A_460[%add3A_115], %gather3A_443 : memref<256xf32, #tpu.memory_space<vmem>>[vector<16xi32>], vector<16xf32>,
          %scatter3A_461 = tpu.memref_slice %arg7[%mul3A_456] : memref<16384xf32, #tpu.memory_space<vmem>> -> memref<256xf32, #tpu.memory_space<vmem>>
          tpu.vector_store_idx %scatter3A_461[%add3A_119], %gather3A_444 : memref<256xf32, #tpu.memory_space<vmem>>[vector<16xi32>], vector<16xf32>,
          %scatter3A_462 = tpu.memref_slice %arg7[%mul3A_456] : memref<16384xf32, #tpu.memory_space<vmem>> -> memref<256xf32, #tpu.memory_space<vmem>>
          tpu.vector_store_idx %scatter3A_462[%add3A_123], %gather3A_445 : memref<256xf32, #tpu.memory_space<vmem>>[vector<16xi32>], vector<16xf32>,
          %scatter3A_463 = tpu.memref_slice %arg7[%mul3A_456] : memref<16384xf32, #tpu.memory_space<vmem>> -> memref<256xf32, #tpu.memory_space<vmem>>
          tpu.vector_store_idx %scatter3A_463[%add3A_127], %gather3A_446 : memref<256xf32, #tpu.memory_space<vmem>>[vector<16xi32>], vector<16xf32>,
          %scatter3A_464 = tpu.memref_slice %arg7[%mul3A_456] : memref<16384xf32, #tpu.memory_space<vmem>> -> memref<256xf32, #tpu.memory_space<vmem>>
          tpu.vector_store_idx %scatter3A_464[%add3A_131], %gather3A_447 : memref<256xf32, #tpu.memory_space<vmem>>[vector<16xi32>], vector<16xf32>,
          %scatter3A_465 = tpu.memref_slice %arg7[%mul3A_456] : memref<16384xf32, #tpu.memory_space<vmem>> -> memref<256xf32, #tpu.memory_space<vmem>>
          tpu.vector_store_idx %scatter3A_465[%add3A_135], %gather3A_448 : memref<256xf32, #tpu.memory_space<vmem>>[vector<16xi32>], vector<16xf32>,
          %scatter3A_466 = tpu.memref_slice %arg7[%mul3A_456] : memref<16384xf32, #tpu.memory_space<vmem>> -> memref<256xf32, #tpu.memory_space<vmem>>
          tpu.vector_store_idx %scatter3A_466[%add3A_139], %gather3A_449 : memref<256xf32, #tpu.memory_space<vmem>>[vector<16xi32>], vector<16xf32>,
          %scatter3A_467 = tpu.memref_slice %arg7[%mul3A_456] : memref<16384xf32, #tpu.memory_space<vmem>> -> memref<256xf32, #tpu.memory_space<vmem>>
          tpu.vector_store_idx %scatter3A_467[%add3A_143], %gather3A_450 : memref<256xf32, #tpu.memory_space<vmem>>[vector<16xi32>], vector<16xf32>,
          %scatter3A_468 = tpu.memref_slice %arg7[%mul3A_456] : memref<16384xf32, #tpu.memory_space<vmem>> -> memref<256xf32, #tpu.memory_space<vmem>>
          tpu.vector_store_idx %scatter3A_468[%add3A_147], %gather3A_451 : memref<256xf32, #tpu.memory_space<vmem>>[vector<16xi32>], vector<16xf32>,
          %scatter3A_469 = tpu.memref_slice %arg7[%mul3A_456] : memref<16384xf32, #tpu.memory_space<vmem>> -> memref<256xf32, #tpu.memory_space<vmem>>
          tpu.vector_store_idx %scatter3A_469[%add3A_151], %gather3A_452 : memref<256xf32, #tpu.memory_space<vmem>>[vector<16xi32>], vector<16xf32>,
          %scatter3A_470 = tpu.memref_slice %arg7[%mul3A_456] : memref<16384xf32, #tpu.memory_space<vmem>> -> memref<256xf32, #tpu.memory_space<vmem>>
          tpu.vector_store_idx %scatter3A_470[%add3A_155], %gather3A_453 : memref<256xf32, #tpu.memory_space<vmem>>[vector<16xi32>], vector<16xf32>,
          %scatter3A_471 = tpu.memref_slice %arg7[%mul3A_456] : memref<16384xf32, #tpu.memory_space<vmem>> -> memref<256xf32, #tpu.memory_space<vmem>>
          tpu.vector_store_idx %scatter3A_471[%add3A_159], %gather3A_454 : memref<256xf32, #tpu.memory_space<vmem>>[vector<16xi32>], vector<16xf32>,
          %mul3A_472 = arith.constant 64 : i32
          %mul3A_473 = arith.muli %while3A_433, %mul3A_472 : i32
          %add3A_474 = arith.constant 16 : i32
          %add3A_475 = arith.addi %mul3A_473, %add3A_474 : i32
          %add3A_476 = vector.broadcast %add3A_475 : i32 to vector<16xi32>
          %add3A_477 = arith.addi %iota3A, %add3A_476 : vector<16xi32>
          %gather3A_478 = tpu.vector_load_idx %arg5[%and3A_5, %add3A_477] : memref<16x1024xf32, #tpu.memory_space<vmem>>[vector<16xi32>, vector<16xi32>], vector<16xf32>,
          %gather3A_479 = tpu.vector_load_idx %arg5[%and3A_11, %add3A_477] : memref<16x1024xf32, #tpu.memory_space<vmem>>[vector<16xi32>, vector<16xi32>], vector<16xf32>,
          %gather3A_480 = tpu.vector_load_idx %arg5[%and3A_17, %add3A_477] : memref<16x1024xf32, #tpu.memory_space<vmem>>[vector<16xi32>, vector<16xi32>], vector<16xf32>,
          %gather3A_481 = tpu.vector_load_idx %arg5[%and3A_23, %add3A_477] : memref<16x1024xf32, #tpu.memory_space<vmem>>[vector<16xi32>, vector<16xi32>], vector<16xf32>,
          %gather3A_482 = tpu.vector_load_idx %arg5[%and3A_29, %add3A_477] : memref<16x1024xf32, #tpu.memory_space<vmem>>[vector<16xi32>, vector<16xi32>], vector<16xf32>,
          %gather3A_483 = tpu.vector_load_idx %arg5[%and3A_35, %add3A_477] : memref<16x1024xf32, #tpu.memory_space<vmem>>[vector<16xi32>, vector<16xi32>], vector<16xf32>,
          %gather3A_484 = tpu.vector_load_idx %arg5[%and3A_41, %add3A_477] : memref<16x1024xf32, #tpu.memory_space<vmem>>[vector<16xi32>, vector<16xi32>], vector<16xf32>,
          %gather3A_485 = tpu.vector_load_idx %arg5[%and3A_47, %add3A_477] : memref<16x1024xf32, #tpu.memory_space<vmem>>[vector<16xi32>, vector<16xi32>], vector<16xf32>,
          %gather3A_486 = tpu.vector_load_idx %arg5[%and3A_53, %add3A_477] : memref<16x1024xf32, #tpu.memory_space<vmem>>[vector<16xi32>, vector<16xi32>], vector<16xf32>,
          %gather3A_487 = tpu.vector_load_idx %arg5[%and3A_59, %add3A_477] : memref<16x1024xf32, #tpu.memory_space<vmem>>[vector<16xi32>, vector<16xi32>], vector<16xf32>,
          %gather3A_488 = tpu.vector_load_idx %arg5[%and3A_65, %add3A_477] : memref<16x1024xf32, #tpu.memory_space<vmem>>[vector<16xi32>, vector<16xi32>], vector<16xf32>,
          %gather3A_489 = tpu.vector_load_idx %arg5[%and3A_71, %add3A_477] : memref<16x1024xf32, #tpu.memory_space<vmem>>[vector<16xi32>, vector<16xi32>], vector<16xf32>,
          %gather3A_490 = tpu.vector_load_idx %arg5[%and3A_77, %add3A_477] : memref<16x1024xf32, #tpu.memory_space<vmem>>[vector<16xi32>, vector<16xi32>], vector<16xf32>,
          %gather3A_491 = tpu.vector_load_idx %arg5[%and3A_83, %add3A_477] : memref<16x1024xf32, #tpu.memory_space<vmem>>[vector<16xi32>, vector<16xi32>], vector<16xf32>,
          %gather3A_492 = tpu.vector_load_idx %arg5[%and3A_89, %add3A_477] : memref<16x1024xf32, #tpu.memory_space<vmem>>[vector<16xi32>, vector<16xi32>], vector<16xf32>,
          %gather3A_493 = tpu.vector_load_idx %arg5[%and3A_95, %add3A_477] : memref<16x1024xf32, #tpu.memory_space<vmem>>[vector<16xi32>, vector<16xi32>], vector<16xf32>,
          %mul3A_494 = arith.constant 16 : i32
          %mul3A_495 = arith.muli %add3A_475, %mul3A_494 : i32
          %scatter3A_496 = tpu.memref_slice %arg7[%mul3A_495] : memref<16384xf32, #tpu.memory_space<vmem>> -> memref<256xf32, #tpu.memory_space<vmem>>
          tpu.vector_store_idx %scatter3A_496[%add3A_99], %gather3A_478 : memref<256xf32, #tpu.memory_space<vmem>>[vector<16xi32>], vector<16xf32>,
          %scatter3A_497 = tpu.memref_slice %arg7[%mul3A_495] : memref<16384xf32, #tpu.memory_space<vmem>> -> memref<256xf32, #tpu.memory_space<vmem>>
          tpu.vector_store_idx %scatter3A_497[%add3A_103], %gather3A_479 : memref<256xf32, #tpu.memory_space<vmem>>[vector<16xi32>], vector<16xf32>,
          %scatter3A_498 = tpu.memref_slice %arg7[%mul3A_495] : memref<16384xf32, #tpu.memory_space<vmem>> -> memref<256xf32, #tpu.memory_space<vmem>>
          tpu.vector_store_idx %scatter3A_498[%add3A_107], %gather3A_480 : memref<256xf32, #tpu.memory_space<vmem>>[vector<16xi32>], vector<16xf32>,
          %scatter3A_499 = tpu.memref_slice %arg7[%mul3A_495] : memref<16384xf32, #tpu.memory_space<vmem>> -> memref<256xf32, #tpu.memory_space<vmem>>
          tpu.vector_store_idx %scatter3A_499[%add3A_111], %gather3A_481 : memref<256xf32, #tpu.memory_space<vmem>>[vector<16xi32>], vector<16xf32>,
          %scatter3A_500 = tpu.memref_slice %arg7[%mul3A_495] : memref<16384xf32, #tpu.memory_space<vmem>> -> memref<256xf32, #tpu.memory_space<vmem>>
          tpu.vector_store_idx %scatter3A_500[%add3A_115], %gather3A_482 : memref<256xf32, #tpu.memory_space<vmem>>[vector<16xi32>], vector<16xf32>,
          %scatter3A_501 = tpu.memref_slice %arg7[%mul3A_495] : memref<16384xf32, #tpu.memory_space<vmem>> -> memref<256xf32, #tpu.memory_space<vmem>>
          tpu.vector_store_idx %scatter3A_501[%add3A_119], %gather3A_483 : memref<256xf32, #tpu.memory_space<vmem>>[vector<16xi32>], vector<16xf32>,
          %scatter3A_502 = tpu.memref_slice %arg7[%mul3A_495] : memref<16384xf32, #tpu.memory_space<vmem>> -> memref<256xf32, #tpu.memory_space<vmem>>
          tpu.vector_store_idx %scatter3A_502[%add3A_123], %gather3A_484 : memref<256xf32, #tpu.memory_space<vmem>>[vector<16xi32>], vector<16xf32>,
          %scatter3A_503 = tpu.memref_slice %arg7[%mul3A_495] : memref<16384xf32, #tpu.memory_space<vmem>> -> memref<256xf32, #tpu.memory_space<vmem>>
          tpu.vector_store_idx %scatter3A_503[%add3A_127], %gather3A_485 : memref<256xf32, #tpu.memory_space<vmem>>[vector<16xi32>], vector<16xf32>,
          %scatter3A_504 = tpu.memref_slice %arg7[%mul3A_495] : memref<16384xf32, #tpu.memory_space<vmem>> -> memref<256xf32, #tpu.memory_space<vmem>>
          tpu.vector_store_idx %scatter3A_504[%add3A_131], %gather3A_486 : memref<256xf32, #tpu.memory_space<vmem>>[vector<16xi32>], vector<16xf32>,
          %scatter3A_505 = tpu.memref_slice %arg7[%mul3A_495] : memref<16384xf32, #tpu.memory_space<vmem>> -> memref<256xf32, #tpu.memory_space<vmem>>
          tpu.vector_store_idx %scatter3A_505[%add3A_135], %gather3A_487 : memref<256xf32, #tpu.memory_space<vmem>>[vector<16xi32>], vector<16xf32>,
          %scatter3A_506 = tpu.memref_slice %arg7[%mul3A_495] : memref<16384xf32, #tpu.memory_space<vmem>> -> memref<256xf32, #tpu.memory_space<vmem>>
          tpu.vector_store_idx %scatter3A_506[%add3A_139], %gather3A_488 : memref<256xf32, #tpu.memory_space<vmem>>[vector<16xi32>], vector<16xf32>,
          %scatter3A_507 = tpu.memref_slice %arg7[%mul3A_495] : memref<16384xf32, #tpu.memory_space<vmem>> -> memref<256xf32, #tpu.memory_space<vmem>>
          tpu.vector_store_idx %scatter3A_507[%add3A_143], %gather3A_489 : memref<256xf32, #tpu.memory_space<vmem>>[vector<16xi32>], vector<16xf32>,
          %scatter3A_508 = tpu.memref_slice %arg7[%mul3A_495] : memref<16384xf32, #tpu.memory_space<vmem>> -> memref<256xf32, #tpu.memory_space<vmem>>
          tpu.vector_store_idx %scatter3A_508[%add3A_147], %gather3A_490 : memref<256xf32, #tpu.memory_space<vmem>>[vector<16xi32>], vector<16xf32>,
          %scatter3A_509 = tpu.memref_slice %arg7[%mul3A_495] : memref<16384xf32, #tpu.memory_space<vmem>> -> memref<256xf32, #tpu.memory_space<vmem>>
          tpu.vector_store_idx %scatter3A_509[%add3A_151], %gather3A_491 : memref<256xf32, #tpu.memory_space<vmem>>[vector<16xi32>], vector<16xf32>,
          %scatter3A_510 = tpu.memref_slice %arg7[%mul3A_495] : memref<16384xf32, #tpu.memory_space<vmem>> -> memref<256xf32, #tpu.memory_space<vmem>>
          tpu.vector_store_idx %scatter3A_510[%add3A_155], %gather3A_492 : memref<256xf32, #tpu.memory_space<vmem>>[vector<16xi32>], vector<16xf32>,
          %scatter3A_511 = tpu.memref_slice %arg7[%mul3A_495] : memref<16384xf32, #tpu.memory_space<vmem>> -> memref<256xf32, #tpu.memory_space<vmem>>
          tpu.vector_store_idx %scatter3A_511[%add3A_159], %gather3A_493 : memref<256xf32, #tpu.memory_space<vmem>>[vector<16xi32>], vector<16xf32>,
          %mul3A_512 = arith.constant 64 : i32
          %mul3A_513 = arith.muli %while3A_433, %mul3A_512 : i32
          %add3A_514 = arith.constant 32 : i32
          %add3A_515 = arith.addi %mul3A_513, %add3A_514 : i32
          %add3A_516 = vector.broadcast %add3A_515 : i32 to vector<16xi32>
          %add3A_517 = arith.addi %iota3A, %add3A_516 : vector<16xi32>
          %gather3A_518 = tpu.vector_load_idx %arg5[%and3A_5, %add3A_517] : memref<16x1024xf32, #tpu.memory_space<vmem>>[vector<16xi32>, vector<16xi32>], vector<16xf32>,
          %gather3A_519 = tpu.vector_load_idx %arg5[%and3A_11, %add3A_517] : memref<16x1024xf32, #tpu.memory_space<vmem>>[vector<16xi32>, vector<16xi32>], vector<16xf32>,
          %gather3A_520 = tpu.vector_load_idx %arg5[%and3A_17, %add3A_517] : memref<16x1024xf32, #tpu.memory_space<vmem>>[vector<16xi32>, vector<16xi32>], vector<16xf32>,
          %gather3A_521 = tpu.vector_load_idx %arg5[%and3A_23, %add3A_517] : memref<16x1024xf32, #tpu.memory_space<vmem>>[vector<16xi32>, vector<16xi32>], vector<16xf32>,
          %gather3A_522 = tpu.vector_load_idx %arg5[%and3A_29, %add3A_517] : memref<16x1024xf32, #tpu.memory_space<vmem>>[vector<16xi32>, vector<16xi32>], vector<16xf32>,
          %gather3A_523 = tpu.vector_load_idx %arg5[%and3A_35, %add3A_517] : memref<16x1024xf32, #tpu.memory_space<vmem>>[vector<16xi32>, vector<16xi32>], vector<16xf32>,
          %gather3A_524 = tpu.vector_load_idx %arg5[%and3A_41, %add3A_517] : memref<16x1024xf32, #tpu.memory_space<vmem>>[vector<16xi32>, vector<16xi32>], vector<16xf32>,
          %gather3A_525 = tpu.vector_load_idx %arg5[%and3A_47, %add3A_517] : memref<16x1024xf32, #tpu.memory_space<vmem>>[vector<16xi32>, vector<16xi32>], vector<16xf32>,
          %gather3A_526 = tpu.vector_load_idx %arg5[%and3A_53, %add3A_517] : memref<16x1024xf32, #tpu.memory_space<vmem>>[vector<16xi32>, vector<16xi32>], vector<16xf32>,
          %gather3A_527 = tpu.vector_load_idx %arg5[%and3A_59, %add3A_517] : memref<16x1024xf32, #tpu.memory_space<vmem>>[vector<16xi32>, vector<16xi32>], vector<16xf32>,
          %gather3A_528 = tpu.vector_load_idx %arg5[%and3A_65, %add3A_517] : memref<16x1024xf32, #tpu.memory_space<vmem>>[vector<16xi32>, vector<16xi32>], vector<16xf32>,
          %gather3A_529 = tpu.vector_load_idx %arg5[%and3A_71, %add3A_517] : memref<16x1024xf32, #tpu.memory_space<vmem>>[vector<16xi32>, vector<16xi32>], vector<16xf32>,
          %gather3A_530 = tpu.vector_load_idx %arg5[%and3A_77, %add3A_517] : memref<16x1024xf32, #tpu.memory_space<vmem>>[vector<16xi32>, vector<16xi32>], vector<16xf32>,
          %gather3A_531 = tpu.vector_load_idx %arg5[%and3A_83, %add3A_517] : memref<16x1024xf32, #tpu.memory_space<vmem>>[vector<16xi32>, vector<16xi32>], vector<16xf32>,
          %gather3A_532 = tpu.vector_load_idx %arg5[%and3A_89, %add3A_517] : memref<16x1024xf32, #tpu.memory_space<vmem>>[vector<16xi32>, vector<16xi32>], vector<16xf32>,
          %gather3A_533 = tpu.vector_load_idx %arg5[%and3A_95, %add3A_517] : memref<16x1024xf32, #tpu.memory_space<vmem>>[vector<16xi32>, vector<16xi32>], vector<16xf32>,
          %mul3A_534 = arith.constant 16 : i32
          %mul3A_535 = arith.muli %add3A_515, %mul3A_534 : i32
          %scatter3A_536 = tpu.memref_slice %arg7[%mul3A_535] : memref<16384xf32, #tpu.memory_space<vmem>> -> memref<256xf32, #tpu.memory_space<vmem>>
          tpu.vector_store_idx %scatter3A_536[%add3A_99], %gather3A_518 : memref<256xf32, #tpu.memory_space<vmem>>[vector<16xi32>], vector<16xf32>,
          %scatter3A_537 = tpu.memref_slice %arg7[%mul3A_535] : memref<16384xf32, #tpu.memory_space<vmem>> -> memref<256xf32, #tpu.memory_space<vmem>>
          tpu.vector_store_idx %scatter3A_537[%add3A_103], %gather3A_519 : memref<256xf32, #tpu.memory_space<vmem>>[vector<16xi32>], vector<16xf32>,
          %scatter3A_538 = tpu.memref_slice %arg7[%mul3A_535] : memref<16384xf32, #tpu.memory_space<vmem>> -> memref<256xf32, #tpu.memory_space<vmem>>
          tpu.vector_store_idx %scatter3A_538[%add3A_107], %gather3A_520 : memref<256xf32, #tpu.memory_space<vmem>>[vector<16xi32>], vector<16xf32>,
          %scatter3A_539 = tpu.memref_slice %arg7[%mul3A_535] : memref<16384xf32, #tpu.memory_space<vmem>> -> memref<256xf32, #tpu.memory_space<vmem>>
          tpu.vector_store_idx %scatter3A_539[%add3A_111], %gather3A_521 : memref<256xf32, #tpu.memory_space<vmem>>[vector<16xi32>], vector<16xf32>,
          %scatter3A_540 = tpu.memref_slice %arg7[%mul3A_535] : memref<16384xf32, #tpu.memory_space<vmem>> -> memref<256xf32, #tpu.memory_space<vmem>>
          tpu.vector_store_idx %scatter3A_540[%add3A_115], %gather3A_522 : memref<256xf32, #tpu.memory_space<vmem>>[vector<16xi32>], vector<16xf32>,
          %scatter3A_541 = tpu.memref_slice %arg7[%mul3A_535] : memref<16384xf32, #tpu.memory_space<vmem>> -> memref<256xf32, #tpu.memory_space<vmem>>
          tpu.vector_store_idx %scatter3A_541[%add3A_119], %gather3A_523 : memref<256xf32, #tpu.memory_space<vmem>>[vector<16xi32>], vector<16xf32>,
          %scatter3A_542 = tpu.memref_slice %arg7[%mul3A_535] : memref<16384xf32, #tpu.memory_space<vmem>> -> memref<256xf32, #tpu.memory_space<vmem>>
          tpu.vector_store_idx %scatter3A_542[%add3A_123], %gather3A_524 : memref<256xf32, #tpu.memory_space<vmem>>[vector<16xi32>], vector<16xf32>,
          %scatter3A_543 = tpu.memref_slice %arg7[%mul3A_535] : memref<16384xf32, #tpu.memory_space<vmem>> -> memref<256xf32, #tpu.memory_space<vmem>>
          tpu.vector_store_idx %scatter3A_543[%add3A_127], %gather3A_525 : memref<256xf32, #tpu.memory_space<vmem>>[vector<16xi32>], vector<16xf32>,
          %scatter3A_544 = tpu.memref_slice %arg7[%mul3A_535] : memref<16384xf32, #tpu.memory_space<vmem>> -> memref<256xf32, #tpu.memory_space<vmem>>
          tpu.vector_store_idx %scatter3A_544[%add3A_131], %gather3A_526 : memref<256xf32, #tpu.memory_space<vmem>>[vector<16xi32>], vector<16xf32>,
          %scatter3A_545 = tpu.memref_slice %arg7[%mul3A_535] : memref<16384xf32, #tpu.memory_space<vmem>> -> memref<256xf32, #tpu.memory_space<vmem>>
          tpu.vector_store_idx %scatter3A_545[%add3A_135], %gather3A_527 : memref<256xf32, #tpu.memory_space<vmem>>[vector<16xi32>], vector<16xf32>,
          %scatter3A_546 = tpu.memref_slice %arg7[%mul3A_535] : memref<16384xf32, #tpu.memory_space<vmem>> -> memref<256xf32, #tpu.memory_space<vmem>>
          tpu.vector_store_idx %scatter3A_546[%add3A_139], %gather3A_528 : memref<256xf32, #tpu.memory_space<vmem>>[vector<16xi32>], vector<16xf32>,
          %scatter3A_547 = tpu.memref_slice %arg7[%mul3A_535] : memref<16384xf32, #tpu.memory_space<vmem>> -> memref<256xf32, #tpu.memory_space<vmem>>
          tpu.vector_store_idx %scatter3A_547[%add3A_143], %gather3A_529 : memref<256xf32, #tpu.memory_space<vmem>>[vector<16xi32>], vector<16xf32>,
          %scatter3A_548 = tpu.memref_slice %arg7[%mul3A_535] : memref<16384xf32, #tpu.memory_space<vmem>> -> memref<256xf32, #tpu.memory_space<vmem>>
          tpu.vector_store_idx %scatter3A_548[%add3A_147], %gather3A_530 : memref<256xf32, #tpu.memory_space<vmem>>[vector<16xi32>], vector<16xf32>,
          %scatter3A_549 = tpu.memref_slice %arg7[%mul3A_535] : memref<16384xf32, #tpu.memory_space<vmem>> -> memref<256xf32, #tpu.memory_space<vmem>>
          tpu.vector_store_idx %scatter3A_549[%add3A_151], %gather3A_531 : memref<256xf32, #tpu.memory_space<vmem>>[vector<16xi32>], vector<16xf32>,
          %scatter3A_550 = tpu.memref_slice %arg7[%mul3A_535] : memref<16384xf32, #tpu.memory_space<vmem>> -> memref<256xf32, #tpu.memory_space<vmem>>
          tpu.vector_store_idx %scatter3A_550[%add3A_155], %gather3A_532 : memref<256xf32, #tpu.memory_space<vmem>>[vector<16xi32>], vector<16xf32>,
          %scatter3A_551 = tpu.memref_slice %arg7[%mul3A_535] : memref<16384xf32, #tpu.memory_space<vmem>> -> memref<256xf32, #tpu.memory_space<vmem>>
          tpu.vector_store_idx %scatter3A_551[%add3A_159], %gather3A_533 : memref<256xf32, #tpu.memory_space<vmem>>[vector<16xi32>], vector<16xf32>,
          %mul3A_552 = arith.constant 64 : i32
          %mul3A_553 = arith.muli %while3A_433, %mul3A_552 : i32
          %add3A_554 = arith.constant 48 : i32
          %add3A_555 = arith.addi %mul3A_553, %add3A_554 : i32
          %add3A_556 = vector.broadcast %add3A_555 : i32 to vector<16xi32>
          %add3A_557 = arith.addi %iota3A, %add3A_556 : vector<16xi32>
          %gather3A_558 = tpu.vector_load_idx %arg5[%and3A_5, %add3A_557] : memref<16x1024xf32, #tpu.memory_space<vmem>>[vector<16xi32>, vector<16xi32>], vector<16xf32>,
          %gather3A_559 = tpu.vector_load_idx %arg5[%and3A_11, %add3A_557] : memref<16x1024xf32, #tpu.memory_space<vmem>>[vector<16xi32>, vector<16xi32>], vector<16xf32>,
          %gather3A_560 = tpu.vector_load_idx %arg5[%and3A_17, %add3A_557] : memref<16x1024xf32, #tpu.memory_space<vmem>>[vector<16xi32>, vector<16xi32>], vector<16xf32>,
          %gather3A_561 = tpu.vector_load_idx %arg5[%and3A_23, %add3A_557] : memref<16x1024xf32, #tpu.memory_space<vmem>>[vector<16xi32>, vector<16xi32>], vector<16xf32>,
          %gather3A_562 = tpu.vector_load_idx %arg5[%and3A_29, %add3A_557] : memref<16x1024xf32, #tpu.memory_space<vmem>>[vector<16xi32>, vector<16xi32>], vector<16xf32>,
          %gather3A_563 = tpu.vector_load_idx %arg5[%and3A_35, %add3A_557] : memref<16x1024xf32, #tpu.memory_space<vmem>>[vector<16xi32>, vector<16xi32>], vector<16xf32>,
          %gather3A_564 = tpu.vector_load_idx %arg5[%and3A_41, %add3A_557] : memref<16x1024xf32, #tpu.memory_space<vmem>>[vector<16xi32>, vector<16xi32>], vector<16xf32>,
          %gather3A_565 = tpu.vector_load_idx %arg5[%and3A_47, %add3A_557] : memref<16x1024xf32, #tpu.memory_space<vmem>>[vector<16xi32>, vector<16xi32>], vector<16xf32>,
          %gather3A_566 = tpu.vector_load_idx %arg5[%and3A_53, %add3A_557] : memref<16x1024xf32, #tpu.memory_space<vmem>>[vector<16xi32>, vector<16xi32>], vector<16xf32>,
          %gather3A_567 = tpu.vector_load_idx %arg5[%and3A_59, %add3A_557] : memref<16x1024xf32, #tpu.memory_space<vmem>>[vector<16xi32>, vector<16xi32>], vector<16xf32>,
          %gather3A_568 = tpu.vector_load_idx %arg5[%and3A_65, %add3A_557] : memref<16x1024xf32, #tpu.memory_space<vmem>>[vector<16xi32>, vector<16xi32>], vector<16xf32>,
          %gather3A_569 = tpu.vector_load_idx %arg5[%and3A_71, %add3A_557] : memref<16x1024xf32, #tpu.memory_space<vmem>>[vector<16xi32>, vector<16xi32>], vector<16xf32>,
          %gather3A_570 = tpu.vector_load_idx %arg5[%and3A_77, %add3A_557] : memref<16x1024xf32, #tpu.memory_space<vmem>>[vector<16xi32>, vector<16xi32>], vector<16xf32>,
          %gather3A_571 = tpu.vector_load_idx %arg5[%and3A_83, %add3A_557] : memref<16x1024xf32, #tpu.memory_space<vmem>>[vector<16xi32>, vector<16xi32>], vector<16xf32>,
          %gather3A_572 = tpu.vector_load_idx %arg5[%and3A_89, %add3A_557] : memref<16x1024xf32, #tpu.memory_space<vmem>>[vector<16xi32>, vector<16xi32>], vector<16xf32>,
          %gather3A_573 = tpu.vector_load_idx %arg5[%and3A_95, %add3A_557] : memref<16x1024xf32, #tpu.memory_space<vmem>>[vector<16xi32>, vector<16xi32>], vector<16xf32>,
          %mul3A_574 = arith.constant 16 : i32
          %mul3A_575 = arith.muli %add3A_555, %mul3A_574 : i32
          %scatter3A_576 = tpu.memref_slice %arg7[%mul3A_575] : memref<16384xf32, #tpu.memory_space<vmem>> -> memref<256xf32, #tpu.memory_space<vmem>>
          tpu.vector_store_idx %scatter3A_576[%add3A_99], %gather3A_558 : memref<256xf32, #tpu.memory_space<vmem>>[vector<16xi32>], vector<16xf32>,
          %scatter3A_577 = tpu.memref_slice %arg7[%mul3A_575] : memref<16384xf32, #tpu.memory_space<vmem>> -> memref<256xf32, #tpu.memory_space<vmem>>
          tpu.vector_store_idx %scatter3A_577[%add3A_103], %gather3A_559 : memref<256xf32, #tpu.memory_space<vmem>>[vector<16xi32>], vector<16xf32>,
          %scatter3A_578 = tpu.memref_slice %arg7[%mul3A_575] : memref<16384xf32, #tpu.memory_space<vmem>> -> memref<256xf32, #tpu.memory_space<vmem>>
          tpu.vector_store_idx %scatter3A_578[%add3A_107], %gather3A_560 : memref<256xf32, #tpu.memory_space<vmem>>[vector<16xi32>], vector<16xf32>,
          %scatter3A_579 = tpu.memref_slice %arg7[%mul3A_575] : memref<16384xf32, #tpu.memory_space<vmem>> -> memref<256xf32, #tpu.memory_space<vmem>>
          tpu.vector_store_idx %scatter3A_579[%add3A_111], %gather3A_561 : memref<256xf32, #tpu.memory_space<vmem>>[vector<16xi32>], vector<16xf32>,
          %scatter3A_580 = tpu.memref_slice %arg7[%mul3A_575] : memref<16384xf32, #tpu.memory_space<vmem>> -> memref<256xf32, #tpu.memory_space<vmem>>
          tpu.vector_store_idx %scatter3A_580[%add3A_115], %gather3A_562 : memref<256xf32, #tpu.memory_space<vmem>>[vector<16xi32>], vector<16xf32>,
          %scatter3A_581 = tpu.memref_slice %arg7[%mul3A_575] : memref<16384xf32, #tpu.memory_space<vmem>> -> memref<256xf32, #tpu.memory_space<vmem>>
          tpu.vector_store_idx %scatter3A_581[%add3A_119], %gather3A_563 : memref<256xf32, #tpu.memory_space<vmem>>[vector<16xi32>], vector<16xf32>,
          %scatter3A_582 = tpu.memref_slice %arg7[%mul3A_575] : memref<16384xf32, #tpu.memory_space<vmem>> -> memref<256xf32, #tpu.memory_space<vmem>>
          tpu.vector_store_idx %scatter3A_582[%add3A_123], %gather3A_564 : memref<256xf32, #tpu.memory_space<vmem>>[vector<16xi32>], vector<16xf32>,
          %scatter3A_583 = tpu.memref_slice %arg7[%mul3A_575] : memref<16384xf32, #tpu.memory_space<vmem>> -> memref<256xf32, #tpu.memory_space<vmem>>
          tpu.vector_store_idx %scatter3A_583[%add3A_127], %gather3A_565 : memref<256xf32, #tpu.memory_space<vmem>>[vector<16xi32>], vector<16xf32>,
          %scatter3A_584 = tpu.memref_slice %arg7[%mul3A_575] : memref<16384xf32, #tpu.memory_space<vmem>> -> memref<256xf32, #tpu.memory_space<vmem>>
          tpu.vector_store_idx %scatter3A_584[%add3A_131], %gather3A_566 : memref<256xf32, #tpu.memory_space<vmem>>[vector<16xi32>], vector<16xf32>,
          %scatter3A_585 = tpu.memref_slice %arg7[%mul3A_575] : memref<16384xf32, #tpu.memory_space<vmem>> -> memref<256xf32, #tpu.memory_space<vmem>>
          tpu.vector_store_idx %scatter3A_585[%add3A_135], %gather3A_567 : memref<256xf32, #tpu.memory_space<vmem>>[vector<16xi32>], vector<16xf32>,
          %scatter3A_586 = tpu.memref_slice %arg7[%mul3A_575] : memref<16384xf32, #tpu.memory_space<vmem>> -> memref<256xf32, #tpu.memory_space<vmem>>
          tpu.vector_store_idx %scatter3A_586[%add3A_139], %gather3A_568 : memref<256xf32, #tpu.memory_space<vmem>>[vector<16xi32>], vector<16xf32>,
          %scatter3A_587 = tpu.memref_slice %arg7[%mul3A_575] : memref<16384xf32, #tpu.memory_space<vmem>> -> memref<256xf32, #tpu.memory_space<vmem>>
          tpu.vector_store_idx %scatter3A_587[%add3A_143], %gather3A_569 : memref<256xf32, #tpu.memory_space<vmem>>[vector<16xi32>], vector<16xf32>,
          %scatter3A_588 = tpu.memref_slice %arg7[%mul3A_575] : memref<16384xf32, #tpu.memory_space<vmem>> -> memref<256xf32, #tpu.memory_space<vmem>>
          tpu.vector_store_idx %scatter3A_588[%add3A_147], %gather3A_570 : memref<256xf32, #tpu.memory_space<vmem>>[vector<16xi32>], vector<16xf32>,
          %scatter3A_589 = tpu.memref_slice %arg7[%mul3A_575] : memref<16384xf32, #tpu.memory_space<vmem>> -> memref<256xf32, #tpu.memory_space<vmem>>
          tpu.vector_store_idx %scatter3A_589[%add3A_151], %gather3A_571 : memref<256xf32, #tpu.memory_space<vmem>>[vector<16xi32>], vector<16xf32>,
          %scatter3A_590 = tpu.memref_slice %arg7[%mul3A_575] : memref<16384xf32, #tpu.memory_space<vmem>> -> memref<256xf32, #tpu.memory_space<vmem>>
          tpu.vector_store_idx %scatter3A_590[%add3A_155], %gather3A_572 : memref<256xf32, #tpu.memory_space<vmem>>[vector<16xi32>], vector<16xf32>,
          %scatter3A_591 = tpu.memref_slice %arg7[%mul3A_575] : memref<16384xf32, #tpu.memory_space<vmem>> -> memref<256xf32, #tpu.memory_space<vmem>>
          tpu.vector_store_idx %scatter3A_591[%add3A_159], %gather3A_573 : memref<256xf32, #tpu.memory_space<vmem>>[vector<16xi32>], vector<16xf32>,
        }
        %while3A_432 = arith.constant 1 : i32
        scf.for %while3A_433 = %while3A_430 to %while3A_426 step %while3A_432  : i32 {
          %mul3A_434 = arith.constant 64 : i32
          %mul3A_435 = arith.muli %while3A_433, %mul3A_434 : i32
          %add3A_436 = arith.constant 0 : i32
          %add3A_437 = arith.addi %mul3A_435, %add3A_436 : i32
          %add3A_438 = vector.broadcast %add3A_437 : i32 to vector<16xi32>
          %add3A_439 = arith.addi %iota3A, %add3A_438 : vector<16xi32>
          %gather3A = tpu.vector_load_idx %arg5[%and3A_5, %add3A_439] : memref<16x1024xf32, #tpu.memory_space<vmem>>[vector<16xi32>, vector<16xi32>], vector<16xf32>,
          %gather3A_440 = tpu.vector_load_idx %arg5[%and3A_11, %add3A_439] : memref<16x1024xf32, #tpu.memory_space<vmem>>[vector<16xi32>, vector<16xi32>], vector<16xf32>,
          %gather3A_441 = tpu.vector_load_idx %arg5[%and3A_17, %add3A_439] : memref<16x1024xf32, #tpu.memory_space<vmem>>[vector<16xi32>, vector<16xi32>], vector<16xf32>,
          %gather3A_442 = tpu.vector_load_idx %arg5[%and3A_23, %add3A_439] : memref<16x1024xf32, #tpu.memory_space<vmem>>[vector<16xi32>, vector<16xi32>], vector<16xf32>,
          %gather3A_443 = tpu.vector_load_idx %arg5[%and3A_29, %add3A_439] : memref<16x1024xf32, #tpu.memory_space<vmem>>[vector<16xi32>, vector<16xi32>], vector<16xf32>,
          %gather3A_444 = tpu.vector_load_idx %arg5[%and3A_35, %add3A_439] : memref<16x1024xf32, #tpu.memory_space<vmem>>[vector<16xi32>, vector<16xi32>], vector<16xf32>,
          %gather3A_445 = tpu.vector_load_idx %arg5[%and3A_41, %add3A_439] : memref<16x1024xf32, #tpu.memory_space<vmem>>[vector<16xi32>, vector<16xi32>], vector<16xf32>,
          %gather3A_446 = tpu.vector_load_idx %arg5[%and3A_47, %add3A_439] : memref<16x1024xf32, #tpu.memory_space<vmem>>[vector<16xi32>, vector<16xi32>], vector<16xf32>,
          %gather3A_447 = tpu.vector_load_idx %arg5[%and3A_53, %add3A_439] : memref<16x1024xf32, #tpu.memory_space<vmem>>[vector<16xi32>, vector<16xi32>], vector<16xf32>,
          %gather3A_448 = tpu.vector_load_idx %arg5[%and3A_59, %add3A_439] : memref<16x1024xf32, #tpu.memory_space<vmem>>[vector<16xi32>, vector<16xi32>], vector<16xf32>,
          %gather3A_449 = tpu.vector_load_idx %arg5[%and3A_65, %add3A_439] : memref<16x1024xf32, #tpu.memory_space<vmem>>[vector<16xi32>, vector<16xi32>], vector<16xf32>,
          %gather3A_450 = tpu.vector_load_idx %arg5[%and3A_71, %add3A_439] : memref<16x1024xf32, #tpu.memory_space<vmem>>[vector<16xi32>, vector<16xi32>], vector<16xf32>,
          %gather3A_451 = tpu.vector_load_idx %arg5[%and3A_77, %add3A_439] : memref<16x1024xf32, #tpu.memory_space<vmem>>[vector<16xi32>, vector<16xi32>], vector<16xf32>,
          %gather3A_452 = tpu.vector_load_idx %arg5[%and3A_83, %add3A_439] : memref<16x1024xf32, #tpu.memory_space<vmem>>[vector<16xi32>, vector<16xi32>], vector<16xf32>,
          %gather3A_453 = tpu.vector_load_idx %arg5[%and3A_89, %add3A_439] : memref<16x1024xf32, #tpu.memory_space<vmem>>[vector<16xi32>, vector<16xi32>], vector<16xf32>,
          %gather3A_454 = tpu.vector_load_idx %arg5[%and3A_95, %add3A_439] : memref<16x1024xf32, #tpu.memory_space<vmem>>[vector<16xi32>, vector<16xi32>], vector<16xf32>,
          %mul3A_455 = arith.constant 16 : i32
          %mul3A_456 = arith.muli %add3A_437, %mul3A_455 : i32
          %scatter3A = tpu.memref_slice %arg7[%mul3A_456] : memref<16384xf32, #tpu.memory_space<vmem>> -> memref<256xf32, #tpu.memory_space<vmem>>
          tpu.vector_store_idx %scatter3A[%add3A_99], %gather3A : memref<256xf32, #tpu.memory_space<vmem>>[vector<16xi32>], vector<16xf32>,
          %scatter3A_457 = tpu.memref_slice %arg7[%mul3A_456] : memref<16384xf32, #tpu.memory_space<vmem>> -> memref<256xf32, #tpu.memory_space<vmem>>
          tpu.vector_store_idx %scatter3A_457[%add3A_103], %gather3A_440 : memref<256xf32, #tpu.memory_space<vmem>>[vector<16xi32>], vector<16xf32>,
          %scatter3A_458 = tpu.memref_slice %arg7[%mul3A_456] : memref<16384xf32, #tpu.memory_space<vmem>> -> memref<256xf32, #tpu.memory_space<vmem>>
          tpu.vector_store_idx %scatter3A_458[%add3A_107], %gather3A_441 : memref<256xf32, #tpu.memory_space<vmem>>[vector<16xi32>], vector<16xf32>,
          %scatter3A_459 = tpu.memref_slice %arg7[%mul3A_456] : memref<16384xf32, #tpu.memory_space<vmem>> -> memref<256xf32, #tpu.memory_space<vmem>>
          tpu.vector_store_idx %scatter3A_459[%add3A_111], %gather3A_442 : memref<256xf32, #tpu.memory_space<vmem>>[vector<16xi32>], vector<16xf32>,
          %scatter3A_460 = tpu.memref_slice %arg7[%mul3A_456] : memref<16384xf32, #tpu.memory_space<vmem>> -> memref<256xf32, #tpu.memory_space<vmem>>
          tpu.vector_store_idx %scatter3A_460[%add3A_115], %gather3A_443 : memref<256xf32, #tpu.memory_space<vmem>>[vector<16xi32>], vector<16xf32>,
          %scatter3A_461 = tpu.memref_slice %arg7[%mul3A_456] : memref<16384xf32, #tpu.memory_space<vmem>> -> memref<256xf32, #tpu.memory_space<vmem>>
          tpu.vector_store_idx %scatter3A_461[%add3A_119], %gather3A_444 : memref<256xf32, #tpu.memory_space<vmem>>[vector<16xi32>], vector<16xf32>,
          %scatter3A_462 = tpu.memref_slice %arg7[%mul3A_456] : memref<16384xf32, #tpu.memory_space<vmem>> -> memref<256xf32, #tpu.memory_space<vmem>>
          tpu.vector_store_idx %scatter3A_462[%add3A_123], %gather3A_445 : memref<256xf32, #tpu.memory_space<vmem>>[vector<16xi32>], vector<16xf32>,
          %scatter3A_463 = tpu.memref_slice %arg7[%mul3A_456] : memref<16384xf32, #tpu.memory_space<vmem>> -> memref<256xf32, #tpu.memory_space<vmem>>
          tpu.vector_store_idx %scatter3A_463[%add3A_127], %gather3A_446 : memref<256xf32, #tpu.memory_space<vmem>>[vector<16xi32>], vector<16xf32>,
          %scatter3A_464 = tpu.memref_slice %arg7[%mul3A_456] : memref<16384xf32, #tpu.memory_space<vmem>> -> memref<256xf32, #tpu.memory_space<vmem>>
          tpu.vector_store_idx %scatter3A_464[%add3A_131], %gather3A_447 : memref<256xf32, #tpu.memory_space<vmem>>[vector<16xi32>], vector<16xf32>,
          %scatter3A_465 = tpu.memref_slice %arg7[%mul3A_456] : memref<16384xf32, #tpu.memory_space<vmem>> -> memref<256xf32, #tpu.memory_space<vmem>>
          tpu.vector_store_idx %scatter3A_465[%add3A_135], %gather3A_448 : memref<256xf32, #tpu.memory_space<vmem>>[vector<16xi32>], vector<16xf32>,
          %scatter3A_466 = tpu.memref_slice %arg7[%mul3A_456] : memref<16384xf32, #tpu.memory_space<vmem>> -> memref<256xf32, #tpu.memory_space<vmem>>
          tpu.vector_store_idx %scatter3A_466[%add3A_139], %gather3A_449 : memref<256xf32, #tpu.memory_space<vmem>>[vector<16xi32>], vector<16xf32>,
          %scatter3A_467 = tpu.memref_slice %arg7[%mul3A_456] : memref<16384xf32, #tpu.memory_space<vmem>> -> memref<256xf32, #tpu.memory_space<vmem>>
          tpu.vector_store_idx %scatter3A_467[%add3A_143], %gather3A_450 : memref<256xf32, #tpu.memory_space<vmem>>[vector<16xi32>], vector<16xf32>,
          %scatter3A_468 = tpu.memref_slice %arg7[%mul3A_456] : memref<16384xf32, #tpu.memory_space<vmem>> -> memref<256xf32, #tpu.memory_space<vmem>>
          tpu.vector_store_idx %scatter3A_468[%add3A_147], %gather3A_451 : memref<256xf32, #tpu.memory_space<vmem>>[vector<16xi32>], vector<16xf32>,
          %scatter3A_469 = tpu.memref_slice %arg7[%mul3A_456] : memref<16384xf32, #tpu.memory_space<vmem>> -> memref<256xf32, #tpu.memory_space<vmem>>
          tpu.vector_store_idx %scatter3A_469[%add3A_151], %gather3A_452 : memref<256xf32, #tpu.memory_space<vmem>>[vector<16xi32>], vector<16xf32>,
          %scatter3A_470 = tpu.memref_slice %arg7[%mul3A_456] : memref<16384xf32, #tpu.memory_space<vmem>> -> memref<256xf32, #tpu.memory_space<vmem>>
          tpu.vector_store_idx %scatter3A_470[%add3A_155], %gather3A_453 : memref<256xf32, #tpu.memory_space<vmem>>[vector<16xi32>], vector<16xf32>,
          %scatter3A_471 = tpu.memref_slice %arg7[%mul3A_456] : memref<16384xf32, #tpu.memory_space<vmem>> -> memref<256xf32, #tpu.memory_space<vmem>>
          tpu.vector_store_idx %scatter3A_471[%add3A_159], %gather3A_454 : memref<256xf32, #tpu.memory_space<vmem>>[vector<16xi32>], vector<16xf32>,
          %mul3A_472 = arith.constant 64 : i32
          %mul3A_473 = arith.muli %while3A_433, %mul3A_472 : i32
          %add3A_474 = arith.constant 16 : i32
          %add3A_475 = arith.addi %mul3A_473, %add3A_474 : i32
          %add3A_476 = vector.broadcast %add3A_475 : i32 to vector<16xi32>
          %add3A_477 = arith.addi %iota3A, %add3A_476 : vector<16xi32>
          %gather3A_478 = tpu.vector_load_idx %arg5[%and3A_5, %add3A_477] : memref<16x1024xf32, #tpu.memory_space<vmem>>[vector<16xi32>, vector<16xi32>], vector<16xf32>,
          %gather3A_479 = tpu.vector_load_idx %arg5[%and3A_11, %add3A_477] : memref<16x1024xf32, #tpu.memory_space<vmem>>[vector<16xi32>, vector<16xi32>], vector<16xf32>,
          %gather3A_480 = tpu.vector_load_idx %arg5[%and3A_17, %add3A_477] : memref<16x1024xf32, #tpu.memory_space<vmem>>[vector<16xi32>, vector<16xi32>], vector<16xf32>,
          %gather3A_481 = tpu.vector_load_idx %arg5[%and3A_23, %add3A_477] : memref<16x1024xf32, #tpu.memory_space<vmem>>[vector<16xi32>, vector<16xi32>], vector<16xf32>,
          %gather3A_482 = tpu.vector_load_idx %arg5[%and3A_29, %add3A_477] : memref<16x1024xf32, #tpu.memory_space<vmem>>[vector<16xi32>, vector<16xi32>], vector<16xf32>,
          %gather3A_483 = tpu.vector_load_idx %arg5[%and3A_35, %add3A_477] : memref<16x1024xf32, #tpu.memory_space<vmem>>[vector<16xi32>, vector<16xi32>], vector<16xf32>,
          %gather3A_484 = tpu.vector_load_idx %arg5[%and3A_41, %add3A_477] : memref<16x1024xf32, #tpu.memory_space<vmem>>[vector<16xi32>, vector<16xi32>], vector<16xf32>,
          %gather3A_485 = tpu.vector_load_idx %arg5[%and3A_47, %add3A_477] : memref<16x1024xf32, #tpu.memory_space<vmem>>[vector<16xi32>, vector<16xi32>], vector<16xf32>,
          %gather3A_486 = tpu.vector_load_idx %arg5[%and3A_53, %add3A_477] : memref<16x1024xf32, #tpu.memory_space<vmem>>[vector<16xi32>, vector<16xi32>], vector<16xf32>,
          %gather3A_487 = tpu.vector_load_idx %arg5[%and3A_59, %add3A_477] : memref<16x1024xf32, #tpu.memory_space<vmem>>[vector<16xi32>, vector<16xi32>], vector<16xf32>,
          %gather3A_488 = tpu.vector_load_idx %arg5[%and3A_65, %add3A_477] : memref<16x1024xf32, #tpu.memory_space<vmem>>[vector<16xi32>, vector<16xi32>], vector<16xf32>,
          %gather3A_489 = tpu.vector_load_idx %arg5[%and3A_71, %add3A_477] : memref<16x1024xf32, #tpu.memory_space<vmem>>[vector<16xi32>, vector<16xi32>], vector<16xf32>,
          %gather3A_490 = tpu.vector_load_idx %arg5[%and3A_77, %add3A_477] : memref<16x1024xf32, #tpu.memory_space<vmem>>[vector<16xi32>, vector<16xi32>], vector<16xf32>,
          %gather3A_491 = tpu.vector_load_idx %arg5[%and3A_83, %add3A_477] : memref<16x1024xf32, #tpu.memory_space<vmem>>[vector<16xi32>, vector<16xi32>], vector<16xf32>,
          %gather3A_492 = tpu.vector_load_idx %arg5[%and3A_89, %add3A_477] : memref<16x1024xf32, #tpu.memory_space<vmem>>[vector<16xi32>, vector<16xi32>], vector<16xf32>,
          %gather3A_493 = tpu.vector_load_idx %arg5[%and3A_95, %add3A_477] : memref<16x1024xf32, #tpu.memory_space<vmem>>[vector<16xi32>, vector<16xi32>], vector<16xf32>,
          %mul3A_494 = arith.constant 16 : i32
          %mul3A_495 = arith.muli %add3A_475, %mul3A_494 : i32
          %scatter3A_496 = tpu.memref_slice %arg7[%mul3A_495] : memref<16384xf32, #tpu.memory_space<vmem>> -> memref<256xf32, #tpu.memory_space<vmem>>
          tpu.vector_store_idx %scatter3A_496[%add3A_99], %gather3A_478 : memref<256xf32, #tpu.memory_space<vmem>>[vector<16xi32>], vector<16xf32>,
          %scatter3A_497 = tpu.memref_slice %arg7[%mul3A_495] : memref<16384xf32, #tpu.memory_space<vmem>> -> memref<256xf32, #tpu.memory_space<vmem>>
          tpu.vector_store_idx %scatter3A_497[%add3A_103], %gather3A_479 : memref<256xf32, #tpu.memory_space<vmem>>[vector<16xi32>], vector<16xf32>,
          %scatter3A_498 = tpu.memref_slice %arg7[%mul3A_495] : memref<16384xf32, #tpu.memory_space<vmem>> -> memref<256xf32, #tpu.memory_space<vmem>>
          tpu.vector_store_idx %scatter3A_498[%add3A_107], %gather3A_480 : memref<256xf32, #tpu.memory_space<vmem>>[vector<16xi32>], vector<16xf32>,
          %scatter3A_499 = tpu.memref_slice %arg7[%mul3A_495] : memref<16384xf32, #tpu.memory_space<vmem>> -> memref<256xf32, #tpu.memory_space<vmem>>
          tpu.vector_store_idx %scatter3A_499[%add3A_111], %gather3A_481 : memref<256xf32, #tpu.memory_space<vmem>>[vector<16xi32>], vector<16xf32>,
          %scatter3A_500 = tpu.memref_slice %arg7[%mul3A_495] : memref<16384xf32, #tpu.memory_space<vmem>> -> memref<256xf32, #tpu.memory_space<vmem>>
          tpu.vector_store_idx %scatter3A_500[%add3A_115], %gather3A_482 : memref<256xf32, #tpu.memory_space<vmem>>[vector<16xi32>], vector<16xf32>,
          %scatter3A_501 = tpu.memref_slice %arg7[%mul3A_495] : memref<16384xf32, #tpu.memory_space<vmem>> -> memref<256xf32, #tpu.memory_space<vmem>>
          tpu.vector_store_idx %scatter3A_501[%add3A_119], %gather3A_483 : memref<256xf32, #tpu.memory_space<vmem>>[vector<16xi32>], vector<16xf32>,
          %scatter3A_502 = tpu.memref_slice %arg7[%mul3A_495] : memref<16384xf32, #tpu.memory_space<vmem>> -> memref<256xf32, #tpu.memory_space<vmem>>
          tpu.vector_store_idx %scatter3A_502[%add3A_123], %gather3A_484 : memref<256xf32, #tpu.memory_space<vmem>>[vector<16xi32>], vector<16xf32>,
          %scatter3A_503 = tpu.memref_slice %arg7[%mul3A_495] : memref<16384xf32, #tpu.memory_space<vmem>> -> memref<256xf32, #tpu.memory_space<vmem>>
          tpu.vector_store_idx %scatter3A_503[%add3A_127], %gather3A_485 : memref<256xf32, #tpu.memory_space<vmem>>[vector<16xi32>], vector<16xf32>,
          %scatter3A_504 = tpu.memref_slice %arg7[%mul3A_495] : memref<16384xf32, #tpu.memory_space<vmem>> -> memref<256xf32, #tpu.memory_space<vmem>>
          tpu.vector_store_idx %scatter3A_504[%add3A_131], %gather3A_486 : memref<256xf32, #tpu.memory_space<vmem>>[vector<16xi32>], vector<16xf32>,
          %scatter3A_505 = tpu.memref_slice %arg7[%mul3A_495] : memref<16384xf32, #tpu.memory_space<vmem>> -> memref<256xf32, #tpu.memory_space<vmem>>
          tpu.vector_store_idx %scatter3A_505[%add3A_135], %gather3A_487 : memref<256xf32, #tpu.memory_space<vmem>>[vector<16xi32>], vector<16xf32>,
          %scatter3A_506 = tpu.memref_slice %arg7[%mul3A_495] : memref<16384xf32, #tpu.memory_space<vmem>> -> memref<256xf32, #tpu.memory_space<vmem>>
          tpu.vector_store_idx %scatter3A_506[%add3A_139], %gather3A_488 : memref<256xf32, #tpu.memory_space<vmem>>[vector<16xi32>], vector<16xf32>,
          %scatter3A_507 = tpu.memref_slice %arg7[%mul3A_495] : memref<16384xf32, #tpu.memory_space<vmem>> -> memref<256xf32, #tpu.memory_space<vmem>>
          tpu.vector_store_idx %scatter3A_507[%add3A_143], %gather3A_489 : memref<256xf32, #tpu.memory_space<vmem>>[vector<16xi32>], vector<16xf32>,
          %scatter3A_508 = tpu.memref_slice %arg7[%mul3A_495] : memref<16384xf32, #tpu.memory_space<vmem>> -> memref<256xf32, #tpu.memory_space<vmem>>
          tpu.vector_store_idx %scatter3A_508[%add3A_147], %gather3A_490 : memref<256xf32, #tpu.memory_space<vmem>>[vector<16xi32>], vector<16xf32>,
          %scatter3A_509 = tpu.memref_slice %arg7[%mul3A_495] : memref<16384xf32, #tpu.memory_space<vmem>> -> memref<256xf32, #tpu.memory_space<vmem>>
          tpu.vector_store_idx %scatter3A_509[%add3A_151], %gather3A_491 : memref<256xf32, #tpu.memory_space<vmem>>[vector<16xi32>], vector<16xf32>,
          %scatter3A_510 = tpu.memref_slice %arg7[%mul3A_495] : memref<16384xf32, #tpu.memory_space<vmem>> -> memref<256xf32, #tpu.memory_space<vmem>>
          tpu.vector_store_idx %scatter3A_510[%add3A_155], %gather3A_492 : memref<256xf32, #tpu.memory_space<vmem>>[vector<16xi32>], vector<16xf32>,
          %scatter3A_511 = tpu.memref_slice %arg7[%mul3A_495] : memref<16384xf32, #tpu.memory_space<vmem>> -> memref<256xf32, #tpu.memory_space<vmem>>
          tpu.vector_store_idx %scatter3A_511[%add3A_159], %gather3A_493 : memref<256xf32, #tpu.memory_space<vmem>>[vector<16xi32>], vector<16xf32>,
          %mul3A_512 = arith.constant 64 : i32
          %mul3A_513 = arith.muli %while3A_433, %mul3A_512 : i32
          %add3A_514 = arith.constant 32 : i32
          %add3A_515 = arith.addi %mul3A_513, %add3A_514 : i32
          %add3A_516 = vector.broadcast %add3A_515 : i32 to vector<16xi32>
          %add3A_517 = arith.addi %iota3A, %add3A_516 : vector<16xi32>
          %gather3A_518 = tpu.vector_load_idx %arg5[%and3A_5, %add3A_517] : memref<16x1024xf32, #tpu.memory_space<vmem>>[vector<16xi32>, vector<16xi32>], vector<16xf32>,
          %gather3A_519 = tpu.vector_load_idx %arg5[%and3A_11, %add3A_517] : memref<16x1024xf32, #tpu.memory_space<vmem>>[vector<16xi32>, vector<16xi32>], vector<16xf32>,
          %gather3A_520 = tpu.vector_load_idx %arg5[%and3A_17, %add3A_517] : memref<16x1024xf32, #tpu.memory_space<vmem>>[vector<16xi32>, vector<16xi32>], vector<16xf32>,
          %gather3A_521 = tpu.vector_load_idx %arg5[%and3A_23, %add3A_517] : memref<16x1024xf32, #tpu.memory_space<vmem>>[vector<16xi32>, vector<16xi32>], vector<16xf32>,
          %gather3A_522 = tpu.vector_load_idx %arg5[%and3A_29, %add3A_517] : memref<16x1024xf32, #tpu.memory_space<vmem>>[vector<16xi32>, vector<16xi32>], vector<16xf32>,
          %gather3A_523 = tpu.vector_load_idx %arg5[%and3A_35, %add3A_517] : memref<16x1024xf32, #tpu.memory_space<vmem>>[vector<16xi32>, vector<16xi32>], vector<16xf32>,
          %gather3A_524 = tpu.vector_load_idx %arg5[%and3A_41, %add3A_517] : memref<16x1024xf32, #tpu.memory_space<vmem>>[vector<16xi32>, vector<16xi32>], vector<16xf32>,
          %gather3A_525 = tpu.vector_load_idx %arg5[%and3A_47, %add3A_517] : memref<16x1024xf32, #tpu.memory_space<vmem>>[vector<16xi32>, vector<16xi32>], vector<16xf32>,
          %gather3A_526 = tpu.vector_load_idx %arg5[%and3A_53, %add3A_517] : memref<16x1024xf32, #tpu.memory_space<vmem>>[vector<16xi32>, vector<16xi32>], vector<16xf32>,
          %gather3A_527 = tpu.vector_load_idx %arg5[%and3A_59, %add3A_517] : memref<16x1024xf32, #tpu.memory_space<vmem>>[vector<16xi32>, vector<16xi32>], vector<16xf32>,
          %gather3A_528 = tpu.vector_load_idx %arg5[%and3A_65, %add3A_517] : memref<16x1024xf32, #tpu.memory_space<vmem>>[vector<16xi32>, vector<16xi32>], vector<16xf32>,
          %gather3A_529 = tpu.vector_load_idx %arg5[%and3A_71, %add3A_517] : memref<16x1024xf32, #tpu.memory_space<vmem>>[vector<16xi32>, vector<16xi32>], vector<16xf32>,
          %gather3A_530 = tpu.vector_load_idx %arg5[%and3A_77, %add3A_517] : memref<16x1024xf32, #tpu.memory_space<vmem>>[vector<16xi32>, vector<16xi32>], vector<16xf32>,
          %gather3A_531 = tpu.vector_load_idx %arg5[%and3A_83, %add3A_517] : memref<16x1024xf32, #tpu.memory_space<vmem>>[vector<16xi32>, vector<16xi32>], vector<16xf32>,
          %gather3A_532 = tpu.vector_load_idx %arg5[%and3A_89, %add3A_517] : memref<16x1024xf32, #tpu.memory_space<vmem>>[vector<16xi32>, vector<16xi32>], vector<16xf32>,
          %gather3A_533 = tpu.vector_load_idx %arg5[%and3A_95, %add3A_517] : memref<16x1024xf32, #tpu.memory_space<vmem>>[vector<16xi32>, vector<16xi32>], vector<16xf32>,
          %mul3A_534 = arith.constant 16 : i32
          %mul3A_535 = arith.muli %add3A_515, %mul3A_534 : i32
          %scatter3A_536 = tpu.memref_slice %arg7[%mul3A_535] : memref<16384xf32, #tpu.memory_space<vmem>> -> memref<256xf32, #tpu.memory_space<vmem>>
          tpu.vector_store_idx %scatter3A_536[%add3A_99], %gather3A_518 : memref<256xf32, #tpu.memory_space<vmem>>[vector<16xi32>], vector<16xf32>,
          %scatter3A_537 = tpu.memref_slice %arg7[%mul3A_535] : memref<16384xf32, #tpu.memory_space<vmem>> -> memref<256xf32, #tpu.memory_space<vmem>>
          tpu.vector_store_idx %scatter3A_537[%add3A_103], %gather3A_519 : memref<256xf32, #tpu.memory_space<vmem>>[vector<16xi32>], vector<16xf32>,
          %scatter3A_538 = tpu.memref_slice %arg7[%mul3A_535] : memref<16384xf32, #tpu.memory_space<vmem>> -> memref<256xf32, #tpu.memory_space<vmem>>
          tpu.vector_store_idx %scatter3A_538[%add3A_107], %gather3A_520 : memref<256xf32, #tpu.memory_space<vmem>>[vector<16xi32>], vector<16xf32>,
          %scatter3A_539 = tpu.memref_slice %arg7[%mul3A_535] : memref<16384xf32, #tpu.memory_space<vmem>> -> memref<256xf32, #tpu.memory_space<vmem>>
          tpu.vector_store_idx %scatter3A_539[%add3A_111], %gather3A_521 : memref<256xf32, #tpu.memory_space<vmem>>[vector<16xi32>], vector<16xf32>,
          %scatter3A_540 = tpu.memref_slice %arg7[%mul3A_535] : memref<16384xf32, #tpu.memory_space<vmem>> -> memref<256xf32, #tpu.memory_space<vmem>>
          tpu.vector_store_idx %scatter3A_540[%add3A_115], %gather3A_522 : memref<256xf32, #tpu.memory_space<vmem>>[vector<16xi32>], vector<16xf32>,
          %scatter3A_541 = tpu.memref_slice %arg7[%mul3A_535] : memref<16384xf32, #tpu.memory_space<vmem>> -> memref<256xf32, #tpu.memory_space<vmem>>
          tpu.vector_store_idx %scatter3A_541[%add3A_119], %gather3A_523 : memref<256xf32, #tpu.memory_space<vmem>>[vector<16xi32>], vector<16xf32>,
          %scatter3A_542 = tpu.memref_slice %arg7[%mul3A_535] : memref<16384xf32, #tpu.memory_space<vmem>> -> memref<256xf32, #tpu.memory_space<vmem>>
          tpu.vector_store_idx %scatter3A_542[%add3A_123], %gather3A_524 : memref<256xf32, #tpu.memory_space<vmem>>[vector<16xi32>], vector<16xf32>,
          %scatter3A_543 = tpu.memref_slice %arg7[%mul3A_535] : memref<16384xf32, #tpu.memory_space<vmem>> -> memref<256xf32, #tpu.memory_space<vmem>>
          tpu.vector_store_idx %scatter3A_543[%add3A_127], %gather3A_525 : memref<256xf32, #tpu.memory_space<vmem>>[vector<16xi32>], vector<16xf32>,
          %scatter3A_544 = tpu.memref_slice %arg7[%mul3A_535] : memref<16384xf32, #tpu.memory_space<vmem>> -> memref<256xf32, #tpu.memory_space<vmem>>
          tpu.vector_store_idx %scatter3A_544[%add3A_131], %gather3A_526 : memref<256xf32, #tpu.memory_space<vmem>>[vector<16xi32>], vector<16xf32>,
          %scatter3A_545 = tpu.memref_slice %arg7[%mul3A_535] : memref<16384xf32, #tpu.memory_space<vmem>> -> memref<256xf32, #tpu.memory_space<vmem>>
          tpu.vector_store_idx %scatter3A_545[%add3A_135], %gather3A_527 : memref<256xf32, #tpu.memory_space<vmem>>[vector<16xi32>], vector<16xf32>,
          %scatter3A_546 = tpu.memref_slice %arg7[%mul3A_535] : memref<16384xf32, #tpu.memory_space<vmem>> -> memref<256xf32, #tpu.memory_space<vmem>>
          tpu.vector_store_idx %scatter3A_546[%add3A_139], %gather3A_528 : memref<256xf32, #tpu.memory_space<vmem>>[vector<16xi32>], vector<16xf32>,
          %scatter3A_547 = tpu.memref_slice %arg7[%mul3A_535] : memref<16384xf32, #tpu.memory_space<vmem>> -> memref<256xf32, #tpu.memory_space<vmem>>
          tpu.vector_store_idx %scatter3A_547[%add3A_143], %gather3A_529 : memref<256xf32, #tpu.memory_space<vmem>>[vector<16xi32>], vector<16xf32>,
          %scatter3A_548 = tpu.memref_slice %arg7[%mul3A_535] : memref<16384xf32, #tpu.memory_space<vmem>> -> memref<256xf32, #tpu.memory_space<vmem>>
          tpu.vector_store_idx %scatter3A_548[%add3A_147], %gather3A_530 : memref<256xf32, #tpu.memory_space<vmem>>[vector<16xi32>], vector<16xf32>,
          %scatter3A_549 = tpu.memref_slice %arg7[%mul3A_535] : memref<16384xf32, #tpu.memory_space<vmem>> -> memref<256xf32, #tpu.memory_space<vmem>>
          tpu.vector_store_idx %scatter3A_549[%add3A_151], %gather3A_531 : memref<256xf32, #tpu.memory_space<vmem>>[vector<16xi32>], vector<16xf32>,
          %scatter3A_550 = tpu.memref_slice %arg7[%mul3A_535] : memref<16384xf32, #tpu.memory_space<vmem>> -> memref<256xf32, #tpu.memory_space<vmem>>
          tpu.vector_store_idx %scatter3A_550[%add3A_155], %gather3A_532 : memref<256xf32, #tpu.memory_space<vmem>>[vector<16xi32>], vector<16xf32>,
          %scatter3A_551 = tpu.memref_slice %arg7[%mul3A_535] : memref<16384xf32, #tpu.memory_space<vmem>> -> memref<256xf32, #tpu.memory_space<vmem>>
          tpu.vector_store_idx %scatter3A_551[%add3A_159], %gather3A_533 : memref<256xf32, #tpu.memory_space<vmem>>[vector<16xi32>], vector<16xf32>,
          %mul3A_552 = arith.constant 64 : i32
          %mul3A_553 = arith.muli %while3A_433, %mul3A_552 : i32
          %add3A_554 = arith.constant 48 : i32
          %add3A_555 = arith.addi %mul3A_553, %add3A_554 : i32
          %add3A_556 = vector.broadcast %add3A_555 : i32 to vector<16xi32>
          %add3A_557 = arith.addi %iota3A, %add3A_556 : vector<16xi32>
          %gather3A_558 = tpu.vector_load_idx %arg5[%and3A_5, %add3A_557] : memref<16x1024xf32, #tpu.memory_space<vmem>>[vector<16xi32>, vector<16xi32>], vector<16xf32>,
          %gather3A_559 = tpu.vector_load_idx %arg5[%and3A_11, %add3A_557] : memref<16x1024xf32, #tpu.memory_space<vmem>>[vector<16xi32>, vector<16xi32>], vector<16xf32>,
          %gather3A_560 = tpu.vector_load_idx %arg5[%and3A_17, %add3A_557] : memref<16x1024xf32, #tpu.memory_space<vmem>>[vector<16xi32>, vector<16xi32>], vector<16xf32>,
          %gather3A_561 = tpu.vector_load_idx %arg5[%and3A_23, %add3A_557] : memref<16x1024xf32, #tpu.memory_space<vmem>>[vector<16xi32>, vector<16xi32>], vector<16xf32>,
          %gather3A_562 = tpu.vector_load_idx %arg5[%and3A_29, %add3A_557] : memref<16x1024xf32, #tpu.memory_space<vmem>>[vector<16xi32>, vector<16xi32>], vector<16xf32>,
          %gather3A_563 = tpu.vector_load_idx %arg5[%and3A_35, %add3A_557] : memref<16x1024xf32, #tpu.memory_space<vmem>>[vector<16xi32>, vector<16xi32>], vector<16xf32>,
          %gather3A_564 = tpu.vector_load_idx %arg5[%and3A_41, %add3A_557] : memref<16x1024xf32, #tpu.memory_space<vmem>>[vector<16xi32>, vector<16xi32>], vector<16xf32>,
          %gather3A_565 = tpu.vector_load_idx %arg5[%and3A_47, %add3A_557] : memref<16x1024xf32, #tpu.memory_space<vmem>>[vector<16xi32>, vector<16xi32>], vector<16xf32>,
          %gather3A_566 = tpu.vector_load_idx %arg5[%and3A_53, %add3A_557] : memref<16x1024xf32, #tpu.memory_space<vmem>>[vector<16xi32>, vector<16xi32>], vector<16xf32>,
          %gather3A_567 = tpu.vector_load_idx %arg5[%and3A_59, %add3A_557] : memref<16x1024xf32, #tpu.memory_space<vmem>>[vector<16xi32>, vector<16xi32>], vector<16xf32>,
          %gather3A_568 = tpu.vector_load_idx %arg5[%and3A_65, %add3A_557] : memref<16x1024xf32, #tpu.memory_space<vmem>>[vector<16xi32>, vector<16xi32>], vector<16xf32>,
          %gather3A_569 = tpu.vector_load_idx %arg5[%and3A_71, %add3A_557] : memref<16x1024xf32, #tpu.memory_space<vmem>>[vector<16xi32>, vector<16xi32>], vector<16xf32>,
          %gather3A_570 = tpu.vector_load_idx %arg5[%and3A_77, %add3A_557] : memref<16x1024xf32, #tpu.memory_space<vmem>>[vector<16xi32>, vector<16xi32>], vector<16xf32>,
          %gather3A_571 = tpu.vector_load_idx %arg5[%and3A_83, %add3A_557] : memref<16x1024xf32, #tpu.memory_space<vmem>>[vector<16xi32>, vector<16xi32>], vector<16xf32>,
          %gather3A_572 = tpu.vector_load_idx %arg5[%and3A_89, %add3A_557] : memref<16x1024xf32, #tpu.memory_space<vmem>>[vector<16xi32>, vector<16xi32>], vector<16xf32>,
          %gather3A_573 = tpu.vector_load_idx %arg5[%and3A_95, %add3A_557] : memref<16x1024xf32, #tpu.memory_space<vmem>>[vector<16xi32>, vector<16xi32>], vector<16xf32>,
          %mul3A_574 = arith.constant 16 : i32
          %mul3A_575 = arith.muli %add3A_555, %mul3A_574 : i32
          %scatter3A_576 = tpu.memref_slice %arg7[%mul3A_575] : memref<16384xf32, #tpu.memory_space<vmem>> -> memref<256xf32, #tpu.memory_space<vmem>>
          tpu.vector_store_idx %scatter3A_576[%add3A_99], %gather3A_558 : memref<256xf32, #tpu.memory_space<vmem>>[vector<16xi32>], vector<16xf32>,
          %scatter3A_577 = tpu.memref_slice %arg7[%mul3A_575] : memref<16384xf32, #tpu.memory_space<vmem>> -> memref<256xf32, #tpu.memory_space<vmem>>
          tpu.vector_store_idx %scatter3A_577[%add3A_103], %gather3A_559 : memref<256xf32, #tpu.memory_space<vmem>>[vector<16xi32>], vector<16xf32>,
          %scatter3A_578 = tpu.memref_slice %arg7[%mul3A_575] : memref<16384xf32, #tpu.memory_space<vmem>> -> memref<256xf32, #tpu.memory_space<vmem>>
          tpu.vector_store_idx %scatter3A_578[%add3A_107], %gather3A_560 : memref<256xf32, #tpu.memory_space<vmem>>[vector<16xi32>], vector<16xf32>,
          %scatter3A_579 = tpu.memref_slice %arg7[%mul3A_575] : memref<16384xf32, #tpu.memory_space<vmem>> -> memref<256xf32, #tpu.memory_space<vmem>>
          tpu.vector_store_idx %scatter3A_579[%add3A_111], %gather3A_561 : memref<256xf32, #tpu.memory_space<vmem>>[vector<16xi32>], vector<16xf32>,
          %scatter3A_580 = tpu.memref_slice %arg7[%mul3A_575] : memref<16384xf32, #tpu.memory_space<vmem>> -> memref<256xf32, #tpu.memory_space<vmem>>
          tpu.vector_store_idx %scatter3A_580[%add3A_115], %gather3A_562 : memref<256xf32, #tpu.memory_space<vmem>>[vector<16xi32>], vector<16xf32>,
          %scatter3A_581 = tpu.memref_slice %arg7[%mul3A_575] : memref<16384xf32, #tpu.memory_space<vmem>> -> memref<256xf32, #tpu.memory_space<vmem>>
          tpu.vector_store_idx %scatter3A_581[%add3A_119], %gather3A_563 : memref<256xf32, #tpu.memory_space<vmem>>[vector<16xi32>], vector<16xf32>,
          %scatter3A_582 = tpu.memref_slice %arg7[%mul3A_575] : memref<16384xf32, #tpu.memory_space<vmem>> -> memref<256xf32, #tpu.memory_space<vmem>>
          tpu.vector_store_idx %scatter3A_582[%add3A_123], %gather3A_564 : memref<256xf32, #tpu.memory_space<vmem>>[vector<16xi32>], vector<16xf32>,
          %scatter3A_583 = tpu.memref_slice %arg7[%mul3A_575] : memref<16384xf32, #tpu.memory_space<vmem>> -> memref<256xf32, #tpu.memory_space<vmem>>
          tpu.vector_store_idx %scatter3A_583[%add3A_127], %gather3A_565 : memref<256xf32, #tpu.memory_space<vmem>>[vector<16xi32>], vector<16xf32>,
          %scatter3A_584 = tpu.memref_slice %arg7[%mul3A_575] : memref<16384xf32, #tpu.memory_space<vmem>> -> memref<256xf32, #tpu.memory_space<vmem>>
          tpu.vector_store_idx %scatter3A_584[%add3A_131], %gather3A_566 : memref<256xf32, #tpu.memory_space<vmem>>[vector<16xi32>], vector<16xf32>,
          %scatter3A_585 = tpu.memref_slice %arg7[%mul3A_575] : memref<16384xf32, #tpu.memory_space<vmem>> -> memref<256xf32, #tpu.memory_space<vmem>>
          tpu.vector_store_idx %scatter3A_585[%add3A_135], %gather3A_567 : memref<256xf32, #tpu.memory_space<vmem>>[vector<16xi32>], vector<16xf32>,
          %scatter3A_586 = tpu.memref_slice %arg7[%mul3A_575] : memref<16384xf32, #tpu.memory_space<vmem>> -> memref<256xf32, #tpu.memory_space<vmem>>
          tpu.vector_store_idx %scatter3A_586[%add3A_139], %gather3A_568 : memref<256xf32, #tpu.memory_space<vmem>>[vector<16xi32>], vector<16xf32>,
          %scatter3A_587 = tpu.memref_slice %arg7[%mul3A_575] : memref<16384xf32, #tpu.memory_space<vmem>> -> memref<256xf32, #tpu.memory_space<vmem>>
          tpu.vector_store_idx %scatter3A_587[%add3A_143], %gather3A_569 : memref<256xf32, #tpu.memory_space<vmem>>[vector<16xi32>], vector<16xf32>,
          %scatter3A_588 = tpu.memref_slice %arg7[%mul3A_575] : memref<16384xf32, #tpu.memory_space<vmem>> -> memref<256xf32, #tpu.memory_space<vmem>>
          tpu.vector_store_idx %scatter3A_588[%add3A_147], %gather3A_570 : memref<256xf32, #tpu.memory_space<vmem>>[vector<16xi32>], vector<16xf32>,
          %scatter3A_589 = tpu.memref_slice %arg7[%mul3A_575] : memref<16384xf32, #tpu.memory_space<vmem>> -> memref<256xf32, #tpu.memory_space<vmem>>
          tpu.vector_store_idx %scatter3A_589[%add3A_151], %gather3A_571 : memref<256xf32, #tpu.memory_space<vmem>>[vector<16xi32>], vector<16xf32>,
          %scatter3A_590 = tpu.memref_slice %arg7[%mul3A_575] : memref<16384xf32, #tpu.memory_space<vmem>> -> memref<256xf32, #tpu.memory_space<vmem>>
          tpu.vector_store_idx %scatter3A_590[%add3A_155], %gather3A_572 : memref<256xf32, #tpu.memory_space<vmem>>[vector<16xi32>], vector<16xf32>,
          %scatter3A_591 = tpu.memref_slice %arg7[%mul3A_575] : memref<16384xf32, #tpu.memory_space<vmem>> -> memref<256xf32, #tpu.memory_space<vmem>>
          tpu.vector_store_idx %scatter3A_591[%add3A_159], %gather3A_573 : memref<256xf32, #tpu.memory_space<vmem>>[vector<16xi32>], vector<16xf32>,
        }
      } else {
      }
      %convert_element_type3A_307 = arith.extui %lt3A_268 : i1 to i32
      %cond3A_308 = arith.constant 0 : i32
      %cond3A_309 = arith.cmpi ne, %convert_element_type3A_307, %cond3A_308 : i32
      scf.if %cond3A_309 {
        %mul3A_423 = arith.constant 32 : i32
        %mul3A_424 = arith.muli %mul3A_259, %mul3A_423 : i32
        %add3A_425 = arith.addi %add3A, %mul3A_424 : i32
        %shift_right_logical3A_426 = arith.constant 7 : i32
        %shift_right_logical3A_427 = arith.shrui %add3A_425, %shift_right_logical3A_426 : i32
        %and3A_428 = arith.constant 127 : i32
        %and3A_429 = arith.andi %add3A_425, %and3A_428 : i32
        %mul3A_430 = arith.constant 100000 : i32
        %mul3A_431 = arith.muli %shift_right_logical3A_427, %mul3A_430 : i32
        %mul3A_432 = arith.constant 1024 : i32
        %mul3A_433 = arith.muli %and3A_429, %mul3A_432 : i32
        %add3A_434 = arith.addi %mul3A_431, %mul3A_433 : i32
        %mul3A_435 = arith.constant 16 : i32
        %mul3A_436 = arith.muli %add3A_434, %mul3A_435 : i32
        %dma_start3A = arith.constant 0 : i32
        %dma_start3A_437 = tpu.memref_slice %arg7[%dma_start3A] : memref<16384xf32, #tpu.memory_space<vmem>> -> memref<16384xf32, #tpu.memory_space<vmem>>
        %dma_start3A_438 = tpu.memref_slice %arg4[%mul3A_436] : memref<41600000xf32, #tpu.memory_space<hbm>> -> memref<16384xf32, #tpu.memory_space<hbm>>
        %dma_start3A_439 = tpu.memref_slice %arg4[%mul3A_436] : memref<41600000xf32, #tpu.memory_space<hbm>> -> memref<16384xf32, #tpu.memory_space<hbm>>
        %dma_start3A_440 = arith.constant 0 : i32
        %dma_start3A_441 = tpu.memref_slice %arg7[%dma_start3A_440] : memref<16384xf32, #tpu.memory_space<vmem>> -> memref<16384xf32, #tpu.memory_space<vmem>>
        tpu.enqueue_dma source(%dma_start3A_441 : memref<16384xf32, #tpu.memory_space<vmem>>) target(%dma_start3A_439 : memref<16384xf32, #tpu.memory_space<hbm>>) target_semaphore(%arg11 : memref<!tpu.dma_semaphore, #tpu.memory_space<semaphore_mem>>)
      } else {
      }
      %convert_element_type3A_310 = arith.extui %eq3A_270 : i1 to i32
      %cond3A_311 = arith.constant 0 : i32
      %cond3A_312 = arith.cmpi ne, %convert_element_type3A_310, %cond3A_311 : i32
      scf.if %cond3A_312 {
        %mul3A_423 = arith.constant 32 : i32
        %mul3A_424 = arith.muli %mul3A_259, %mul3A_423 : i32
        %add3A_425 = arith.addi %add3A, %mul3A_424 : i32
        %shift_right_logical3A_426 = arith.constant 7 : i32
        %shift_right_logical3A_427 = arith.shrui %add3A_425, %shift_right_logical3A_426 : i32
        %and3A_428 = arith.constant 127 : i32
        %and3A_429 = arith.andi %add3A_425, %and3A_428 : i32
        %mul3A_430 = arith.constant 100000 : i32
        %mul3A_431 = arith.muli %shift_right_logical3A_427, %mul3A_430 : i32
        %mul3A_432 = arith.constant 1024 : i32
        %mul3A_433 = arith.muli %and3A_429, %mul3A_432 : i32
        %add3A_434 = arith.addi %mul3A_431, %mul3A_433 : i32
        %mul3A_435 = arith.constant 16 : i32
        %mul3A_436 = arith.muli %add3A_434, %mul3A_435 : i32
        %dma_start3A = arith.constant 0 : i32
        %dma_start3A_437 = tpu.memref_slice %arg7[%dma_start3A] : memref<16384xf32, #tpu.memory_space<vmem>> -> memref<10240xf32, #tpu.memory_space<vmem>>
        %dma_start3A_438 = tpu.memref_slice %arg4[%mul3A_436] : memref<41600000xf32, #tpu.memory_space<hbm>> -> memref<10240xf32, #tpu.memory_space<hbm>>
        %dma_start3A_439 = tpu.memref_slice %arg4[%mul3A_436] : memref<41600000xf32, #tpu.memory_space<hbm>> -> memref<10240xf32, #tpu.memory_space<hbm>>
        %dma_start3A_440 = arith.constant 0 : i32
        %dma_start3A_441 = tpu.memref_slice %arg7[%dma_start3A_440] : memref<16384xf32, #tpu.memory_space<vmem>> -> memref<10240xf32, #tpu.memory_space<vmem>>
        tpu.enqueue_dma source(%dma_start3A_441 : memref<10240xf32, #tpu.memory_space<vmem>>) target(%dma_start3A_439 : memref<10240xf32, #tpu.memory_space<hbm>>) target_semaphore(%arg11 : memref<!tpu.dma_semaphore, #tpu.memory_space<semaphore_mem>>)
      } else {
      }
      %add3A_313 = arith.constant 2 : i32
      %add3A_314 = arith.addi %mul3A_259, %add3A_313 : i32
      %mul3A_315 = arith.constant 32 : i32
      %mul3A_316 = arith.muli %add3A_314, %mul3A_315 : i32
      %add3A_317 = arith.addi %add3A, %mul3A_316 : i32
      %shift_right_logical3A_318 = arith.constant 7 : i32
      %shift_right_logical3A_319 = arith.shrui %add3A_317, %shift_right_logical3A_318 : i32
      %and3A_320 = arith.constant 127 : i32
      %and3A_321 = arith.andi %add3A_317, %and3A_320 : i32
      %lt3A_322 = arith.constant 104 : i32
      %lt3A_323 = arith.cmpi slt, %add3A_314, %lt3A_322 : i32
      %lt3A_324 = arith.constant 97 : i32
      %lt3A_325 = arith.cmpi slt, %and3A_321, %lt3A_324 : i32
      %and3A_326 = arith.andi %lt3A_323, %lt3A_325 : i1
      %convert_element_type3A_327 = arith.extui %and3A_326 : i1 to i32
      %cond3A_328 = arith.constant 0 : i32
      %cond3A_329 = arith.cmpi ne, %convert_element_type3A_327, %cond3A_328 : i32
      scf.if %cond3A_329 {
        %mul3A_423 = arith.constant 32 : i32
        %mul3A_424 = arith.muli %add3A_314, %mul3A_423 : i32
        %add3A_425 = arith.addi %add3A, %mul3A_424 : i32
        %shift_right_logical3A_426 = arith.constant 7 : i32
        %shift_right_logical3A_427 = arith.shrui %add3A_425, %shift_right_logical3A_426 : i32
        %and3A_428 = arith.constant 127 : i32
        %and3A_429 = arith.andi %add3A_425, %and3A_428 : i32
        %mul3A_430 = arith.constant 1024 : i32
        %mul3A_431 = arith.muli %and3A_429, %mul3A_430 : i32
        %dma_start3A = arith.constant 0 : i32
        %dma_start3A_432 = arith.constant 0 : i32
        %dma_start3A_433 = tpu.memref_slice %arg5[%dma_start3A, %dma_start3A_432] : memref<16x1024xf32, #tpu.memory_space<vmem>> -> memref<16x1024xf32, #tpu.memory_space<vmem>>
        %dma_start3A_434 = arith.constant 0 : i32
        %dma_start3A_435 = tpu.memref_slice %arg2[%shift_right_logical3A_427, %dma_start3A_434, %mul3A_431] : memref<26x16x100000xf32, #tpu.memory_space<hbm>> -> memref<1x16x1024xf32, #tpu.memory_space<hbm>>
        %dma_start3A_436 = tpu.memref_squeeze %dma_start3A_435 : memref<1x16x1024xf32, #tpu.memory_space<hbm>> -> memref<16x1024xf32, #tpu.memory_space<hbm>>
        %dma_start3A_437 = arith.constant 0 : i32
        %dma_start3A_438 = arith.constant 0 : i32
        %dma_start3A_439 = tpu.memref_slice %arg5[%dma_start3A_437, %dma_start3A_438] : memref<16x1024xf32, #tpu.memory_space<vmem>> -> memref<16x1024xf32, #tpu.memory_space<vmem>>
        %dma_start3A_440 = arith.constant 0 : i32
        %dma_start3A_441 = tpu.memref_slice %arg2[%shift_right_logical3A_427, %dma_start3A_440, %mul3A_431] : memref<26x16x100000xf32, #tpu.memory_space<hbm>> -> memref<1x16x1024xf32, #tpu.memory_space<hbm>>
        %dma_start3A_442 = tpu.memref_squeeze %dma_start3A_441 : memref<1x16x1024xf32, #tpu.memory_space<hbm>> -> memref<16x1024xf32, #tpu.memory_space<hbm>>
        tpu.enqueue_dma source(%dma_start3A_442 : memref<16x1024xf32, #tpu.memory_space<hbm>>) target(%dma_start3A_439 : memref<16x1024xf32, #tpu.memory_space<vmem>>) target_semaphore(%arg9 : memref<!tpu.dma_semaphore, #tpu.memory_space<semaphore_mem>>)
      } else {
      }
      %lt3A_330 = arith.constant 104 : i32
      %lt3A_331 = arith.cmpi slt, %add3A_314, %lt3A_330 : i32
      %eq3A_332 = arith.constant 97 : i32
      %eq3A_333 = arith.cmpi eq, %and3A_321, %eq3A_332 : i32
      %and3A_334 = arith.andi %lt3A_331, %eq3A_333 : i1
      %convert_element_type3A_335 = arith.extui %and3A_334 : i1 to i32
      %cond3A_336 = arith.constant 0 : i32
      %cond3A_337 = arith.cmpi ne, %convert_element_type3A_335, %cond3A_336 : i32
      scf.if %cond3A_337 {
        %mul3A_423 = arith.constant 32 : i32
        %mul3A_424 = arith.muli %add3A_314, %mul3A_423 : i32
        %add3A_425 = arith.addi %add3A, %mul3A_424 : i32
        %shift_right_logical3A_426 = arith.constant 7 : i32
        %shift_right_logical3A_427 = arith.shrui %add3A_425, %shift_right_logical3A_426 : i32
        %and3A_428 = arith.constant 127 : i32
        %and3A_429 = arith.andi %add3A_425, %and3A_428 : i32
        %mul3A_430 = arith.constant 1024 : i32
        %mul3A_431 = arith.muli %and3A_429, %mul3A_430 : i32
        %dma_start3A = arith.constant 0 : i32
        %dma_start3A_432 = arith.constant 0 : i32
        %dma_start3A_433 = tpu.memref_slice %arg5[%dma_start3A, %dma_start3A_432] : memref<16x1024xf32, #tpu.memory_space<vmem>> -> memref<16x640xf32, #tpu.memory_space<vmem>>
        %dma_start3A_434 = arith.constant 0 : i32
        %dma_start3A_435 = tpu.memref_slice %arg2[%shift_right_logical3A_427, %dma_start3A_434, %mul3A_431] : memref<26x16x100000xf32, #tpu.memory_space<hbm>> -> memref<1x16x640xf32, #tpu.memory_space<hbm>>
        %dma_start3A_436 = tpu.memref_squeeze %dma_start3A_435 : memref<1x16x640xf32, #tpu.memory_space<hbm>> -> memref<16x640xf32, #tpu.memory_space<hbm>>
        %dma_start3A_437 = arith.constant 0 : i32
        %dma_start3A_438 = arith.constant 0 : i32
        %dma_start3A_439 = tpu.memref_slice %arg5[%dma_start3A_437, %dma_start3A_438] : memref<16x1024xf32, #tpu.memory_space<vmem>> -> memref<16x640xf32, #tpu.memory_space<vmem>>
        %dma_start3A_440 = arith.constant 0 : i32
        %dma_start3A_441 = tpu.memref_slice %arg2[%shift_right_logical3A_427, %dma_start3A_440, %mul3A_431] : memref<26x16x100000xf32, #tpu.memory_space<hbm>> -> memref<1x16x640xf32, #tpu.memory_space<hbm>>
        %dma_start3A_442 = tpu.memref_squeeze %dma_start3A_441 : memref<1x16x640xf32, #tpu.memory_space<hbm>> -> memref<16x640xf32, #tpu.memory_space<hbm>>
        tpu.enqueue_dma source(%dma_start3A_442 : memref<16x640xf32, #tpu.memory_space<hbm>>) target(%dma_start3A_439 : memref<16x640xf32, #tpu.memory_space<vmem>>) target_semaphore(%arg9 : memref<!tpu.dma_semaphore, #tpu.memory_space<semaphore_mem>>)
      } else {
      }
      %mul3A_338 = arith.constant 2 : i32
      %mul3A_339 = arith.muli %scan3A_257, %mul3A_338 : i32
      %add3A_340 = arith.constant 1 : i32
      %add3A_341 = arith.addi %mul3A_339, %add3A_340 : i32
      %mul3A_342 = arith.constant 32 : i32
      %mul3A_343 = arith.muli %add3A_341, %mul3A_342 : i32
      %add3A_344 = arith.addi %add3A, %mul3A_343 : i32
      %shift_right_logical3A_345 = arith.constant 7 : i32
      %shift_right_logical3A_346 = arith.shrui %add3A_344, %shift_right_logical3A_345 : i32
      %and3A_347 = arith.constant 127 : i32
      %and3A_348 = arith.andi %add3A_344, %and3A_347 : i32
      %lt3A_349 = arith.constant 97 : i32
      %lt3A_350 = arith.cmpi slt, %and3A_348, %lt3A_349 : i32
      %eq3A_351 = arith.constant 97 : i32
      %eq3A_352 = arith.cmpi eq, %and3A_348, %eq3A_351 : i32
      %convert_element_type3A_353 = arith.extui %lt3A_350 : i1 to i32
      %cond3A_354 = arith.constant 0 : i32
      %cond3A_355 = arith.cmpi ne, %convert_element_type3A_353, %cond3A_354 : i32
      scf.if %cond3A_355 {
        %mul3A_423 = arith.constant 32 : i32
        %mul3A_424 = arith.muli %add3A_341, %mul3A_423 : i32
        %add3A_425 = arith.addi %add3A, %mul3A_424 : i32
        %shift_right_logical3A_426 = arith.constant 7 : i32
        %shift_right_logical3A_427 = arith.shrui %add3A_425, %shift_right_logical3A_426 : i32
        %and3A_428 = arith.constant 127 : i32
        %and3A_429 = arith.andi %add3A_425, %and3A_428 : i32
        %mul3A_430 = arith.constant 1024 : i32
        %mul3A_431 = arith.muli %and3A_429, %mul3A_430 : i32
        %dma_wait3A = arith.constant 0 : i32
        %dma_wait3A_432 = arith.constant 0 : i32
        %dma_wait3A_433 = tpu.memref_slice %arg6[%dma_wait3A, %dma_wait3A_432] : memref<16x1024xf32, #tpu.memory_space<vmem>> -> memref<16x1024xf32, #tpu.memory_space<vmem>>
        %dma_wait3A_434 = arith.constant 0 : i32
        %dma_wait3A_435 = tpu.memref_slice %arg2[%shift_right_logical3A_427, %dma_wait3A_434, %mul3A_431] : memref<26x16x100000xf32, #tpu.memory_space<hbm>> -> memref<1x16x1024xf32, #tpu.memory_space<hbm>>
        %dma_wait3A_436 = tpu.memref_squeeze %dma_wait3A_435 : memref<1x16x1024xf32, #tpu.memory_space<hbm>> -> memref<16x1024xf32, #tpu.memory_space<hbm>>
        %dma_wait3A_437 = arith.constant 0 : i32
        %dma_wait3A_438 = arith.constant 0 : i32
        %dma_wait3A_439 = tpu.memref_slice %arg6[%dma_wait3A_437, %dma_wait3A_438] : memref<16x1024xf32, #tpu.memory_space<vmem>> -> memref<16x1024xf32, #tpu.memory_space<vmem>>
        %dma_wait3A_440 = arith.constant 0 : i32
        %dma_wait3A_441 = tpu.memref_slice %arg2[%shift_right_logical3A_427, %dma_wait3A_440, %mul3A_431] : memref<26x16x100000xf32, #tpu.memory_space<hbm>> -> memref<1x16x1024xf32, #tpu.memory_space<hbm>>
        %dma_wait3A_442 = tpu.memref_squeeze %dma_wait3A_441 : memref<1x16x1024xf32, #tpu.memory_space<hbm>> -> memref<16x1024xf32, #tpu.memory_space<hbm>>
        tpu.wait_dma2 semaphore(%arg10 : memref<!tpu.dma_semaphore, #tpu.memory_space<semaphore_mem>>) src(%dma_wait3A_442 : memref<16x1024xf32, #tpu.memory_space<hbm>>) dst(%dma_wait3A_439 : memref<16x1024xf32, #tpu.memory_space<vmem>>)
      } else {
      }
      %convert_element_type3A_356 = arith.extui %eq3A_352 : i1 to i32
      %cond3A_357 = arith.constant 0 : i32
      %cond3A_358 = arith.cmpi ne, %convert_element_type3A_356, %cond3A_357 : i32
      scf.if %cond3A_358 {
        %mul3A_423 = arith.constant 32 : i32
        %mul3A_424 = arith.muli %add3A_341, %mul3A_423 : i32
        %add3A_425 = arith.addi %add3A, %mul3A_424 : i32
        %shift_right_logical3A_426 = arith.constant 7 : i32
        %shift_right_logical3A_427 = arith.shrui %add3A_425, %shift_right_logical3A_426 : i32
        %and3A_428 = arith.constant 127 : i32
        %and3A_429 = arith.andi %add3A_425, %and3A_428 : i32
        %mul3A_430 = arith.constant 1024 : i32
        %mul3A_431 = arith.muli %and3A_429, %mul3A_430 : i32
        %dma_wait3A = arith.constant 0 : i32
        %dma_wait3A_432 = arith.constant 0 : i32
        %dma_wait3A_433 = tpu.memref_slice %arg6[%dma_wait3A, %dma_wait3A_432] : memref<16x1024xf32, #tpu.memory_space<vmem>> -> memref<16x640xf32, #tpu.memory_space<vmem>>
        %dma_wait3A_434 = arith.constant 0 : i32
        %dma_wait3A_435 = tpu.memref_slice %arg2[%shift_right_logical3A_427, %dma_wait3A_434, %mul3A_431] : memref<26x16x100000xf32, #tpu.memory_space<hbm>> -> memref<1x16x640xf32, #tpu.memory_space<hbm>>
        %dma_wait3A_436 = tpu.memref_squeeze %dma_wait3A_435 : memref<1x16x640xf32, #tpu.memory_space<hbm>> -> memref<16x640xf32, #tpu.memory_space<hbm>>
        %dma_wait3A_437 = arith.constant 0 : i32
        %dma_wait3A_438 = arith.constant 0 : i32
        %dma_wait3A_439 = tpu.memref_slice %arg6[%dma_wait3A_437, %dma_wait3A_438] : memref<16x1024xf32, #tpu.memory_space<vmem>> -> memref<16x640xf32, #tpu.memory_space<vmem>>
        %dma_wait3A_440 = arith.constant 0 : i32
        %dma_wait3A_441 = tpu.memref_slice %arg2[%shift_right_logical3A_427, %dma_wait3A_440, %mul3A_431] : memref<26x16x100000xf32, #tpu.memory_space<hbm>> -> memref<1x16x640xf32, #tpu.memory_space<hbm>>
        %dma_wait3A_442 = tpu.memref_squeeze %dma_wait3A_441 : memref<1x16x640xf32, #tpu.memory_space<hbm>> -> memref<16x640xf32, #tpu.memory_space<hbm>>
        tpu.wait_dma2 semaphore(%arg10 : memref<!tpu.dma_semaphore, #tpu.memory_space<semaphore_mem>>) src(%dma_wait3A_442 : memref<16x640xf32, #tpu.memory_space<hbm>>) dst(%dma_wait3A_439 : memref<16x640xf32, #tpu.memory_space<vmem>>)
      } else {
      }
      %sub3A_359 = arith.constant 2 : i32
      %sub3A_360 = arith.subi %add3A_341, %sub3A_359 : i32
      %mul3A_361 = arith.constant 32 : i32
      %mul3A_362 = arith.muli %sub3A_360, %mul3A_361 : i32
      %add3A_363 = arith.addi %add3A, %mul3A_362 : i32
      %shift_right_logical3A_364 = arith.constant 7 : i32
      %shift_right_logical3A_365 = arith.shrui %add3A_363, %shift_right_logical3A_364 : i32
      %and3A_366 = arith.constant 127 : i32
      %and3A_367 = arith.andi %add3A_363, %and3A_366 : i32
      %sub3A_368 = arith.constant 2 : i32
      %sub3A_369 = arith.subi %add3A_341, %sub3A_368 : i32
      %ge3A_370 = arith.constant 0 : i32
      %ge3A_371 = arith.cmpi sge, %sub3A_369, %ge3A_370 : i32
      %lt3A_372 = arith.constant 97 : i32
      %lt3A_373 = arith.cmpi slt, %and3A_367, %lt3A_372 : i32
      %and3A_374 = arith.andi %ge3A_371, %lt3A_373 : i1
      %convert_element_type3A_375 = arith.extui %and3A_374 : i1 to i32
      %cond3A_376 = arith.constant 0 : i32
      %cond3A_377 = arith.cmpi ne, %convert_element_type3A_375, %cond3A_376 : i32
      scf.if %cond3A_377 {
        %sub3A_423 = arith.constant 2 : i32
        %sub3A_424 = arith.subi %add3A_341, %sub3A_423 : i32
        %mul3A_425 = arith.constant 32 : i32
        %mul3A_426 = arith.muli %sub3A_424, %mul3A_425 : i32
        %add3A_427 = arith.addi %add3A, %mul3A_426 : i32
        %shift_right_logical3A_428 = arith.constant 7 : i32
        %shift_right_logical3A_429 = arith.shrui %add3A_427, %shift_right_logical3A_428 : i32
        %and3A_430 = arith.constant 127 : i32
        %and3A_431 = arith.andi %add3A_427, %and3A_430 : i32
        %mul3A_432 = arith.constant 100000 : i32
        %mul3A_433 = arith.muli %shift_right_logical3A_429, %mul3A_432 : i32
        %mul3A_434 = arith.constant 1024 : i32
        %mul3A_435 = arith.muli %and3A_431, %mul3A_434 : i32
        %add3A_436 = arith.addi %mul3A_433, %mul3A_435 : i32
        %mul3A_437 = arith.constant 16 : i32
        %mul3A_438 = arith.muli %add3A_436, %mul3A_437 : i32
        %dma_wait3A = arith.constant 0 : i32
        %dma_wait3A_439 = tpu.memref_slice %arg8[%dma_wait3A] : memref<16384xf32, #tpu.memory_space<vmem>> -> memref<16384xf32, #tpu.memory_space<vmem>>
        %dma_wait3A_440 = tpu.memref_slice %arg4[%mul3A_438] : memref<41600000xf32, #tpu.memory_space<hbm>> -> memref<16384xf32, #tpu.memory_space<hbm>>
        %dma_wait3A_441 = tpu.memref_slice %arg4[%mul3A_438] : memref<41600000xf32, #tpu.memory_space<hbm>> -> memref<16384xf32, #tpu.memory_space<hbm>>
        %dma_wait3A_442 = arith.constant 0 : i32
        %dma_wait3A_443 = tpu.memref_slice %arg8[%dma_wait3A_442] : memref<16384xf32, #tpu.memory_space<vmem>> -> memref<16384xf32, #tpu.memory_space<vmem>>
        tpu.wait_dma2 semaphore(%arg12 : memref<!tpu.dma_semaphore, #tpu.memory_space<semaphore_mem>>) src(%dma_wait3A_443 : memref<16384xf32, #tpu.memory_space<vmem>>) dst(%dma_wait3A_441 : memref<16384xf32, #tpu.memory_space<hbm>>)
      } else {
      }
      %sub3A_378 = arith.constant 2 : i32
      %sub3A_379 = arith.subi %add3A_341, %sub3A_378 : i32
      %ge3A_380 = arith.constant 0 : i32
      %ge3A_381 = arith.cmpi sge, %sub3A_379, %ge3A_380 : i32
      %eq3A_382 = arith.constant 97 : i32
      %eq3A_383 = arith.cmpi eq, %and3A_367, %eq3A_382 : i32
      %and3A_384 = arith.andi %ge3A_381, %eq3A_383 : i1
      %convert_element_type3A_385 = arith.extui %and3A_384 : i1 to i32
      %cond3A_386 = arith.constant 0 : i32
      %cond3A_387 = arith.cmpi ne, %convert_element_type3A_385, %cond3A_386 : i32
      scf.if %cond3A_387 {
        %sub3A_423 = arith.constant 2 : i32
        %sub3A_424 = arith.subi %add3A_341, %sub3A_423 : i32
        %mul3A_425 = arith.constant 32 : i32
        %mul3A_426 = arith.muli %sub3A_424, %mul3A_425 : i32
        %add3A_427 = arith.addi %add3A, %mul3A_426 : i32
        %shift_right_logical3A_428 = arith.constant 7 : i32
        %shift_right_logical3A_429 = arith.shrui %add3A_427, %shift_right_logical3A_428 : i32
        %and3A_430 = arith.constant 127 : i32
        %and3A_431 = arith.andi %add3A_427, %and3A_430 : i32
        %mul3A_432 = arith.constant 100000 : i32
        %mul3A_433 = arith.muli %shift_right_logical3A_429, %mul3A_432 : i32
        %mul3A_434 = arith.constant 1024 : i32
        %mul3A_435 = arith.muli %and3A_431, %mul3A_434 : i32
        %add3A_436 = arith.addi %mul3A_433, %mul3A_435 : i32
        %mul3A_437 = arith.constant 16 : i32
        %mul3A_438 = arith.muli %add3A_436, %mul3A_437 : i32
        %dma_wait3A = arith.constant 0 : i32
        %dma_wait3A_439 = tpu.memref_slice %arg8[%dma_wait3A] : memref<16384xf32, #tpu.memory_space<vmem>> -> memref<10240xf32, #tpu.memory_space<vmem>>
        %dma_wait3A_440 = tpu.memref_slice %arg4[%mul3A_438] : memref<41600000xf32, #tpu.memory_space<hbm>> -> memref<10240xf32, #tpu.memory_space<hbm>>
        %dma_wait3A_441 = tpu.memref_slice %arg4[%mul3A_438] : memref<41600000xf32, #tpu.memory_space<hbm>> -> memref<10240xf32, #tpu.memory_space<hbm>>
        %dma_wait3A_442 = arith.constant 0 : i32
        %dma_wait3A_443 = tpu.memref_slice %arg8[%dma_wait3A_442] : memref<16384xf32, #tpu.memory_space<vmem>> -> memref<10240xf32, #tpu.memory_space<vmem>>
        tpu.wait_dma2 semaphore(%arg12 : memref<!tpu.dma_semaphore, #tpu.memory_space<semaphore_mem>>) src(%dma_wait3A_443 : memref<10240xf32, #tpu.memory_space<vmem>>) dst(%dma_wait3A_441 : memref<10240xf32, #tpu.memory_space<hbm>>)
      } else {
      }
      %or3A_388 = arith.ori %lt3A_350, %eq3A_352 : i1
      %convert_element_type3A_389 = arith.extui %or3A_388 : i1 to i32
      %cond3A_390 = arith.constant 0 : i32
      %cond3A_391 = arith.cmpi ne, %convert_element_type3A_389, %cond3A_390 : i32
      scf.if %cond3A_391 {
        %jit3A = arith.constant 16 : i32
        %jit3A_423 = arith.constant 10 : i32
        %select_n3A = arith.select %lt3A_350, %jit3A, %jit3A_423 : i32
        %while3A = arith.constant 0 : i32
        %while3A_424 = arith.constant 0 : i32
        %while3A_425 = arith.subi %select_n3A, %while3A_424 : i32
        %while3A_426 = arith.addi %while3A_424, %while3A_425 : i32
        %while3A_427 = arith.constant 1 : i32
        %while3A_428 = arith.divsi %while3A_425, %while3A_427 : i32
        %while3A_429 = arith.muli %while3A_428, %while3A_427 : i32
        %while3A_430 = arith.addi %while3A_424, %while3A_429 : i32
        %while3A_431 = arith.constant 1 : i32
        scf.for %while3A_433 = %while3A_424 to %while3A_430 step %while3A_431  : i32 {
          %mul3A_434 = arith.constant 64 : i32
          %mul3A_435 = arith.muli %while3A_433, %mul3A_434 : i32
          %add3A_436 = arith.constant 0 : i32
          %add3A_437 = arith.addi %mul3A_435, %add3A_436 : i32
          %add3A_438 = vector.broadcast %add3A_437 : i32 to vector<16xi32>
          %add3A_439 = arith.addi %iota3A, %add3A_438 : vector<16xi32>
          %gather3A = tpu.vector_load_idx %arg6[%and3A_5, %add3A_439] : memref<16x1024xf32, #tpu.memory_space<vmem>>[vector<16xi32>, vector<16xi32>], vector<16xf32>,
          %gather3A_440 = tpu.vector_load_idx %arg6[%and3A_11, %add3A_439] : memref<16x1024xf32, #tpu.memory_space<vmem>>[vector<16xi32>, vector<16xi32>], vector<16xf32>,
          %gather3A_441 = tpu.vector_load_idx %arg6[%and3A_17, %add3A_439] : memref<16x1024xf32, #tpu.memory_space<vmem>>[vector<16xi32>, vector<16xi32>], vector<16xf32>,
          %gather3A_442 = tpu.vector_load_idx %arg6[%and3A_23, %add3A_439] : memref<16x1024xf32, #tpu.memory_space<vmem>>[vector<16xi32>, vector<16xi32>], vector<16xf32>,
          %gather3A_443 = tpu.vector_load_idx %arg6[%and3A_29, %add3A_439] : memref<16x1024xf32, #tpu.memory_space<vmem>>[vector<16xi32>, vector<16xi32>], vector<16xf32>,
          %gather3A_444 = tpu.vector_load_idx %arg6[%and3A_35, %add3A_439] : memref<16x1024xf32, #tpu.memory_space<vmem>>[vector<16xi32>, vector<16xi32>], vector<16xf32>,
          %gather3A_445 = tpu.vector_load_idx %arg6[%and3A_41, %add3A_439] : memref<16x1024xf32, #tpu.memory_space<vmem>>[vector<16xi32>, vector<16xi32>], vector<16xf32>,
          %gather3A_446 = tpu.vector_load_idx %arg6[%and3A_47, %add3A_439] : memref<16x1024xf32, #tpu.memory_space<vmem>>[vector<16xi32>, vector<16xi32>], vector<16xf32>,
          %gather3A_447 = tpu.vector_load_idx %arg6[%and3A_53, %add3A_439] : memref<16x1024xf32, #tpu.memory_space<vmem>>[vector<16xi32>, vector<16xi32>], vector<16xf32>,
          %gather3A_448 = tpu.vector_load_idx %arg6[%and3A_59, %add3A_439] : memref<16x1024xf32, #tpu.memory_space<vmem>>[vector<16xi32>, vector<16xi32>], vector<16xf32>,
          %gather3A_449 = tpu.vector_load_idx %arg6[%and3A_65, %add3A_439] : memref<16x1024xf32, #tpu.memory_space<vmem>>[vector<16xi32>, vector<16xi32>], vector<16xf32>,
          %gather3A_450 = tpu.vector_load_idx %arg6[%and3A_71, %add3A_439] : memref<16x1024xf32, #tpu.memory_space<vmem>>[vector<16xi32>, vector<16xi32>], vector<16xf32>,
          %gather3A_451 = tpu.vector_load_idx %arg6[%and3A_77, %add3A_439] : memref<16x1024xf32, #tpu.memory_space<vmem>>[vector<16xi32>, vector<16xi32>], vector<16xf32>,
          %gather3A_452 = tpu.vector_load_idx %arg6[%and3A_83, %add3A_439] : memref<16x1024xf32, #tpu.memory_space<vmem>>[vector<16xi32>, vector<16xi32>], vector<16xf32>,
          %gather3A_453 = tpu.vector_load_idx %arg6[%and3A_89, %add3A_439] : memref<16x1024xf32, #tpu.memory_space<vmem>>[vector<16xi32>, vector<16xi32>], vector<16xf32>,
          %gather3A_454 = tpu.vector_load_idx %arg6[%and3A_95, %add3A_439] : memref<16x1024xf32, #tpu.memory_space<vmem>>[vector<16xi32>, vector<16xi32>], vector<16xf32>,
          %mul3A_455 = arith.constant 16 : i32
          %mul3A_456 = arith.muli %add3A_437, %mul3A_455 : i32
          %scatter3A = tpu.memref_slice %arg8[%mul3A_456] : memref<16384xf32, #tpu.memory_space<vmem>> -> memref<256xf32, #tpu.memory_space<vmem>>
          tpu.vector_store_idx %scatter3A[%add3A_99], %gather3A : memref<256xf32, #tpu.memory_space<vmem>>[vector<16xi32>], vector<16xf32>,
          %scatter3A_457 = tpu.memref_slice %arg8[%mul3A_456] : memref<16384xf32, #tpu.memory_space<vmem>> -> memref<256xf32, #tpu.memory_space<vmem>>
          tpu.vector_store_idx %scatter3A_457[%add3A_103], %gather3A_440 : memref<256xf32, #tpu.memory_space<vmem>>[vector<16xi32>], vector<16xf32>,
          %scatter3A_458 = tpu.memref_slice %arg8[%mul3A_456] : memref<16384xf32, #tpu.memory_space<vmem>> -> memref<256xf32, #tpu.memory_space<vmem>>
          tpu.vector_store_idx %scatter3A_458[%add3A_107], %gather3A_441 : memref<256xf32, #tpu.memory_space<vmem>>[vector<16xi32>], vector<16xf32>,
          %scatter3A_459 = tpu.memref_slice %arg8[%mul3A_456] : memref<16384xf32, #tpu.memory_space<vmem>> -> memref<256xf32, #tpu.memory_space<vmem>>
          tpu.vector_store_idx %scatter3A_459[%add3A_111], %gather3A_442 : memref<256xf32, #tpu.memory_space<vmem>>[vector<16xi32>], vector<16xf32>,
          %scatter3A_460 = tpu.memref_slice %arg8[%mul3A_456] : memref<16384xf32, #tpu.memory_space<vmem>> -> memref<256xf32, #tpu.memory_space<vmem>>
          tpu.vector_store_idx %scatter3A_460[%add3A_115], %gather3A_443 : memref<256xf32, #tpu.memory_space<vmem>>[vector<16xi32>], vector<16xf32>,
          %scatter3A_461 = tpu.memref_slice %arg8[%mul3A_456] : memref<16384xf32, #tpu.memory_space<vmem>> -> memref<256xf32, #tpu.memory_space<vmem>>
          tpu.vector_store_idx %scatter3A_461[%add3A_119], %gather3A_444 : memref<256xf32, #tpu.memory_space<vmem>>[vector<16xi32>], vector<16xf32>,
          %scatter3A_462 = tpu.memref_slice %arg8[%mul3A_456] : memref<16384xf32, #tpu.memory_space<vmem>> -> memref<256xf32, #tpu.memory_space<vmem>>
          tpu.vector_store_idx %scatter3A_462[%add3A_123], %gather3A_445 : memref<256xf32, #tpu.memory_space<vmem>>[vector<16xi32>], vector<16xf32>,
          %scatter3A_463 = tpu.memref_slice %arg8[%mul3A_456] : memref<16384xf32, #tpu.memory_space<vmem>> -> memref<256xf32, #tpu.memory_space<vmem>>
          tpu.vector_store_idx %scatter3A_463[%add3A_127], %gather3A_446 : memref<256xf32, #tpu.memory_space<vmem>>[vector<16xi32>], vector<16xf32>,
          %scatter3A_464 = tpu.memref_slice %arg8[%mul3A_456] : memref<16384xf32, #tpu.memory_space<vmem>> -> memref<256xf32, #tpu.memory_space<vmem>>
          tpu.vector_store_idx %scatter3A_464[%add3A_131], %gather3A_447 : memref<256xf32, #tpu.memory_space<vmem>>[vector<16xi32>], vector<16xf32>,
          %scatter3A_465 = tpu.memref_slice %arg8[%mul3A_456] : memref<16384xf32, #tpu.memory_space<vmem>> -> memref<256xf32, #tpu.memory_space<vmem>>
          tpu.vector_store_idx %scatter3A_465[%add3A_135], %gather3A_448 : memref<256xf32, #tpu.memory_space<vmem>>[vector<16xi32>], vector<16xf32>,
          %scatter3A_466 = tpu.memref_slice %arg8[%mul3A_456] : memref<16384xf32, #tpu.memory_space<vmem>> -> memref<256xf32, #tpu.memory_space<vmem>>
          tpu.vector_store_idx %scatter3A_466[%add3A_139], %gather3A_449 : memref<256xf32, #tpu.memory_space<vmem>>[vector<16xi32>], vector<16xf32>,
          %scatter3A_467 = tpu.memref_slice %arg8[%mul3A_456] : memref<16384xf32, #tpu.memory_space<vmem>> -> memref<256xf32, #tpu.memory_space<vmem>>
          tpu.vector_store_idx %scatter3A_467[%add3A_143], %gather3A_450 : memref<256xf32, #tpu.memory_space<vmem>>[vector<16xi32>], vector<16xf32>,
          %scatter3A_468 = tpu.memref_slice %arg8[%mul3A_456] : memref<16384xf32, #tpu.memory_space<vmem>> -> memref<256xf32, #tpu.memory_space<vmem>>
          tpu.vector_store_idx %scatter3A_468[%add3A_147], %gather3A_451 : memref<256xf32, #tpu.memory_space<vmem>>[vector<16xi32>], vector<16xf32>,
          %scatter3A_469 = tpu.memref_slice %arg8[%mul3A_456] : memref<16384xf32, #tpu.memory_space<vmem>> -> memref<256xf32, #tpu.memory_space<vmem>>
          tpu.vector_store_idx %scatter3A_469[%add3A_151], %gather3A_452 : memref<256xf32, #tpu.memory_space<vmem>>[vector<16xi32>], vector<16xf32>,
          %scatter3A_470 = tpu.memref_slice %arg8[%mul3A_456] : memref<16384xf32, #tpu.memory_space<vmem>> -> memref<256xf32, #tpu.memory_space<vmem>>
          tpu.vector_store_idx %scatter3A_470[%add3A_155], %gather3A_453 : memref<256xf32, #tpu.memory_space<vmem>>[vector<16xi32>], vector<16xf32>,
          %scatter3A_471 = tpu.memref_slice %arg8[%mul3A_456] : memref<16384xf32, #tpu.memory_space<vmem>> -> memref<256xf32, #tpu.memory_space<vmem>>
          tpu.vector_store_idx %scatter3A_471[%add3A_159], %gather3A_454 : memref<256xf32, #tpu.memory_space<vmem>>[vector<16xi32>], vector<16xf32>,
          %mul3A_472 = arith.constant 64 : i32
          %mul3A_473 = arith.muli %while3A_433, %mul3A_472 : i32
          %add3A_474 = arith.constant 16 : i32
          %add3A_475 = arith.addi %mul3A_473, %add3A_474 : i32
          %add3A_476 = vector.broadcast %add3A_475 : i32 to vector<16xi32>
          %add3A_477 = arith.addi %iota3A, %add3A_476 : vector<16xi32>
          %gather3A_478 = tpu.vector_load_idx %arg6[%and3A_5, %add3A_477] : memref<16x1024xf32, #tpu.memory_space<vmem>>[vector<16xi32>, vector<16xi32>], vector<16xf32>,
          %gather3A_479 = tpu.vector_load_idx %arg6[%and3A_11, %add3A_477] : memref<16x1024xf32, #tpu.memory_space<vmem>>[vector<16xi32>, vector<16xi32>], vector<16xf32>,
          %gather3A_480 = tpu.vector_load_idx %arg6[%and3A_17, %add3A_477] : memref<16x1024xf32, #tpu.memory_space<vmem>>[vector<16xi32>, vector<16xi32>], vector<16xf32>,
          %gather3A_481 = tpu.vector_load_idx %arg6[%and3A_23, %add3A_477] : memref<16x1024xf32, #tpu.memory_space<vmem>>[vector<16xi32>, vector<16xi32>], vector<16xf32>,
          %gather3A_482 = tpu.vector_load_idx %arg6[%and3A_29, %add3A_477] : memref<16x1024xf32, #tpu.memory_space<vmem>>[vector<16xi32>, vector<16xi32>], vector<16xf32>,
          %gather3A_483 = tpu.vector_load_idx %arg6[%and3A_35, %add3A_477] : memref<16x1024xf32, #tpu.memory_space<vmem>>[vector<16xi32>, vector<16xi32>], vector<16xf32>,
          %gather3A_484 = tpu.vector_load_idx %arg6[%and3A_41, %add3A_477] : memref<16x1024xf32, #tpu.memory_space<vmem>>[vector<16xi32>, vector<16xi32>], vector<16xf32>,
          %gather3A_485 = tpu.vector_load_idx %arg6[%and3A_47, %add3A_477] : memref<16x1024xf32, #tpu.memory_space<vmem>>[vector<16xi32>, vector<16xi32>], vector<16xf32>,
          %gather3A_486 = tpu.vector_load_idx %arg6[%and3A_53, %add3A_477] : memref<16x1024xf32, #tpu.memory_space<vmem>>[vector<16xi32>, vector<16xi32>], vector<16xf32>,
          %gather3A_487 = tpu.vector_load_idx %arg6[%and3A_59, %add3A_477] : memref<16x1024xf32, #tpu.memory_space<vmem>>[vector<16xi32>, vector<16xi32>], vector<16xf32>,
          %gather3A_488 = tpu.vector_load_idx %arg6[%and3A_65, %add3A_477] : memref<16x1024xf32, #tpu.memory_space<vmem>>[vector<16xi32>, vector<16xi32>], vector<16xf32>,
          %gather3A_489 = tpu.vector_load_idx %arg6[%and3A_71, %add3A_477] : memref<16x1024xf32, #tpu.memory_space<vmem>>[vector<16xi32>, vector<16xi32>], vector<16xf32>,
          %gather3A_490 = tpu.vector_load_idx %arg6[%and3A_77, %add3A_477] : memref<16x1024xf32, #tpu.memory_space<vmem>>[vector<16xi32>, vector<16xi32>], vector<16xf32>,
          %gather3A_491 = tpu.vector_load_idx %arg6[%and3A_83, %add3A_477] : memref<16x1024xf32, #tpu.memory_space<vmem>>[vector<16xi32>, vector<16xi32>], vector<16xf32>,
          %gather3A_492 = tpu.vector_load_idx %arg6[%and3A_89, %add3A_477] : memref<16x1024xf32, #tpu.memory_space<vmem>>[vector<16xi32>, vector<16xi32>], vector<16xf32>,
          %gather3A_493 = tpu.vector_load_idx %arg6[%and3A_95, %add3A_477] : memref<16x1024xf32, #tpu.memory_space<vmem>>[vector<16xi32>, vector<16xi32>], vector<16xf32>,
          %mul3A_494 = arith.constant 16 : i32
          %mul3A_495 = arith.muli %add3A_475, %mul3A_494 : i32
          %scatter3A_496 = tpu.memref_slice %arg8[%mul3A_495] : memref<16384xf32, #tpu.memory_space<vmem>> -> memref<256xf32, #tpu.memory_space<vmem>>
          tpu.vector_store_idx %scatter3A_496[%add3A_99], %gather3A_478 : memref<256xf32, #tpu.memory_space<vmem>>[vector<16xi32>], vector<16xf32>,
          %scatter3A_497 = tpu.memref_slice %arg8[%mul3A_495] : memref<16384xf32, #tpu.memory_space<vmem>> -> memref<256xf32, #tpu.memory_space<vmem>>
          tpu.vector_store_idx %scatter3A_497[%add3A_103], %gather3A_479 : memref<256xf32, #tpu.memory_space<vmem>>[vector<16xi32>], vector<16xf32>,
          %scatter3A_498 = tpu.memref_slice %arg8[%mul3A_495] : memref<16384xf32, #tpu.memory_space<vmem>> -> memref<256xf32, #tpu.memory_space<vmem>>
          tpu.vector_store_idx %scatter3A_498[%add3A_107], %gather3A_480 : memref<256xf32, #tpu.memory_space<vmem>>[vector<16xi32>], vector<16xf32>,
          %scatter3A_499 = tpu.memref_slice %arg8[%mul3A_495] : memref<16384xf32, #tpu.memory_space<vmem>> -> memref<256xf32, #tpu.memory_space<vmem>>
          tpu.vector_store_idx %scatter3A_499[%add3A_111], %gather3A_481 : memref<256xf32, #tpu.memory_space<vmem>>[vector<16xi32>], vector<16xf32>,
          %scatter3A_500 = tpu.memref_slice %arg8[%mul3A_495] : memref<16384xf32, #tpu.memory_space<vmem>> -> memref<256xf32, #tpu.memory_space<vmem>>
          tpu.vector_store_idx %scatter3A_500[%add3A_115], %gather3A_482 : memref<256xf32, #tpu.memory_space<vmem>>[vector<16xi32>], vector<16xf32>,
          %scatter3A_501 = tpu.memref_slice %arg8[%mul3A_495] : memref<16384xf32, #tpu.memory_space<vmem>> -> memref<256xf32, #tpu.memory_space<vmem>>
          tpu.vector_store_idx %scatter3A_501[%add3A_119], %gather3A_483 : memref<256xf32, #tpu.memory_space<vmem>>[vector<16xi32>], vector<16xf32>,
          %scatter3A_502 = tpu.memref_slice %arg8[%mul3A_495] : memref<16384xf32, #tpu.memory_space<vmem>> -> memref<256xf32, #tpu.memory_space<vmem>>
          tpu.vector_store_idx %scatter3A_502[%add3A_123], %gather3A_484 : memref<256xf32, #tpu.memory_space<vmem>>[vector<16xi32>], vector<16xf32>,
          %scatter3A_503 = tpu.memref_slice %arg8[%mul3A_495] : memref<16384xf32, #tpu.memory_space<vmem>> -> memref<256xf32, #tpu.memory_space<vmem>>
          tpu.vector_store_idx %scatter3A_503[%add3A_127], %gather3A_485 : memref<256xf32, #tpu.memory_space<vmem>>[vector<16xi32>], vector<16xf32>,
          %scatter3A_504 = tpu.memref_slice %arg8[%mul3A_495] : memref<16384xf32, #tpu.memory_space<vmem>> -> memref<256xf32, #tpu.memory_space<vmem>>
          tpu.vector_store_idx %scatter3A_504[%add3A_131], %gather3A_486 : memref<256xf32, #tpu.memory_space<vmem>>[vector<16xi32>], vector<16xf32>,
          %scatter3A_505 = tpu.memref_slice %arg8[%mul3A_495] : memref<16384xf32, #tpu.memory_space<vmem>> -> memref<256xf32, #tpu.memory_space<vmem>>
          tpu.vector_store_idx %scatter3A_505[%add3A_135], %gather3A_487 : memref<256xf32, #tpu.memory_space<vmem>>[vector<16xi32>], vector<16xf32>,
          %scatter3A_506 = tpu.memref_slice %arg8[%mul3A_495] : memref<16384xf32, #tpu.memory_space<vmem>> -> memref<256xf32, #tpu.memory_space<vmem>>
          tpu.vector_store_idx %scatter3A_506[%add3A_139], %gather3A_488 : memref<256xf32, #tpu.memory_space<vmem>>[vector<16xi32>], vector<16xf32>,
          %scatter3A_507 = tpu.memref_slice %arg8[%mul3A_495] : memref<16384xf32, #tpu.memory_space<vmem>> -> memref<256xf32, #tpu.memory_space<vmem>>
          tpu.vector_store_idx %scatter3A_507[%add3A_143], %gather3A_489 : memref<256xf32, #tpu.memory_space<vmem>>[vector<16xi32>], vector<16xf32>,
          %scatter3A_508 = tpu.memref_slice %arg8[%mul3A_495] : memref<16384xf32, #tpu.memory_space<vmem>> -> memref<256xf32, #tpu.memory_space<vmem>>
          tpu.vector_store_idx %scatter3A_508[%add3A_147], %gather3A_490 : memref<256xf32, #tpu.memory_space<vmem>>[vector<16xi32>], vector<16xf32>,
          %scatter3A_509 = tpu.memref_slice %arg8[%mul3A_495] : memref<16384xf32, #tpu.memory_space<vmem>> -> memref<256xf32, #tpu.memory_space<vmem>>
          tpu.vector_store_idx %scatter3A_509[%add3A_151], %gather3A_491 : memref<256xf32, #tpu.memory_space<vmem>>[vector<16xi32>], vector<16xf32>,
          %scatter3A_510 = tpu.memref_slice %arg8[%mul3A_495] : memref<16384xf32, #tpu.memory_space<vmem>> -> memref<256xf32, #tpu.memory_space<vmem>>
          tpu.vector_store_idx %scatter3A_510[%add3A_155], %gather3A_492 : memref<256xf32, #tpu.memory_space<vmem>>[vector<16xi32>], vector<16xf32>,
          %scatter3A_511 = tpu.memref_slice %arg8[%mul3A_495] : memref<16384xf32, #tpu.memory_space<vmem>> -> memref<256xf32, #tpu.memory_space<vmem>>
          tpu.vector_store_idx %scatter3A_511[%add3A_159], %gather3A_493 : memref<256xf32, #tpu.memory_space<vmem>>[vector<16xi32>], vector<16xf32>,
          %mul3A_512 = arith.constant 64 : i32
          %mul3A_513 = arith.muli %while3A_433, %mul3A_512 : i32
          %add3A_514 = arith.constant 32 : i32
          %add3A_515 = arith.addi %mul3A_513, %add3A_514 : i32
          %add3A_516 = vector.broadcast %add3A_515 : i32 to vector<16xi32>
          %add3A_517 = arith.addi %iota3A, %add3A_516 : vector<16xi32>
          %gather3A_518 = tpu.vector_load_idx %arg6[%and3A_5, %add3A_517] : memref<16x1024xf32, #tpu.memory_space<vmem>>[vector<16xi32>, vector<16xi32>], vector<16xf32>,
          %gather3A_519 = tpu.vector_load_idx %arg6[%and3A_11, %add3A_517] : memref<16x1024xf32, #tpu.memory_space<vmem>>[vector<16xi32>, vector<16xi32>], vector<16xf32>,
          %gather3A_520 = tpu.vector_load_idx %arg6[%and3A_17, %add3A_517] : memref<16x1024xf32, #tpu.memory_space<vmem>>[vector<16xi32>, vector<16xi32>], vector<16xf32>,
          %gather3A_521 = tpu.vector_load_idx %arg6[%and3A_23, %add3A_517] : memref<16x1024xf32, #tpu.memory_space<vmem>>[vector<16xi32>, vector<16xi32>], vector<16xf32>,
          %gather3A_522 = tpu.vector_load_idx %arg6[%and3A_29, %add3A_517] : memref<16x1024xf32, #tpu.memory_space<vmem>>[vector<16xi32>, vector<16xi32>], vector<16xf32>,
          %gather3A_523 = tpu.vector_load_idx %arg6[%and3A_35, %add3A_517] : memref<16x1024xf32, #tpu.memory_space<vmem>>[vector<16xi32>, vector<16xi32>], vector<16xf32>,
          %gather3A_524 = tpu.vector_load_idx %arg6[%and3A_41, %add3A_517] : memref<16x1024xf32, #tpu.memory_space<vmem>>[vector<16xi32>, vector<16xi32>], vector<16xf32>,
          %gather3A_525 = tpu.vector_load_idx %arg6[%and3A_47, %add3A_517] : memref<16x1024xf32, #tpu.memory_space<vmem>>[vector<16xi32>, vector<16xi32>], vector<16xf32>,
          %gather3A_526 = tpu.vector_load_idx %arg6[%and3A_53, %add3A_517] : memref<16x1024xf32, #tpu.memory_space<vmem>>[vector<16xi32>, vector<16xi32>], vector<16xf32>,
          %gather3A_527 = tpu.vector_load_idx %arg6[%and3A_59, %add3A_517] : memref<16x1024xf32, #tpu.memory_space<vmem>>[vector<16xi32>, vector<16xi32>], vector<16xf32>,
          %gather3A_528 = tpu.vector_load_idx %arg6[%and3A_65, %add3A_517] : memref<16x1024xf32, #tpu.memory_space<vmem>>[vector<16xi32>, vector<16xi32>], vector<16xf32>,
          %gather3A_529 = tpu.vector_load_idx %arg6[%and3A_71, %add3A_517] : memref<16x1024xf32, #tpu.memory_space<vmem>>[vector<16xi32>, vector<16xi32>], vector<16xf32>,
          %gather3A_530 = tpu.vector_load_idx %arg6[%and3A_77, %add3A_517] : memref<16x1024xf32, #tpu.memory_space<vmem>>[vector<16xi32>, vector<16xi32>], vector<16xf32>,
          %gather3A_531 = tpu.vector_load_idx %arg6[%and3A_83, %add3A_517] : memref<16x1024xf32, #tpu.memory_space<vmem>>[vector<16xi32>, vector<16xi32>], vector<16xf32>,
          %gather3A_532 = tpu.vector_load_idx %arg6[%and3A_89, %add3A_517] : memref<16x1024xf32, #tpu.memory_space<vmem>>[vector<16xi32>, vector<16xi32>], vector<16xf32>,
          %gather3A_533 = tpu.vector_load_idx %arg6[%and3A_95, %add3A_517] : memref<16x1024xf32, #tpu.memory_space<vmem>>[vector<16xi32>, vector<16xi32>], vector<16xf32>,
          %mul3A_534 = arith.constant 16 : i32
          %mul3A_535 = arith.muli %add3A_515, %mul3A_534 : i32
          %scatter3A_536 = tpu.memref_slice %arg8[%mul3A_535] : memref<16384xf32, #tpu.memory_space<vmem>> -> memref<256xf32, #tpu.memory_space<vmem>>
          tpu.vector_store_idx %scatter3A_536[%add3A_99], %gather3A_518 : memref<256xf32, #tpu.memory_space<vmem>>[vector<16xi32>], vector<16xf32>,
          %scatter3A_537 = tpu.memref_slice %arg8[%mul3A_535] : memref<16384xf32, #tpu.memory_space<vmem>> -> memref<256xf32, #tpu.memory_space<vmem>>
          tpu.vector_store_idx %scatter3A_537[%add3A_103], %gather3A_519 : memref<256xf32, #tpu.memory_space<vmem>>[vector<16xi32>], vector<16xf32>,
          %scatter3A_538 = tpu.memref_slice %arg8[%mul3A_535] : memref<16384xf32, #tpu.memory_space<vmem>> -> memref<256xf32, #tpu.memory_space<vmem>>
          tpu.vector_store_idx %scatter3A_538[%add3A_107], %gather3A_520 : memref<256xf32, #tpu.memory_space<vmem>>[vector<16xi32>], vector<16xf32>,
          %scatter3A_539 = tpu.memref_slice %arg8[%mul3A_535] : memref<16384xf32, #tpu.memory_space<vmem>> -> memref<256xf32, #tpu.memory_space<vmem>>
          tpu.vector_store_idx %scatter3A_539[%add3A_111], %gather3A_521 : memref<256xf32, #tpu.memory_space<vmem>>[vector<16xi32>], vector<16xf32>,
          %scatter3A_540 = tpu.memref_slice %arg8[%mul3A_535] : memref<16384xf32, #tpu.memory_space<vmem>> -> memref<256xf32, #tpu.memory_space<vmem>>
          tpu.vector_store_idx %scatter3A_540[%add3A_115], %gather3A_522 : memref<256xf32, #tpu.memory_space<vmem>>[vector<16xi32>], vector<16xf32>,
          %scatter3A_541 = tpu.memref_slice %arg8[%mul3A_535] : memref<16384xf32, #tpu.memory_space<vmem>> -> memref<256xf32, #tpu.memory_space<vmem>>
          tpu.vector_store_idx %scatter3A_541[%add3A_119], %gather3A_523 : memref<256xf32, #tpu.memory_space<vmem>>[vector<16xi32>], vector<16xf32>,
          %scatter3A_542 = tpu.memref_slice %arg8[%mul3A_535] : memref<16384xf32, #tpu.memory_space<vmem>> -> memref<256xf32, #tpu.memory_space<vmem>>
          tpu.vector_store_idx %scatter3A_542[%add3A_123], %gather3A_524 : memref<256xf32, #tpu.memory_space<vmem>>[vector<16xi32>], vector<16xf32>,
          %scatter3A_543 = tpu.memref_slice %arg8[%mul3A_535] : memref<16384xf32, #tpu.memory_space<vmem>> -> memref<256xf32, #tpu.memory_space<vmem>>
          tpu.vector_store_idx %scatter3A_543[%add3A_127], %gather3A_525 : memref<256xf32, #tpu.memory_space<vmem>>[vector<16xi32>], vector<16xf32>,
          %scatter3A_544 = tpu.memref_slice %arg8[%mul3A_535] : memref<16384xf32, #tpu.memory_space<vmem>> -> memref<256xf32, #tpu.memory_space<vmem>>
          tpu.vector_store_idx %scatter3A_544[%add3A_131], %gather3A_526 : memref<256xf32, #tpu.memory_space<vmem>>[vector<16xi32>], vector<16xf32>,
          %scatter3A_545 = tpu.memref_slice %arg8[%mul3A_535] : memref<16384xf32, #tpu.memory_space<vmem>> -> memref<256xf32, #tpu.memory_space<vmem>>
          tpu.vector_store_idx %scatter3A_545[%add3A_135], %gather3A_527 : memref<256xf32, #tpu.memory_space<vmem>>[vector<16xi32>], vector<16xf32>,
          %scatter3A_546 = tpu.memref_slice %arg8[%mul3A_535] : memref<16384xf32, #tpu.memory_space<vmem>> -> memref<256xf32, #tpu.memory_space<vmem>>
          tpu.vector_store_idx %scatter3A_546[%add3A_139], %gather3A_528 : memref<256xf32, #tpu.memory_space<vmem>>[vector<16xi32>], vector<16xf32>,
          %scatter3A_547 = tpu.memref_slice %arg8[%mul3A_535] : memref<16384xf32, #tpu.memory_space<vmem>> -> memref<256xf32, #tpu.memory_space<vmem>>
          tpu.vector_store_idx %scatter3A_547[%add3A_143], %gather3A_529 : memref<256xf32, #tpu.memory_space<vmem>>[vector<16xi32>], vector<16xf32>,
          %scatter3A_548 = tpu.memref_slice %arg8[%mul3A_535] : memref<16384xf32, #tpu.memory_space<vmem>> -> memref<256xf32, #tpu.memory_space<vmem>>
          tpu.vector_store_idx %scatter3A_548[%add3A_147], %gather3A_530 : memref<256xf32, #tpu.memory_space<vmem>>[vector<16xi32>], vector<16xf32>,
          %scatter3A_549 = tpu.memref_slice %arg8[%mul3A_535] : memref<16384xf32, #tpu.memory_space<vmem>> -> memref<256xf32, #tpu.memory_space<vmem>>
          tpu.vector_store_idx %scatter3A_549[%add3A_151], %gather3A_531 : memref<256xf32, #tpu.memory_space<vmem>>[vector<16xi32>], vector<16xf32>,
          %scatter3A_550 = tpu.memref_slice %arg8[%mul3A_535] : memref<16384xf32, #tpu.memory_space<vmem>> -> memref<256xf32, #tpu.memory_space<vmem>>
          tpu.vector_store_idx %scatter3A_550[%add3A_155], %gather3A_532 : memref<256xf32, #tpu.memory_space<vmem>>[vector<16xi32>], vector<16xf32>,
          %scatter3A_551 = tpu.memref_slice %arg8[%mul3A_535] : memref<16384xf32, #tpu.memory_space<vmem>> -> memref<256xf32, #tpu.memory_space<vmem>>
          tpu.vector_store_idx %scatter3A_551[%add3A_159], %gather3A_533 : memref<256xf32, #tpu.memory_space<vmem>>[vector<16xi32>], vector<16xf32>,
          %mul3A_552 = arith.constant 64 : i32
          %mul3A_553 = arith.muli %while3A_433, %mul3A_552 : i32
          %add3A_554 = arith.constant 48 : i32
          %add3A_555 = arith.addi %mul3A_553, %add3A_554 : i32
          %add3A_556 = vector.broadcast %add3A_555 : i32 to vector<16xi32>
          %add3A_557 = arith.addi %iota3A, %add3A_556 : vector<16xi32>
          %gather3A_558 = tpu.vector_load_idx %arg6[%and3A_5, %add3A_557] : memref<16x1024xf32, #tpu.memory_space<vmem>>[vector<16xi32>, vector<16xi32>], vector<16xf32>,
          %gather3A_559 = tpu.vector_load_idx %arg6[%and3A_11, %add3A_557] : memref<16x1024xf32, #tpu.memory_space<vmem>>[vector<16xi32>, vector<16xi32>], vector<16xf32>,
          %gather3A_560 = tpu.vector_load_idx %arg6[%and3A_17, %add3A_557] : memref<16x1024xf32, #tpu.memory_space<vmem>>[vector<16xi32>, vector<16xi32>], vector<16xf32>,
          %gather3A_561 = tpu.vector_load_idx %arg6[%and3A_23, %add3A_557] : memref<16x1024xf32, #tpu.memory_space<vmem>>[vector<16xi32>, vector<16xi32>], vector<16xf32>,
          %gather3A_562 = tpu.vector_load_idx %arg6[%and3A_29, %add3A_557] : memref<16x1024xf32, #tpu.memory_space<vmem>>[vector<16xi32>, vector<16xi32>], vector<16xf32>,
          %gather3A_563 = tpu.vector_load_idx %arg6[%and3A_35, %add3A_557] : memref<16x1024xf32, #tpu.memory_space<vmem>>[vector<16xi32>, vector<16xi32>], vector<16xf32>,
          %gather3A_564 = tpu.vector_load_idx %arg6[%and3A_41, %add3A_557] : memref<16x1024xf32, #tpu.memory_space<vmem>>[vector<16xi32>, vector<16xi32>], vector<16xf32>,
          %gather3A_565 = tpu.vector_load_idx %arg6[%and3A_47, %add3A_557] : memref<16x1024xf32, #tpu.memory_space<vmem>>[vector<16xi32>, vector<16xi32>], vector<16xf32>,
          %gather3A_566 = tpu.vector_load_idx %arg6[%and3A_53, %add3A_557] : memref<16x1024xf32, #tpu.memory_space<vmem>>[vector<16xi32>, vector<16xi32>], vector<16xf32>,
          %gather3A_567 = tpu.vector_load_idx %arg6[%and3A_59, %add3A_557] : memref<16x1024xf32, #tpu.memory_space<vmem>>[vector<16xi32>, vector<16xi32>], vector<16xf32>,
          %gather3A_568 = tpu.vector_load_idx %arg6[%and3A_65, %add3A_557] : memref<16x1024xf32, #tpu.memory_space<vmem>>[vector<16xi32>, vector<16xi32>], vector<16xf32>,
          %gather3A_569 = tpu.vector_load_idx %arg6[%and3A_71, %add3A_557] : memref<16x1024xf32, #tpu.memory_space<vmem>>[vector<16xi32>, vector<16xi32>], vector<16xf32>,
          %gather3A_570 = tpu.vector_load_idx %arg6[%and3A_77, %add3A_557] : memref<16x1024xf32, #tpu.memory_space<vmem>>[vector<16xi32>, vector<16xi32>], vector<16xf32>,
          %gather3A_571 = tpu.vector_load_idx %arg6[%and3A_83, %add3A_557] : memref<16x1024xf32, #tpu.memory_space<vmem>>[vector<16xi32>, vector<16xi32>], vector<16xf32>,
          %gather3A_572 = tpu.vector_load_idx %arg6[%and3A_89, %add3A_557] : memref<16x1024xf32, #tpu.memory_space<vmem>>[vector<16xi32>, vector<16xi32>], vector<16xf32>,
          %gather3A_573 = tpu.vector_load_idx %arg6[%and3A_95, %add3A_557] : memref<16x1024xf32, #tpu.memory_space<vmem>>[vector<16xi32>, vector<16xi32>], vector<16xf32>,
          %mul3A_574 = arith.constant 16 : i32
          %mul3A_575 = arith.muli %add3A_555, %mul3A_574 : i32
          %scatter3A_576 = tpu.memref_slice %arg8[%mul3A_575] : memref<16384xf32, #tpu.memory_space<vmem>> -> memref<256xf32, #tpu.memory_space<vmem>>
          tpu.vector_store_idx %scatter3A_576[%add3A_99], %gather3A_558 : memref<256xf32, #tpu.memory_space<vmem>>[vector<16xi32>], vector<16xf32>,
          %scatter3A_577 = tpu.memref_slice %arg8[%mul3A_575] : memref<16384xf32, #tpu.memory_space<vmem>> -> memref<256xf32, #tpu.memory_space<vmem>>
          tpu.vector_store_idx %scatter3A_577[%add3A_103], %gather3A_559 : memref<256xf32, #tpu.memory_space<vmem>>[vector<16xi32>], vector<16xf32>,
          %scatter3A_578 = tpu.memref_slice %arg8[%mul3A_575] : memref<16384xf32, #tpu.memory_space<vmem>> -> memref<256xf32, #tpu.memory_space<vmem>>
          tpu.vector_store_idx %scatter3A_578[%add3A_107], %gather3A_560 : memref<256xf32, #tpu.memory_space<vmem>>[vector<16xi32>], vector<16xf32>,
          %scatter3A_579 = tpu.memref_slice %arg8[%mul3A_575] : memref<16384xf32, #tpu.memory_space<vmem>> -> memref<256xf32, #tpu.memory_space<vmem>>
          tpu.vector_store_idx %scatter3A_579[%add3A_111], %gather3A_561 : memref<256xf32, #tpu.memory_space<vmem>>[vector<16xi32>], vector<16xf32>,
          %scatter3A_580 = tpu.memref_slice %arg8[%mul3A_575] : memref<16384xf32, #tpu.memory_space<vmem>> -> memref<256xf32, #tpu.memory_space<vmem>>
          tpu.vector_store_idx %scatter3A_580[%add3A_115], %gather3A_562 : memref<256xf32, #tpu.memory_space<vmem>>[vector<16xi32>], vector<16xf32>,
          %scatter3A_581 = tpu.memref_slice %arg8[%mul3A_575] : memref<16384xf32, #tpu.memory_space<vmem>> -> memref<256xf32, #tpu.memory_space<vmem>>
          tpu.vector_store_idx %scatter3A_581[%add3A_119], %gather3A_563 : memref<256xf32, #tpu.memory_space<vmem>>[vector<16xi32>], vector<16xf32>,
          %scatter3A_582 = tpu.memref_slice %arg8[%mul3A_575] : memref<16384xf32, #tpu.memory_space<vmem>> -> memref<256xf32, #tpu.memory_space<vmem>>
          tpu.vector_store_idx %scatter3A_582[%add3A_123], %gather3A_564 : memref<256xf32, #tpu.memory_space<vmem>>[vector<16xi32>], vector<16xf32>,
          %scatter3A_583 = tpu.memref_slice %arg8[%mul3A_575] : memref<16384xf32, #tpu.memory_space<vmem>> -> memref<256xf32, #tpu.memory_space<vmem>>
          tpu.vector_store_idx %scatter3A_583[%add3A_127], %gather3A_565 : memref<256xf32, #tpu.memory_space<vmem>>[vector<16xi32>], vector<16xf32>,
          %scatter3A_584 = tpu.memref_slice %arg8[%mul3A_575] : memref<16384xf32, #tpu.memory_space<vmem>> -> memref<256xf32, #tpu.memory_space<vmem>>
          tpu.vector_store_idx %scatter3A_584[%add3A_131], %gather3A_566 : memref<256xf32, #tpu.memory_space<vmem>>[vector<16xi32>], vector<16xf32>,
          %scatter3A_585 = tpu.memref_slice %arg8[%mul3A_575] : memref<16384xf32, #tpu.memory_space<vmem>> -> memref<256xf32, #tpu.memory_space<vmem>>
          tpu.vector_store_idx %scatter3A_585[%add3A_135], %gather3A_567 : memref<256xf32, #tpu.memory_space<vmem>>[vector<16xi32>], vector<16xf32>,
          %scatter3A_586 = tpu.memref_slice %arg8[%mul3A_575] : memref<16384xf32, #tpu.memory_space<vmem>> -> memref<256xf32, #tpu.memory_space<vmem>>
          tpu.vector_store_idx %scatter3A_586[%add3A_139], %gather3A_568 : memref<256xf32, #tpu.memory_space<vmem>>[vector<16xi32>], vector<16xf32>,
          %scatter3A_587 = tpu.memref_slice %arg8[%mul3A_575] : memref<16384xf32, #tpu.memory_space<vmem>> -> memref<256xf32, #tpu.memory_space<vmem>>
          tpu.vector_store_idx %scatter3A_587[%add3A_143], %gather3A_569 : memref<256xf32, #tpu.memory_space<vmem>>[vector<16xi32>], vector<16xf32>,
          %scatter3A_588 = tpu.memref_slice %arg8[%mul3A_575] : memref<16384xf32, #tpu.memory_space<vmem>> -> memref<256xf32, #tpu.memory_space<vmem>>
          tpu.vector_store_idx %scatter3A_588[%add3A_147], %gather3A_570 : memref<256xf32, #tpu.memory_space<vmem>>[vector<16xi32>], vector<16xf32>,
          %scatter3A_589 = tpu.memref_slice %arg8[%mul3A_575] : memref<16384xf32, #tpu.memory_space<vmem>> -> memref<256xf32, #tpu.memory_space<vmem>>
          tpu.vector_store_idx %scatter3A_589[%add3A_151], %gather3A_571 : memref<256xf32, #tpu.memory_space<vmem>>[vector<16xi32>], vector<16xf32>,
          %scatter3A_590 = tpu.memref_slice %arg8[%mul3A_575] : memref<16384xf32, #tpu.memory_space<vmem>> -> memref<256xf32, #tpu.memory_space<vmem>>
          tpu.vector_store_idx %scatter3A_590[%add3A_155], %gather3A_572 : memref<256xf32, #tpu.memory_space<vmem>>[vector<16xi32>], vector<16xf32>,
          %scatter3A_591 = tpu.memref_slice %arg8[%mul3A_575] : memref<16384xf32, #tpu.memory_space<vmem>> -> memref<256xf32, #tpu.memory_space<vmem>>
          tpu.vector_store_idx %scatter3A_591[%add3A_159], %gather3A_573 : memref<256xf32, #tpu.memory_space<vmem>>[vector<16xi32>], vector<16xf32>,
        }
        %while3A_432 = arith.constant 1 : i32
        scf.for %while3A_433 = %while3A_430 to %while3A_426 step %while3A_432  : i32 {
          %mul3A_434 = arith.constant 64 : i32
          %mul3A_435 = arith.muli %while3A_433, %mul3A_434 : i32
          %add3A_436 = arith.constant 0 : i32
          %add3A_437 = arith.addi %mul3A_435, %add3A_436 : i32
          %add3A_438 = vector.broadcast %add3A_437 : i32 to vector<16xi32>
          %add3A_439 = arith.addi %iota3A, %add3A_438 : vector<16xi32>
          %gather3A = tpu.vector_load_idx %arg6[%and3A_5, %add3A_439] : memref<16x1024xf32, #tpu.memory_space<vmem>>[vector<16xi32>, vector<16xi32>], vector<16xf32>,
          %gather3A_440 = tpu.vector_load_idx %arg6[%and3A_11, %add3A_439] : memref<16x1024xf32, #tpu.memory_space<vmem>>[vector<16xi32>, vector<16xi32>], vector<16xf32>,
          %gather3A_441 = tpu.vector_load_idx %arg6[%and3A_17, %add3A_439] : memref<16x1024xf32, #tpu.memory_space<vmem>>[vector<16xi32>, vector<16xi32>], vector<16xf32>,
          %gather3A_442 = tpu.vector_load_idx %arg6[%and3A_23, %add3A_439] : memref<16x1024xf32, #tpu.memory_space<vmem>>[vector<16xi32>, vector<16xi32>], vector<16xf32>,
          %gather3A_443 = tpu.vector_load_idx %arg6[%and3A_29, %add3A_439] : memref<16x1024xf32, #tpu.memory_space<vmem>>[vector<16xi32>, vector<16xi32>], vector<16xf32>,
          %gather3A_444 = tpu.vector_load_idx %arg6[%and3A_35, %add3A_439] : memref<16x1024xf32, #tpu.memory_space<vmem>>[vector<16xi32>, vector<16xi32>], vector<16xf32>,
          %gather3A_445 = tpu.vector_load_idx %arg6[%and3A_41, %add3A_439] : memref<16x1024xf32, #tpu.memory_space<vmem>>[vector<16xi32>, vector<16xi32>], vector<16xf32>,
          %gather3A_446 = tpu.vector_load_idx %arg6[%and3A_47, %add3A_439] : memref<16x1024xf32, #tpu.memory_space<vmem>>[vector<16xi32>, vector<16xi32>], vector<16xf32>,
          %gather3A_447 = tpu.vector_load_idx %arg6[%and3A_53, %add3A_439] : memref<16x1024xf32, #tpu.memory_space<vmem>>[vector<16xi32>, vector<16xi32>], vector<16xf32>,
          %gather3A_448 = tpu.vector_load_idx %arg6[%and3A_59, %add3A_439] : memref<16x1024xf32, #tpu.memory_space<vmem>>[vector<16xi32>, vector<16xi32>], vector<16xf32>,
          %gather3A_449 = tpu.vector_load_idx %arg6[%and3A_65, %add3A_439] : memref<16x1024xf32, #tpu.memory_space<vmem>>[vector<16xi32>, vector<16xi32>], vector<16xf32>,
          %gather3A_450 = tpu.vector_load_idx %arg6[%and3A_71, %add3A_439] : memref<16x1024xf32, #tpu.memory_space<vmem>>[vector<16xi32>, vector<16xi32>], vector<16xf32>,
          %gather3A_451 = tpu.vector_load_idx %arg6[%and3A_77, %add3A_439] : memref<16x1024xf32, #tpu.memory_space<vmem>>[vector<16xi32>, vector<16xi32>], vector<16xf32>,
          %gather3A_452 = tpu.vector_load_idx %arg6[%and3A_83, %add3A_439] : memref<16x1024xf32, #tpu.memory_space<vmem>>[vector<16xi32>, vector<16xi32>], vector<16xf32>,
          %gather3A_453 = tpu.vector_load_idx %arg6[%and3A_89, %add3A_439] : memref<16x1024xf32, #tpu.memory_space<vmem>>[vector<16xi32>, vector<16xi32>], vector<16xf32>,
          %gather3A_454 = tpu.vector_load_idx %arg6[%and3A_95, %add3A_439] : memref<16x1024xf32, #tpu.memory_space<vmem>>[vector<16xi32>, vector<16xi32>], vector<16xf32>,
          %mul3A_455 = arith.constant 16 : i32
          %mul3A_456 = arith.muli %add3A_437, %mul3A_455 : i32
          %scatter3A = tpu.memref_slice %arg8[%mul3A_456] : memref<16384xf32, #tpu.memory_space<vmem>> -> memref<256xf32, #tpu.memory_space<vmem>>
          tpu.vector_store_idx %scatter3A[%add3A_99], %gather3A : memref<256xf32, #tpu.memory_space<vmem>>[vector<16xi32>], vector<16xf32>,
          %scatter3A_457 = tpu.memref_slice %arg8[%mul3A_456] : memref<16384xf32, #tpu.memory_space<vmem>> -> memref<256xf32, #tpu.memory_space<vmem>>
          tpu.vector_store_idx %scatter3A_457[%add3A_103], %gather3A_440 : memref<256xf32, #tpu.memory_space<vmem>>[vector<16xi32>], vector<16xf32>,
          %scatter3A_458 = tpu.memref_slice %arg8[%mul3A_456] : memref<16384xf32, #tpu.memory_space<vmem>> -> memref<256xf32, #tpu.memory_space<vmem>>
          tpu.vector_store_idx %scatter3A_458[%add3A_107], %gather3A_441 : memref<256xf32, #tpu.memory_space<vmem>>[vector<16xi32>], vector<16xf32>,
          %scatter3A_459 = tpu.memref_slice %arg8[%mul3A_456] : memref<16384xf32, #tpu.memory_space<vmem>> -> memref<256xf32, #tpu.memory_space<vmem>>
          tpu.vector_store_idx %scatter3A_459[%add3A_111], %gather3A_442 : memref<256xf32, #tpu.memory_space<vmem>>[vector<16xi32>], vector<16xf32>,
          %scatter3A_460 = tpu.memref_slice %arg8[%mul3A_456] : memref<16384xf32, #tpu.memory_space<vmem>> -> memref<256xf32, #tpu.memory_space<vmem>>
          tpu.vector_store_idx %scatter3A_460[%add3A_115], %gather3A_443 : memref<256xf32, #tpu.memory_space<vmem>>[vector<16xi32>], vector<16xf32>,
          %scatter3A_461 = tpu.memref_slice %arg8[%mul3A_456] : memref<16384xf32, #tpu.memory_space<vmem>> -> memref<256xf32, #tpu.memory_space<vmem>>
          tpu.vector_store_idx %scatter3A_461[%add3A_119], %gather3A_444 : memref<256xf32, #tpu.memory_space<vmem>>[vector<16xi32>], vector<16xf32>,
          %scatter3A_462 = tpu.memref_slice %arg8[%mul3A_456] : memref<16384xf32, #tpu.memory_space<vmem>> -> memref<256xf32, #tpu.memory_space<vmem>>
          tpu.vector_store_idx %scatter3A_462[%add3A_123], %gather3A_445 : memref<256xf32, #tpu.memory_space<vmem>>[vector<16xi32>], vector<16xf32>,
          %scatter3A_463 = tpu.memref_slice %arg8[%mul3A_456] : memref<16384xf32, #tpu.memory_space<vmem>> -> memref<256xf32, #tpu.memory_space<vmem>>
          tpu.vector_store_idx %scatter3A_463[%add3A_127], %gather3A_446 : memref<256xf32, #tpu.memory_space<vmem>>[vector<16xi32>], vector<16xf32>,
          %scatter3A_464 = tpu.memref_slice %arg8[%mul3A_456] : memref<16384xf32, #tpu.memory_space<vmem>> -> memref<256xf32, #tpu.memory_space<vmem>>
          tpu.vector_store_idx %scatter3A_464[%add3A_131], %gather3A_447 : memref<256xf32, #tpu.memory_space<vmem>>[vector<16xi32>], vector<16xf32>,
          %scatter3A_465 = tpu.memref_slice %arg8[%mul3A_456] : memref<16384xf32, #tpu.memory_space<vmem>> -> memref<256xf32, #tpu.memory_space<vmem>>
          tpu.vector_store_idx %scatter3A_465[%add3A_135], %gather3A_448 : memref<256xf32, #tpu.memory_space<vmem>>[vector<16xi32>], vector<16xf32>,
          %scatter3A_466 = tpu.memref_slice %arg8[%mul3A_456] : memref<16384xf32, #tpu.memory_space<vmem>> -> memref<256xf32, #tpu.memory_space<vmem>>
          tpu.vector_store_idx %scatter3A_466[%add3A_139], %gather3A_449 : memref<256xf32, #tpu.memory_space<vmem>>[vector<16xi32>], vector<16xf32>,
          %scatter3A_467 = tpu.memref_slice %arg8[%mul3A_456] : memref<16384xf32, #tpu.memory_space<vmem>> -> memref<256xf32, #tpu.memory_space<vmem>>
          tpu.vector_store_idx %scatter3A_467[%add3A_143], %gather3A_450 : memref<256xf32, #tpu.memory_space<vmem>>[vector<16xi32>], vector<16xf32>,
          %scatter3A_468 = tpu.memref_slice %arg8[%mul3A_456] : memref<16384xf32, #tpu.memory_space<vmem>> -> memref<256xf32, #tpu.memory_space<vmem>>
          tpu.vector_store_idx %scatter3A_468[%add3A_147], %gather3A_451 : memref<256xf32, #tpu.memory_space<vmem>>[vector<16xi32>], vector<16xf32>,
          %scatter3A_469 = tpu.memref_slice %arg8[%mul3A_456] : memref<16384xf32, #tpu.memory_space<vmem>> -> memref<256xf32, #tpu.memory_space<vmem>>
          tpu.vector_store_idx %scatter3A_469[%add3A_151], %gather3A_452 : memref<256xf32, #tpu.memory_space<vmem>>[vector<16xi32>], vector<16xf32>,
          %scatter3A_470 = tpu.memref_slice %arg8[%mul3A_456] : memref<16384xf32, #tpu.memory_space<vmem>> -> memref<256xf32, #tpu.memory_space<vmem>>
          tpu.vector_store_idx %scatter3A_470[%add3A_155], %gather3A_453 : memref<256xf32, #tpu.memory_space<vmem>>[vector<16xi32>], vector<16xf32>,
          %scatter3A_471 = tpu.memref_slice %arg8[%mul3A_456] : memref<16384xf32, #tpu.memory_space<vmem>> -> memref<256xf32, #tpu.memory_space<vmem>>
          tpu.vector_store_idx %scatter3A_471[%add3A_159], %gather3A_454 : memref<256xf32, #tpu.memory_space<vmem>>[vector<16xi32>], vector<16xf32>,
          %mul3A_472 = arith.constant 64 : i32
          %mul3A_473 = arith.muli %while3A_433, %mul3A_472 : i32
          %add3A_474 = arith.constant 16 : i32
          %add3A_475 = arith.addi %mul3A_473, %add3A_474 : i32
          %add3A_476 = vector.broadcast %add3A_475 : i32 to vector<16xi32>
          %add3A_477 = arith.addi %iota3A, %add3A_476 : vector<16xi32>
          %gather3A_478 = tpu.vector_load_idx %arg6[%and3A_5, %add3A_477] : memref<16x1024xf32, #tpu.memory_space<vmem>>[vector<16xi32>, vector<16xi32>], vector<16xf32>,
          %gather3A_479 = tpu.vector_load_idx %arg6[%and3A_11, %add3A_477] : memref<16x1024xf32, #tpu.memory_space<vmem>>[vector<16xi32>, vector<16xi32>], vector<16xf32>,
          %gather3A_480 = tpu.vector_load_idx %arg6[%and3A_17, %add3A_477] : memref<16x1024xf32, #tpu.memory_space<vmem>>[vector<16xi32>, vector<16xi32>], vector<16xf32>,
          %gather3A_481 = tpu.vector_load_idx %arg6[%and3A_23, %add3A_477] : memref<16x1024xf32, #tpu.memory_space<vmem>>[vector<16xi32>, vector<16xi32>], vector<16xf32>,
          %gather3A_482 = tpu.vector_load_idx %arg6[%and3A_29, %add3A_477] : memref<16x1024xf32, #tpu.memory_space<vmem>>[vector<16xi32>, vector<16xi32>], vector<16xf32>,
          %gather3A_483 = tpu.vector_load_idx %arg6[%and3A_35, %add3A_477] : memref<16x1024xf32, #tpu.memory_space<vmem>>[vector<16xi32>, vector<16xi32>], vector<16xf32>,
          %gather3A_484 = tpu.vector_load_idx %arg6[%and3A_41, %add3A_477] : memref<16x1024xf32, #tpu.memory_space<vmem>>[vector<16xi32>, vector<16xi32>], vector<16xf32>,
          %gather3A_485 = tpu.vector_load_idx %arg6[%and3A_47, %add3A_477] : memref<16x1024xf32, #tpu.memory_space<vmem>>[vector<16xi32>, vector<16xi32>], vector<16xf32>,
          %gather3A_486 = tpu.vector_load_idx %arg6[%and3A_53, %add3A_477] : memref<16x1024xf32, #tpu.memory_space<vmem>>[vector<16xi32>, vector<16xi32>], vector<16xf32>,
          %gather3A_487 = tpu.vector_load_idx %arg6[%and3A_59, %add3A_477] : memref<16x1024xf32, #tpu.memory_space<vmem>>[vector<16xi32>, vector<16xi32>], vector<16xf32>,
          %gather3A_488 = tpu.vector_load_idx %arg6[%and3A_65, %add3A_477] : memref<16x1024xf32, #tpu.memory_space<vmem>>[vector<16xi32>, vector<16xi32>], vector<16xf32>,
          %gather3A_489 = tpu.vector_load_idx %arg6[%and3A_71, %add3A_477] : memref<16x1024xf32, #tpu.memory_space<vmem>>[vector<16xi32>, vector<16xi32>], vector<16xf32>,
          %gather3A_490 = tpu.vector_load_idx %arg6[%and3A_77, %add3A_477] : memref<16x1024xf32, #tpu.memory_space<vmem>>[vector<16xi32>, vector<16xi32>], vector<16xf32>,
          %gather3A_491 = tpu.vector_load_idx %arg6[%and3A_83, %add3A_477] : memref<16x1024xf32, #tpu.memory_space<vmem>>[vector<16xi32>, vector<16xi32>], vector<16xf32>,
          %gather3A_492 = tpu.vector_load_idx %arg6[%and3A_89, %add3A_477] : memref<16x1024xf32, #tpu.memory_space<vmem>>[vector<16xi32>, vector<16xi32>], vector<16xf32>,
          %gather3A_493 = tpu.vector_load_idx %arg6[%and3A_95, %add3A_477] : memref<16x1024xf32, #tpu.memory_space<vmem>>[vector<16xi32>, vector<16xi32>], vector<16xf32>,
          %mul3A_494 = arith.constant 16 : i32
          %mul3A_495 = arith.muli %add3A_475, %mul3A_494 : i32
          %scatter3A_496 = tpu.memref_slice %arg8[%mul3A_495] : memref<16384xf32, #tpu.memory_space<vmem>> -> memref<256xf32, #tpu.memory_space<vmem>>
          tpu.vector_store_idx %scatter3A_496[%add3A_99], %gather3A_478 : memref<256xf32, #tpu.memory_space<vmem>>[vector<16xi32>], vector<16xf32>,
          %scatter3A_497 = tpu.memref_slice %arg8[%mul3A_495] : memref<16384xf32, #tpu.memory_space<vmem>> -> memref<256xf32, #tpu.memory_space<vmem>>
          tpu.vector_store_idx %scatter3A_497[%add3A_103], %gather3A_479 : memref<256xf32, #tpu.memory_space<vmem>>[vector<16xi32>], vector<16xf32>,
          %scatter3A_498 = tpu.memref_slice %arg8[%mul3A_495] : memref<16384xf32, #tpu.memory_space<vmem>> -> memref<256xf32, #tpu.memory_space<vmem>>
          tpu.vector_store_idx %scatter3A_498[%add3A_107], %gather3A_480 : memref<256xf32, #tpu.memory_space<vmem>>[vector<16xi32>], vector<16xf32>,
          %scatter3A_499 = tpu.memref_slice %arg8[%mul3A_495] : memref<16384xf32, #tpu.memory_space<vmem>> -> memref<256xf32, #tpu.memory_space<vmem>>
          tpu.vector_store_idx %scatter3A_499[%add3A_111], %gather3A_481 : memref<256xf32, #tpu.memory_space<vmem>>[vector<16xi32>], vector<16xf32>,
          %scatter3A_500 = tpu.memref_slice %arg8[%mul3A_495] : memref<16384xf32, #tpu.memory_space<vmem>> -> memref<256xf32, #tpu.memory_space<vmem>>
          tpu.vector_store_idx %scatter3A_500[%add3A_115], %gather3A_482 : memref<256xf32, #tpu.memory_space<vmem>>[vector<16xi32>], vector<16xf32>,
          %scatter3A_501 = tpu.memref_slice %arg8[%mul3A_495] : memref<16384xf32, #tpu.memory_space<vmem>> -> memref<256xf32, #tpu.memory_space<vmem>>
          tpu.vector_store_idx %scatter3A_501[%add3A_119], %gather3A_483 : memref<256xf32, #tpu.memory_space<vmem>>[vector<16xi32>], vector<16xf32>,
          %scatter3A_502 = tpu.memref_slice %arg8[%mul3A_495] : memref<16384xf32, #tpu.memory_space<vmem>> -> memref<256xf32, #tpu.memory_space<vmem>>
          tpu.vector_store_idx %scatter3A_502[%add3A_123], %gather3A_484 : memref<256xf32, #tpu.memory_space<vmem>>[vector<16xi32>], vector<16xf32>,
          %scatter3A_503 = tpu.memref_slice %arg8[%mul3A_495] : memref<16384xf32, #tpu.memory_space<vmem>> -> memref<256xf32, #tpu.memory_space<vmem>>
          tpu.vector_store_idx %scatter3A_503[%add3A_127], %gather3A_485 : memref<256xf32, #tpu.memory_space<vmem>>[vector<16xi32>], vector<16xf32>,
          %scatter3A_504 = tpu.memref_slice %arg8[%mul3A_495] : memref<16384xf32, #tpu.memory_space<vmem>> -> memref<256xf32, #tpu.memory_space<vmem>>
          tpu.vector_store_idx %scatter3A_504[%add3A_131], %gather3A_486 : memref<256xf32, #tpu.memory_space<vmem>>[vector<16xi32>], vector<16xf32>,
          %scatter3A_505 = tpu.memref_slice %arg8[%mul3A_495] : memref<16384xf32, #tpu.memory_space<vmem>> -> memref<256xf32, #tpu.memory_space<vmem>>
          tpu.vector_store_idx %scatter3A_505[%add3A_135], %gather3A_487 : memref<256xf32, #tpu.memory_space<vmem>>[vector<16xi32>], vector<16xf32>,
          %scatter3A_506 = tpu.memref_slice %arg8[%mul3A_495] : memref<16384xf32, #tpu.memory_space<vmem>> -> memref<256xf32, #tpu.memory_space<vmem>>
          tpu.vector_store_idx %scatter3A_506[%add3A_139], %gather3A_488 : memref<256xf32, #tpu.memory_space<vmem>>[vector<16xi32>], vector<16xf32>,
          %scatter3A_507 = tpu.memref_slice %arg8[%mul3A_495] : memref<16384xf32, #tpu.memory_space<vmem>> -> memref<256xf32, #tpu.memory_space<vmem>>
          tpu.vector_store_idx %scatter3A_507[%add3A_143], %gather3A_489 : memref<256xf32, #tpu.memory_space<vmem>>[vector<16xi32>], vector<16xf32>,
          %scatter3A_508 = tpu.memref_slice %arg8[%mul3A_495] : memref<16384xf32, #tpu.memory_space<vmem>> -> memref<256xf32, #tpu.memory_space<vmem>>
          tpu.vector_store_idx %scatter3A_508[%add3A_147], %gather3A_490 : memref<256xf32, #tpu.memory_space<vmem>>[vector<16xi32>], vector<16xf32>,
          %scatter3A_509 = tpu.memref_slice %arg8[%mul3A_495] : memref<16384xf32, #tpu.memory_space<vmem>> -> memref<256xf32, #tpu.memory_space<vmem>>
          tpu.vector_store_idx %scatter3A_509[%add3A_151], %gather3A_491 : memref<256xf32, #tpu.memory_space<vmem>>[vector<16xi32>], vector<16xf32>,
          %scatter3A_510 = tpu.memref_slice %arg8[%mul3A_495] : memref<16384xf32, #tpu.memory_space<vmem>> -> memref<256xf32, #tpu.memory_space<vmem>>
          tpu.vector_store_idx %scatter3A_510[%add3A_155], %gather3A_492 : memref<256xf32, #tpu.memory_space<vmem>>[vector<16xi32>], vector<16xf32>,
          %scatter3A_511 = tpu.memref_slice %arg8[%mul3A_495] : memref<16384xf32, #tpu.memory_space<vmem>> -> memref<256xf32, #tpu.memory_space<vmem>>
          tpu.vector_store_idx %scatter3A_511[%add3A_159], %gather3A_493 : memref<256xf32, #tpu.memory_space<vmem>>[vector<16xi32>], vector<16xf32>,
          %mul3A_512 = arith.constant 64 : i32
          %mul3A_513 = arith.muli %while3A_433, %mul3A_512 : i32
          %add3A_514 = arith.constant 32 : i32
          %add3A_515 = arith.addi %mul3A_513, %add3A_514 : i32
          %add3A_516 = vector.broadcast %add3A_515 : i32 to vector<16xi32>
          %add3A_517 = arith.addi %iota3A, %add3A_516 : vector<16xi32>
          %gather3A_518 = tpu.vector_load_idx %arg6[%and3A_5, %add3A_517] : memref<16x1024xf32, #tpu.memory_space<vmem>>[vector<16xi32>, vector<16xi32>], vector<16xf32>,
          %gather3A_519 = tpu.vector_load_idx %arg6[%and3A_11, %add3A_517] : memref<16x1024xf32, #tpu.memory_space<vmem>>[vector<16xi32>, vector<16xi32>], vector<16xf32>,
          %gather3A_520 = tpu.vector_load_idx %arg6[%and3A_17, %add3A_517] : memref<16x1024xf32, #tpu.memory_space<vmem>>[vector<16xi32>, vector<16xi32>], vector<16xf32>,
          %gather3A_521 = tpu.vector_load_idx %arg6[%and3A_23, %add3A_517] : memref<16x1024xf32, #tpu.memory_space<vmem>>[vector<16xi32>, vector<16xi32>], vector<16xf32>,
          %gather3A_522 = tpu.vector_load_idx %arg6[%and3A_29, %add3A_517] : memref<16x1024xf32, #tpu.memory_space<vmem>>[vector<16xi32>, vector<16xi32>], vector<16xf32>,
          %gather3A_523 = tpu.vector_load_idx %arg6[%and3A_35, %add3A_517] : memref<16x1024xf32, #tpu.memory_space<vmem>>[vector<16xi32>, vector<16xi32>], vector<16xf32>,
          %gather3A_524 = tpu.vector_load_idx %arg6[%and3A_41, %add3A_517] : memref<16x1024xf32, #tpu.memory_space<vmem>>[vector<16xi32>, vector<16xi32>], vector<16xf32>,
          %gather3A_525 = tpu.vector_load_idx %arg6[%and3A_47, %add3A_517] : memref<16x1024xf32, #tpu.memory_space<vmem>>[vector<16xi32>, vector<16xi32>], vector<16xf32>,
          %gather3A_526 = tpu.vector_load_idx %arg6[%and3A_53, %add3A_517] : memref<16x1024xf32, #tpu.memory_space<vmem>>[vector<16xi32>, vector<16xi32>], vector<16xf32>,
          %gather3A_527 = tpu.vector_load_idx %arg6[%and3A_59, %add3A_517] : memref<16x1024xf32, #tpu.memory_space<vmem>>[vector<16xi32>, vector<16xi32>], vector<16xf32>,
          %gather3A_528 = tpu.vector_load_idx %arg6[%and3A_65, %add3A_517] : memref<16x1024xf32, #tpu.memory_space<vmem>>[vector<16xi32>, vector<16xi32>], vector<16xf32>,
          %gather3A_529 = tpu.vector_load_idx %arg6[%and3A_71, %add3A_517] : memref<16x1024xf32, #tpu.memory_space<vmem>>[vector<16xi32>, vector<16xi32>], vector<16xf32>,
          %gather3A_530 = tpu.vector_load_idx %arg6[%and3A_77, %add3A_517] : memref<16x1024xf32, #tpu.memory_space<vmem>>[vector<16xi32>, vector<16xi32>], vector<16xf32>,
          %gather3A_531 = tpu.vector_load_idx %arg6[%and3A_83, %add3A_517] : memref<16x1024xf32, #tpu.memory_space<vmem>>[vector<16xi32>, vector<16xi32>], vector<16xf32>,
          %gather3A_532 = tpu.vector_load_idx %arg6[%and3A_89, %add3A_517] : memref<16x1024xf32, #tpu.memory_space<vmem>>[vector<16xi32>, vector<16xi32>], vector<16xf32>,
          %gather3A_533 = tpu.vector_load_idx %arg6[%and3A_95, %add3A_517] : memref<16x1024xf32, #tpu.memory_space<vmem>>[vector<16xi32>, vector<16xi32>], vector<16xf32>,
          %mul3A_534 = arith.constant 16 : i32
          %mul3A_535 = arith.muli %add3A_515, %mul3A_534 : i32
          %scatter3A_536 = tpu.memref_slice %arg8[%mul3A_535] : memref<16384xf32, #tpu.memory_space<vmem>> -> memref<256xf32, #tpu.memory_space<vmem>>
          tpu.vector_store_idx %scatter3A_536[%add3A_99], %gather3A_518 : memref<256xf32, #tpu.memory_space<vmem>>[vector<16xi32>], vector<16xf32>,
          %scatter3A_537 = tpu.memref_slice %arg8[%mul3A_535] : memref<16384xf32, #tpu.memory_space<vmem>> -> memref<256xf32, #tpu.memory_space<vmem>>
          tpu.vector_store_idx %scatter3A_537[%add3A_103], %gather3A_519 : memref<256xf32, #tpu.memory_space<vmem>>[vector<16xi32>], vector<16xf32>,
          %scatter3A_538 = tpu.memref_slice %arg8[%mul3A_535] : memref<16384xf32, #tpu.memory_space<vmem>> -> memref<256xf32, #tpu.memory_space<vmem>>
          tpu.vector_store_idx %scatter3A_538[%add3A_107], %gather3A_520 : memref<256xf32, #tpu.memory_space<vmem>>[vector<16xi32>], vector<16xf32>,
          %scatter3A_539 = tpu.memref_slice %arg8[%mul3A_535] : memref<16384xf32, #tpu.memory_space<vmem>> -> memref<256xf32, #tpu.memory_space<vmem>>
          tpu.vector_store_idx %scatter3A_539[%add3A_111], %gather3A_521 : memref<256xf32, #tpu.memory_space<vmem>>[vector<16xi32>], vector<16xf32>,
          %scatter3A_540 = tpu.memref_slice %arg8[%mul3A_535] : memref<16384xf32, #tpu.memory_space<vmem>> -> memref<256xf32, #tpu.memory_space<vmem>>
          tpu.vector_store_idx %scatter3A_540[%add3A_115], %gather3A_522 : memref<256xf32, #tpu.memory_space<vmem>>[vector<16xi32>], vector<16xf32>,
          %scatter3A_541 = tpu.memref_slice %arg8[%mul3A_535] : memref<16384xf32, #tpu.memory_space<vmem>> -> memref<256xf32, #tpu.memory_space<vmem>>
          tpu.vector_store_idx %scatter3A_541[%add3A_119], %gather3A_523 : memref<256xf32, #tpu.memory_space<vmem>>[vector<16xi32>], vector<16xf32>,
          %scatter3A_542 = tpu.memref_slice %arg8[%mul3A_535] : memref<16384xf32, #tpu.memory_space<vmem>> -> memref<256xf32, #tpu.memory_space<vmem>>
          tpu.vector_store_idx %scatter3A_542[%add3A_123], %gather3A_524 : memref<256xf32, #tpu.memory_space<vmem>>[vector<16xi32>], vector<16xf32>,
          %scatter3A_543 = tpu.memref_slice %arg8[%mul3A_535] : memref<16384xf32, #tpu.memory_space<vmem>> -> memref<256xf32, #tpu.memory_space<vmem>>
          tpu.vector_store_idx %scatter3A_543[%add3A_127], %gather3A_525 : memref<256xf32, #tpu.memory_space<vmem>>[vector<16xi32>], vector<16xf32>,
          %scatter3A_544 = tpu.memref_slice %arg8[%mul3A_535] : memref<16384xf32, #tpu.memory_space<vmem>> -> memref<256xf32, #tpu.memory_space<vmem>>
          tpu.vector_store_idx %scatter3A_544[%add3A_131], %gather3A_526 : memref<256xf32, #tpu.memory_space<vmem>>[vector<16xi32>], vector<16xf32>,
          %scatter3A_545 = tpu.memref_slice %arg8[%mul3A_535] : memref<16384xf32, #tpu.memory_space<vmem>> -> memref<256xf32, #tpu.memory_space<vmem>>
          tpu.vector_store_idx %scatter3A_545[%add3A_135], %gather3A_527 : memref<256xf32, #tpu.memory_space<vmem>>[vector<16xi32>], vector<16xf32>,
          %scatter3A_546 = tpu.memref_slice %arg8[%mul3A_535] : memref<16384xf32, #tpu.memory_space<vmem>> -> memref<256xf32, #tpu.memory_space<vmem>>
          tpu.vector_store_idx %scatter3A_546[%add3A_139], %gather3A_528 : memref<256xf32, #tpu.memory_space<vmem>>[vector<16xi32>], vector<16xf32>,
          %scatter3A_547 = tpu.memref_slice %arg8[%mul3A_535] : memref<16384xf32, #tpu.memory_space<vmem>> -> memref<256xf32, #tpu.memory_space<vmem>>
          tpu.vector_store_idx %scatter3A_547[%add3A_143], %gather3A_529 : memref<256xf32, #tpu.memory_space<vmem>>[vector<16xi32>], vector<16xf32>,
          %scatter3A_548 = tpu.memref_slice %arg8[%mul3A_535] : memref<16384xf32, #tpu.memory_space<vmem>> -> memref<256xf32, #tpu.memory_space<vmem>>
          tpu.vector_store_idx %scatter3A_548[%add3A_147], %gather3A_530 : memref<256xf32, #tpu.memory_space<vmem>>[vector<16xi32>], vector<16xf32>,
          %scatter3A_549 = tpu.memref_slice %arg8[%mul3A_535] : memref<16384xf32, #tpu.memory_space<vmem>> -> memref<256xf32, #tpu.memory_space<vmem>>
          tpu.vector_store_idx %scatter3A_549[%add3A_151], %gather3A_531 : memref<256xf32, #tpu.memory_space<vmem>>[vector<16xi32>], vector<16xf32>,
          %scatter3A_550 = tpu.memref_slice %arg8[%mul3A_535] : memref<16384xf32, #tpu.memory_space<vmem>> -> memref<256xf32, #tpu.memory_space<vmem>>
          tpu.vector_store_idx %scatter3A_550[%add3A_155], %gather3A_532 : memref<256xf32, #tpu.memory_space<vmem>>[vector<16xi32>], vector<16xf32>,
          %scatter3A_551 = tpu.memref_slice %arg8[%mul3A_535] : memref<16384xf32, #tpu.memory_space<vmem>> -> memref<256xf32, #tpu.memory_space<vmem>>
          tpu.vector_store_idx %scatter3A_551[%add3A_159], %gather3A_533 : memref<256xf32, #tpu.memory_space<vmem>>[vector<16xi32>], vector<16xf32>,
          %mul3A_552 = arith.constant 64 : i32
          %mul3A_553 = arith.muli %while3A_433, %mul3A_552 : i32
          %add3A_554 = arith.constant 48 : i32
          %add3A_555 = arith.addi %mul3A_553, %add3A_554 : i32
          %add3A_556 = vector.broadcast %add3A_555 : i32 to vector<16xi32>
          %add3A_557 = arith.addi %iota3A, %add3A_556 : vector<16xi32>
          %gather3A_558 = tpu.vector_load_idx %arg6[%and3A_5, %add3A_557] : memref<16x1024xf32, #tpu.memory_space<vmem>>[vector<16xi32>, vector<16xi32>], vector<16xf32>,
          %gather3A_559 = tpu.vector_load_idx %arg6[%and3A_11, %add3A_557] : memref<16x1024xf32, #tpu.memory_space<vmem>>[vector<16xi32>, vector<16xi32>], vector<16xf32>,
          %gather3A_560 = tpu.vector_load_idx %arg6[%and3A_17, %add3A_557] : memref<16x1024xf32, #tpu.memory_space<vmem>>[vector<16xi32>, vector<16xi32>], vector<16xf32>,
          %gather3A_561 = tpu.vector_load_idx %arg6[%and3A_23, %add3A_557] : memref<16x1024xf32, #tpu.memory_space<vmem>>[vector<16xi32>, vector<16xi32>], vector<16xf32>,
          %gather3A_562 = tpu.vector_load_idx %arg6[%and3A_29, %add3A_557] : memref<16x1024xf32, #tpu.memory_space<vmem>>[vector<16xi32>, vector<16xi32>], vector<16xf32>,
          %gather3A_563 = tpu.vector_load_idx %arg6[%and3A_35, %add3A_557] : memref<16x1024xf32, #tpu.memory_space<vmem>>[vector<16xi32>, vector<16xi32>], vector<16xf32>,
          %gather3A_564 = tpu.vector_load_idx %arg6[%and3A_41, %add3A_557] : memref<16x1024xf32, #tpu.memory_space<vmem>>[vector<16xi32>, vector<16xi32>], vector<16xf32>,
          %gather3A_565 = tpu.vector_load_idx %arg6[%and3A_47, %add3A_557] : memref<16x1024xf32, #tpu.memory_space<vmem>>[vector<16xi32>, vector<16xi32>], vector<16xf32>,
          %gather3A_566 = tpu.vector_load_idx %arg6[%and3A_53, %add3A_557] : memref<16x1024xf32, #tpu.memory_space<vmem>>[vector<16xi32>, vector<16xi32>], vector<16xf32>,
          %gather3A_567 = tpu.vector_load_idx %arg6[%and3A_59, %add3A_557] : memref<16x1024xf32, #tpu.memory_space<vmem>>[vector<16xi32>, vector<16xi32>], vector<16xf32>,
          %gather3A_568 = tpu.vector_load_idx %arg6[%and3A_65, %add3A_557] : memref<16x1024xf32, #tpu.memory_space<vmem>>[vector<16xi32>, vector<16xi32>], vector<16xf32>,
          %gather3A_569 = tpu.vector_load_idx %arg6[%and3A_71, %add3A_557] : memref<16x1024xf32, #tpu.memory_space<vmem>>[vector<16xi32>, vector<16xi32>], vector<16xf32>,
          %gather3A_570 = tpu.vector_load_idx %arg6[%and3A_77, %add3A_557] : memref<16x1024xf32, #tpu.memory_space<vmem>>[vector<16xi32>, vector<16xi32>], vector<16xf32>,
          %gather3A_571 = tpu.vector_load_idx %arg6[%and3A_83, %add3A_557] : memref<16x1024xf32, #tpu.memory_space<vmem>>[vector<16xi32>, vector<16xi32>], vector<16xf32>,
          %gather3A_572 = tpu.vector_load_idx %arg6[%and3A_89, %add3A_557] : memref<16x1024xf32, #tpu.memory_space<vmem>>[vector<16xi32>, vector<16xi32>], vector<16xf32>,
          %gather3A_573 = tpu.vector_load_idx %arg6[%and3A_95, %add3A_557] : memref<16x1024xf32, #tpu.memory_space<vmem>>[vector<16xi32>, vector<16xi32>], vector<16xf32>,
          %mul3A_574 = arith.constant 16 : i32
          %mul3A_575 = arith.muli %add3A_555, %mul3A_574 : i32
          %scatter3A_576 = tpu.memref_slice %arg8[%mul3A_575] : memref<16384xf32, #tpu.memory_space<vmem>> -> memref<256xf32, #tpu.memory_space<vmem>>
          tpu.vector_store_idx %scatter3A_576[%add3A_99], %gather3A_558 : memref<256xf32, #tpu.memory_space<vmem>>[vector<16xi32>], vector<16xf32>,
          %scatter3A_577 = tpu.memref_slice %arg8[%mul3A_575] : memref<16384xf32, #tpu.memory_space<vmem>> -> memref<256xf32, #tpu.memory_space<vmem>>
          tpu.vector_store_idx %scatter3A_577[%add3A_103], %gather3A_559 : memref<256xf32, #tpu.memory_space<vmem>>[vector<16xi32>], vector<16xf32>,
          %scatter3A_578 = tpu.memref_slice %arg8[%mul3A_575] : memref<16384xf32, #tpu.memory_space<vmem>> -> memref<256xf32, #tpu.memory_space<vmem>>
          tpu.vector_store_idx %scatter3A_578[%add3A_107], %gather3A_560 : memref<256xf32, #tpu.memory_space<vmem>>[vector<16xi32>], vector<16xf32>,
          %scatter3A_579 = tpu.memref_slice %arg8[%mul3A_575] : memref<16384xf32, #tpu.memory_space<vmem>> -> memref<256xf32, #tpu.memory_space<vmem>>
          tpu.vector_store_idx %scatter3A_579[%add3A_111], %gather3A_561 : memref<256xf32, #tpu.memory_space<vmem>>[vector<16xi32>], vector<16xf32>,
          %scatter3A_580 = tpu.memref_slice %arg8[%mul3A_575] : memref<16384xf32, #tpu.memory_space<vmem>> -> memref<256xf32, #tpu.memory_space<vmem>>
          tpu.vector_store_idx %scatter3A_580[%add3A_115], %gather3A_562 : memref<256xf32, #tpu.memory_space<vmem>>[vector<16xi32>], vector<16xf32>,
          %scatter3A_581 = tpu.memref_slice %arg8[%mul3A_575] : memref<16384xf32, #tpu.memory_space<vmem>> -> memref<256xf32, #tpu.memory_space<vmem>>
          tpu.vector_store_idx %scatter3A_581[%add3A_119], %gather3A_563 : memref<256xf32, #tpu.memory_space<vmem>>[vector<16xi32>], vector<16xf32>,
          %scatter3A_582 = tpu.memref_slice %arg8[%mul3A_575] : memref<16384xf32, #tpu.memory_space<vmem>> -> memref<256xf32, #tpu.memory_space<vmem>>
          tpu.vector_store_idx %scatter3A_582[%add3A_123], %gather3A_564 : memref<256xf32, #tpu.memory_space<vmem>>[vector<16xi32>], vector<16xf32>,
          %scatter3A_583 = tpu.memref_slice %arg8[%mul3A_575] : memref<16384xf32, #tpu.memory_space<vmem>> -> memref<256xf32, #tpu.memory_space<vmem>>
          tpu.vector_store_idx %scatter3A_583[%add3A_127], %gather3A_565 : memref<256xf32, #tpu.memory_space<vmem>>[vector<16xi32>], vector<16xf32>,
          %scatter3A_584 = tpu.memref_slice %arg8[%mul3A_575] : memref<16384xf32, #tpu.memory_space<vmem>> -> memref<256xf32, #tpu.memory_space<vmem>>
          tpu.vector_store_idx %scatter3A_584[%add3A_131], %gather3A_566 : memref<256xf32, #tpu.memory_space<vmem>>[vector<16xi32>], vector<16xf32>,
          %scatter3A_585 = tpu.memref_slice %arg8[%mul3A_575] : memref<16384xf32, #tpu.memory_space<vmem>> -> memref<256xf32, #tpu.memory_space<vmem>>
          tpu.vector_store_idx %scatter3A_585[%add3A_135], %gather3A_567 : memref<256xf32, #tpu.memory_space<vmem>>[vector<16xi32>], vector<16xf32>,
          %scatter3A_586 = tpu.memref_slice %arg8[%mul3A_575] : memref<16384xf32, #tpu.memory_space<vmem>> -> memref<256xf32, #tpu.memory_space<vmem>>
          tpu.vector_store_idx %scatter3A_586[%add3A_139], %gather3A_568 : memref<256xf32, #tpu.memory_space<vmem>>[vector<16xi32>], vector<16xf32>,
          %scatter3A_587 = tpu.memref_slice %arg8[%mul3A_575] : memref<16384xf32, #tpu.memory_space<vmem>> -> memref<256xf32, #tpu.memory_space<vmem>>
          tpu.vector_store_idx %scatter3A_587[%add3A_143], %gather3A_569 : memref<256xf32, #tpu.memory_space<vmem>>[vector<16xi32>], vector<16xf32>,
          %scatter3A_588 = tpu.memref_slice %arg8[%mul3A_575] : memref<16384xf32, #tpu.memory_space<vmem>> -> memref<256xf32, #tpu.memory_space<vmem>>
          tpu.vector_store_idx %scatter3A_588[%add3A_147], %gather3A_570 : memref<256xf32, #tpu.memory_space<vmem>>[vector<16xi32>], vector<16xf32>,
          %scatter3A_589 = tpu.memref_slice %arg8[%mul3A_575] : memref<16384xf32, #tpu.memory_space<vmem>> -> memref<256xf32, #tpu.memory_space<vmem>>
          tpu.vector_store_idx %scatter3A_589[%add3A_151], %gather3A_571 : memref<256xf32, #tpu.memory_space<vmem>>[vector<16xi32>], vector<16xf32>,
          %scatter3A_590 = tpu.memref_slice %arg8[%mul3A_575] : memref<16384xf32, #tpu.memory_space<vmem>> -> memref<256xf32, #tpu.memory_space<vmem>>
          tpu.vector_store_idx %scatter3A_590[%add3A_155], %gather3A_572 : memref<256xf32, #tpu.memory_space<vmem>>[vector<16xi32>], vector<16xf32>,
          %scatter3A_591 = tpu.memref_slice %arg8[%mul3A_575] : memref<16384xf32, #tpu.memory_space<vmem>> -> memref<256xf32, #tpu.memory_space<vmem>>
          tpu.vector_store_idx %scatter3A_591[%add3A_159], %gather3A_573 : memref<256xf32, #tpu.memory_space<vmem>>[vector<16xi32>], vector<16xf32>,
        }
      } else {
      }
      %convert_element_type3A_392 = arith.extui %lt3A_350 : i1 to i32
      %cond3A_393 = arith.constant 0 : i32
      %cond3A_394 = arith.cmpi ne, %convert_element_type3A_392, %cond3A_393 : i32
      scf.if %cond3A_394 {
        %mul3A_423 = arith.constant 32 : i32
        %mul3A_424 = arith.muli %add3A_341, %mul3A_423 : i32
        %add3A_425 = arith.addi %add3A, %mul3A_424 : i32
        %shift_right_logical3A_426 = arith.constant 7 : i32
        %shift_right_logical3A_427 = arith.shrui %add3A_425, %shift_right_logical3A_426 : i32
        %and3A_428 = arith.constant 127 : i32
        %and3A_429 = arith.andi %add3A_425, %and3A_428 : i32
        %mul3A_430 = arith.constant 100000 : i32
        %mul3A_431 = arith.muli %shift_right_logical3A_427, %mul3A_430 : i32
        %mul3A_432 = arith.constant 1024 : i32
        %mul3A_433 = arith.muli %and3A_429, %mul3A_432 : i32
        %add3A_434 = arith.addi %mul3A_431, %mul3A_433 : i32
        %mul3A_435 = arith.constant 16 : i32
        %mul3A_436 = arith.muli %add3A_434, %mul3A_435 : i32
        %dma_start3A = arith.constant 0 : i32
        %dma_start3A_437 = tpu.memref_slice %arg8[%dma_start3A] : memref<16384xf32, #tpu.memory_space<vmem>> -> memref<16384xf32, #tpu.memory_space<vmem>>
        %dma_start3A_438 = tpu.memref_slice %arg4[%mul3A_436] : memref<41600000xf32, #tpu.memory_space<hbm>> -> memref<16384xf32, #tpu.memory_space<hbm>>
        %dma_start3A_439 = tpu.memref_slice %arg4[%mul3A_436] : memref<41600000xf32, #tpu.memory_space<hbm>> -> memref<16384xf32, #tpu.memory_space<hbm>>
        %dma_start3A_440 = arith.constant 0 : i32
        %dma_start3A_441 = tpu.memref_slice %arg8[%dma_start3A_440] : memref<16384xf32, #tpu.memory_space<vmem>> -> memref<16384xf32, #tpu.memory_space<vmem>>
        tpu.enqueue_dma source(%dma_start3A_441 : memref<16384xf32, #tpu.memory_space<vmem>>) target(%dma_start3A_439 : memref<16384xf32, #tpu.memory_space<hbm>>) target_semaphore(%arg12 : memref<!tpu.dma_semaphore, #tpu.memory_space<semaphore_mem>>)
      } else {
      }
      %convert_element_type3A_395 = arith.extui %eq3A_352 : i1 to i32
      %cond3A_396 = arith.constant 0 : i32
      %cond3A_397 = arith.cmpi ne, %convert_element_type3A_395, %cond3A_396 : i32
      scf.if %cond3A_397 {
        %mul3A_423 = arith.constant 32 : i32
        %mul3A_424 = arith.muli %add3A_341, %mul3A_423 : i32
        %add3A_425 = arith.addi %add3A, %mul3A_424 : i32
        %shift_right_logical3A_426 = arith.constant 7 : i32
        %shift_right_logical3A_427 = arith.shrui %add3A_425, %shift_right_logical3A_426 : i32
        %and3A_428 = arith.constant 127 : i32
        %and3A_429 = arith.andi %add3A_425, %and3A_428 : i32
        %mul3A_430 = arith.constant 100000 : i32
        %mul3A_431 = arith.muli %shift_right_logical3A_427, %mul3A_430 : i32
        %mul3A_432 = arith.constant 1024 : i32
        %mul3A_433 = arith.muli %and3A_429, %mul3A_432 : i32
        %add3A_434 = arith.addi %mul3A_431, %mul3A_433 : i32
        %mul3A_435 = arith.constant 16 : i32
        %mul3A_436 = arith.muli %add3A_434, %mul3A_435 : i32
        %dma_start3A = arith.constant 0 : i32
        %dma_start3A_437 = tpu.memref_slice %arg8[%dma_start3A] : memref<16384xf32, #tpu.memory_space<vmem>> -> memref<10240xf32, #tpu.memory_space<vmem>>
        %dma_start3A_438 = tpu.memref_slice %arg4[%mul3A_436] : memref<41600000xf32, #tpu.memory_space<hbm>> -> memref<10240xf32, #tpu.memory_space<hbm>>
        %dma_start3A_439 = tpu.memref_slice %arg4[%mul3A_436] : memref<41600000xf32, #tpu.memory_space<hbm>> -> memref<10240xf32, #tpu.memory_space<hbm>>
        %dma_start3A_440 = arith.constant 0 : i32
        %dma_start3A_441 = tpu.memref_slice %arg8[%dma_start3A_440] : memref<16384xf32, #tpu.memory_space<vmem>> -> memref<10240xf32, #tpu.memory_space<vmem>>
        tpu.enqueue_dma source(%dma_start3A_441 : memref<10240xf32, #tpu.memory_space<vmem>>) target(%dma_start3A_439 : memref<10240xf32, #tpu.memory_space<hbm>>) target_semaphore(%arg12 : memref<!tpu.dma_semaphore, #tpu.memory_space<semaphore_mem>>)
      } else {
      }
      %add3A_398 = arith.constant 2 : i32
      %add3A_399 = arith.addi %add3A_341, %add3A_398 : i32
      %mul3A_400 = arith.constant 32 : i32
      %mul3A_401 = arith.muli %add3A_399, %mul3A_400 : i32
      %add3A_402 = arith.addi %add3A, %mul3A_401 : i32
      %shift_right_logical3A_403 = arith.constant 7 : i32
      %shift_right_logical3A_404 = arith.shrui %add3A_402, %shift_right_logical3A_403 : i32
      %and3A_405 = arith.constant 127 : i32
      %and3A_406 = arith.andi %add3A_402, %and3A_405 : i32
      %lt3A_407 = arith.constant 104 : i32
      %lt3A_408 = arith.cmpi slt, %add3A_399, %lt3A_407 : i32
      %lt3A_409 = arith.constant 97 : i32
      %lt3A_410 = arith.cmpi slt, %and3A_406, %lt3A_409 : i32
      %and3A_411 = arith.andi %lt3A_408, %lt3A_410 : i1
      %convert_element_type3A_412 = arith.extui %and3A_411 : i1 to i32
      %cond3A_413 = arith.constant 0 : i32
      %cond3A_414 = arith.cmpi ne, %convert_element_type3A_412, %cond3A_413 : i32
      scf.if %cond3A_414 {
        %mul3A_423 = arith.constant 32 : i32
        %mul3A_424 = arith.muli %add3A_399, %mul3A_423 : i32
        %add3A_425 = arith.addi %add3A, %mul3A_424 : i32
        %shift_right_logical3A_426 = arith.constant 7 : i32
        %shift_right_logical3A_427 = arith.shrui %add3A_425, %shift_right_logical3A_426 : i32
        %and3A_428 = arith.constant 127 : i32
        %and3A_429 = arith.andi %add3A_425, %and3A_428 : i32
        %mul3A_430 = arith.constant 1024 : i32
        %mul3A_431 = arith.muli %and3A_429, %mul3A_430 : i32
        %dma_start3A = arith.constant 0 : i32
        %dma_start3A_432 = arith.constant 0 : i32
        %dma_start3A_433 = tpu.memref_slice %arg6[%dma_start3A, %dma_start3A_432] : memref<16x1024xf32, #tpu.memory_space<vmem>> -> memref<16x1024xf32, #tpu.memory_space<vmem>>
        %dma_start3A_434 = arith.constant 0 : i32
        %dma_start3A_435 = tpu.memref_slice %arg2[%shift_right_logical3A_427, %dma_start3A_434, %mul3A_431] : memref<26x16x100000xf32, #tpu.memory_space<hbm>> -> memref<1x16x1024xf32, #tpu.memory_space<hbm>>
        %dma_start3A_436 = tpu.memref_squeeze %dma_start3A_435 : memref<1x16x1024xf32, #tpu.memory_space<hbm>> -> memref<16x1024xf32, #tpu.memory_space<hbm>>
        %dma_start3A_437 = arith.constant 0 : i32
        %dma_start3A_438 = arith.constant 0 : i32
        %dma_start3A_439 = tpu.memref_slice %arg6[%dma_start3A_437, %dma_start3A_438] : memref<16x1024xf32, #tpu.memory_space<vmem>> -> memref<16x1024xf32, #tpu.memory_space<vmem>>
        %dma_start3A_440 = arith.constant 0 : i32
        %dma_start3A_441 = tpu.memref_slice %arg2[%shift_right_logical3A_427, %dma_start3A_440, %mul3A_431] : memref<26x16x100000xf32, #tpu.memory_space<hbm>> -> memref<1x16x1024xf32, #tpu.memory_space<hbm>>
        %dma_start3A_442 = tpu.memref_squeeze %dma_start3A_441 : memref<1x16x1024xf32, #tpu.memory_space<hbm>> -> memref<16x1024xf32, #tpu.memory_space<hbm>>
        tpu.enqueue_dma source(%dma_start3A_442 : memref<16x1024xf32, #tpu.memory_space<hbm>>) target(%dma_start3A_439 : memref<16x1024xf32, #tpu.memory_space<vmem>>) target_semaphore(%arg10 : memref<!tpu.dma_semaphore, #tpu.memory_space<semaphore_mem>>)
      } else {
      }
      %lt3A_415 = arith.constant 104 : i32
      %lt3A_416 = arith.cmpi slt, %add3A_399, %lt3A_415 : i32
      %eq3A_417 = arith.constant 97 : i32
      %eq3A_418 = arith.cmpi eq, %and3A_406, %eq3A_417 : i32
      %and3A_419 = arith.andi %lt3A_416, %eq3A_418 : i1
      %convert_element_type3A_420 = arith.extui %and3A_419 : i1 to i32
      %cond3A_421 = arith.constant 0 : i32
      %cond3A_422 = arith.cmpi ne, %convert_element_type3A_420, %cond3A_421 : i32
      scf.if %cond3A_422 {
        %mul3A_423 = arith.constant 32 : i32
        %mul3A_424 = arith.muli %add3A_399, %mul3A_423 : i32
        %add3A_425 = arith.addi %add3A, %mul3A_424 : i32
        %shift_right_logical3A_426 = arith.constant 7 : i32
        %shift_right_logical3A_427 = arith.shrui %add3A_425, %shift_right_logical3A_426 : i32
        %and3A_428 = arith.constant 127 : i32
        %and3A_429 = arith.andi %add3A_425, %and3A_428 : i32
        %mul3A_430 = arith.constant 1024 : i32
        %mul3A_431 = arith.muli %and3A_429, %mul3A_430 : i32
        %dma_start3A = arith.constant 0 : i32
        %dma_start3A_432 = arith.constant 0 : i32
        %dma_start3A_433 = tpu.memref_slice %arg6[%dma_start3A, %dma_start3A_432] : memref<16x1024xf32, #tpu.memory_space<vmem>> -> memref<16x640xf32, #tpu.memory_space<vmem>>
        %dma_start3A_434 = arith.constant 0 : i32
        %dma_start3A_435 = tpu.memref_slice %arg2[%shift_right_logical3A_427, %dma_start3A_434, %mul3A_431] : memref<26x16x100000xf32, #tpu.memory_space<hbm>> -> memref<1x16x640xf32, #tpu.memory_space<hbm>>
        %dma_start3A_436 = tpu.memref_squeeze %dma_start3A_435 : memref<1x16x640xf32, #tpu.memory_space<hbm>> -> memref<16x640xf32, #tpu.memory_space<hbm>>
        %dma_start3A_437 = arith.constant 0 : i32
        %dma_start3A_438 = arith.constant 0 : i32
        %dma_start3A_439 = tpu.memref_slice %arg6[%dma_start3A_437, %dma_start3A_438] : memref<16x1024xf32, #tpu.memory_space<vmem>> -> memref<16x640xf32, #tpu.memory_space<vmem>>
        %dma_start3A_440 = arith.constant 0 : i32
        %dma_start3A_441 = tpu.memref_slice %arg2[%shift_right_logical3A_427, %dma_start3A_440, %mul3A_431] : memref<26x16x100000xf32, #tpu.memory_space<hbm>> -> memref<1x16x640xf32, #tpu.memory_space<hbm>>
        %dma_start3A_442 = tpu.memref_squeeze %dma_start3A_441 : memref<1x16x640xf32, #tpu.memory_space<hbm>> -> memref<16x640xf32, #tpu.memory_space<hbm>>
        tpu.enqueue_dma source(%dma_start3A_442 : memref<16x640xf32, #tpu.memory_space<hbm>>) target(%dma_start3A_439 : memref<16x640xf32, #tpu.memory_space<vmem>>) target_semaphore(%arg10 : memref<!tpu.dma_semaphore, #tpu.memory_space<semaphore_mem>>)
      } else {
      }
    }
    %scan3A_215 = arith.constant 52 : i32
    %mul3A_216 = arith.constant 102 : i32
    %mul3A_217 = arith.constant 32 : i32
    %mul3A_218 = arith.muli %mul3A_216, %mul3A_217 : i32
    %add3A_219 = arith.addi %add3A, %mul3A_218 : i32
    %shift_right_logical3A_220 = arith.constant 7 : i32
    %shift_right_logical3A_221 = arith.shrui %add3A_219, %shift_right_logical3A_220 : i32
    %and3A_222 = arith.constant 127 : i32
    %and3A_223 = arith.andi %add3A_219, %and3A_222 : i32
    %lt3A_224 = arith.constant 97 : i32
    %lt3A_225 = arith.cmpi slt, %and3A_223, %lt3A_224 : i32
    %convert_element_type3A_226 = arith.extui %lt3A_225 : i1 to i32
    %cond3A_227 = arith.constant 0 : i32
    %cond3A_228 = arith.cmpi ne, %convert_element_type3A_226, %cond3A_227 : i32
    scf.if %cond3A_228 {
      %mul3A_257 = arith.constant 102 : i32
      %mul3A_258 = arith.constant 32 : i32
      %mul3A_259 = arith.muli %mul3A_257, %mul3A_258 : i32
      %add3A_260 = arith.addi %add3A, %mul3A_259 : i32
      %shift_right_logical3A_261 = arith.constant 7 : i32
      %shift_right_logical3A_262 = arith.shrui %add3A_260, %shift_right_logical3A_261 : i32
      %and3A_263 = arith.constant 127 : i32
      %and3A_264 = arith.andi %add3A_260, %and3A_263 : i32
      %mul3A_265 = arith.constant 100000 : i32
      %mul3A_266 = arith.muli %shift_right_logical3A_262, %mul3A_265 : i32
      %mul3A_267 = arith.constant 1024 : i32
      %mul3A_268 = arith.muli %and3A_264, %mul3A_267 : i32
      %add3A_269 = arith.addi %mul3A_266, %mul3A_268 : i32
      %mul3A_270 = arith.constant 16 : i32
      %mul3A_271 = arith.muli %add3A_269, %mul3A_270 : i32
      %dma_wait3A = arith.constant 0 : i32
      %dma_wait3A_272 = tpu.memref_slice %arg7[%dma_wait3A] : memref<16384xf32, #tpu.memory_space<vmem>> -> memref<16384xf32, #tpu.memory_space<vmem>>
      %dma_wait3A_273 = tpu.memref_slice %arg4[%mul3A_271] : memref<41600000xf32, #tpu.memory_space<hbm>> -> memref<16384xf32, #tpu.memory_space<hbm>>
      %dma_wait3A_274 = tpu.memref_slice %arg4[%mul3A_271] : memref<41600000xf32, #tpu.memory_space<hbm>> -> memref<16384xf32, #tpu.memory_space<hbm>>
      %dma_wait3A_275 = arith.constant 0 : i32
      %dma_wait3A_276 = tpu.memref_slice %arg7[%dma_wait3A_275] : memref<16384xf32, #tpu.memory_space<vmem>> -> memref<16384xf32, #tpu.memory_space<vmem>>
      tpu.wait_dma2 semaphore(%arg11 : memref<!tpu.dma_semaphore, #tpu.memory_space<semaphore_mem>>) src(%dma_wait3A_276 : memref<16384xf32, #tpu.memory_space<vmem>>) dst(%dma_wait3A_274 : memref<16384xf32, #tpu.memory_space<hbm>>)
    } else {
    }
    %eq3A_229 = arith.constant 97 : i32
    %eq3A_230 = arith.cmpi eq, %and3A_223, %eq3A_229 : i32
    %convert_element_type3A_231 = arith.extui %eq3A_230 : i1 to i32
    %cond3A_232 = arith.constant 0 : i32
    %cond3A_233 = arith.cmpi ne, %convert_element_type3A_231, %cond3A_232 : i32
    scf.if %cond3A_233 {
      %mul3A_257 = arith.constant 102 : i32
      %mul3A_258 = arith.constant 32 : i32
      %mul3A_259 = arith.muli %mul3A_257, %mul3A_258 : i32
      %add3A_260 = arith.addi %add3A, %mul3A_259 : i32
      %shift_right_logical3A_261 = arith.constant 7 : i32
      %shift_right_logical3A_262 = arith.shrui %add3A_260, %shift_right_logical3A_261 : i32
      %and3A_263 = arith.constant 127 : i32
      %and3A_264 = arith.andi %add3A_260, %and3A_263 : i32
      %mul3A_265 = arith.constant 100000 : i32
      %mul3A_266 = arith.muli %shift_right_logical3A_262, %mul3A_265 : i32
      %mul3A_267 = arith.constant 1024 : i32
      %mul3A_268 = arith.muli %and3A_264, %mul3A_267 : i32
      %add3A_269 = arith.addi %mul3A_266, %mul3A_268 : i32
      %mul3A_270 = arith.constant 16 : i32
      %mul3A_271 = arith.muli %add3A_269, %mul3A_270 : i32
      %dma_wait3A = arith.constant 0 : i32
      %dma_wait3A_272 = tpu.memref_slice %arg7[%dma_wait3A] : memref<16384xf32, #tpu.memory_space<vmem>> -> memref<10240xf32, #tpu.memory_space<vmem>>
      %dma_wait3A_273 = tpu.memref_slice %arg4[%mul3A_271] : memref<41600000xf32, #tpu.memory_space<hbm>> -> memref<10240xf32, #tpu.memory_space<hbm>>
      %dma_wait3A_274 = tpu.memref_slice %arg4[%mul3A_271] : memref<41600000xf32, #tpu.memory_space<hbm>> -> memref<10240xf32, #tpu.memory_space<hbm>>
      %dma_wait3A_275 = arith.constant 0 : i32
      %dma_wait3A_276 = tpu.memref_slice %arg7[%dma_wait3A_275] : memref<16384xf32, #tpu.memory_space<vmem>> -> memref<10240xf32, #tpu.memory_space<vmem>>
      tpu.wait_dma2 semaphore(%arg11 : memref<!tpu.dma_semaphore, #tpu.memory_space<semaphore_mem>>) src(%dma_wait3A_276 : memref<10240xf32, #tpu.memory_space<vmem>>) dst(%dma_wait3A_274 : memref<10240xf32, #tpu.memory_space<hbm>>)
    } else {
    }
    %mul3A_234 = arith.constant 103 : i32
    %mul3A_235 = arith.constant 32 : i32
    %mul3A_236 = arith.muli %mul3A_234, %mul3A_235 : i32
    %add3A_237 = arith.addi %add3A, %mul3A_236 : i32
    %shift_right_logical3A_238 = arith.constant 7 : i32
    %shift_right_logical3A_239 = arith.shrui %add3A_237, %shift_right_logical3A_238 : i32
    %and3A_240 = arith.constant 127 : i32
    %and3A_241 = arith.andi %add3A_237, %and3A_240 : i32
    %lt3A_242 = arith.constant 97 : i32
    %lt3A_243 = arith.cmpi slt, %and3A_241, %lt3A_242 : i32
    %convert_element_type3A_244 = arith.extui %lt3A_243 : i1 to i32
    %cond3A_245 = arith.constant 0 : i32
    %cond3A_246 = arith.cmpi ne, %convert_element_type3A_244, %cond3A_245 : i32
    scf.if %cond3A_246 {
      %mul3A_257 = arith.constant 103 : i32
      %mul3A_258 = arith.constant 32 : i32
      %mul3A_259 = arith.muli %mul3A_257, %mul3A_258 : i32
      %add3A_260 = arith.addi %add3A, %mul3A_259 : i32
      %shift_right_logical3A_261 = arith.constant 7 : i32
      %shift_right_logical3A_262 = arith.shrui %add3A_260, %shift_right_logical3A_261 : i32
      %and3A_263 = arith.constant 127 : i32
      %and3A_264 = arith.andi %add3A_260, %and3A_263 : i32
      %mul3A_265 = arith.constant 100000 : i32
      %mul3A_266 = arith.muli %shift_right_logical3A_262, %mul3A_265 : i32
      %mul3A_267 = arith.constant 1024 : i32
      %mul3A_268 = arith.muli %and3A_264, %mul3A_267 : i32
      %add3A_269 = arith.addi %mul3A_266, %mul3A_268 : i32
      %mul3A_270 = arith.constant 16 : i32
      %mul3A_271 = arith.muli %add3A_269, %mul3A_270 : i32
      %dma_wait3A = arith.constant 0 : i32
      %dma_wait3A_272 = tpu.memref_slice %arg8[%dma_wait3A] : memref<16384xf32, #tpu.memory_space<vmem>> -> memref<16384xf32, #tpu.memory_space<vmem>>
      %dma_wait3A_273 = tpu.memref_slice %arg4[%mul3A_271] : memref<41600000xf32, #tpu.memory_space<hbm>> -> memref<16384xf32, #tpu.memory_space<hbm>>
      %dma_wait3A_274 = tpu.memref_slice %arg4[%mul3A_271] : memref<41600000xf32, #tpu.memory_space<hbm>> -> memref<16384xf32, #tpu.memory_space<hbm>>
      %dma_wait3A_275 = arith.constant 0 : i32
      %dma_wait3A_276 = tpu.memref_slice %arg8[%dma_wait3A_275] : memref<16384xf32, #tpu.memory_space<vmem>> -> memref<16384xf32, #tpu.memory_space<vmem>>
      tpu.wait_dma2 semaphore(%arg12 : memref<!tpu.dma_semaphore, #tpu.memory_space<semaphore_mem>>) src(%dma_wait3A_276 : memref<16384xf32, #tpu.memory_space<vmem>>) dst(%dma_wait3A_274 : memref<16384xf32, #tpu.memory_space<hbm>>)
    } else {
    }
    %eq3A_247 = arith.constant 97 : i32
    %eq3A_248 = arith.cmpi eq, %and3A_241, %eq3A_247 : i32
    %convert_element_type3A_249 = arith.extui %eq3A_248 : i1 to i32
    %cond3A_250 = arith.constant 0 : i32
    %cond3A_251 = arith.cmpi ne, %convert_element_type3A_249, %cond3A_250 : i32
    scf.if %cond3A_251 {
      %mul3A_257 = arith.constant 103 : i32
      %mul3A_258 = arith.constant 32 : i32
      %mul3A_259 = arith.muli %mul3A_257, %mul3A_258 : i32
      %add3A_260 = arith.addi %add3A, %mul3A_259 : i32
      %shift_right_logical3A_261 = arith.constant 7 : i32
      %shift_right_logical3A_262 = arith.shrui %add3A_260, %shift_right_logical3A_261 : i32
      %and3A_263 = arith.constant 127 : i32
      %and3A_264 = arith.andi %add3A_260, %and3A_263 : i32
      %mul3A_265 = arith.constant 100000 : i32
      %mul3A_266 = arith.muli %shift_right_logical3A_262, %mul3A_265 : i32
      %mul3A_267 = arith.constant 1024 : i32
      %mul3A_268 = arith.muli %and3A_264, %mul3A_267 : i32
      %add3A_269 = arith.addi %mul3A_266, %mul3A_268 : i32
      %mul3A_270 = arith.constant 16 : i32
      %mul3A_271 = arith.muli %add3A_269, %mul3A_270 : i32
      %dma_wait3A = arith.constant 0 : i32
      %dma_wait3A_272 = tpu.memref_slice %arg8[%dma_wait3A] : memref<16384xf32, #tpu.memory_space<vmem>> -> memref<10240xf32, #tpu.memory_space<vmem>>
      %dma_wait3A_273 = tpu.memref_slice %arg4[%mul3A_271] : memref<41600000xf32, #tpu.memory_space<hbm>> -> memref<10240xf32, #tpu.memory_space<hbm>>
      %dma_wait3A_274 = tpu.memref_slice %arg4[%mul3A_271] : memref<41600000xf32, #tpu.memory_space<hbm>> -> memref<10240xf32, #tpu.memory_space<hbm>>
      %dma_wait3A_275 = arith.constant 0 : i32
      %dma_wait3A_276 = tpu.memref_slice %arg8[%dma_wait3A_275] : memref<16384xf32, #tpu.memory_space<vmem>> -> memref<10240xf32, #tpu.memory_space<vmem>>
      tpu.wait_dma2 semaphore(%arg12 : memref<!tpu.dma_semaphore, #tpu.memory_space<semaphore_mem>>) src(%dma_wait3A_276 : memref<10240xf32, #tpu.memory_space<vmem>>) dst(%dma_wait3A_274 : memref<10240xf32, #tpu.memory_space<hbm>>)
    } else {
    }
    %lt3A_252 = arith.constant 26 : i32
    %lt3A_253 = arith.cmpi slt, %add3A, %lt3A_252 : i32
    %convert_element_type3A_254 = arith.extui %lt3A_253 : i1 to i32
    %cond3A_255 = arith.constant 0 : i32
    %cond3A_256 = arith.cmpi ne, %convert_element_type3A_254, %cond3A_255 : i32
    scf.if %cond3A_256 {
      %mul3A_257 = arith.constant 512 : i32
      %mul3A_258 = arith.muli %add3A, %mul3A_257 : i32
      "tpu.region"() ({
        %run_scoped3A = tpu.sem_alloc : memref<!tpu.dma_semaphore, #tpu.memory_space<semaphore_mem>>
        %dma_start3A = arith.constant 0 : i32
        %dma_start3A_265 = tpu.memref_slice %arg7[%dma_start3A] : memref<16384xf32, #tpu.memory_space<vmem>> -> memref<512xf32, #tpu.memory_space<vmem>>
        %dma_start3A_266 = tpu.memref_slice %arg3[%mul3A_258] : memref<13312xf32, #tpu.memory_space<hbm>> -> memref<512xf32, #tpu.memory_space<hbm>>
        %dma_start3A_267 = arith.constant 0 : i32
        %dma_start3A_268 = tpu.memref_slice %arg7[%dma_start3A_267] : memref<16384xf32, #tpu.memory_space<vmem>> -> memref<512xf32, #tpu.memory_space<vmem>>
        %dma_start3A_269 = tpu.memref_slice %arg3[%mul3A_258] : memref<13312xf32, #tpu.memory_space<hbm>> -> memref<512xf32, #tpu.memory_space<hbm>>
        tpu.enqueue_dma source(%dma_start3A_269 : memref<512xf32, #tpu.memory_space<hbm>>) target(%dma_start3A_268 : memref<512xf32, #tpu.memory_space<vmem>>) target_semaphore(%run_scoped3A : memref<!tpu.dma_semaphore, #tpu.memory_space<semaphore_mem>>)
        %dma_wait3A = arith.constant 0 : i32
        %dma_wait3A_270 = tpu.memref_slice %arg7[%dma_wait3A] : memref<16384xf32, #tpu.memory_space<vmem>> -> memref<512xf32, #tpu.memory_space<vmem>>
        %dma_wait3A_271 = tpu.memref_slice %arg3[%mul3A_258] : memref<13312xf32, #tpu.memory_space<hbm>> -> memref<512xf32, #tpu.memory_space<hbm>>
        %dma_wait3A_272 = arith.constant 0 : i32
        %dma_wait3A_273 = tpu.memref_slice %arg7[%dma_wait3A_272] : memref<16384xf32, #tpu.memory_space<vmem>> -> memref<512xf32, #tpu.memory_space<vmem>>
        %dma_wait3A_274 = tpu.memref_slice %arg3[%mul3A_258] : memref<13312xf32, #tpu.memory_space<hbm>> -> memref<512xf32, #tpu.memory_space<hbm>>
        tpu.wait_dma2 semaphore(%run_scoped3A : memref<!tpu.dma_semaphore, #tpu.memory_space<semaphore_mem>>) src(%dma_wait3A_274 : memref<512xf32, #tpu.memory_space<hbm>>) dst(%dma_wait3A_273 : memref<512xf32, #tpu.memory_space<vmem>>)
        tpu.yield
      }) : () -> ()
      %mul3A_259 = arith.constant 100000 : i32
      %mul3A_260 = arith.muli %add3A, %mul3A_259 : i32
      %add3A_261 = arith.constant 99968 : i32
      %add3A_262 = arith.addi %mul3A_260, %add3A_261 : i32
      %mul3A_263 = arith.constant 16 : i32
      %mul3A_264 = arith.muli %add3A_262, %mul3A_263 : i32
      "tpu.region"() ({
        %run_scoped3A = tpu.sem_alloc : memref<!tpu.dma_semaphore, #tpu.memory_space<semaphore_mem>>
        %dma_start3A = arith.constant 0 : i32
        %dma_start3A_265 = tpu.memref_slice %arg7[%dma_start3A] : memref<16384xf32, #tpu.memory_space<vmem>> -> memref<512xf32, #tpu.memory_space<vmem>>
        %dma_start3A_266 = tpu.memref_slice %arg4[%mul3A_264] : memref<41600000xf32, #tpu.memory_space<hbm>> -> memref<512xf32, #tpu.memory_space<hbm>>
        %dma_start3A_267 = tpu.memref_slice %arg4[%mul3A_264] : memref<41600000xf32, #tpu.memory_space<hbm>> -> memref<512xf32, #tpu.memory_space<hbm>>
        %dma_start3A_268 = arith.constant 0 : i32
        %dma_start3A_269 = tpu.memref_slice %arg7[%dma_start3A_268] : memref<16384xf32, #tpu.memory_space<vmem>> -> memref<512xf32, #tpu.memory_space<vmem>>
        tpu.enqueue_dma source(%dma_start3A_269 : memref<512xf32, #tpu.memory_space<vmem>>) target(%dma_start3A_267 : memref<512xf32, #tpu.memory_space<hbm>>) target_semaphore(%run_scoped3A : memref<!tpu.dma_semaphore, #tpu.memory_space<semaphore_mem>>)
        %dma_wait3A = arith.constant 0 : i32
        %dma_wait3A_270 = tpu.memref_slice %arg7[%dma_wait3A] : memref<16384xf32, #tpu.memory_space<vmem>> -> memref<512xf32, #tpu.memory_space<vmem>>
        %dma_wait3A_271 = tpu.memref_slice %arg4[%mul3A_264] : memref<41600000xf32, #tpu.memory_space<hbm>> -> memref<512xf32, #tpu.memory_space<hbm>>
        %dma_wait3A_272 = tpu.memref_slice %arg4[%mul3A_264] : memref<41600000xf32, #tpu.memory_space<hbm>> -> memref<512xf32, #tpu.memory_space<hbm>>
        %dma_wait3A_273 = arith.constant 0 : i32
        %dma_wait3A_274 = tpu.memref_slice %arg7[%dma_wait3A_273] : memref<16384xf32, #tpu.memory_space<vmem>> -> memref<512xf32, #tpu.memory_space<vmem>>
        tpu.wait_dma2 semaphore(%run_scoped3A : memref<!tpu.dma_semaphore, #tpu.memory_space<semaphore_mem>>) src(%dma_wait3A_274 : memref<512xf32, #tpu.memory_space<vmem>>) dst(%dma_wait3A_272 : memref<512xf32, #tpu.memory_space<hbm>>)
        tpu.yield
      }) : () -> ()
    } else {
    }
    return
  }
}

#map = affine_map<(d0, d1) -> (0, 0)>
#map1 = affine_map<(d0, d1) -> (0, 0, 0)>
module attributes {stable_mosaic.version = 14 : i64} {
  func.func @_gather_body(%arg0: i32, %arg1: i32, %arg2: memref<2600000x16xf32, #tpu.memory_space<hbm>>, %arg3: memref<32x52x128xi32, #tpu.memory_space<hbm>>, %arg4: memref<212992x16xf32, #tpu.memory_space<hbm>>, %arg5: memref<52x128xi32, #tpu.memory_space<vmem>>, %arg6: memref<512x16xf32, #tpu.memory_space<vmem>>, %arg7: memref<!tpu.dma_semaphore, #tpu.memory_space<semaphore_mem>>) attributes {dimension_semantics = [#tpu.dimension_semantics<core_parallel>, #tpu.dimension_semantics<subcore_parallel>], iteration_bounds = array<i64: 2, 16>, scalar_prefetch = 0 : i64, scratch_operands = 3 : i64, tpu.core_type = #tpu.core_type<sc_vector_subcore>, window_params = [{transform_indices = #map}, {transform_indices = #map1}, {transform_indices = #map}]} {
    %mul3A = arith.constant 2 : i32
    %mul3A_0 = arith.muli %arg1, %mul3A : i32
    %add3A = arith.addi %mul3A_0, %arg0 : i32
    %mul3A_1 = arith.constant 6656 : i32
    %mul3A_2 = arith.muli %add3A, %mul3A_1 : i32
    "tpu.region"() ({
      %run_scoped3A = tpu.sem_alloc : memref<!tpu.dma_semaphore, #tpu.memory_space<semaphore_mem>>
      %dma_start3A = arith.constant 0 : i32
      %dma_start3A_8 = arith.constant 0 : i32
      %dma_start3A_9 = tpu.memref_slice %arg3[%add3A, %dma_start3A, %dma_start3A_8] : memref<32x52x128xi32, #tpu.memory_space<hbm>> -> memref<1x52x128xi32, #tpu.memory_space<hbm>>
      %dma_start3A_10 = tpu.memref_squeeze %dma_start3A_9 : memref<1x52x128xi32, #tpu.memory_space<hbm>> -> memref<52x128xi32, #tpu.memory_space<hbm>>
      %dma_start3A_11 = arith.constant 0 : i32
      %dma_start3A_12 = arith.constant 0 : i32
      %dma_start3A_13 = tpu.memref_slice %arg3[%add3A, %dma_start3A_11, %dma_start3A_12] : memref<32x52x128xi32, #tpu.memory_space<hbm>> -> memref<1x52x128xi32, #tpu.memory_space<hbm>>
      %dma_start3A_14 = tpu.memref_squeeze %dma_start3A_13 : memref<1x52x128xi32, #tpu.memory_space<hbm>> -> memref<52x128xi32, #tpu.memory_space<hbm>>
      tpu.enqueue_dma source(%dma_start3A_14 : memref<52x128xi32, #tpu.memory_space<hbm>>) target(%arg5 : memref<52x128xi32, #tpu.memory_space<vmem>>) target_semaphore(%run_scoped3A : memref<!tpu.dma_semaphore, #tpu.memory_space<semaphore_mem>>)
      %dma_wait3A = arith.constant 0 : i32
      %dma_wait3A_15 = arith.constant 0 : i32
      %dma_wait3A_16 = tpu.memref_slice %arg3[%add3A, %dma_wait3A, %dma_wait3A_15] : memref<32x52x128xi32, #tpu.memory_space<hbm>> -> memref<1x52x128xi32, #tpu.memory_space<hbm>>
      %dma_wait3A_17 = tpu.memref_squeeze %dma_wait3A_16 : memref<1x52x128xi32, #tpu.memory_space<hbm>> -> memref<52x128xi32, #tpu.memory_space<hbm>>
      %dma_wait3A_18 = arith.constant 0 : i32
      %dma_wait3A_19 = arith.constant 0 : i32
      %dma_wait3A_20 = tpu.memref_slice %arg3[%add3A, %dma_wait3A_18, %dma_wait3A_19] : memref<32x52x128xi32, #tpu.memory_space<hbm>> -> memref<1x52x128xi32, #tpu.memory_space<hbm>>
      %dma_wait3A_21 = tpu.memref_squeeze %dma_wait3A_20 : memref<1x52x128xi32, #tpu.memory_space<hbm>> -> memref<52x128xi32, #tpu.memory_space<hbm>>
      tpu.wait_dma2 semaphore(%run_scoped3A : memref<!tpu.dma_semaphore, #tpu.memory_space<semaphore_mem>>) src(%dma_wait3A_21 : memref<52x128xi32, #tpu.memory_space<hbm>>) dst(%arg5 : memref<52x128xi32, #tpu.memory_space<vmem>>)
      tpu.yield
    }) : () -> ()
    %scan3A = arith.constant 0 : i32
    %scan3A_3 = arith.constant 0 : i32
    %scan3A_4 = arith.constant 13 : i32
    %scan3A_5 = arith.addi %scan3A_3, %scan3A_4 : i32
    %scan3A_6 = arith.constant 1 : i32
    scf.for %scan3A_8 = %scan3A_3 to %scan3A_5 step %scan3A_6  : i32 {
      %mul3A_9 = arith.constant 4 : i32
      %mul3A_10 = arith.muli %scan3A_8, %mul3A_9 : i32
      %add3A_11 = arith.constant 0 : i32
      %add3A_12 = arith.addi %mul3A_10, %add3A_11 : i32
      %dma_start3A = arith.constant 0 : i32
      %dma_start3A_13 = arith.constant 0 : i32
      %dma_start3A_14 = tpu.memref_slice %arg6[%dma_start3A, %dma_start3A_13] : memref<512x16xf32, #tpu.memory_space<vmem>> -> memref<128x16xf32, #tpu.memory_space<vmem>>
      %dma_start3A_15 = arith.constant 0 : i32
      %dma_start3A_16 = tpu.memref_slice %arg5[%add3A_12, %dma_start3A_15] : memref<52x128xi32, #tpu.memory_space<vmem>> -> memref<1x128xi32, #tpu.memory_space<vmem>>
      %dma_start3A_17 = tpu.memref_squeeze %dma_start3A_16 : memref<1x128xi32, #tpu.memory_space<vmem>> -> memref<128xi32, #tpu.memory_space<vmem>>
      %dma_start3A_18 = arith.constant 0 : i32
      %dma_start3A_19 = arith.constant 0 : i32
      %dma_start3A_20 = tpu.memref_slice %arg2[%dma_start3A_18, %dma_start3A_19] : memref<2600000x16xf32, #tpu.memory_space<hbm>> -> memref<2600000x16xf32, #tpu.memory_space<hbm>>
      tpu.enqueue_indirect_dma source(%dma_start3A_20 : memref<2600000x16xf32, #tpu.memory_space<hbm>>) target(%dma_start3A_14 : memref<128x16xf32, #tpu.memory_space<vmem>>) offsets(%dma_start3A_17 : memref<128xi32, #tpu.memory_space<vmem>>) semaphore(%arg7 : memref<!tpu.dma_semaphore, #tpu.memory_space<semaphore_mem>>)
      %mul3A_21 = arith.constant 4 : i32
      %mul3A_22 = arith.muli %scan3A_8, %mul3A_21 : i32
      %add3A_23 = arith.constant 1 : i32
      %add3A_24 = arith.addi %mul3A_22, %add3A_23 : i32
      %dma_start3A_25 = arith.constant 128 : i32
      %dma_start3A_26 = arith.constant 0 : i32
      %dma_start3A_27 = tpu.memref_slice %arg6[%dma_start3A_25, %dma_start3A_26] : memref<512x16xf32, #tpu.memory_space<vmem>> -> memref<128x16xf32, #tpu.memory_space<vmem>>
      %dma_start3A_28 = arith.constant 0 : i32
      %dma_start3A_29 = tpu.memref_slice %arg5[%add3A_24, %dma_start3A_28] : memref<52x128xi32, #tpu.memory_space<vmem>> -> memref<1x128xi32, #tpu.memory_space<vmem>>
      %dma_start3A_30 = tpu.memref_squeeze %dma_start3A_29 : memref<1x128xi32, #tpu.memory_space<vmem>> -> memref<128xi32, #tpu.memory_space<vmem>>
      %dma_start3A_31 = arith.constant 0 : i32
      %dma_start3A_32 = arith.constant 0 : i32
      %dma_start3A_33 = tpu.memref_slice %arg2[%dma_start3A_31, %dma_start3A_32] : memref<2600000x16xf32, #tpu.memory_space<hbm>> -> memref<2600000x16xf32, #tpu.memory_space<hbm>>
      tpu.enqueue_indirect_dma source(%dma_start3A_33 : memref<2600000x16xf32, #tpu.memory_space<hbm>>) target(%dma_start3A_27 : memref<128x16xf32, #tpu.memory_space<vmem>>) offsets(%dma_start3A_30 : memref<128xi32, #tpu.memory_space<vmem>>) semaphore(%arg7 : memref<!tpu.dma_semaphore, #tpu.memory_space<semaphore_mem>>)
      %mul3A_34 = arith.constant 4 : i32
      %mul3A_35 = arith.muli %scan3A_8, %mul3A_34 : i32
      %add3A_36 = arith.constant 2 : i32
      %add3A_37 = arith.addi %mul3A_35, %add3A_36 : i32
      %dma_start3A_38 = arith.constant 256 : i32
      %dma_start3A_39 = arith.constant 0 : i32
      %dma_start3A_40 = tpu.memref_slice %arg6[%dma_start3A_38, %dma_start3A_39] : memref<512x16xf32, #tpu.memory_space<vmem>> -> memref<128x16xf32, #tpu.memory_space<vmem>>
      %dma_start3A_41 = arith.constant 0 : i32
      %dma_start3A_42 = tpu.memref_slice %arg5[%add3A_37, %dma_start3A_41] : memref<52x128xi32, #tpu.memory_space<vmem>> -> memref<1x128xi32, #tpu.memory_space<vmem>>
      %dma_start3A_43 = tpu.memref_squeeze %dma_start3A_42 : memref<1x128xi32, #tpu.memory_space<vmem>> -> memref<128xi32, #tpu.memory_space<vmem>>
      %dma_start3A_44 = arith.constant 0 : i32
      %dma_start3A_45 = arith.constant 0 : i32
      %dma_start3A_46 = tpu.memref_slice %arg2[%dma_start3A_44, %dma_start3A_45] : memref<2600000x16xf32, #tpu.memory_space<hbm>> -> memref<2600000x16xf32, #tpu.memory_space<hbm>>
      tpu.enqueue_indirect_dma source(%dma_start3A_46 : memref<2600000x16xf32, #tpu.memory_space<hbm>>) target(%dma_start3A_40 : memref<128x16xf32, #tpu.memory_space<vmem>>) offsets(%dma_start3A_43 : memref<128xi32, #tpu.memory_space<vmem>>) semaphore(%arg7 : memref<!tpu.dma_semaphore, #tpu.memory_space<semaphore_mem>>)
      %mul3A_47 = arith.constant 4 : i32
      %mul3A_48 = arith.muli %scan3A_8, %mul3A_47 : i32
      %add3A_49 = arith.constant 3 : i32
      %add3A_50 = arith.addi %mul3A_48, %add3A_49 : i32
      %dma_start3A_51 = arith.constant 384 : i32
      %dma_start3A_52 = arith.constant 0 : i32
      %dma_start3A_53 = tpu.memref_slice %arg6[%dma_start3A_51, %dma_start3A_52] : memref<512x16xf32, #tpu.memory_space<vmem>> -> memref<128x16xf32, #tpu.memory_space<vmem>>
      %dma_start3A_54 = arith.constant 0 : i32
      %dma_start3A_55 = tpu.memref_slice %arg5[%add3A_50, %dma_start3A_54] : memref<52x128xi32, #tpu.memory_space<vmem>> -> memref<1x128xi32, #tpu.memory_space<vmem>>
      %dma_start3A_56 = tpu.memref_squeeze %dma_start3A_55 : memref<1x128xi32, #tpu.memory_space<vmem>> -> memref<128xi32, #tpu.memory_space<vmem>>
      %dma_start3A_57 = arith.constant 0 : i32
      %dma_start3A_58 = arith.constant 0 : i32
      %dma_start3A_59 = tpu.memref_slice %arg2[%dma_start3A_57, %dma_start3A_58] : memref<2600000x16xf32, #tpu.memory_space<hbm>> -> memref<2600000x16xf32, #tpu.memory_space<hbm>>
      tpu.enqueue_indirect_dma source(%dma_start3A_59 : memref<2600000x16xf32, #tpu.memory_space<hbm>>) target(%dma_start3A_53 : memref<128x16xf32, #tpu.memory_space<vmem>>) offsets(%dma_start3A_56 : memref<128xi32, #tpu.memory_space<vmem>>) semaphore(%arg7 : memref<!tpu.dma_semaphore, #tpu.memory_space<semaphore_mem>>)
      %dma_wait3A = arith.constant 0 : i32
      %dma_wait3A_60 = arith.constant 0 : i32
      %dma_wait3A_61 = tpu.memref_slice %arg6[%dma_wait3A, %dma_wait3A_60] : memref<512x16xf32, #tpu.memory_space<vmem>> -> memref<128x16xf32, #tpu.memory_space<vmem>>
      %dma_wait3A_62 = arith.constant 0 : i32
      %dma_wait3A_63 = tpu.memref_slice %arg5[%add3A_12, %dma_wait3A_62] : memref<52x128xi32, #tpu.memory_space<vmem>> -> memref<1x128xi32, #tpu.memory_space<vmem>>
      %dma_wait3A_64 = tpu.memref_squeeze %dma_wait3A_63 : memref<1x128xi32, #tpu.memory_space<vmem>> -> memref<128xi32, #tpu.memory_space<vmem>>
      %dma_wait3A_65 = arith.constant 0 : i32
      %dma_wait3A_66 = arith.constant 0 : i32
      %dma_wait3A_67 = tpu.memref_slice %arg2[%dma_wait3A_65, %dma_wait3A_66] : memref<2600000x16xf32, #tpu.memory_space<hbm>> -> memref<2600000x16xf32, #tpu.memory_space<hbm>>
      tpu.wait_indirect_dma semaphore(%arg7 : memref<!tpu.dma_semaphore, #tpu.memory_space<semaphore_mem>>) src(%dma_wait3A_67 : memref<2600000x16xf32, #tpu.memory_space<hbm>>) dst(%dma_wait3A_61 : memref<128x16xf32, #tpu.memory_space<vmem>>)
      %dma_wait3A_68 = arith.constant 128 : i32
      %dma_wait3A_69 = arith.constant 0 : i32
      %dma_wait3A_70 = tpu.memref_slice %arg6[%dma_wait3A_68, %dma_wait3A_69] : memref<512x16xf32, #tpu.memory_space<vmem>> -> memref<128x16xf32, #tpu.memory_space<vmem>>
      %dma_wait3A_71 = arith.constant 0 : i32
      %dma_wait3A_72 = tpu.memref_slice %arg5[%add3A_24, %dma_wait3A_71] : memref<52x128xi32, #tpu.memory_space<vmem>> -> memref<1x128xi32, #tpu.memory_space<vmem>>
      %dma_wait3A_73 = tpu.memref_squeeze %dma_wait3A_72 : memref<1x128xi32, #tpu.memory_space<vmem>> -> memref<128xi32, #tpu.memory_space<vmem>>
      %dma_wait3A_74 = arith.constant 0 : i32
      %dma_wait3A_75 = arith.constant 0 : i32
      %dma_wait3A_76 = tpu.memref_slice %arg2[%dma_wait3A_74, %dma_wait3A_75] : memref<2600000x16xf32, #tpu.memory_space<hbm>> -> memref<2600000x16xf32, #tpu.memory_space<hbm>>
      tpu.wait_indirect_dma semaphore(%arg7 : memref<!tpu.dma_semaphore, #tpu.memory_space<semaphore_mem>>) src(%dma_wait3A_76 : memref<2600000x16xf32, #tpu.memory_space<hbm>>) dst(%dma_wait3A_70 : memref<128x16xf32, #tpu.memory_space<vmem>>)
      %dma_wait3A_77 = arith.constant 256 : i32
      %dma_wait3A_78 = arith.constant 0 : i32
      %dma_wait3A_79 = tpu.memref_slice %arg6[%dma_wait3A_77, %dma_wait3A_78] : memref<512x16xf32, #tpu.memory_space<vmem>> -> memref<128x16xf32, #tpu.memory_space<vmem>>
      %dma_wait3A_80 = arith.constant 0 : i32
      %dma_wait3A_81 = tpu.memref_slice %arg5[%add3A_37, %dma_wait3A_80] : memref<52x128xi32, #tpu.memory_space<vmem>> -> memref<1x128xi32, #tpu.memory_space<vmem>>
      %dma_wait3A_82 = tpu.memref_squeeze %dma_wait3A_81 : memref<1x128xi32, #tpu.memory_space<vmem>> -> memref<128xi32, #tpu.memory_space<vmem>>
      %dma_wait3A_83 = arith.constant 0 : i32
      %dma_wait3A_84 = arith.constant 0 : i32
      %dma_wait3A_85 = tpu.memref_slice %arg2[%dma_wait3A_83, %dma_wait3A_84] : memref<2600000x16xf32, #tpu.memory_space<hbm>> -> memref<2600000x16xf32, #tpu.memory_space<hbm>>
      tpu.wait_indirect_dma semaphore(%arg7 : memref<!tpu.dma_semaphore, #tpu.memory_space<semaphore_mem>>) src(%dma_wait3A_85 : memref<2600000x16xf32, #tpu.memory_space<hbm>>) dst(%dma_wait3A_79 : memref<128x16xf32, #tpu.memory_space<vmem>>)
      %dma_wait3A_86 = arith.constant 384 : i32
      %dma_wait3A_87 = arith.constant 0 : i32
      %dma_wait3A_88 = tpu.memref_slice %arg6[%dma_wait3A_86, %dma_wait3A_87] : memref<512x16xf32, #tpu.memory_space<vmem>> -> memref<128x16xf32, #tpu.memory_space<vmem>>
      %dma_wait3A_89 = arith.constant 0 : i32
      %dma_wait3A_90 = tpu.memref_slice %arg5[%add3A_50, %dma_wait3A_89] : memref<52x128xi32, #tpu.memory_space<vmem>> -> memref<1x128xi32, #tpu.memory_space<vmem>>
      %dma_wait3A_91 = tpu.memref_squeeze %dma_wait3A_90 : memref<1x128xi32, #tpu.memory_space<vmem>> -> memref<128xi32, #tpu.memory_space<vmem>>
      %dma_wait3A_92 = arith.constant 0 : i32
      %dma_wait3A_93 = arith.constant 0 : i32
      %dma_wait3A_94 = tpu.memref_slice %arg2[%dma_wait3A_92, %dma_wait3A_93] : memref<2600000x16xf32, #tpu.memory_space<hbm>> -> memref<2600000x16xf32, #tpu.memory_space<hbm>>
      tpu.wait_indirect_dma semaphore(%arg7 : memref<!tpu.dma_semaphore, #tpu.memory_space<semaphore_mem>>) src(%dma_wait3A_94 : memref<2600000x16xf32, #tpu.memory_space<hbm>>) dst(%dma_wait3A_88 : memref<128x16xf32, #tpu.memory_space<vmem>>)
      %mul3A_95 = arith.constant 512 : i32
      %mul3A_96 = arith.muli %scan3A_8, %mul3A_95 : i32
      %add3A_97 = arith.addi %mul3A_2, %mul3A_96 : i32
      "tpu.region"() ({
        %run_scoped3A = tpu.sem_alloc : memref<!tpu.dma_semaphore, #tpu.memory_space<semaphore_mem>>
        %dma_start3A_98 = arith.constant 0 : i32
        %dma_start3A_99 = tpu.memref_slice %arg4[%add3A_97, %dma_start3A_98] : memref<212992x16xf32, #tpu.memory_space<hbm>> -> memref<512x16xf32, #tpu.memory_space<hbm>>
        %dma_start3A_100 = arith.constant 0 : i32
        %dma_start3A_101 = tpu.memref_slice %arg4[%add3A_97, %dma_start3A_100] : memref<212992x16xf32, #tpu.memory_space<hbm>> -> memref<512x16xf32, #tpu.memory_space<hbm>>
        tpu.enqueue_dma source(%arg6 : memref<512x16xf32, #tpu.memory_space<vmem>>) target(%dma_start3A_101 : memref<512x16xf32, #tpu.memory_space<hbm>>) target_semaphore(%run_scoped3A : memref<!tpu.dma_semaphore, #tpu.memory_space<semaphore_mem>>)
        %dma_wait3A_102 = arith.constant 0 : i32
        %dma_wait3A_103 = tpu.memref_slice %arg4[%add3A_97, %dma_wait3A_102] : memref<212992x16xf32, #tpu.memory_space<hbm>> -> memref<512x16xf32, #tpu.memory_space<hbm>>
        %dma_wait3A_104 = arith.constant 0 : i32
        %dma_wait3A_105 = tpu.memref_slice %arg4[%add3A_97, %dma_wait3A_104] : memref<212992x16xf32, #tpu.memory_space<hbm>> -> memref<512x16xf32, #tpu.memory_space<hbm>>
        tpu.wait_dma2 semaphore(%run_scoped3A : memref<!tpu.dma_semaphore, #tpu.memory_space<semaphore_mem>>) src(%arg6 : memref<512x16xf32, #tpu.memory_space<vmem>>) dst(%dma_wait3A_105 : memref<512x16xf32, #tpu.memory_space<hbm>>)
        tpu.yield
      }) : () -> ()
    }
    %scan3A_7 = arith.constant 13 : i32
    return
  }
}

module attributes {stable_mosaic.version = 14 : i64} {
  func.func @_mlp_body(%arg0: i32, %arg1: memref<1024x416xf32, #tpu.memory_space<vmem>>, %arg2: memref<1024x39xf32, #tpu.memory_space<vmem>>, %arg3: memref<416x256xf32, #tpu.memory_space<vmem>>, %arg4: memref<13x256xf32, #tpu.memory_space<vmem>>, %arg5: memref<1x256xf32, #tpu.memory_space<vmem>>, %arg6: memref<256x128xf32, #tpu.memory_space<vmem>>, %arg7: memref<1x128xf32, #tpu.memory_space<vmem>>, %arg8: memref<1x128xf32, #tpu.memory_space<vmem>>, %arg9: memref<1x39xf32, #tpu.memory_space<vmem>>, %arg10: memref<1x1xf32, #tpu.memory_space<vmem>>, %arg11: memref<1024x1xf32, #tpu.memory_space<vmem>>) attributes {dimension_semantics = [#tpu.dimension_semantics<arbitrary>], iteration_bounds = array<i64: 8>, scalar_prefetch = 0 : i64, scratch_operands = 0 : i64, tpu.core_type = #tpu.core_type<tc>, window_params = [{transform_indices = @transform_0, window_bounds = array<i64: 1024, 416>}, {transform_indices = @transform_1, window_bounds = array<i64: 1024, 39>}, {pipeline_mode = #tpu.pipeline_mode<synchronous>, transform_indices = @transform_2, window_bounds = array<i64: 416, 256>}, {pipeline_mode = #tpu.pipeline_mode<synchronous>, transform_indices = @transform_3, window_bounds = array<i64: 13, 256>}, {pipeline_mode = #tpu.pipeline_mode<synchronous>, transform_indices = @transform_4, window_bounds = array<i64: 1, 256>}, {pipeline_mode = #tpu.pipeline_mode<synchronous>, transform_indices = @transform_5, window_bounds = array<i64: 256, 128>}, {pipeline_mode = #tpu.pipeline_mode<synchronous>, transform_indices = @transform_6, window_bounds = array<i64: 1, 128>}, {pipeline_mode = #tpu.pipeline_mode<synchronous>, transform_indices = @transform_7, window_bounds = array<i64: 1, 128>}, {pipeline_mode = #tpu.pipeline_mode<synchronous>, transform_indices = @transform_8, window_bounds = array<i64: 1, 39>}, {pipeline_mode = #tpu.pipeline_mode<synchronous>, transform_indices = @transform_9, window_bounds = array<i64: 1, 1>}, {transform_indices = @transform_10, window_bounds = array<i64: 1024, 1>}]} {
    %get3A = arith.constant 0 : index
    %get3A_0 = arith.constant 0 : index
    %get3A_1 = vector.load %arg2[%get3A, %get3A_0] : memref<1024x39xf32, #tpu.memory_space<vmem>>, vector<1024x39xf32>
    %get3A_2 = arith.constant 0 : index
    %get3A_3 = arith.constant 0 : index
    %get3A_4 = vector.load %arg1[%get3A_2, %get3A_3] : memref<1024x416xf32, #tpu.memory_space<vmem>>, vector<1024x416xf32>
    %get3A_5 = arith.constant 0 : index
    %get3A_6 = arith.constant 0 : index
    %get3A_7 = vector.load %arg3[%get3A_5, %get3A_6] : memref<416x256xf32, #tpu.memory_space<vmem>>, vector<416x256xf32>
    %dot_general3A = arith.constant dense<0.000000e+00> : vector<1024x256xf32>
    %dot_general3A_8 = tpu.matmul %get3A_4, %get3A_7, %dot_general3A {dimension_numbers = #tpu.dot_dimension_numbers<[1], [0], [0], [1], [0, 0, 1, 1], [], []>, transpose_lhs_hint = false} : vector<1024x416xf32>, vector<416x256xf32>, vector<1024x256xf32> -> vector<1024x256xf32>
    %slice3A = vector.extract_strided_slice %get3A_1 {offsets = [0, 26], sizes = [1024, 13], strides = [1, 1]} : vector<1024x39xf32> to vector<1024x13xf32>
    %get3A_9 = arith.constant 0 : index
    %get3A_10 = arith.constant 0 : index
    %get3A_11 = vector.load %arg4[%get3A_9, %get3A_10] : memref<13x256xf32, #tpu.memory_space<vmem>>, vector<13x256xf32>
    %dot_general3A_12 = arith.constant dense<0.000000e+00> : vector<1024x256xf32>
    %dot_general3A_13 = tpu.matmul %slice3A, %get3A_11, %dot_general3A_12 {dimension_numbers = #tpu.dot_dimension_numbers<[1], [0], [0], [1], [0, 0, 1, 1], [], []>, transpose_lhs_hint = false} : vector<1024x13xf32>, vector<13x256xf32>, vector<1024x256xf32> -> vector<1024x256xf32>
    %add3A = arith.addf %dot_general3A_8, %dot_general3A_13 : vector<1024x256xf32>
    %get3A_14 = arith.constant 0 : index
    %get3A_15 = arith.constant 0 : index
    %get3A_16 = vector.load %arg5[%get3A_14, %get3A_15] : memref<1x256xf32, #tpu.memory_space<vmem>>, vector<1x256xf32>
    %add3A_17 = vector.broadcast %get3A_16 : vector<1x256xf32> to vector<1024x256xf32>
    %add3A_18 = arith.addf %add3A, %add3A_17 : vector<1024x256xf32>
    %max3A = arith.constant 0.000000e+00 : f32
    %max3A_19 = vector.broadcast %max3A : f32 to vector<1024x256xf32>
    %max3A_20 = arith.maximumf %add3A_18, %max3A_19 : vector<1024x256xf32>
    %get3A_21 = arith.constant 0 : index
    %get3A_22 = arith.constant 0 : index
    %get3A_23 = vector.load %arg6[%get3A_21, %get3A_22] : memref<256x128xf32, #tpu.memory_space<vmem>>, vector<256x128xf32>
    %dot_general3A_24 = arith.constant dense<0.000000e+00> : vector<1024x128xf32>
    %dot_general3A_25 = tpu.matmul %max3A_20, %get3A_23, %dot_general3A_24 {dimension_numbers = #tpu.dot_dimension_numbers<[1], [0], [0], [1], [0, 0, 1, 1], [], []>, transpose_lhs_hint = false} : vector<1024x256xf32>, vector<256x128xf32>, vector<1024x128xf32> -> vector<1024x128xf32>
    %get3A_26 = arith.constant 0 : index
    %get3A_27 = arith.constant 0 : index
    %get3A_28 = vector.load %arg7[%get3A_26, %get3A_27] : memref<1x128xf32, #tpu.memory_space<vmem>>, vector<1x128xf32>
    %add3A_29 = vector.broadcast %get3A_28 : vector<1x128xf32> to vector<1024x128xf32>
    %add3A_30 = arith.addf %dot_general3A_25, %add3A_29 : vector<1024x128xf32>
    %max3A_31 = arith.constant 0.000000e+00 : f32
    %max3A_32 = vector.broadcast %max3A_31 : f32 to vector<1024x128xf32>
    %max3A_33 = arith.maximumf %add3A_30, %max3A_32 : vector<1024x128xf32>
    %get3A_34 = arith.constant 0 : index
    %get3A_35 = arith.constant 0 : index
    %get3A_36 = vector.load %arg8[%get3A_34, %get3A_35] : memref<1x128xf32, #tpu.memory_space<vmem>>, vector<1x128xf32>
    %mul3A = vector.broadcast %get3A_36 : vector<1x128xf32> to vector<1024x128xf32>
    %mul3A_37 = arith.mulf %max3A_33, %mul3A : vector<1024x128xf32>
    %reduce_sum3A = arith.constant dense<0.000000e+00> : vector<1024xf32>
    %reduce_sum3A_38 = vector.multi_reduction <add>, %mul3A_37, %reduce_sum3A [1] : vector<1024x128xf32> to vector<1024xf32>
    %broadcast_in_dim3A = vector.shape_cast %reduce_sum3A_38 : vector<1024xf32> to vector<1024x1xf32>
    %get3A_39 = arith.constant 0 : index
    %get3A_40 = arith.constant 0 : index
    %get3A_41 = vector.load %arg9[%get3A_39, %get3A_40] : memref<1x39xf32, #tpu.memory_space<vmem>>, vector<1x39xf32>
    %mul3A_42 = vector.broadcast %get3A_41 : vector<1x39xf32> to vector<1024x39xf32>
    %mul3A_43 = arith.mulf %get3A_1, %mul3A_42 : vector<1024x39xf32>
    %reduce_sum3A_44 = arith.constant dense<0.000000e+00> : vector<1024xf32>
    %reduce_sum3A_45 = vector.multi_reduction <add>, %mul3A_43, %reduce_sum3A_44 [1] : vector<1024x39xf32> to vector<1024xf32>
    %broadcast_in_dim3A_46 = vector.shape_cast %reduce_sum3A_45 : vector<1024xf32> to vector<1024x1xf32>
    %get3A_47 = arith.constant 0 : index
    %get3A_48 = arith.constant 0 : index
    %get3A_49 = vector.load %arg10[%get3A_47, %get3A_48] : memref<1x1xf32, #tpu.memory_space<vmem>>, vector<1x1xf32>
    %add3A_50 = vector.broadcast %get3A_49 : vector<1x1xf32> to vector<1024x1xf32>
    %add3A_51 = arith.addf %broadcast_in_dim3A_46, %add3A_50 : vector<1024x1xf32>
    %max3A_52 = arith.constant 0.000000e+00 : f32
    %max3A_53 = vector.broadcast %max3A_52 : f32 to vector<1024x1xf32>
    %max3A_54 = arith.maximumf %add3A_51, %max3A_53 : vector<1024x1xf32>
    %add3A_55 = arith.addf %max3A_54, %broadcast_in_dim3A : vector<1024x1xf32>
    %neg3A = arith.constant 0.000000e+00 : f32
    %neg3A_56 = vector.broadcast %neg3A : f32 to vector<1024x1xf32>
    %neg3A_57 = arith.subf %neg3A_56, %add3A_55 : vector<1024x1xf32>
    %exp3A = math.exp %neg3A_57 : vector<1024x1xf32>
    %add3A_58 = arith.constant 1.000000e+00 : f32
    %add3A_59 = vector.broadcast %add3A_58 : f32 to vector<1024x1xf32>
    %add3A_60 = arith.addf %add3A_59, %exp3A : vector<1024x1xf32>
    %div3A = arith.constant 1.000000e+00 : f32
    %div3A_61 = vector.broadcast %div3A : f32 to vector<1024x1xf32>
    %div3A_62 = arith.divf %div3A_61, %add3A_60 : vector<1024x1xf32>
    %swap3A = arith.constant 0 : index
    %swap3A_63 = arith.constant 0 : index
    %swap3A_64 = vector.load %arg11[%swap3A, %swap3A_63] : memref<1024x1xf32, #tpu.memory_space<vmem>>, vector<1024x1xf32>
    tpu.vector_store %arg11[%swap3A, %swap3A_63], %div3A_62 {strides = array<i32>} : memref<1024x1xf32, #tpu.memory_space<vmem>>, vector<1024x1xf32>,
    return
  }
  func.func @transform_0(%arg0: i32) -> (i32, i32) {
    %c0_i32 = arith.constant 0 : i32
    %c0_i32_0 = arith.constant 0 : i32
    return %arg0, %c0_i32 : i32, i32
  }
  func.func @transform_1(%arg0: i32) -> (i32, i32) {
    %c0_i32 = arith.constant 0 : i32
    %c0_i32_0 = arith.constant 0 : i32
    return %arg0, %c0_i32 : i32, i32
  }
  func.func @transform_2(%arg0: i32) -> (i32, i32) {
    %c0_i32 = arith.constant 0 : i32
    %c0_i32_0 = arith.constant 0 : i32
    %c0_i32_1 = arith.constant 0 : i32
    return %c0_i32, %c0_i32_0 : i32, i32
  }
  func.func @transform_3(%arg0: i32) -> (i32, i32) {
    %c0_i32 = arith.constant 0 : i32
    %c0_i32_0 = arith.constant 0 : i32
    %c0_i32_1 = arith.constant 0 : i32
    return %c0_i32, %c0_i32_0 : i32, i32
  }
  func.func @transform_4(%arg0: i32) -> (i32, i32) {
    %c0_i32 = arith.constant 0 : i32
    %c0_i32_0 = arith.constant 0 : i32
    %c0_i32_1 = arith.constant 0 : i32
    return %c0_i32, %c0_i32_0 : i32, i32
  }
  func.func @transform_5(%arg0: i32) -> (i32, i32) {
    %c0_i32 = arith.constant 0 : i32
    %c0_i32_0 = arith.constant 0 : i32
    %c0_i32_1 = arith.constant 0 : i32
    return %c0_i32, %c0_i32_0 : i32, i32
  }
  func.func @transform_6(%arg0: i32) -> (i32, i32) {
    %c0_i32 = arith.constant 0 : i32
    %c0_i32_0 = arith.constant 0 : i32
    %c0_i32_1 = arith.constant 0 : i32
    return %c0_i32, %c0_i32_0 : i32, i32
  }
  func.func @transform_7(%arg0: i32) -> (i32, i32) {
    %c0_i32 = arith.constant 0 : i32
    %c0_i32_0 = arith.constant 0 : i32
    %c0_i32_1 = arith.constant 0 : i32
    return %c0_i32, %c0_i32_0 : i32, i32
  }
  func.func @transform_8(%arg0: i32) -> (i32, i32) {
    %c0_i32 = arith.constant 0 : i32
    %c0_i32_0 = arith.constant 0 : i32
    %c0_i32_1 = arith.constant 0 : i32
    return %c0_i32, %c0_i32_0 : i32, i32
  }
  func.func @transform_9(%arg0: i32) -> (i32, i32) {
    %c0_i32 = arith.constant 0 : i32
    %c0_i32_0 = arith.constant 0 : i32
    %c0_i32_1 = arith.constant 0 : i32
    return %c0_i32, %c0_i32_0 : i32, i32
  }
  func.func @transform_10(%arg0: i32) -> (i32, i32) {
    %c0_i32 = arith.constant 0 : i32
    %c0_i32_0 = arith.constant 0 : i32
    return %arg0, %c0_i32 : i32, i32
  }
}

</mosaic_0001>

<sc_bundles>
// kernel: kernel.10.cloned.1.call-start
scs
__scs_entry_jumppad:
0x0: {  	(pc) =	sbr.rel $0x88, $3  }
0x1: {  	(tag) =	ssettag $0x0;
	lr =	simm.s32 $0x1  }
0x2: {  	[smem:$0x3F98] =	sst lr;
	_ =	strace $0xD0000000  }
0x3: {  	_ = 	snop  }
0x4: {  	_ = 	snop  }
0x5: {  	_ = 	snop  }
0x6: {  	_ = 	snop  }
0x7: {  	_ = 	snop  }
__scs_overlays_trampoline_lowered:
0x8: {  	[smem:$0x3FA7] =	sst s0  }
0x9: {  	[smem:$0x3FA8] =	sst s1  }
0xa: {  	[smem:$0x3FA9] =	sst s2  }
0xb: {  	[smem:$0x3FAA] =	sst s3  }
0xc: {  	[smem:$0x3FAB] =	sst s4  }
0xd: {  	[smem:$0x3FAC] =	sst s5  }
0xe: {  	[smem:$0x3FAD] =	sst s6  }
0xf: {  	[smem:$0x3FAE] =	sst s7  }
0x10: {  	[smem:$0x3FAF] =	sst s8  }
0x11: {  	[smem:$0x3FB0] =	sst s9;
	s0 =	simm.s32 @!p0 $0x0  }
0x12: {  	s1 =	sld [smem:$0x3F96];
	s0 =	simm.s32 @p0 $0x1  }
0x13: {  	[smem:$0x3FB1] =	sst s0;
	s0 =	simm.s32 @!p1 $0x0  }
0x14: {  	s2 =	sld [smem:$0x3F95];
	s0 =	simm.s32 @p1 $0x1  }
0x15: {  	[smem:$0x3FB2] =	sst s0;
	s0 =	simm.s32 @!p2 $0x0  }
0x16: {  	s3 =	sld [smem:$0x3FDB];
	s0 =	simm.s32 @p2 $0x1  }
0x17: {  	s4 =	simm.s32 $0x1BF5;
	[smem:$0x3FB4] =	sst s0  }
0x18: {  	s0 =	sld [smem:$0x3F97];
	_ =	swait.ge [sflag:s4], $0x0  }
0x19: {  	s7 =	sld [smem:$0x3F98]  }
0x1a: {  	s8 =	sadd.s32 $0xFFFFE003, lr  }
0x1b: {  	s9 =	sadd.s32 $0xFFFFFEF7, lr;
	s5 =	simm.s32 $0xFFFFFFFF;
	p2 =	slt.u32 s8, $0xFFFFF086  }
0x1c: {  	p1 =	slt.u32 s9, $0xF7A;
	s5 =	simm.s32 @!p2 $0x0  }
0x1d: {  	s5 =	simm.s32 @p1 $0x1;
	p0 =	seq.s32 s7, s2  }
0x1e: {  	s7 =	smul.u32 @!p0 $0xF7A, s2;
	p2 =	seq.s32 @!p0 s5, $0x0  }
0x1f: {  	s9 =	smul.u32 $0xF7A, s1;
	s8 =	simm.s32 @!p0 $0x1BF5;
	p2 =	por !p2, p0  }
0x20: {  	[sflag:s8] =	ssyncset.s32 @!p0 $0xFFFFF086;
	s6 =	sadd.s32 @!p0 s3, s7;
	s7 =	simm.s32 @!p0 $0x108  }
0x21: {  	s3 =	sadd.s32 s3, s9;
	s6 =	sadd.s32 @!p0 $0x88, s6;
	s7 =	simm.s32 @p2 $0x1082  }
0x22: {  	[simem:s7], [sflag:s8] =	dma.local @!p0 [hbm:s6], $0xF7A  }
0x23: {  	s9 =	sor.u32 $0xD0000000, s2;
	s6 =	simm.s32 $0x108;
	_ =	swait.ge @!p0 [sflag:s8], $0x0  }
0x24: {  	s3 =	sadd.s32 $0x88, s3;
	s6 =	simm.s32 @!p1 $0x1082;
	[sflag:s4] =	ssyncset.s32 $0xFFFFF086  }
0x25: {  	[simem:s6], [sflag:s4] =	dma.local [hbm:s3], $0xF7A  }
0x26: {  	[smem:$0x3F98] =	sst s1;
	(tag) =	ssettag s2;
	_ =	strace s9  }
0x27: {  	s1 =	sld [smem:$0x3FA8]  }
0x28: {  	s2 =	sld [smem:$0x3FA9]  }
0x29: {  	s4 =	sld [smem:$0x3FAB]  }
0x2a: {  	p0 =	seq.s32 s5, $0x0;
	s5 =	sld [smem:$0x3FAC]  }
0x2b: {  	s6 =	sld [smem:$0x3FAD]  }
0x2c: {  	s7 =	sld [smem:$0x3FAE]  }
0x2d: {  	s3 =	simm.s32 $0x108;
	s8 =	sld [smem:$0x3FAF]  }
0x2e: {  	s3 =	simm.s32 @!p0 $0x1082;
	s9 =	sld [smem:$0x3FB0]  }
0x2f: {  	lr =	sadd.s32 s0, s3;
	s0 =	sld [smem:$0x3FA7]  }
0x30: {  	s3 =	sld [smem:$0x3FAA]  }
0x31: {  	[smem:$0x3FB3] =	sst s10  }
0x32: {  	s10 =	sld [smem:$0x3FB1];
	_ =	sdelay $0x3  }
0x33: {  	p0 =	seq.s32 s10, $0x1;
	s10 =	sld [smem:$0x3FB3];
	_ =	sdelay $0x3  }
0x34: {  	[smem:$0x3FB3] =	sst s10  }
0x35: {  	s10 =	sld [smem:$0x3FB2];
	_ =	sdelay $0x3  }
0x36: {  	p1 =	seq.s32 s10, $0x1;
	s10 =	sld [smem:$0x3FB3];
	_ =	sdelay $0x3  }
0x37: {  	[smem:$0x3FB3] =	sst s10  }
0x38: {  	s10 =	sld [smem:$0x3FB4]  }
0x39: {  	_ = 	snop;
	(pc) =	sbr.ind lr, $3  }
0x3a: {  	_ = 	snop  }
0x3b: {  	_ = 	snop  }
0x3c: {  	p2 =	seq.s32 s10, $0x1;
	s10 =	sld [smem:$0x3FB3]  }
0x3d: {  	_ =	shalt  }
0x3e: {  	_ =	shalt  }
0x3f: {  	_ =	shalt  }
0x40: {  	_ =	shalt  }
0x41: {  	_ =	shalt  }
0x42: {  	_ =	shalt  }
0x43: {  	_ =	shalt  }
0x44: {  	_ =	shalt  }
0x45: {  	_ =	shalt  }
0x46: {  	_ =	shalt  }
0x47: {  	_ =	shalt  }
0x48: {  	_ =	shalt  }
0x49: {  	_ =	shalt  }
0x4a: {  	_ =	shalt  }
0x4b: {  	_ =	shalt  }
0x4c: {  	_ =	shalt  }
0x4d: {  	_ =	shalt  }
0x4e: {  	_ =	shalt  }
0x4f: {  	_ =	shalt  }
0x50: {  	_ =	shalt  }
0x51: {  	_ =	shalt  }
0x52: {  	_ =	shalt  }
0x53: {  	_ =	shalt  }
0x54: {  	_ =	shalt  }
0x55: {  	_ =	shalt  }
0x56: {  	_ =	shalt  }
0x57: {  	_ =	shalt  }
0x58: {  	_ =	shalt  }
0x59: {  	_ =	shalt  }
0x5a: {  	_ =	shalt  }
0x5b: {  	_ =	shalt  }
0x5c: {  	_ =	shalt  }
0x5d: {  	_ =	shalt  }
0x5e: {  	_ =	shalt  }
0x5f: {  	_ =	shalt  }
0x60: {  	_ =	shalt  }
0x61: {  	_ =	shalt  }
0x62: {  	_ =	shalt  }
0x63: {  	_ =	shalt  }
0x64: {  	_ =	shalt  }
0x65: {  	_ =	shalt  }
0x66: {  	_ =	shalt  }
0x67: {  	_ =	shalt  }
0x68: {  	_ =	shalt  }
0x69: {  	_ =	shalt  }
0x6a: {  	_ =	shalt  }
0x6b: {  	_ =	shalt  }
0x6c: {  	_ =	shalt  }
0x6d: {  	_ =	shalt  }
0x6e: {  	_ =	shalt  }
0x6f: {  	_ =	shalt  }
0x70: {  	_ =	shalt  }
0x71: {  	_ =	shalt  }
0x72: {  	_ =	shalt  }
0x73: {  	_ =	shalt  }
0x74: {  	_ =	shalt  }
0x75: {  	_ =	shalt  }
0x76: {  	_ =	shalt  }
0x77: {  	_ =	shalt  }
0x78: {  	_ =	shalt  }
0x79: {  	_ =	shalt  }
0x7a: {  	_ =	shalt  }
0x7b: {  	_ =	shalt  }
0x7c: {  	_ =	shalt  }
0x7d: {  	_ =	shalt  }
0x7e: {  	_ =	shalt  }
0x7f: {  	_ =	shalt  }
0x80: {  	_ =	shalt  }
0x81: {  	_ =	shalt  }
0x82: {  	_ =	shalt  }
0x83: {  	_ =	shalt  }
0x84: {  	_ =	shalt  }
0x85: {  	_ =	shalt  }
0x86: {  	_ =	shalt  }
0x87: {  	_ =	shalt  }
.Lfunc_end0:
.L_simem_size_0:
called_computation.1_lowered:
.L_overlay_start_0:
0x88: {  	s2 =	sld [smem:$0x3FD9]  }
0x89: {  	s3 =	sld [smem:$0x3FFE];
	_ =	sdelay $0x1  }
0x8a: {  	s1 =	srdreg.scid  }
0x8b: {  	s0 =	sand.u32 $0x1, s1  }
0x8c: {  	s17 =	sshll.u32 s0, $0xA;
	s2 =	sadd.s32 s3, s2  }
0x8d: {  	s2 =	sadd.s32 s2, s17  }
0x8e: {  	[smem:$0x3FBF] =	sst s2  }
0x8f: {  	_ = 	snop  }
0x90: {  	(tm) =	ssettm $0x1  }
0x91: {  	s18 =	sld [smem:$0x3FFB];
	_ =	sdelay $0x3  }
0x92: {  	_ =	strace s18  }
0x93: {  	s2 =	sld [smem:$0x3FFC];
	_ =	sdelay $0x3  }
0x94: {  	_ =	strace s2  }
0x95: {  	s2 =	sld [smem:$0x3FFD];
	_ =	sdelay $0x3  }
0x96: {  	_ =	strace s2  }
0x97: {  	_ =	strace $0x8FFFFFFF  }
0x98: {  	s19 =	sld [smem:$0x3FDB];
	_ =	sdelay $0x1  }
0x99: {  	s20 =	simm.s32 $_scs_section_size  }
0x9a: {  	s4 =	simm.s32 $_size__tile_overlayer_lowered;
	s5 =	simm.s32 $_tile_overlayer_lowered  }
0x9b: {  	s6 =	simm.s32 $0x1BFF;
	s21 =	sshll.u32 s5, $0x1;
	s3 =	sadd.s32 s20, s19  }
0x9c: {  	s22 =	simm.s32 $0x0;
	s4 =	sshll.u32 s4, $0x1;
	s5 =	sadd.s32 s21, s3  }
0x9d: {  	[timem:s22], [sflag:s6] =	dma.local [hbm:s5], s4  }
0x9e: {  	_ =	swait.ge [sflag:s6], s4  }
0x9f: {  	s4 =	ssub.s32 $0x0, s4;
	[sflag:s6] =	ssyncset.done $0x0  }
0xa0: {  	[sflag:s6] =	ssyncadd.s32 s4;
	_ =	sdelay $0x1  }
0xa1: {  	s23 =	simm.s32 $0x1B8B  }
0xa2: {  	_ =	swait.ge [sflag:s23], $0x1  }
0xa3: {  	[sflag:s23] =	ssyncset.done $0x0  }
0xa4: {  	[sflag:s23] =	ssyncadd.s32 $0xFFFFFFFF  }
0xa5: {  	s4 =	sld [smem:$0x0]  }
0xa6: {  	s5 =	sand.u32 $0xFFFFFFFE, s1  }
0xa7: {  	p0 =	sne.s32 s1, s5  }
0xa8: {  	s5 =	sshll.u32 @p0 s5, $0xE  }
0xa9: {  	s5 =	sadd.s32 @p0 $0x11B8D, s5;
	s6 =	sshll.u32 @p0 s4, $0x11  }
0xaa: {  	s5 =	sor.u32 @p0 s6, s5  }
0xab: {  	[sflag:s5] =	ssyncadd.remote.s32 @p0 $0x1;
	_ =	sdelay $0x1  }
0xac: {  	s5 =	simm.s32 @p0 $0x1B8D  }
0xad: {  	_ =	swait.eq @p0 [sflag:s5], $0x1  }
0xae: {  	[sflag:s5] =	ssyncadd.s32 @p0 $0xFFFFFFFF  }
0xaf: {  	s6 =	sshll.u32 @!p0 s1, $0xE  }
0xb0: {  	s6 =	sor.u32 @!p0 $0x4000, s6;
	s5 =	simm.s32 @!p0 $0x1B8D  }
0xb1: {  	s4 =	sshll.u32 @!p0 s4, $0x11;
	s6 =	sadd.s32 @!p0 $0x11B8D, s6;
	_ =	swait.eq @!p0 [sflag:s5], $0x1  }
0xb2: {  	s4 =	sor.u32 @!p0 s4, s6;
	[sflag:s5] =	ssyncadd.s32 @!p0 $0xFFFFFFFF  }
0xb3: {  	s25 =	simm.s32 $0x1B8E;
	s24 =	sld [smem:$0x3FFE];
	[sflag:s4] =	ssyncadd.remote.s32 @!p0 $0x1  }
0xb4: {  	s26 =	simm.s32 $execute0_lowered;
	[smem:$0x3FD2] =	sst s25  }
0xb5: {  	s5 =	sshll.u32 s26, $0x1;
	_ =	strace $0x8000004C;
	[dreg:$0x1] =	wrdreg $0xFFFFFFFF  }
0xb6: {  	s28 =	simm.s32 $_size_execute0_lowered;
	s3 =	sadd.s32 s3, s5;
	[dreg:$0x0] =	wrdreg $0x0  }
0xb7: {  	s5 =	sshll.u32 s28, $0x1;
	[dreg:$0x2] =	wrdreg s3  }
0xb8: {  	[dreg:$0x3] =	wrdreg s5  }
0xb9: {  	[dreg:$0x4] =	wrdreg $0xC0  }
0xba: {  	_ =	task [dreg:s22], $0x5FFFF  }
0xbb: {  	[dreg:$0x1] =	wrdreg $0xFFFFFFFF  }
0xbc: {  	[dreg:$0x0] =	wrdreg $0x60  }
0xbd: {  	[dreg:$0x2] =	wrdreg s24  }
0xbe: {  	[dreg:$0x3] =	wrdreg $0x9  }
0xbf: {  	_ =	task.clear_ibuf [dreg:s22], $0x4FFFF;
	_ =	strace $0x9000004C  }
0xc0: {  	s29 =	simm.s32 $0x9;
	_ =	strace $0x8000004E  }
0xc1: {  	_ =	swait.ge [sflag:s29], $0x1  }
0xc2: {  	[sflag:s29] =	ssyncadd.s32 $0xFFFFFFFF  }
0xc3: {  	_ =	strace $0x9000004E  }
0xc4: {  	_ =	sfence  }
0xc5: {  	s30 =	sld [smem:$0x0];
	_ =	sdelay $0x2  }
0xc6: {  	s31 =	sshll.u32 s1, $0xD;
	s1 =	sshrl.u32 s1, $0x2  }
0xc7: {  	s4 =	sand.u32 $0x4000, s31;
	s1 =	sadd.s32 s1, s30  }
0xc8: {  	s0 =	sor.u32 s4, s0;
	s1 =	sshll.u32 s1, $0x11  }
0xc9: {  	s0 =	sor.u32 s1, s0  }
0xca: {  	s0 =	sadd.s32 $0x8F2B, s0  }
0xcb: {  	[sflag:s0] =	ssyncadd.remote.s32 $0x1  }
0xcc: {  	_ =	sfence.sel $0xFFFF  }
0xcd: {  	[dreg:$0x0] =	wrdreg $0xFFFFFFFF;
	(pc) =	sbr.abs _section_cstart, $3  }
0xce: {  	[dreg:$0x1] =	wrdreg $0xFFFFFFFF  }
0xcf: {  	_ =	task.clear_ibuf [dreg:s22], $0x2FFFF;
	_ =	strace $0x9FFFFFFF  }
0xd0: {  	(tm) =	ssettm $0x7FFFFFFF  }
0xd1: {  	_ =	shalt  }
tec
execute0_lowered:
.L_overlay_start_1:
0x0: {  	(tag) =	ssettag $0x1  }
0x1: {  	s4 =	rddreg [dreg:$0x0]  }
0x2: {  	s0 =	rddreg [dreg:$0x1]  }
0x3: {  	s2 =	simm.s32 $0x0;
	s3 =	srdreg.scid;
	s1 =	stileid.u32  }
0x4: {  	s9 =	simm.s32 $0x1A00;
	s10 =	simm.s32 $0x2200;
	s11 =	simm.s32 $0x2A00  }
0x5: {  	s12 =	simm.s32 $0x3200;
	s13 =	simm.s32 $0x1;
	s14 =	simm.s32 $0x0  }
0x6: {  	s3 =	sand.u32 $0x1, s3;
	s5 =	sshll.u32 s1, $0x1;
	s6 =	smul.u32 $0x34000, s1  }
0x7: {  	[smem:$0x7FF] =	sst s2;
	s5 =	sor.u32 s3, s5;
	s7 =	smul.u32 $0x1A000, s3  }
0x8: {  	_ =	strace $0x8000004D;
	s8 =	ssub.s32 $0x2, s3;
	s5 =	smul.u32 $0x340, s5  }
0x9: {  	s3 =	sadd.s32 $0x2400, s4;
	s31 =	sshrl.u32 s8, $0x1;
	s6 =	sadd.s32 s7, s6  }
0xa: {  	s7 =	ssub.s32 s8, s31;
	s5 =	sadd.s32 s5, s4;
	s6 =	sshrl.u32 s6, $0x3  }
0xb: {  	s8 =	simm.s32 $0x80;
	s6 =	sadd.s32 s6, s4;
	s4 =	sadd.s32 $0x4F7E00, s5  }
0xc: {  	s5 =	smax.u32 s7, $0x1;
	s7 =	simm.s32 $0x2;
	s6 =	sadd.s32 $0x576600, s6  }
.LBB2_1:
0xd: {  	[tilespmem:s2], [sflag:$0x2] =	stream.linear.gather [hbm4b:s4+s2], $0x1A00, $0x38;
	[tilespmem:$0x3A00] =	vst v63  }
0xe: {  	_ =	swait.ge [sflag:s7], $0x1A00  }
0xf: {  	[sflag:s7] =	ssyncset.done $0x0  }
0x10: {  	s15 =	simm.s32 $0x0;
	[sflag:s7] =	ssyncadd.s32 $0xFFFFE600  }
0x11: {  	[tilespmem:s9], [sflag:$0x1] =	stream.indirect.gather [hbm4b:s3+s8], $0x10, s15, s8, $0xb8;
	[tilespmem:$0x3A00] =	vst v63  }
0x12: {  	s28 =	simm.s32 $0x80  }
0x13: {  	[tilespmem:s10], [sflag:$0x1] =	stream.indirect.gather [hbm4b:s3+s8], $0x10, s28, s8, $0xb8;
	[tilespmem:$0x3A00] =	vst v63  }
0x14: {  	s29 =	simm.s32 $0x100  }
0x15: {  	[tilespmem:s11], [sflag:$0x1] =	stream.indirect.gather [hbm4b:s3+s8], $0x10, s29, s8, $0xb8;
	[tilespmem:$0x3A00] =	vst v63  }
0x16: {  	s30 =	simm.s32 $0x180  }
0x17: {  	[tilespmem:s12], [sflag:$0x1] =	stream.indirect.gather [hbm4b:s3+s8], $0x10, s30, s8, $0xb8;
	[tilespmem:$0x3A00] =	vst v63  }
0x18: {  	_ =	swait.ge [sflag:s13], $0x800  }
0x19: {  	[sflag:s13] =	ssyncset.done $0x0  }
0x1a: {  	[sflag:s13] =	ssyncadd.s32 $0xFFFFF800  }
0x1b: {  	_ =	swait.ge [sflag:s13], $0x800  }
0x1c: {  	[sflag:s13] =	ssyncset.done $0x0  }
0x1d: {  	[sflag:s13] =	ssyncadd.s32 $0xFFFFF800  }
0x1e: {  	_ =	swait.ge [sflag:s13], $0x800  }
0x1f: {  	[sflag:s13] =	ssyncset.done $0x0  }
0x20: {  	[sflag:s13] =	ssyncadd.s32 $0xFFFFF800  }
0x21: {  	_ =	swait.ge [sflag:s13], $0x800  }
0x22: {  	[sflag:s13] =	ssyncset.done $0x0  }
0x23: {  	s31 =	sadd.s32 $0x0, s6;
	[sflag:s13] =	ssyncadd.s32 $0xFFFFF800  }
0x24: {  	[hbm4b:s31+s2] =	stream.linear.scatter [tilespmem:s9], [sflag:$0x2], $0x2000, $0x38;
	[tilespmem:$0x3A00] =	vst v63  }
0x25: {  	s17 =	simm.s32 $0x800;
	_ =	swait.ge [sflag:s7], $0x2000  }
0x26: {  	s16 =	simm.s32 $0x380;
	s15 =	simm.s32 $0x400;
	[sflag:s7] =	ssyncset.done $0x0  }
.LBB2_2:
0x27: {  	p0 =	sne.s32 s17, $0x3000;
	s18 =	sadd.s32 $0xFFFFFE80, s16;
	[sflag:s7] =	ssyncadd.s32 $0xFFFFE000  }
0x28: {  	[tilespmem:s9], [sflag:$0x1] =	stream.indirect.gather [hbm4b:s3+s8], $0x10, s18, s8, $0xb8;
	[tilespmem:$0x3A00] =	vst v63  }
0x29: {  	s19 =	smov.u32 s17;
	s17 =	sadd.s32 $0x400, s17;
	s18 =	sadd.s32 $0xFFFFFF00, s16  }
0x2a: {  	[tilespmem:s10], [sflag:$0x1] =	stream.indirect.gather [hbm4b:s3+s8], $0x10, s18, s8, $0xb8;
	[tilespmem:$0x3A00] =	vst v63  }
0x2b: {  	s18 =	sadd.s32 $0xFFFFFF80, s16  }
0x2c: {  	[tilespmem:s11], [sflag:$0x1] =	stream.indirect.gather [hbm4b:s3+s8], $0x10, s18, s8, $0xb8;
	[tilespmem:$0x3A00] =	vst v63  }
0x2d: {  	_ = 	snop  }
0x2e: {  	[tilespmem:s12], [sflag:$0x1] =	stream.indirect.gather [hbm4b:s3+s8], $0x10, s16, s8, $0xb8;
	[tilespmem:$0x3A00] =	vst v63  }
0x2f: {  	_ =	swait.ge [sflag:s13], $0x800  }
0x30: {  	[sflag:s13] =	ssyncset.done $0x0  }
0x31: {  	[sflag:s13] =	ssyncadd.s32 $0xFFFFF800  }
0x32: {  	_ =	swait.ge [sflag:s13], $0x800  }
0x33: {  	[sflag:s13] =	ssyncset.done $0x0  }
0x34: {  	[sflag:s13] =	ssyncadd.s32 $0xFFFFF800  }
0x35: {  	_ =	swait.ge [sflag:s13], $0x800  }
0x36: {  	[sflag:s13] =	ssyncset.done $0x0  }
0x37: {  	[sflag:s13] =	ssyncadd.s32 $0xFFFFF800  }
0x38: {  	_ =	swait.ge [sflag:s13], $0x800  }
.Ltmp0:
0x39: {  	[sflag:s13] =	ssyncset.done $0x0;
	(pc) =	sbr.rel @p0 .LBB2_2-.Ltmp0, $4  }
0x3a: {  	s18 =	sadd.s32 s15, s6;
	s15 =	smov.u32 s19;
	[sflag:s13] =	ssyncadd.s32 $0xFFFFF800  }
0x3b: {  	[hbm4b:s18+s2] =	stream.linear.scatter [tilespmem:s9], [sflag:$0x2], $0x2000, $0x38;
	[tilespmem:$0x3A00] =	vst v63  }
0x3c: {  	_ =	swait.ge [sflag:s7], $0x2000  }
0x3d: {  	s16 =	sadd.s32 $0x200, s16;
	[sflag:s7] =	ssyncset.done $0x0  }
0x3e: {  	s17 =	sadd.s32 $0xFFFFFE80, s16;
	[sflag:s7] =	ssyncadd.s32 $0xFFFFE000  }
0x3f: {  	[tilespmem:s9], [sflag:$0x1] =	stream.indirect.gather [hbm4b:s3+s8], $0x10, s17, s8, $0xb8;
	[tilespmem:$0x3A00] =	vst v63  }
0x40: {  	s30 =	sadd.s32 $0xFFFFFF00, s16  }
0x41: {  	[tilespmem:s10], [sflag:$0x1] =	stream.indirect.gather [hbm4b:s3+s8], $0x10, s30, s8, $0xb8;
	[tilespmem:$0x3A00] =	vst v63  }
0x42: {  	s31 =	sadd.s32 $0xFFFFFF80, s16  }
0x43: {  	[tilespmem:s11], [sflag:$0x1] =	stream.indirect.gather [hbm4b:s3+s8], $0x10, s31, s8, $0xb8;
	[tilespmem:$0x3A00] =	vst v63  }
0x44: {  	_ = 	snop  }
0x45: {  	[tilespmem:s12], [sflag:$0x1] =	stream.indirect.gather [hbm4b:s3+s8], $0x10, s16, s8, $0xb8;
	[tilespmem:$0x3A00] =	vst v63  }
0x46: {  	_ =	swait.ge [sflag:s13], $0x800  }
0x47: {  	[sflag:s13] =	ssyncset.done $0x0  }
0x48: {  	[sflag:s13] =	ssyncadd.s32 $0xFFFFF800  }
0x49: {  	_ =	swait.ge [sflag:s13], $0x800  }
0x4a: {  	[sflag:s13] =	ssyncset.done $0x0  }
0x4b: {  	[sflag:s13] =	ssyncadd.s32 $0xFFFFF800  }
0x4c: {  	_ =	swait.ge [sflag:s13], $0x800  }
0x4d: {  	[sflag:s13] =	ssyncset.done $0x0  }
0x4e: {  	[sflag:s13] =	ssyncadd.s32 $0xFFFFF800  }
0x4f: {  	s14 =	sadd.s32 $0x1, s14;
	_ =	swait.ge [sflag:s13], $0x800  }
0x50: {  	p0 =	sne.s32 s14, s5;
	[sflag:s13] =	ssyncset.done $0x0  }
.Ltmp1:
0x51: {  	s15 =	sadd.s32 s15, s6;
	[sflag:s13] =	ssyncadd.s32 $0xFFFFF800;
	(pc) =	sbr.rel @p0 .LBB2_1-.Ltmp1, $4  }
0x52: {  	[hbm4b:s15+s2] =	stream.linear.scatter [tilespmem:s9], [sflag:$0x2], $0x2000, $0x38;
	[tilespmem:$0x3A00] =	vst v63  }
0x53: {  	_ =	swait.ge [sflag:s7], $0x2000  }
0x54: {  	[sflag:s7] =	ssyncset.done $0x0  }
0x55: {  	[sflag:s7] =	ssyncadd.s32 $0xFFFFE000  }
0x56: {  	_ =	sfence.sel $0x180000  }
0x57: {  	[bflag:$0x0] =	sbarrier.arrive $0xFFFF  }
0x58: {  	p0 =	sne.s32 s1, $0x0;
	_ =	strace $0x9000004D  }
0x59: {  	s0 =	sadd.s32 @!p0 $0x100000, s0;
	[bflag:$0x2] =	sbarrier.arrive $0xFFFF  }
0x5a: {  	[sflag:s0] =	ssyncadd.tile.s32 @!p0 $0x1;
	_ =	shalt  }
.Lfunc_end2:
_tile_overlayer_lowered:
.L_overlay_start_2:
0x5b: {  	(tag) =	ssettag $0x2  }
0x5c: {  	s0 =	rddreg [dreg:$0x0];
	s2 =	stileid.u32  }
0x5d: {  	s1 =	rddreg [dreg:$0x1];
	p0 =	sne.s32 s2, $0x0  }
0x5e: {  	s3 =	rddreg [dreg:$0x2];
	[bflag:$0x3] =	sbarrier.arrive $0xFFFF;
	s2 =	simm.s32 @!p0 $0x1C02  }
0x5f: {  	[timem:s3], [sflag:s2] =	dma.local @!p0 [hbm:s0], s1  }
0x60: {  	s0 =	simm.s32 @!p0 $0x2  }
0x61: {  	_ =	swait.ge @!p0 [sflag:s0], s1  }
0x62: {  	s1 =	ssub.s32 @!p0 $0x0, s1;
	[sflag:s0] =	ssyncset.done @!p0 $0x0  }
0x63: {  	[sflag:s0] =	ssyncadd.s32 @!p0 s1  }
0x64: {  	[bflag:$0x3] =	sbarrier.arrive $0xFFFF  }
0x65: {  	_ =	shalt  }

// kernel: kernel.13.cloned.1.call-start
scs
__scs_entry_jumppad:
0x0: {  	(pc) =	sbr.rel $0x88, $3  }
0x1: {  	(tag) =	ssettag $0x0;
	lr =	simm.s32 $0x1  }
0x2: {  	[smem:$0x3F98] =	sst lr;
	_ =	strace $0xD0000000  }
0x3: {  	_ = 	snop  }
0x4: {  	_ = 	snop  }
0x5: {  	_ = 	snop  }
0x6: {  	_ = 	snop  }
0x7: {  	_ = 	snop  }
__scs_overlays_trampoline_lowered:
0x8: {  	[smem:$0x3FA7] =	sst s0  }
0x9: {  	[smem:$0x3FA8] =	sst s1  }
0xa: {  	[smem:$0x3FA9] =	sst s2  }
0xb: {  	[smem:$0x3FAA] =	sst s3  }
0xc: {  	[smem:$0x3FAB] =	sst s4  }
0xd: {  	[smem:$0x3FAC] =	sst s5  }
0xe: {  	[smem:$0x3FAD] =	sst s6  }
0xf: {  	[smem:$0x3FAE] =	sst s7  }
0x10: {  	[smem:$0x3FAF] =	sst s8  }
0x11: {  	[smem:$0x3FB0] =	sst s9;
	s0 =	simm.s32 @!p0 $0x0  }
0x12: {  	s1 =	sld [smem:$0x3F96];
	s0 =	simm.s32 @p0 $0x1  }
0x13: {  	[smem:$0x3FB1] =	sst s0;
	s0 =	simm.s32 @!p1 $0x0  }
0x14: {  	s2 =	sld [smem:$0x3F95];
	s0 =	simm.s32 @p1 $0x1  }
0x15: {  	[smem:$0x3FB2] =	sst s0;
	s0 =	simm.s32 @!p2 $0x0  }
0x16: {  	s3 =	sld [smem:$0x3FDB];
	s0 =	simm.s32 @p2 $0x1  }
0x17: {  	s4 =	simm.s32 $0x1BF5;
	[smem:$0x3FB4] =	sst s0  }
0x18: {  	s0 =	sld [smem:$0x3F97];
	_ =	swait.ge [sflag:s4], $0x0  }
0x19: {  	s7 =	sld [smem:$0x3F98]  }
0x1a: {  	s8 =	sadd.s32 $0xFFFFE003, lr  }
0x1b: {  	s9 =	sadd.s32 $0xFFFFFEF7, lr;
	s5 =	simm.s32 $0xFFFFFFFF;
	p2 =	slt.u32 s8, $0xFFFFF086  }
0x1c: {  	p1 =	slt.u32 s9, $0xF7A;
	s5 =	simm.s32 @!p2 $0x0  }
0x1d: {  	s5 =	simm.s32 @p1 $0x1;
	p0 =	seq.s32 s7, s2  }
0x1e: {  	s7 =	smul.u32 @!p0 $0xF7A, s2;
	p2 =	seq.s32 @!p0 s5, $0x0  }
0x1f: {  	s9 =	smul.u32 $0xF7A, s1;
	s8 =	simm.s32 @!p0 $0x1BF5;
	p2 =	por !p2, p0  }
0x20: {  	[sflag:s8] =	ssyncset.s32 @!p0 $0xFFFFF086;
	s6 =	sadd.s32 @!p0 s3, s7;
	s7 =	simm.s32 @!p0 $0x108  }
0x21: {  	s3 =	sadd.s32 s3, s9;
	s6 =	sadd.s32 @!p0 $0x88, s6;
	s7 =	simm.s32 @p2 $0x1082  }
0x22: {  	[simem:s7], [sflag:s8] =	dma.local @!p0 [hbm:s6], $0xF7A  }
0x23: {  	s9 =	sor.u32 $0xD0000000, s2;
	s6 =	simm.s32 $0x108;
	_ =	swait.ge @!p0 [sflag:s8], $0x0  }
0x24: {  	s3 =	sadd.s32 $0x88, s3;
	s6 =	simm.s32 @!p1 $0x1082;
	[sflag:s4] =	ssyncset.s32 $0xFFFFF086  }
0x25: {  	[simem:s6], [sflag:s4] =	dma.local [hbm:s3], $0xF7A  }
0x26: {  	[smem:$0x3F98] =	sst s1;
	(tag) =	ssettag s2;
	_ =	strace s9  }
0x27: {  	s1 =	sld [smem:$0x3FA8]  }
0x28: {  	s2 =	sld [smem:$0x3FA9]  }
0x29: {  	s4 =	sld [smem:$0x3FAB]  }
0x2a: {  	p0 =	seq.s32 s5, $0x0;
	s5 =	sld [smem:$0x3FAC]  }
0x2b: {  	s6 =	sld [smem:$0x3FAD]  }
0x2c: {  	s7 =	sld [smem:$0x3FAE]  }
0x2d: {  	s3 =	simm.s32 $0x108;
	s8 =	sld [smem:$0x3FAF]  }
0x2e: {  	s3 =	simm.s32 @!p0 $0x1082;
	s9 =	sld [smem:$0x3FB0]  }
0x2f: {  	lr =	sadd.s32 s0, s3;
	s0 =	sld [smem:$0x3FA7]  }
0x30: {  	s3 =	sld [smem:$0x3FAA]  }
0x31: {  	[smem:$0x3FB3] =	sst s10  }
0x32: {  	s10 =	sld [smem:$0x3FB1];
	_ =	sdelay $0x3  }
0x33: {  	p0 =	seq.s32 s10, $0x1;
	s10 =	sld [smem:$0x3FB3];
	_ =	sdelay $0x3  }
0x34: {  	[smem:$0x3FB3] =	sst s10  }
0x35: {  	s10 =	sld [smem:$0x3FB2];
	_ =	sdelay $0x3  }
0x36: {  	p1 =	seq.s32 s10, $0x1;
	s10 =	sld [smem:$0x3FB3];
	_ =	sdelay $0x3  }
0x37: {  	[smem:$0x3FB3] =	sst s10  }
0x38: {  	s10 =	sld [smem:$0x3FB4]  }
0x39: {  	_ = 	snop;
	(pc) =	sbr.ind lr, $3  }
0x3a: {  	_ = 	snop  }
0x3b: {  	_ = 	snop  }
0x3c: {  	p2 =	seq.s32 s10, $0x1;
	s10 =	sld [smem:$0x3FB3]  }
0x3d: {  	_ =	shalt  }
0x3e: {  	_ =	shalt  }
0x3f: {  	_ =	shalt  }
0x40: {  	_ =	shalt  }
0x41: {  	_ =	shalt  }
0x42: {  	_ =	shalt  }
0x43: {  	_ =	shalt  }
0x44: {  	_ =	shalt  }
0x45: {  	_ =	shalt  }
0x46: {  	_ =	shalt  }
0x47: {  	_ =	shalt  }
0x48: {  	_ =	shalt  }
0x49: {  	_ =	shalt  }
0x4a: {  	_ =	shalt  }
0x4b: {  	_ =	shalt  }
0x4c: {  	_ =	shalt  }
0x4d: {  	_ =	shalt  }
0x4e: {  	_ =	shalt  }
0x4f: {  	_ =	shalt  }
0x50: {  	_ =	shalt  }
0x51: {  	_ =	shalt  }
0x52: {  	_ =	shalt  }
0x53: {  	_ =	shalt  }
0x54: {  	_ =	shalt  }
0x55: {  	_ =	shalt  }
0x56: {  	_ =	shalt  }
0x57: {  	_ =	shalt  }
0x58: {  	_ =	shalt  }
0x59: {  	_ =	shalt  }
0x5a: {  	_ =	shalt  }
0x5b: {  	_ =	shalt  }
0x5c: {  	_ =	shalt  }
0x5d: {  	_ =	shalt  }
0x5e: {  	_ =	shalt  }
0x5f: {  	_ =	shalt  }
0x60: {  	_ =	shalt  }
0x61: {  	_ =	shalt  }
0x62: {  	_ =	shalt  }
0x63: {  	_ =	shalt  }
0x64: {  	_ =	shalt  }
0x65: {  	_ =	shalt  }
0x66: {  	_ =	shalt  }
0x67: {  	_ =	shalt  }
0x68: {  	_ =	shalt  }
0x69: {  	_ =	shalt  }
0x6a: {  	_ =	shalt  }
0x6b: {  	_ =	shalt  }
0x6c: {  	_ =	shalt  }
0x6d: {  	_ =	shalt  }
0x6e: {  	_ =	shalt  }
0x6f: {  	_ =	shalt  }
0x70: {  	_ =	shalt  }
0x71: {  	_ =	shalt  }
0x72: {  	_ =	shalt  }
0x73: {  	_ =	shalt  }
0x74: {  	_ =	shalt  }
0x75: {  	_ =	shalt  }
0x76: {  	_ =	shalt  }
0x77: {  	_ =	shalt  }
0x78: {  	_ =	shalt  }
0x79: {  	_ =	shalt  }
0x7a: {  	_ =	shalt  }
0x7b: {  	_ =	shalt  }
0x7c: {  	_ =	shalt  }
0x7d: {  	_ =	shalt  }
0x7e: {  	_ =	shalt  }
0x7f: {  	_ =	shalt  }
0x80: {  	_ =	shalt  }
0x81: {  	_ =	shalt  }
0x82: {  	_ =	shalt  }
0x83: {  	_ =	shalt  }
0x84: {  	_ =	shalt  }
0x85: {  	_ =	shalt  }
0x86: {  	_ =	shalt  }
0x87: {  	_ =	shalt  }
.Lfunc_end0:
.L_simem_size_0:
called_computation.2_lowered:
.L_overlay_start_0:
0x88: {  	s2 =	sld [smem:$0x3FD9]  }
0x89: {  	s3 =	sld [smem:$0x3FFE];
	_ =	sdelay $0x1  }
0x8a: {  	s1 =	srdreg.scid  }
0x8b: {  	s0 =	sand.u32 $0x1, s1  }
0x8c: {  	s16 =	sshll.u32 s0, $0xA;
	s2 =	sadd.s32 s3, s2  }
0x8d: {  	s2 =	sadd.s32 s2, s16  }
0x8e: {  	[smem:$0x3FBF] =	sst s2  }
0x8f: {  	_ = 	snop  }
0x90: {  	(tm) =	ssettm $0x1  }
0x91: {  	s17 =	sld [smem:$0x3FFB];
	_ =	sdelay $0x3  }
0x92: {  	_ =	strace s17  }
0x93: {  	s2 =	sld [smem:$0x3FFC];
	_ =	sdelay $0x3  }
0x94: {  	_ =	strace s2  }
0x95: {  	s2 =	sld [smem:$0x3FFD];
	_ =	sdelay $0x3  }
0x96: {  	_ =	strace s2  }
0x97: {  	_ =	strace $0x8FFFFFFF  }
0x98: {  	s18 =	sld [smem:$0x3FDB];
	_ =	sdelay $0x1  }
0x99: {  	s19 =	simm.s32 $_scs_section_size  }
0x9a: {  	s4 =	simm.s32 $_size__tile_overlayer_lowered;
	s5 =	simm.s32 $_tile_overlayer_lowered  }
0x9b: {  	s22 =	simm.s32 $0x1BFF;
	s21 =	sshll.u32 s5, $0x1;
	s2 =	sadd.s32 s19, s18  }
0x9c: {  	s6 =	simm.s32 $0x0;
	s20 =	sshll.u32 s4, $0x1;
	s4 =	sadd.s32 s21, s2  }
0x9d: {  	[timem:s6], [sflag:s22] =	dma.local [hbm:s4], s20  }
0x9e: {  	_ =	swait.ge [sflag:s22], s20  }
0x9f: {  	s3 =	ssub.s32 $0x0, s20;
	[sflag:s22] =	ssyncset.done $0x0  }
0xa0: {  	[sflag:s22] =	ssyncadd.s32 s3;
	_ =	sdelay $0x1  }
0xa1: {  	s23 =	simm.s32 $0x1B8B  }
0xa2: {  	_ =	swait.ge [sflag:s23], $0x1  }
0xa3: {  	[sflag:s23] =	ssyncset.done $0x0  }
0xa4: {  	s25 =	simm.s32 $0x1B8E;
	s24 =	sld [smem:$0x3FFE];
	[sflag:s23] =	ssyncadd.s32 $0xFFFFFFFF  }
0xa5: {  	s26 =	simm.s32 $execute0_lowered;
	[smem:$0x3FD2] =	sst s25  }
0xa6: {  	s4 =	sshll.u32 s26, $0x1;
	_ =	strace $0x80000049;
	[dreg:$0x1] =	wrdreg $0xFFFFFFFF  }
0xa7: {  	s28 =	simm.s32 $_size_execute0_lowered;
	s2 =	sadd.s32 s2, s4;
	[dreg:$0x0] =	wrdreg $0x0  }
0xa8: {  	s4 =	sshll.u32 s28, $0x1;
	[dreg:$0x2] =	wrdreg s2  }
0xa9: {  	[dreg:$0x3] =	wrdreg s4  }
0xaa: {  	[dreg:$0x4] =	wrdreg $0xC0  }
0xab: {  	_ =	task [dreg:s6], $0x5FFFF  }
0xac: {  	[dreg:$0x1] =	wrdreg $0xFFFFFFFF  }
0xad: {  	[dreg:$0x0] =	wrdreg $0x60  }
0xae: {  	[dreg:$0x2] =	wrdreg s24  }
0xaf: {  	[dreg:$0x3] =	wrdreg $0xA  }
0xb0: {  	_ =	task.clear_ibuf [dreg:s6], $0x4FFFF;
	_ =	strace $0x90000049  }
0xb1: {  	s29 =	simm.s32 $0xA;
	_ =	strace $0x8000004B  }
0xb2: {  	_ =	swait.ge [sflag:s29], $0x1  }
0xb3: {  	[sflag:s29] =	ssyncadd.s32 $0xFFFFFFFF  }
0xb4: {  	_ =	strace $0x9000004B  }
0xb5: {  	_ =	sfence  }
0xb6: {  	s30 =	sld [smem:$0x0];
	_ =	sdelay $0x2  }
0xb7: {  	s31 =	sshll.u32 s1, $0xD;
	s1 =	sshrl.u32 s1, $0x2  }
0xb8: {  	s3 =	sand.u32 $0x4000, s31;
	s1 =	sadd.s32 s1, s30  }
0xb9: {  	s0 =	sor.u32 s3, s0;
	s1 =	sshll.u32 s1, $0x11  }
0xba: {  	s0 =	sor.u32 s1, s0  }
0xbb: {  	s0 =	sadd.s32 $0x8F2B, s0  }
0xbc: {  	[sflag:s0] =	ssyncadd.remote.s32 $0x1  }
0xbd: {  	_ =	sfence.sel $0xFFFF  }
0xbe: {  	[dreg:$0x0] =	wrdreg $0xFFFFFFFF;
	(pc) =	sbr.abs _section_cstart, $3  }
0xbf: {  	[dreg:$0x1] =	wrdreg $0xFFFFFFFF  }
0xc0: {  	_ =	task.clear_ibuf [dreg:s6], $0x2FFFF;
	_ =	strace $0x9FFFFFFF  }
0xc1: {  	(tm) =	ssettm $0x7FFFFFFF  }
tec
execute0_lowered:
.L_overlay_start_1:
0x0: {  	(tag) =	ssettag $0x1  }
0x1: {  	s4 =	rddreg [dreg:$0x0]  }
0x2: {  	s0 =	rddreg [dreg:$0x1]  }
0x3: {  	s2 =	simm.s32 $0x0;
	s3 =	srdreg.scid;
	s1 =	stileid.u32  }
0x4: {  	s9 =	simm.s32 $0x1A00;
	s10 =	simm.s32 $0x2200;
	s11 =	simm.s32 $0x2A00  }
0x5: {  	s12 =	simm.s32 $0x3200;
	s13 =	simm.s32 $0x1;
	s14 =	simm.s32 $0x0  }
0x6: {  	s3 =	sand.u32 $0x1, s3;
	s5 =	sshll.u32 s1, $0x1;
	s6 =	smul.u32 $0x34000, s1  }
0x7: {  	[smem:$0x7FF] =	sst s2;
	s5 =	sor.u32 s3, s5;
	s7 =	smul.u32 $0x1A000, s3  }
0x8: {  	_ =	strace $0x8000004A;
	s8 =	ssub.s32 $0x2, s3;
	s5 =	smul.u32 $0x340, s5  }
0x9: {  	s3 =	sadd.s32 $0x2400, s4;
	s31 =	sshrl.u32 s8, $0x1;
	s6 =	sadd.s32 s7, s6  }
0xa: {  	s7 =	ssub.s32 s8, s31;
	s5 =	sadd.s32 s5, s4;
	s6 =	sshrl.u32 s6, $0x3  }
0xb: {  	s8 =	simm.s32 $0x80;
	s6 =	sadd.s32 s6, s4;
	s4 =	sadd.s32 $0x507E00, s5  }
0xc: {  	s5 =	smax.u32 s7, $0x1;
	s7 =	simm.s32 $0x2;
	s6 =	sadd.s32 $0x50E600, s6  }
.LBB2_1:
0xd: {  	[tilespmem:s2], [sflag:$0x2] =	stream.linear.gather [hbm4b:s4+s2], $0x1A00, $0x38;
	[tilespmem:$0x3A00] =	vst v63  }
0xe: {  	_ =	swait.ge [sflag:s7], $0x1A00  }
0xf: {  	[sflag:s7] =	ssyncset.done $0x0  }
0x10: {  	s15 =	simm.s32 $0x0;
	[sflag:s7] =	ssyncadd.s32 $0xFFFFE600  }
0x11: {  	[tilespmem:s9], [sflag:$0x1] =	stream.indirect.gather [hbm4b:s3+s8], $0x10, s15, s8, $0xb8;
	[tilespmem:$0x3A00] =	vst v63  }
0x12: {  	s28 =	simm.s32 $0x80  }
0x13: {  	[tilespmem:s10], [sflag:$0x1] =	stream.indirect.gather [hbm4b:s3+s8], $0x10, s28, s8, $0xb8;
	[tilespmem:$0x3A00] =	vst v63  }
0x14: {  	s29 =	simm.s32 $0x100  }
0x15: {  	[tilespmem:s11], [sflag:$0x1] =	stream.indirect.gather [hbm4b:s3+s8], $0x10, s29, s8, $0xb8;
	[tilespmem:$0x3A00] =	vst v63  }
0x16: {  	s30 =	simm.s32 $0x180  }
0x17: {  	[tilespmem:s12], [sflag:$0x1] =	stream.indirect.gather [hbm4b:s3+s8], $0x10, s30, s8, $0xb8;
	[tilespmem:$0x3A00] =	vst v63  }
0x18: {  	_ =	swait.ge [sflag:s13], $0x800  }
0x19: {  	[sflag:s13] =	ssyncset.done $0x0  }
0x1a: {  	[sflag:s13] =	ssyncadd.s32 $0xFFFFF800  }
0x1b: {  	_ =	swait.ge [sflag:s13], $0x800  }
0x1c: {  	[sflag:s13] =	ssyncset.done $0x0  }
0x1d: {  	[sflag:s13] =	ssyncadd.s32 $0xFFFFF800  }
0x1e: {  	_ =	swait.ge [sflag:s13], $0x800  }
0x1f: {  	[sflag:s13] =	ssyncset.done $0x0  }
0x20: {  	[sflag:s13] =	ssyncadd.s32 $0xFFFFF800  }
0x21: {  	_ =	swait.ge [sflag:s13], $0x800  }
0x22: {  	[sflag:s13] =	ssyncset.done $0x0  }
0x23: {  	s31 =	sadd.s32 $0x0, s6;
	[sflag:s13] =	ssyncadd.s32 $0xFFFFF800  }
0x24: {  	[hbm4b:s31+s2] =	stream.linear.scatter [tilespmem:s9], [sflag:$0x2], $0x2000, $0x38;
	[tilespmem:$0x3A00] =	vst v63  }
0x25: {  	s17 =	simm.s32 $0x800;
	_ =	swait.ge [sflag:s7], $0x2000  }
0x26: {  	s16 =	simm.s32 $0x380;
	s15 =	simm.s32 $0x400;
	[sflag:s7] =	ssyncset.done $0x0  }
.LBB2_2:
0x27: {  	p0 =	sne.s32 s17, $0x3000;
	s18 =	sadd.s32 $0xFFFFFE80, s16;
	[sflag:s7] =	ssyncadd.s32 $0xFFFFE000  }
0x28: {  	[tilespmem:s9], [sflag:$0x1] =	stream.indirect.gather [hbm4b:s3+s8], $0x10, s18, s8, $0xb8;
	[tilespmem:$0x3A00] =	vst v63  }
0x29: {  	s19 =	smov.u32 s17;
	s17 =	sadd.s32 $0x400, s17;
	s18 =	sadd.s32 $0xFFFFFF00, s16  }
0x2a: {  	[tilespmem:s10], [sflag:$0x1] =	stream.indirect.gather [hbm4b:s3+s8], $0x10, s18, s8, $0xb8;
	[tilespmem:$0x3A00] =	vst v63  }
0x2b: {  	s18 =	sadd.s32 $0xFFFFFF80, s16  }
0x2c: {  	[tilespmem:s11], [sflag:$0x1] =	stream.indirect.gather [hbm4b:s3+s8], $0x10, s18, s8, $0xb8;
	[tilespmem:$0x3A00] =	vst v63  }
0x2d: {  	_ = 	snop  }
0x2e: {  	[tilespmem:s12], [sflag:$0x1] =	stream.indirect.gather [hbm4b:s3+s8], $0x10, s16, s8, $0xb8;
	[tilespmem:$0x3A00] =	vst v63  }
0x2f: {  	_ =	swait.ge [sflag:s13], $0x800  }
0x30: {  	[sflag:s13] =	ssyncset.done $0x0  }
0x31: {  	[sflag:s13] =	ssyncadd.s32 $0xFFFFF800  }
0x32: {  	_ =	swait.ge [sflag:s13], $0x800  }
0x33: {  	[sflag:s13] =	ssyncset.done $0x0  }
0x34: {  	[sflag:s13] =	ssyncadd.s32 $0xFFFFF800  }
0x35: {  	_ =	swait.ge [sflag:s13], $0x800  }
0x36: {  	[sflag:s13] =	ssyncset.done $0x0  }
0x37: {  	[sflag:s13] =	ssyncadd.s32 $0xFFFFF800  }
0x38: {  	_ =	swait.ge [sflag:s13], $0x800  }
.Ltmp0:
0x39: {  	[sflag:s13] =	ssyncset.done $0x0;
	(pc) =	sbr.rel @p0 .LBB2_2-.Ltmp0, $4  }
0x3a: {  	s18 =	sadd.s32 s15, s6;
	s15 =	smov.u32 s19;
	[sflag:s13] =	ssyncadd.s32 $0xFFFFF800  }
0x3b: {  	[hbm4b:s18+s2] =	stream.linear.scatter [tilespmem:s9], [sflag:$0x2], $0x2000, $0x38;
	[tilespmem:$0x3A00] =	vst v63  }
0x3c: {  	_ =	swait.ge [sflag:s7], $0x2000  }
0x3d: {  	s16 =	sadd.s32 $0x200, s16;
	[sflag:s7] =	ssyncset.done $0x0  }
0x3e: {  	s17 =	sadd.s32 $0xFFFFFE80, s16;
	[sflag:s7] =	ssyncadd.s32 $0xFFFFE000  }
0x3f: {  	[tilespmem:s9], [sflag:$0x1] =	stream.indirect.gather [hbm4b:s3+s8], $0x10, s17, s8, $0xb8;
	[tilespmem:$0x3A00] =	vst v63  }
0x40: {  	s30 =	sadd.s32 $0xFFFFFF00, s16  }
0x41: {  	[tilespmem:s10], [sflag:$0x1] =	stream.indirect.gather [hbm4b:s3+s8], $0x10, s30, s8, $0xb8;
	[tilespmem:$0x3A00] =	vst v63  }
0x42: {  	s31 =	sadd.s32 $0xFFFFFF80, s16  }
0x43: {  	[tilespmem:s11], [sflag:$0x1] =	stream.indirect.gather [hbm4b:s3+s8], $0x10, s31, s8, $0xb8;
	[tilespmem:$0x3A00] =	vst v63  }
0x44: {  	_ = 	snop  }
0x45: {  	[tilespmem:s12], [sflag:$0x1] =	stream.indirect.gather [hbm4b:s3+s8], $0x10, s16, s8, $0xb8;
	[tilespmem:$0x3A00] =	vst v63  }
0x46: {  	_ =	swait.ge [sflag:s13], $0x800  }
0x47: {  	[sflag:s13] =	ssyncset.done $0x0  }
0x48: {  	[sflag:s13] =	ssyncadd.s32 $0xFFFFF800  }
0x49: {  	_ =	swait.ge [sflag:s13], $0x800  }
0x4a: {  	[sflag:s13] =	ssyncset.done $0x0  }
0x4b: {  	[sflag:s13] =	ssyncadd.s32 $0xFFFFF800  }
0x4c: {  	_ =	swait.ge [sflag:s13], $0x800  }
0x4d: {  	[sflag:s13] =	ssyncset.done $0x0  }
0x4e: {  	[sflag:s13] =	ssyncadd.s32 $0xFFFFF800  }
0x4f: {  	s14 =	sadd.s32 $0x1, s14;
	_ =	swait.ge [sflag:s13], $0x800  }
0x50: {  	p0 =	sne.s32 s14, s5;
	[sflag:s13] =	ssyncset.done $0x0  }
.Ltmp1:
0x51: {  	s15 =	sadd.s32 s15, s6;
	[sflag:s13] =	ssyncadd.s32 $0xFFFFF800;
	(pc) =	sbr.rel @p0 .LBB2_1-.Ltmp1, $4  }
0x52: {  	[hbm4b:s15+s2] =	stream.linear.scatter [tilespmem:s9], [sflag:$0x2], $0x2000, $0x38;
	[tilespmem:$0x3A00] =	vst v63  }
0x53: {  	_ =	swait.ge [sflag:s7], $0x2000  }
0x54: {  	[sflag:s7] =	ssyncset.done $0x0  }
0x55: {  	[sflag:s7] =	ssyncadd.s32 $0xFFFFE000  }
0x56: {  	_ =	sfence.sel $0x180000  }
0x57: {  	[bflag:$0x0] =	sbarrier.arrive $0xFFFF  }
0x58: {  	p0 =	sne.s32 s1, $0x0;
	_ =	strace $0x9000004A  }
0x59: {  	s0 =	sadd.s32 @!p0 $0x100000, s0;
	[bflag:$0x2] =	sbarrier.arrive $0xFFFF  }
0x5a: {  	[sflag:s0] =	ssyncadd.tile.s32 @!p0 $0x1;
	_ =	shalt  }
.Lfunc_end2:
_tile_overlayer_lowered:
.L_overlay_start_2:
0x5b: {  	(tag) =	ssettag $0x2  }
0x5c: {  	s0 =	rddreg [dreg:$0x0];
	s2 =	stileid.u32  }
0x5d: {  	s1 =	rddreg [dreg:$0x1];
	p0 =	sne.s32 s2, $0x0  }
0x5e: {  	s3 =	rddreg [dreg:$0x2];
	[bflag:$0x3] =	sbarrier.arrive $0xFFFF;
	s2 =	simm.s32 @!p0 $0x1C02  }
0x5f: {  	[timem:s3], [sflag:s2] =	dma.local @!p0 [hbm:s0], s1  }
0x60: {  	s0 =	simm.s32 @!p0 $0x2  }
0x61: {  	_ =	swait.ge @!p0 [sflag:s0], s1  }
0x62: {  	s1 =	ssub.s32 @!p0 $0x0, s1;
	[sflag:s0] =	ssyncset.done @!p0 $0x0  }
0x63: {  	[sflag:s0] =	ssyncadd.s32 @!p0 s1  }
0x64: {  	[bflag:$0x3] =	sbarrier.arrive $0xFFFF  }
0x65: {  	_ =	shalt  }

// kernel: kernel.7.cloned.1.call-start
scs
__scs_entry_jumppad:
0x0: {  	(pc) =	sbr.rel $0x88, $3  }
0x1: {  	(tag) =	ssettag $0x0;
	lr =	simm.s32 $0x1  }
0x2: {  	[smem:$0x3F98] =	sst lr;
	_ =	strace $0xD0000000  }
0x3: {  	_ = 	snop  }
0x4: {  	_ = 	snop  }
0x5: {  	_ = 	snop  }
0x6: {  	_ = 	snop  }
0x7: {  	_ = 	snop  }
__scs_overlays_trampoline_lowered:
0x8: {  	[smem:$0x3FA7] =	sst s0  }
0x9: {  	[smem:$0x3FA8] =	sst s1  }
0xa: {  	[smem:$0x3FA9] =	sst s2  }
0xb: {  	[smem:$0x3FAA] =	sst s3  }
0xc: {  	[smem:$0x3FAB] =	sst s4  }
0xd: {  	[smem:$0x3FAC] =	sst s5  }
0xe: {  	[smem:$0x3FAD] =	sst s6  }
0xf: {  	[smem:$0x3FAE] =	sst s7  }
0x10: {  	[smem:$0x3FAF] =	sst s8  }
0x11: {  	[smem:$0x3FB0] =	sst s9;
	s0 =	simm.s32 @!p0 $0x0  }
0x12: {  	s1 =	sld [smem:$0x3F96];
	s0 =	simm.s32 @p0 $0x1  }
0x13: {  	[smem:$0x3FB1] =	sst s0;
	s0 =	simm.s32 @!p1 $0x0  }
0x14: {  	s2 =	sld [smem:$0x3F95];
	s0 =	simm.s32 @p1 $0x1  }
0x15: {  	[smem:$0x3FB2] =	sst s0;
	s0 =	simm.s32 @!p2 $0x0  }
0x16: {  	s3 =	sld [smem:$0x3FDB];
	s0 =	simm.s32 @p2 $0x1  }
0x17: {  	s4 =	simm.s32 $0x1BF5;
	[smem:$0x3FB4] =	sst s0  }
0x18: {  	s0 =	sld [smem:$0x3F97];
	_ =	swait.ge [sflag:s4], $0x0  }
0x19: {  	s7 =	sld [smem:$0x3F98]  }
0x1a: {  	s8 =	sadd.s32 $0xFFFFE003, lr  }
0x1b: {  	s9 =	sadd.s32 $0xFFFFFEF7, lr;
	s5 =	simm.s32 $0xFFFFFFFF;
	p2 =	slt.u32 s8, $0xFFFFF086  }
0x1c: {  	p1 =	slt.u32 s9, $0xF7A;
	s5 =	simm.s32 @!p2 $0x0  }
0x1d: {  	s5 =	simm.s32 @p1 $0x1;
	p0 =	seq.s32 s7, s2  }
0x1e: {  	s7 =	smul.u32 @!p0 $0xF7A, s2;
	p2 =	seq.s32 @!p0 s5, $0x0  }
0x1f: {  	s9 =	smul.u32 $0xF7A, s1;
	s8 =	simm.s32 @!p0 $0x1BF5;
	p2 =	por !p2, p0  }
0x20: {  	[sflag:s8] =	ssyncset.s32 @!p0 $0xFFFFF086;
	s6 =	sadd.s32 @!p0 s3, s7;
	s7 =	simm.s32 @!p0 $0x108  }
0x21: {  	s3 =	sadd.s32 s3, s9;
	s6 =	sadd.s32 @!p0 $0x88, s6;
	s7 =	simm.s32 @p2 $0x1082  }
0x22: {  	[simem:s7], [sflag:s8] =	dma.local @!p0 [hbm:s6], $0xF7A  }
0x23: {  	s9 =	sor.u32 $0xD0000000, s2;
	s6 =	simm.s32 $0x108;
	_ =	swait.ge @!p0 [sflag:s8], $0x0  }
0x24: {  	s3 =	sadd.s32 $0x88, s3;
	s6 =	simm.s32 @!p1 $0x1082;
	[sflag:s4] =	ssyncset.s32 $0xFFFFF086  }
0x25: {  	[simem:s6], [sflag:s4] =	dma.local [hbm:s3], $0xF7A  }
0x26: {  	[smem:$0x3F98] =	sst s1;
	(tag) =	ssettag s2;
	_ =	strace s9  }
0x27: {  	s1 =	sld [smem:$0x3FA8]  }
0x28: {  	s2 =	sld [smem:$0x3FA9]  }
0x29: {  	s4 =	sld [smem:$0x3FAB]  }
0x2a: {  	p0 =	seq.s32 s5, $0x0;
	s5 =	sld [smem:$0x3FAC]  }
0x2b: {  	s6 =	sld [smem:$0x3FAD]  }
0x2c: {  	s7 =	sld [smem:$0x3FAE]  }
0x2d: {  	s3 =	simm.s32 $0x108;
	s8 =	sld [smem:$0x3FAF]  }
0x2e: {  	s3 =	simm.s32 @!p0 $0x1082;
	s9 =	sld [smem:$0x3FB0]  }
0x2f: {  	lr =	sadd.s32 s0, s3;
	s0 =	sld [smem:$0x3FA7]  }
0x30: {  	s3 =	sld [smem:$0x3FAA]  }
0x31: {  	[smem:$0x3FB3] =	sst s10  }
0x32: {  	s10 =	sld [smem:$0x3FB1];
	_ =	sdelay $0x3  }
0x33: {  	p0 =	seq.s32 s10, $0x1;
	s10 =	sld [smem:$0x3FB3];
	_ =	sdelay $0x3  }
0x34: {  	[smem:$0x3FB3] =	sst s10  }
0x35: {  	s10 =	sld [smem:$0x3FB2];
	_ =	sdelay $0x3  }
0x36: {  	p1 =	seq.s32 s10, $0x1;
	s10 =	sld [smem:$0x3FB3];
	_ =	sdelay $0x3  }
0x37: {  	[smem:$0x3FB3] =	sst s10  }
0x38: {  	s10 =	sld [smem:$0x3FB4]  }
0x39: {  	_ = 	snop;
	(pc) =	sbr.ind lr, $3  }
0x3a: {  	_ = 	snop  }
0x3b: {  	_ = 	snop  }
0x3c: {  	p2 =	seq.s32 s10, $0x1;
	s10 =	sld [smem:$0x3FB3]  }
0x3d: {  	_ =	shalt  }
0x3e: {  	_ =	shalt  }
0x3f: {  	_ =	shalt  }
0x40: {  	_ =	shalt  }
0x41: {  	_ =	shalt  }
0x42: {  	_ =	shalt  }
0x43: {  	_ =	shalt  }
0x44: {  	_ =	shalt  }
0x45: {  	_ =	shalt  }
0x46: {  	_ =	shalt  }
0x47: {  	_ =	shalt  }
0x48: {  	_ =	shalt  }
0x49: {  	_ =	shalt  }
0x4a: {  	_ =	shalt  }
0x4b: {  	_ =	shalt  }
0x4c: {  	_ =	shalt  }
0x4d: {  	_ =	shalt  }
0x4e: {  	_ =	shalt  }
0x4f: {  	_ =	shalt  }
0x50: {  	_ =	shalt  }
0x51: {  	_ =	shalt  }
0x52: {  	_ =	shalt  }
0x53: {  	_ =	shalt  }
0x54: {  	_ =	shalt  }
0x55: {  	_ =	shalt  }
0x56: {  	_ =	shalt  }
0x57: {  	_ =	shalt  }
0x58: {  	_ =	shalt  }
0x59: {  	_ =	shalt  }
0x5a: {  	_ =	shalt  }
0x5b: {  	_ =	shalt  }
0x5c: {  	_ =	shalt  }
0x5d: {  	_ =	shalt  }
0x5e: {  	_ =	shalt  }
0x5f: {  	_ =	shalt  }
0x60: {  	_ =	shalt  }
0x61: {  	_ =	shalt  }
0x62: {  	_ =	shalt  }
0x63: {  	_ =	shalt  }
0x64: {  	_ =	shalt  }
0x65: {  	_ =	shalt  }
0x66: {  	_ =	shalt  }
0x67: {  	_ =	shalt  }
0x68: {  	_ =	shalt  }
0x69: {  	_ =	shalt  }
0x6a: {  	_ =	shalt  }
0x6b: {  	_ =	shalt  }
0x6c: {  	_ =	shalt  }
0x6d: {  	_ =	shalt  }
0x6e: {  	_ =	shalt  }
0x6f: {  	_ =	shalt  }
0x70: {  	_ =	shalt  }
0x71: {  	_ =	shalt  }
0x72: {  	_ =	shalt  }
0x73: {  	_ =	shalt  }
0x74: {  	_ =	shalt  }
0x75: {  	_ =	shalt  }
0x76: {  	_ =	shalt  }
0x77: {  	_ =	shalt  }
0x78: {  	_ =	shalt  }
0x79: {  	_ =	shalt  }
0x7a: {  	_ =	shalt  }
0x7b: {  	_ =	shalt  }
0x7c: {  	_ =	shalt  }
0x7d: {  	_ =	shalt  }
0x7e: {  	_ =	shalt  }
0x7f: {  	_ =	shalt  }
0x80: {  	_ =	shalt  }
0x81: {  	_ =	shalt  }
0x82: {  	_ =	shalt  }
0x83: {  	_ =	shalt  }
0x84: {  	_ =	shalt  }
0x85: {  	_ =	shalt  }
0x86: {  	_ =	shalt  }
0x87: {  	_ =	shalt  }
.Lfunc_end0:
.L_simem_size_0:
called_computation_lowered:
.L_overlay_start_0:
0x88: {  	s2 =	sld [smem:$0x3FD9]  }
0x89: {  	s3 =	sld [smem:$0x3FFE];
	_ =	sdelay $0x1  }
0x8a: {  	s1 =	srdreg.scid  }
0x8b: {  	s0 =	sand.u32 $0x1, s1  }
0x8c: {  	s17 =	sshll.u32 s0, $0xA;
	s2 =	sadd.s32 s3, s2  }
0x8d: {  	s2 =	sadd.s32 s2, s17  }
0x8e: {  	[smem:$0x3FBF] =	sst s2  }
0x8f: {  	_ = 	snop  }
0x90: {  	s2 =	sld [smem:$0x3FC8]  }
0x91: {  	s18 =	sld [smem:$0x3FD0];
	(tm) =	ssettm $0x1  }
0x92: {  	s4 =	sld [smem:$0x3FFB];
	_ =	sdelay $0x3  }
0x93: {  	_ =	strace s4  }
0x94: {  	s4 =	sld [smem:$0x3FFC];
	_ =	sdelay $0x3  }
0x95: {  	_ =	strace s4  }
0x96: {  	s4 =	sld [smem:$0x3FFD];
	_ =	sdelay $0x3  }
0x97: {  	_ =	strace s4  }
0x98: {  	_ =	strace $0x8FFFFFFF  }
0x99: {  	s19 =	sld [smem:$0x3FDB];
	_ =	sdelay $0x1  }
0x9a: {  	s5 =	simm.s32 $_scs_section_size  }
0x9b: {  	s6 =	simm.s32 $_size__tile_overlayer_lowered;
	s7 =	simm.s32 $_tile_overlayer_lowered  }
0x9c: {  	s22 =	simm.s32 $0x1BFF;
	s21 =	sshll.u32 s7, $0x1;
	s4 =	sadd.s32 s5, s19  }
0x9d: {  	s8 =	simm.s32 $0x0;
	s20 =	sshll.u32 s6, $0x1;
	s6 =	sadd.s32 s21, s4  }
0x9e: {  	[timem:s8], [sflag:s22] =	dma.local [hbm:s6], s20  }
0x9f: {  	_ =	swait.ge [sflag:s22], s20  }
0xa0: {  	s5 =	ssub.s32 $0x0, s20;
	[sflag:s22] =	ssyncset.done $0x0  }
0xa1: {  	[sflag:s22] =	ssyncadd.s32 s5;
	_ =	sdelay $0x1  }
0xa2: {  	s23 =	simm.s32 $0x1B8B  }
0xa3: {  	_ =	swait.ge [sflag:s23], $0x1  }
0xa4: {  	[sflag:s23] =	ssyncset.done $0x0  }
0xa5: {  	s25 =	simm.s32 $0x1B8E;
	s24 =	sld [smem:$0x3FFE];
	[sflag:s23] =	ssyncadd.s32 $0xFFFFFFFF  }
0xa6: {  	s26 =	simm.s32 $execute0_lowered;
	[smem:$0x3FD2] =	sst s25  }
0xa7: {  	s6 =	sshll.u32 s26, $0x1;
	_ =	strace $0x80000046;
	[dreg:$0x1] =	wrdreg $0xFFFFFFFF  }
0xa8: {  	s28 =	simm.s32 $_size_execute0_lowered;
	s4 =	sadd.s32 s4, s6;
	[dreg:$0x0] =	wrdreg $0x0  }
0xa9: {  	s6 =	sshll.u32 s28, $0x1;
	[dreg:$0x2] =	wrdreg s4  }
0xaa: {  	[dreg:$0x3] =	wrdreg s6  }
0xab: {  	[dreg:$0x4] =	wrdreg $0xC0  }
0xac: {  	_ =	task [dreg:s8], $0x5FFFF  }
0xad: {  	[dreg:$0x1] =	wrdreg $0xFFFFFFFF  }
0xae: {  	[dreg:$0x0] =	wrdreg $0x60  }
0xaf: {  	[dreg:$0x2] =	wrdreg s2  }
0xb0: {  	[dreg:$0x3] =	wrdreg s18  }
0xb1: {  	[dreg:$0x4] =	wrdreg s24  }
0xb2: {  	[dreg:$0x5] =	wrdreg $0x9  }
0xb3: {  	_ =	task.clear_ibuf [dreg:s8], $0x6FFFF;
	_ =	strace $0x90000046  }
0xb4: {  	s29 =	simm.s32 $0x9;
	_ =	strace $0x80000048  }
0xb5: {  	_ =	swait.ge [sflag:s29], $0x1  }
0xb6: {  	[sflag:s29] =	ssyncadd.s32 $0xFFFFFFFF  }
0xb7: {  	_ =	strace $0x90000048  }
0xb8: {  	_ =	sfence  }
0xb9: {  	s30 =	sld [smem:$0x0];
	_ =	sdelay $0x2  }
0xba: {  	s31 =	sshll.u32 s1, $0xD;
	s1 =	sshrl.u32 s1, $0x2  }
0xbb: {  	s3 =	sand.u32 $0x4000, s31;
	s1 =	sadd.s32 s1, s30  }
0xbc: {  	s0 =	sor.u32 s3, s0;
	s1 =	sshll.u32 s1, $0x11  }
0xbd: {  	s0 =	sor.u32 s1, s0  }
0xbe: {  	s0 =	sadd.s32 $0x8F2B, s0  }
0xbf: {  	[sflag:s0] =	ssyncadd.remote.s32 $0x1  }
0xc0: {  	_ =	sfence.sel $0xFFFF  }
0xc1: {  	[dreg:$0x0] =	wrdreg $0xFFFFFFFF;
	(pc) =	sbr.abs _section_cstart, $3  }
0xc2: {  	[dreg:$0x1] =	wrdreg $0xFFFFFFFF  }
0xc3: {  	_ =	task.clear_ibuf [dreg:s8], $0x2FFFF;
	_ =	strace $0x9FFFFFFF  }
0xc4: {  	(tm) =	ssettm $0x7FFFFFFF  }
0xc5: {  	_ =	shalt  }
tec
execute0_lowered:
.L_overlay_start_1:
0x0: {  	(tag) =	ssettag $0x1  }
0x1: {  	vm13 =	vcmask $0x300  }
0x2: {  	v0 =	vimm.s32 $0x2380;
	vm14 =	vcmask $0x704;
	vm12 =	vcmask $0xB08  }
0x3: {  	vm11 =	vcmask $0xF0C;
	vm10 =	vcmask $0x1310;
	vm9 =	vcmask $0x1714  }
0x4: {  	vm8 =	vcmask $0x1B18;
	vm6 =	vcmask $0x1F1C;
	vm4 =	vcmask $0x2320  }
0x5: {  	vm7 =	vcmask $0x2724;
	vm5 =	vcmask $0x2B28;
	vm2 =	vcmask $0x2F2C  }
0x6: {  	vm3 =	vcmask $0x3330;
	v1 =	vimm.s32 $0x0;
	vm1 =	vcmask $0x3734  }
0x7: {  	v2 =	vimm.s32 $0x80;
	vm0 =	vcmask $0x3B38;
	v3 =	vimm.s32 $0x100  }
0x8: {  	v4 =	vimm.s32 $0x180;
	v5 =	vimm.s32 $0x200;
	v6 =	vimm.s32 $0x280  }
0x9: {  	v7 =	vimm.s32 $0x300;
	v8 =	vimm.s32 $0x380;
	v9 =	vimm.s32 $0x2000  }
0xa: {  	v10 =	vimm.s32 $0x2080;
	v11 =	vimm.s32 $0x2100;
	v12 =	vimm.s32 $0x2180  }
0xb: {  	v13 =	vimm.s32 $0x2200;
	v14 =	vimm.s32 $0x2280;
	v15 =	vimm.s32 $0x2300  }
0xc: {  	v16 =	vimm.s32 $0xBCAB9A89;
	v17 =	vimm.s32 $0xF0EFDECD;
	vm15 =	vcmask $0x1F10  }
0xd: {  	v18 =	vimm.s32 $0x78675645;
	v19 =	vimm.s32 $0xBDAC9B8A;
	v20 =	vimm.s32 $0xF1E0DFCE  }
0xe: {  	v21 =	vimm.s32 $0x35241302;
	v22 =	vimm.s32 $0x79685746;
	v23 =	vimm.s32 $0x37261504  }
0xf: {  	v24 =	vimm.s32 $0x7B6A5948;
	v25 =	vimm.s32 $0xB0AF9E8D;
	v26 =	vimm.s32 $0xF4E3D2C1  }
0x10: {  	v27 =	vimm.s32 $0x7E6D5C4B;
	v28 =	vimm.s32 $0xB3A29180;
	v29 =	vimm.s32 $0xF7E6D5C4  }
0x11: {  	v30 =	vimm.s32 $0x3B2A1908;
	v31 =	vimm.s32 $0x7F6E5D4C;
	v34 =	vimm.s32 $0x74635241  }
0x12: {  	v61 =	vimm.s32 $0x75645342;
	v0 =	vsel vm13, $0x0, v0;
	v1 =	vsel vm13, $0x80, v1  }
0x13: {  	v2 =	vsel vm13, $0x100, v2;
	v3 =	vsel vm13, $0x180, v3;
	v4 =	vsel vm13, $0x200, v4  }
0x14: {  	v5 =	vsel vm13, $0x280, v5;
	v6 =	vsel vm13, $0x300, v6;
	v7 =	vsel vm13, $0x380, v7  }
0x15: {  	v8 =	vsel vm13, $0x2000, v8;
	v9 =	vsel vm13, $0x2080, v9;
	v10 =	vsel vm13, $0x2100, v10  }
0x16: {  	v11 =	vsel vm13, $0x2180, v11;
	v12 =	vsel vm13, $0x2200, v12;
	v13 =	vsel vm13, $0x2280, v13  }
0x17: {  	v14 =	vsel vm13, $0x2300, v14;
	v15 =	vsel vm13, $0x2380, v15;
	v16 =	vunpack.c.0.s8.s32 v16  }
0x18: {  	v17 =	vunpack.c.0.s8.s32 v17;
	v18 =	vunpack.c.0.s8.s32 v18;
	v19 =	vunpack.c.0.s8.s32 v19  }
0x19: {  	v20 =	vunpack.c.0.s8.s32 v20;
	v23 =	vunpack.c.0.s8.s32 v23;
	v24 =	vunpack.c.0.s8.s32 v24  }
0x1a: {  	v25 =	vunpack.c.0.s8.s32 v25;
	v26 =	vunpack.c.0.s8.s32 v26;
	v27 =	vunpack.c.0.s8.s32 v27  }
0x1b: {  	v28 =	vunpack.c.0.s8.s32 v28;
	v29 =	vunpack.c.0.s8.s32 v29;
	v30 =	vunpack.c.0.s8.s32 v30  }
0x1c: {  	v31 =	vunpack.c.0.s8.s32 v31;
	v34 =	vunpack.c.0.s8.s32 v34;
	v0 =	vsel vm14, $0x80, v0  }
0x1d: {  	v1 =	vsel vm14, $0x100, v1;
	v2 =	vsel vm14, $0x180, v2;
	v3 =	vsel vm14, $0x200, v3  }
0x1e: {  	v4 =	vsel vm14, $0x280, v4;
	v5 =	vsel vm14, $0x300, v5;
	v6 =	vsel vm14, $0x380, v6  }
0x1f: {  	v7 =	vsel vm14, $0x2000, v7;
	v8 =	vsel vm14, $0x2080, v8;
	v9 =	vsel vm14, $0x2100, v9  }
0x20: {  	v10 =	vsel vm14, $0x2180, v10;
	v11 =	vsel vm14, $0x2200, v11;
	v12 =	vsel vm14, $0x2280, v12  }
0x21: {  	v13 =	vsel vm14, $0x2300, v13;
	v14 =	vsel vm14, $0x2380, v14;
	v15 =	vsel vm14, $0x0, v15  }
0x22: {  	v0 =	vsel vm12, $0x100, v0;
	v1 =	vsel vm12, $0x180, v1;
	v2 =	vsel vm12, $0x200, v2  }
0x23: {  	v3 =	vsel vm12, $0x280, v3;
	v4 =	vsel vm12, $0x300, v4;
	v5 =	vsel vm12, $0x380, v5  }
0x24: {  	v6 =	vsel vm12, $0x2000, v6;
	v7 =	vsel vm12, $0x2080, v7;
	v8 =	vsel vm12, $0x2100, v8  }
0x25: {  	v9 =	vsel vm12, $0x2180, v9;
	v10 =	vsel vm12, $0x2200, v10;
	v11 =	vsel vm12, $0x2280, v11  }
0x26: {  	v12 =	vsel vm12, $0x2300, v12;
	v13 =	vsel vm12, $0x2380, v13;
	v14 =	vsel vm12, $0x0, v14  }
0x27: {  	v15 =	vsel vm12, $0x80, v15;
	v16 =	vsel vm15, v17, v16;
	v17 =	vimm.s32 $0x34231201  }
0x28: {  	v19 =	vsel vm15, v20, v19;
	v20 =	vimm.s32 $0xBEAD9C8B;
	v0 =	vsel vm11, $0x180, v0  }
0x29: {  	v1 =	vsel vm11, $0x200, v1;
	v2 =	vsel vm11, $0x280, v2;
	v3 =	vsel vm11, $0x300, v3  }
0x2a: {  	v4 =	vsel vm11, $0x380, v4;
	v5 =	vsel vm11, $0x2000, v5;
	v6 =	vsel vm11, $0x2080, v6  }
0x2b: {  	v7 =	vsel vm11, $0x2100, v7;
	v8 =	vsel vm11, $0x2180, v8;
	v9 =	vsel vm11, $0x2200, v9  }
0x2c: {  	v10 =	vsel vm11, $0x2280, v10;
	v11 =	vsel vm11, $0x2300, v11;
	v12 =	vsel vm11, $0x2380, v12  }
0x2d: {  	v13 =	vsel vm11, $0x0, v13;
	v14 =	vsel vm11, $0x80, v14;
	v15 =	vsel vm11, $0x100, v15  }
0x2e: {  	v17 =	vunpack.c.0.s8.s32 v17;
	v20 =	vunpack.c.0.s8.s32 v20;
	v0 =	vsel vm10, $0x200, v0  }
0x2f: {  	v1 =	vsel vm10, $0x280, v1;
	v2 =	vsel vm10, $0x300, v2;
	v3 =	vsel vm10, $0x380, v3  }
0x30: {  	v4 =	vsel vm10, $0x2000, v4;
	v5 =	vsel vm10, $0x2080, v5;
	v6 =	vsel vm10, $0x2100, v6  }
0x31: {  	v7 =	vsel vm10, $0x2180, v7;
	v8 =	vsel vm10, $0x2200, v8;
	v9 =	vsel vm10, $0x2280, v9  }
0x32: {  	v10 =	vsel vm10, $0x2300, v10;
	v11 =	vsel vm10, $0x2380, v11;
	v12 =	vsel vm10, $0x0, v12  }
0x33: {  	v13 =	vsel vm10, $0x80, v13;
	v14 =	vsel vm10, $0x100, v14;
	v15 =	vsel vm10, $0x180, v15  }
0x34: {  	v0 =	vsel vm9, $0x280, v0;
	v1 =	vsel vm9, $0x300, v1;
	v2 =	vsel vm9, $0x380, v2  }
0x35: {  	v3 =	vsel vm9, $0x2000, v3;
	v4 =	vsel vm9, $0x2080, v4;
	v5 =	vsel vm9, $0x2100, v5  }
0x36: {  	v6 =	vsel vm9, $0x2180, v6;
	v7 =	vsel vm9, $0x2200, v7;
	v8 =	vsel vm9, $0x2280, v8  }
0x37: {  	v9 =	vsel vm9, $0x2300, v9;
	v10 =	vsel vm9, $0x2380, v10;
	v11 =	vsel vm9, $0x0, v11  }
0x38: {  	v12 =	vsel vm9, $0x80, v12;
	v13 =	vsel vm9, $0x100, v13;
	v14 =	vsel vm9, $0x180, v14  }
0x39: {  	v15 =	vsel vm9, $0x200, v15;
	v17 =	vsel vm15, v18, v17;
	v18 =	vunpack.c.0.s8.s32 v21  }
0x3a: {  	v21 =	vunpack.c.0.s8.s32 v22;
	v22 =	vimm.s32 $0xF2E1D0CF;
	v0 =	vsel vm8, $0x300, v0  }
0x3b: {  	v1 =	vsel vm8, $0x380, v1;
	v2 =	vsel vm8, $0x2000, v2;
	v3 =	vsel vm8, $0x2080, v3  }
0x3c: {  	v4 =	vsel vm8, $0x2100, v4;
	v5 =	vsel vm8, $0x2180, v5;
	v6 =	vsel vm8, $0x2200, v6  }
0x3d: {  	v7 =	vsel vm8, $0x2280, v7;
	v8 =	vsel vm8, $0x2300, v8;
	v9 =	vsel vm8, $0x2380, v9  }
0x3e: {  	v10 =	vsel vm8, $0x0, v10;
	v11 =	vsel vm8, $0x80, v11;
	v12 =	vsel vm8, $0x100, v12  }
0x3f: {  	v13 =	vsel vm8, $0x180, v13;
	v14 =	vsel vm8, $0x200, v14;
	v15 =	vsel vm8, $0x280, v15  }
0x40: {  	v22 =	vunpack.c.0.s8.s32 v22;
	v0 =	vsel vm6, $0x380, v0;
	v1 =	vsel vm6, $0x2000, v1  }
0x41: {  	v2 =	vsel vm6, $0x2080, v2;
	v3 =	vsel vm6, $0x2100, v3;
	v4 =	vsel vm6, $0x2180, v4  }
0x42: {  	v5 =	vsel vm6, $0x2200, v5;
	v6 =	vsel vm6, $0x2280, v6;
	v7 =	vsel vm6, $0x2300, v7  }
0x43: {  	v8 =	vsel vm6, $0x2380, v8;
	v9 =	vsel vm6, $0x0, v9;
	v10 =	vsel vm6, $0x80, v10  }
0x44: {  	v11 =	vsel vm6, $0x100, v11;
	v12 =	vsel vm6, $0x180, v12;
	v13 =	vsel vm6, $0x200, v13  }
0x45: {  	v14 =	vsel vm6, $0x280, v14;
	v15 =	vsel vm6, $0x300, v15;
	v21 =	vsel vm15, v21, v18  }
0x46: {  	v18 =	vcombine.low v17, v16;
	v17 =	vimm.s32 $0x36251403;
	v0 =	vsel vm4, $0x2000, v0  }
0x47: {  	v1 =	vsel vm4, $0x2080, v1;
	v2 =	vsel vm4, $0x2100, v2;
	v3 =	vsel vm4, $0x2180, v3  }
0x48: {  	v4 =	vsel vm4, $0x2200, v4;
	v5 =	vsel vm4, $0x2280, v5;
	v6 =	vsel vm4, $0x2300, v6  }
0x49: {  	v7 =	vsel vm4, $0x2380, v7;
	v8 =	vsel vm4, $0x0, v8;
	v9 =	vsel vm4, $0x80, v9  }
0x4a: {  	v10 =	vsel vm4, $0x100, v10;
	v11 =	vsel vm4, $0x180, v11;
	v12 =	vsel vm4, $0x200, v12  }
0x4b: {  	v13 =	vsel vm4, $0x280, v13;
	v14 =	vsel vm4, $0x300, v14;
	v15 =	vsel vm4, $0x380, v15  }
0x4c: {  	v19 =	vcombine.low v21, v19;
	v16 =	vsel vm15, v22, v20;
	v20 =	vimm.s32 $0x7A695847  }
0x4d: {  	v17 =	vunpack.c.0.s8.s32 v17;
	v21 =	vimm.s32 $0xBFAE9D8C;
	v22 =	vimm.s32 $0xF3E2D1C0  }
0x4e: {  	v0 =	vsel vm7, $0x2080, v0;
	v1 =	vsel vm7, $0x2100, v1;
	v2 =	vsel vm7, $0x2180, v2  }
0x4f: {  	v3 =	vsel vm7, $0x2200, v3;
	v4 =	vsel vm7, $0x2280, v4;
	v5 =	vsel vm7, $0x2300, v5  }
0x50: {  	v6 =	vsel vm7, $0x2380, v6;
	v7 =	vsel vm7, $0x0, v7;
	v8 =	vsel vm7, $0x80, v8  }
0x51: {  	v9 =	vsel vm7, $0x100, v9;
	v10 =	vsel vm7, $0x180, v10;
	v11 =	vsel vm7, $0x200, v11  }
0x52: {  	v12 =	vsel vm7, $0x280, v12;
	v13 =	vsel vm7, $0x300, v13;
	v14 =	vsel vm7, $0x380, v14  }
0x53: {  	v15 =	vsel vm7, $0x2000, v15;
	v20 =	vunpack.c.0.s8.s32 v20;
	v21 =	vunpack.c.0.s8.s32 v21  }
0x54: {  	v22 =	vunpack.c.0.s8.s32 v22;
	v18 =	vand.u32 $0xFF, v18;
	v0 =	vsel vm5, $0x2100, v0  }
0x55: {  	v1 =	vsel vm5, $0x2180, v1;
	v2 =	vsel vm5, $0x2200, v2;
	v3 =	vsel vm5, $0x2280, v3  }
0x56: {  	v4 =	vsel vm5, $0x2300, v4;
	v5 =	vsel vm5, $0x2380, v5;
	v6 =	vsel vm5, $0x0, v6  }
0x57: {  	v7 =	vsel vm5, $0x80, v7;
	v8 =	vsel vm5, $0x100, v8;
	v9 =	vsel vm5, $0x180, v9  }
0x58: {  	v10 =	vsel vm5, $0x200, v10;
	v11 =	vsel vm5, $0x280, v11;
	v12 =	vsel vm5, $0x300, v12  }
0x59: {  	v13 =	vsel vm5, $0x380, v13;
	v14 =	vsel vm5, $0x2000, v14;
	v15 =	vsel vm5, $0x2080, v15  }
0x5a: {  	v19 =	vand.u32 $0xFF, v19;
	v0 =	vsel vm2, $0x2180, v0;
	v1 =	vsel vm2, $0x2200, v1  }
0x5b: {  	v2 =	vsel vm2, $0x2280, v2;
	v3 =	vsel vm2, $0x2300, v3;
	v4 =	vsel vm2, $0x2380, v4  }
0x5c: {  	v5 =	vsel vm2, $0x0, v5;
	v6 =	vsel vm2, $0x80, v6;
	v7 =	vsel vm2, $0x100, v7  }
0x5d: {  	v8 =	vsel vm2, $0x180, v8;
	v9 =	vsel vm2, $0x200, v9;
	v10 =	vsel vm2, $0x280, v10  }
0x5e: {  	v11 =	vsel vm2, $0x300, v11;
	v12 =	vsel vm2, $0x380, v12;
	v13 =	vsel vm2, $0x2000, v13  }
0x5f: {  	v14 =	vsel vm2, $0x2080, v14;
	v15 =	vsel vm2, $0x2100, v15;
	v17 =	vsel vm15, v20, v17  }
0x60: {  	v0 =	vsel vm3, $0x2200, v0;
	v1 =	vsel vm3, $0x2280, v1;
	v2 =	vsel vm3, $0x2300, v2  }
0x61: {  	v3 =	vsel vm3, $0x2380, v3;
	v4 =	vsel vm3, $0x0, v4;
	v5 =	vsel vm3, $0x80, v5  }
0x62: {  	v6 =	vsel vm3, $0x100, v6;
	v7 =	vsel vm3, $0x180, v7;
	v8 =	vsel vm3, $0x200, v8  }
0x63: {  	v9 =	vsel vm3, $0x280, v9;
	v10 =	vsel vm3, $0x300, v10;
	v11 =	vsel vm3, $0x380, v11  }
0x64: {  	v12 =	vsel vm3, $0x2000, v12;
	v13 =	vsel vm3, $0x2080, v13;
	v14 =	vsel vm3, $0x2100, v14  }
0x65: {  	v15 =	vsel vm3, $0x2180, v15;
	v20 =	vcombine.low v17, v16;
	v16 =	vsel vm15, v22, v21  }
0x66: {  	v17 =	vsel vm15, v24, v23;
	v22 =	vimm.s32 $0x7C6B5A49;
	v23 =	vimm.s32 $0xB1A09F8E  }
0x67: {  	v24 =	vimm.s32 $0xF5E4D3C2;
	v0 =	vsel vm1, $0x2280, v0;
	v1 =	vsel vm1, $0x2300, v1  }
0x68: {  	v2 =	vsel vm1, $0x2380, v2;
	v3 =	vsel vm1, $0x0, v3;
	v4 =	vsel vm1, $0x80, v4  }
0x69: {  	v5 =	vsel vm1, $0x100, v5;
	v6 =	vsel vm1, $0x180, v6;
	v7 =	vsel vm1, $0x200, v7  }
0x6a: {  	v8 =	vsel vm1, $0x280, v8;
	v9 =	vsel vm1, $0x300, v9;
	v10 =	vsel vm1, $0x380, v10  }
0x6b: {  	v11 =	vsel vm1, $0x2000, v11;
	v12 =	vsel vm1, $0x2080, v12;
	v13 =	vsel vm1, $0x2100, v13  }
0x6c: {  	v14 =	vsel vm1, $0x2180, v14;
	v15 =	vsel vm1, $0x2200, v15;
	v21 =	vcombine.low v17, v16  }
0x6d: {  	v16 =	vsel vm15, v26, v25;
	v17 =	vimm.s32 $0x38271605;
	v22 =	vunpack.c.0.s8.s32 v22  }
0x6e: {  	v23 =	vunpack.c.0.s8.s32 v23;
	v24 =	vunpack.c.0.s8.s32 v24;
	v25 =	vimm.s32 $0x39281706  }
0x6f: {  	v26 =	vimm.s32 $0x7D6C5B4A;
	v0 =	vsel vm0, $0x2300, v0;
	v1 =	vsel vm0, $0x2380, v1  }
0x70: {  	v2 =	vsel vm0, $0x0, v2;
	v3 =	vsel vm0, $0x80, v3;
	v4 =	vsel vm0, $0x100, v4  }
0x71: {  	v5 =	vsel vm0, $0x180, v5;
	v6 =	vsel vm0, $0x200, v6;
	v7 =	vsel vm0, $0x280, v7  }
0x72: {  	v8 =	vsel vm0, $0x300, v8;
	v9 =	vsel vm0, $0x380, v9;
	v10 =	vsel vm0, $0x2000, v10  }
0x73: {  	v11 =	vsel vm0, $0x2080, v11;
	v12 =	vsel vm0, $0x2100, v12;
	v17 =	vunpack.c.0.s8.s32 v17  }
0x74: {  	v13 =	vsel vm0, $0x2180, v13;
	v14 =	vsel vm0, $0x2200, v14;
	v15 =	vsel vm0, $0x2280, v15  }
0x75: {  	v20 =	vand.u32 $0xFF, v20;
	v23 =	vsel vm15, v24, v23;
	v24 =	vimm.s32 $0xB2A1908F  }
0x76: {  	v17 =	vsel vm15, v22, v17;
	v22 =	vunpack.c.0.s8.s32 v25;
	v25 =	vunpack.c.0.s8.s32 v26  }
0x77: {  	v21 =	vand.u32 $0xFF, v21;
	v26 =	vimm.s32 $0xF6E5D4C3;
	v24 =	vunpack.c.0.s8.s32 v24  }
0x78: {  	v22 =	vsel vm15, v25, v22;
	v25 =	vunpack.c.0.s8.s32 v26;
	v26 =	vimm.s32 $0x3A291807  }
0x79: {  	v32 =	vcombine.low v17, v16;
	v26 =	vunpack.c.0.s8.s32 v26;
	v23 =	vcombine.low v22, v23  }
0x7a: {  	v22 =	vsel vm15, v29, v28;
	v28 =	vimm.s32 $0x706F5E4D;
	v29 =	vimm.s32 $0xB5A49382  }
0x7b: {  	v16 =	vsel vm15, v25, v24;
	v24 =	vsel vm15, v31, v30;
	v25 =	vimm.s32 $0xB4A39281  }
0x7c: {  	v30 =	vimm.s32 $0xF9E8D7C6;
	v28 =	vunpack.c.0.s8.s32 v28;
	v29 =	vunpack.c.0.s8.s32 v29  }
0x7d: {  	v17 =	vsel vm15, v27, v26;
	v26 =	vimm.s32 $0xF8E7D6C5;
	v27 =	vimm.s32 $0x3C2B1A09  }
0x7e: {  	v25 =	vunpack.c.0.s8.s32 v25;
	v30 =	vunpack.c.0.s8.s32 v30;
	v33 =	vcombine.low v24, v22  }
0x7f: {  	v24 =	vimm.s32 $0x3D2C1B0A;
	v23 =	vand.u32 $0xFF, v23;
	v26 =	vunpack.c.0.s8.s32 v26  }
0x80: {  	v27 =	vunpack.c.0.s8.s32 v27;
	v31 =	vcombine.low v17, v16;
	v24 =	vunpack.c.0.s8.s32 v24  }
0x81: {  	v22 =	vsel vm15, v30, v29;
	v16 =	vsel vm15, v26, v25;
	v25 =	vimm.s32 $0x71605F4E  }
0x82: {  	v29 =	vimm.s32 $0x7261504F;
	v17 =	vsel vm15, v28, v27;
	v25 =	vunpack.c.0.s8.s32 v25  }
0x83: {  	v26 =	vimm.s32 $0xB6A59483;
	v27 =	vimm.s32 $0xFAE9D8C7;
	v28 =	vimm.s32 $0x3E2D1C0B  }
0x84: {  	v26 =	vunpack.c.0.s8.s32 v26;
	v27 =	vunpack.c.0.s8.s32 v27;
	v24 =	vsel vm15, v25, v24  }
0x85: {  	v25 =	vunpack.c.0.s8.s32 v28;
	v28 =	vunpack.c.0.s8.s32 v29;
	v29 =	vcombine.low v17, v16  }
0x86: {  	s0 =	rddreg [dreg:$0x0];
	v16 =	vsel vm15, v27, v26;
	v26 =	vimm.s32 $0xFCEBDAC9;
	v27 =	vimm.s32 $0x302F1E0D  }
0x87: {  	s9 =	rddreg [dreg:$0x1];
	v30 =	vcombine.low v24, v22;
	v22 =	vimm.s32 $0xB7A69584;
	v17 =	vsel vm15, v28, v25  }
0x88: {  	s5 =	rddreg [dreg:$0x2];
	v24 =	vimm.s32 $0xFBEAD9C8;
	v28 =	vcombine.low v17, v16;
	v16 =	vunpack.c.0.s8.s32 v22  }
0x89: {  	s1 =	rddreg [dreg:$0x3];
	v17 =	vunpack.c.0.s8.s32 v24;
	v22 =	vimm.s32 $0x3F2E1D0C;
	v24 =	vimm.s32 $0x73625140  }
0x8a: {  	s2 =	simm.s32 $0x0;
	s4 =	srdreg.scid;
	s3 =	stileid.u32;
	v25 =	vimm.s32 $0xB8A79685;
	v22 =	vunpack.c.0.s8.s32 v22;
	v24 =	vunpack.c.0.s8.s32 v24  }
0x8b: {  	s13 =	simm.s32 $0xC3800;
	s14 =	simm.s32 $0x4000;
	s15 =	simm.s32 $0x1;
	v26 =	vunpack.c.0.s8.s32 v26;
	v27 =	vunpack.c.0.s8.s32 v27;
	v25 =	vunpack.c.0.s8.s32 v25  }
0x8c: {  	s16 =	simm.s32 $0x8000;
	s17 =	simm.s32 $0x4;
	[smem:$0x7FF] =	sst s2;
	v16 =	vsel vm15, v17, v16;
	v28 =	vand.u32 $0xFF, v28;
	v17 =	vsel vm15, v24, v22  }
0x8d: {  	s6 =	sand.u32 $0x1, s4;
	s29 =	sshll.u32 s3, $0x1;
	s5 =	sadd.s32 $0x2400, s5;
	v22 =	vimm.s32 $0xB9A89786;
	v24 =	vsel vm15, v26, v25;
	v25 =	vsel vm15, v34, v27  }
0x8e: {  	s18 =	simm.s32 $0x3;
	_ =	strace $0x80000047;
	s4 =	sor.u32 s6, s29;
	v26 =	vimm.s32 $0xFDECDBCA;
	v27 =	vimm.s32 $0x31201F0E;
	v34 =	vunpack.c.0.s8.s32 v61  }
0x8f: {  	s7 =	ssub.s32 $0x2, s6;
	s30 =	sshll.u32 s4, $0xA;
	s8 =	smul.u32 $0x186A00, s4;
	v22 =	vunpack.c.0.s8.s32 v22;
	v26 =	vunpack.c.0.s8.s32 v26;
	v27 =	vunpack.c.0.s8.s32 v27  }
0x90: {  	s10 =	sshrl.u32 s7, $0x1;
	s12 =	sshll.u32 s4, $0x6;
	p0 =	seq.s32 s4, $0x1;
	v35 =	vcombine.low v17, v16;
	v36 =	vcombine.low v25, v24;
	v16 =	vimm.s32 $0xBAA99887  }
0x91: {  	s6 =	sadd.s32 s0, s30;
	s11 =	ssub.s32 s7, s10;
	s9 =	sadd.s32 s9, s12;
	v17 =	vimm.s32 $0xFEEDDCCB;
	v24 =	vimm.s32 $0x76655443;
	v16 =	vunpack.c.0.s8.s32 v16  }
0x92: {  	s12 =	simm.s32 $0x2000;
	p1 =	sne.s32 @!p0 s4, $0x0;
	s19 =	simm.s32 @!p0 $0x0;
	v17 =	vunpack.c.0.s8.s32 v17;
	v37 =	vsel vm15, v26, v22;
	v22 =	vimm.s32 $0x3221100F  }
0x93: {  	s7 =	sadd.s32 $0x8000, s6;
	s19 =	simm.s32 @p0 $0x1;
	p0 =	por p1, p0;
	v25 =	vand.u32 $0xFF, v33;
	v24 =	vunpack.c.0.s8.s32 v24;
	v22 =	vunpack.c.0.s8.s32 v22  }
.Ltmp0:
0x94: {  	[smem:$0x7FB] =	sst s19;
	s19 =	simm.s32 @!p0 $0x0;
	v27 =	vsel vm15, v34, v27;
	v62 =	vsel vm15, v17, v16;
	v16 =	vlaneseq.u32;
	(pc) =	sbr.rel .LBB2_1-.Ltmp0, $4  }
0x95: {  	s31 =	sshrl.u32 s8, $0x3;
	s19 =	simm.s32 @p0 $0x1;
	p0 =	sgt.u32 s3, $0xC;
	v26 =	vand.u32 $0xFF, v29;
	v17 =	vmul.u32 $0x11, v16;
	v38 =	vsel vm15, v24, v22  }
0x96: {  	s8 =	sshll.u32 s4, $0xE;
	[smem:$0x7FC] =	sst s19;
	s19 =	simm.s32 @!p0 $0x0;
	v24 =	vand.u32 $0xFF, v31;
	v31 =	vcombine.low v27, v37;
	v63 =	vcombine.low v38, v62  }
0x97: {  	s11 =	smax.u32 s11, $0x1;
	s10 =	sadd.s32 s5, s31;
	s19 =	simm.s32 @p0 $0x1;
	v29 =	vand.u32 $0xFF, v35;
	v22 =	vand.u32 $0xFF, v32;
	v27 =	vand.u32 $0xFF, v30  }
0x98: {  	s10 =	sadd.s32 $0x30D00, s10;
	[smem:$0x7FD] =	sst s19;
	s19 =	simm.s32 $0x0;
	v30 =	vand.u32 $0xFF, v36;
	v31 =	vand.u32 $0xFF, v31;
	v32 =	vand.u32 $0xFF, v63  }
.LBB2_12:
0x99: {  	_ =	swait.ge [sflag:s18], $0x4000  }
0x9a: {  	s20 =	sld [smem:$0x7FB];
	_ =	sdelay $0x2  }
0x9b: {  	[sflag:s18] =	ssyncset.done $0x0;
	p0 =	seq.s32 s20, $0x1  }
0x9c: {  	[sflag:s18] =	ssyncadd.s32 $0xFFFFC000;
	s20 =	simm.s32 @p0 $0x4  }
0x9d: {  	_ =	swait.ge @p0 [sflag:s20], $0x2800  }
0x9e: {  	s30 =	sld [smem:$0x7FC];
	_ =	sdelay $0x1  }
0x9f: {  	[sflag:s20] =	ssyncset.done @p0 $0x0  }
0xa0: {  	[sflag:s20] =	ssyncadd.s32 @p0 $0xFFFFD800;
	p0 =	seq.s32 s30, $0x1  }
0xa1: {  	s20 =	simm.s32 @!p0 $0x4  }
0xa2: {  	_ =	swait.ge @!p0 [sflag:s20], $0x4000  }
0xa3: {  	s31 =	sld [smem:$0x7FD];
	_ =	sdelay $0x1  }
0xa4: {  	[sflag:s20] =	ssyncset.done @!p0 $0x0  }
0xa5: {  	[sflag:s20] =	ssyncadd.s32 @!p0 $0xFFFFC000;
	p1 =	seq.s32 s31, $0x1  }
0xa6: {  	s20 =	simm.s32 @!p1 $0x0;
	s21 =	simm.s32 @!p1 $0x8000;
	s22 =	simm.s32 @!p1 $0x5  }
0xa7: {  	[tilespmem:s21], [sflag:$0x5] =	stream.linear.gather @!p1 [hbm4b:s9+s20], $0x200, $0x38;
	[tilespmem:$0x10000] =	vst v63  }
0xa8: {  	s19 =	sadd.s32 $0x1, s19;
	_ =	swait.ge @!p1 [sflag:s22], $0x200  }
0xa9: {  	p0 =	sne.s32 s19, s11;
	[sflag:s22] =	ssyncset.done @!p1 $0x0  }
.Ltmp1:
0xaa: {  	[sflag:s22] =	ssyncadd.s32 @!p1 $0xFFFFFE00;
	(pc) =	sbr.rel @!p0 .LBB2_13-.Ltmp1, $4  }
0xab: {  	[hbm4b:s10+s20] =	stream.linear.scatter @!p1 [tilespmem:s21], [sflag:$0x5], $0x200, $0x38;
	[tilespmem:$0x10000] =	vst v63  }
0xac: {  	_ =	swait.ge @!p1 [sflag:s22], $0x200  }
0xad: {  	[sflag:s22] =	ssyncset.done @!p1 $0x0  }
0xae: {  	[sflag:s22] =	ssyncadd.s32 @!p1 $0xFFFFFE00  }
.LBB2_1:
.Ltmp2:
0xaf: {  	(pc) =	sbr.rel .LBB2_2-.Ltmp2, $4  }
0xb0: {  	_ = 	snop  }
0xb1: {  	[tilespmem:s2], [sflag:$0x1] =	stream.strided.gather [hbm4b:s6+s12], $0x4000, s13, s12, $0x38;
	[tilespmem:$0x10000] =	vst v63  }
0xb2: {  	s20 =	simm.s32 $0x0  }
0xb3: {  	[tilespmem:s14], [sflag:$0x2] =	stream.strided.gather [hbm4b:s7+s12], $0x4000, s13, s12, $0x38;
	[tilespmem:$0x10000] =	vst v63  }
.LBB2_10:
0xb4: {  	_ =	sdelay $0x3  }
0xb5: {  	v49 =	vld.idx.msk [tilespmem:v49+s14+$0x0], $0xffff  }
0xb6: {  	v48 =	vld.idx.msk [tilespmem:v48+s14+$0x0], $0xffff  }
0xb7: {  	v47 =	vld.idx.msk [tilespmem:v47+s14+$0x0], $0xffff;
	[tilespmem:v17+s25+$0x200] =	vst.idx.msk $0xffff, v45  }
0xb8: {  	[tilespmem:v18+s25+$0x200] =	vst.idx.msk $0xffff, v44  }
0xb9: {  	[tilespmem:v19+s25+$0x200] =	vst.idx.msk $0xffff, v43  }
0xba: {  	[tilespmem:v20+s25+$0x200] =	vst.idx.msk $0xffff, v41  }
0xbb: {  	[tilespmem:v21+s25+$0x200] =	vst.idx.msk $0xffff, v46  }
0xbc: {  	[tilespmem:v22+s25+$0x200] =	vst.idx.msk $0xffff, v40  }
0xbd: {  	[tilespmem:v23+s25+$0x200] =	vst.idx.msk $0xffff, v39  }
0xbe: {  	[tilespmem:v24+s25+$0x200] =	vst.idx.msk $0xffff, v37  }
0xbf: {  	[tilespmem:v25+s25+$0x200] =	vst.idx.msk $0xffff, v36  }
0xc0: {  	[tilespmem:v26+s25+$0x200] =	vst.idx.msk $0xffff, v35  }
0xc1: {  	[tilespmem:v27+s25+$0x200] =	vst.idx.msk $0xffff, v48  }
0xc2: {  	[tilespmem:v28+s25+$0x200] =	vst.idx.msk $0xffff, v47;
	v47 =	vadd.s32 v0, v33  }
0xc3: {  	v48 =	vadd.s32 v1, v33;
	[tilespmem:v29+s25+$0x200] =	vst.idx.msk $0xffff, v42  }
0xc4: {  	v50 =	vadd.s32 v2, v33;
	[tilespmem:v30+s25+$0x200] =	vst.idx.msk $0xffff, v49  }
0xc5: {  	v51 =	vadd.s32 v3, v33;
	[tilespmem:v31+s25+$0x200] =	vst.idx.msk $0xffff, v38  }
0xc6: {  	v52 =	vadd.s32 v4, v33;
	[tilespmem:v32+s25+$0x200] =	vst.idx.msk $0xffff, v34  }
0xc7: {  	v53 =	vadd.s32 v5, v33;
	v35 =	vld.idx.msk [tilespmem:v47+s14+$0x0], $0xffff  }
0xc8: {  	v54 =	vadd.s32 v7, v33;
	v36 =	vld.idx.msk [tilespmem:v48+s14+$0x0], $0xffff  }
0xc9: {  	v55 =	vadd.s32 v8, v33;
	v37 =	vld.idx.msk [tilespmem:v50+s14+$0x0], $0xffff  }
0xca: {  	v56 =	vadd.s32 v13, v33;
	v38 =	vld.idx.msk [tilespmem:v51+s14+$0x0], $0xffff  }
0xcb: {  	v57 =	vadd.s32 v10, v33;
	v34 =	vld.idx.msk [tilespmem:v52+s14+$0x0], $0xffff  }
0xcc: {  	v58 =	vadd.s32 v9, v33;
	v39 =	vld.idx.msk [tilespmem:v53+s14+$0x0], $0xffff  }
0xcd: {  	v59 =	vadd.s32 v14, v33;
	v40 =	vld.idx.msk [tilespmem:v54+s14+$0x0], $0xffff  }
0xce: {  	v60 =	vadd.s32 v11, v33;
	v41 =	vld.idx.msk [tilespmem:v55+s14+$0x0], $0xffff  }
0xcf: {  	v61 =	vadd.s32 v15, v33;
	v42 =	vld.idx.msk [tilespmem:v56+s14+$0x0], $0xffff  }
0xd0: {  	v62 =	vadd.s32 v12, v33;
	v43 =	vld.idx.msk [tilespmem:v57+s14+$0x0], $0xffff  }
0xd1: {  	v63 =	vadd.s32 v6, v33;
	v44 =	vld.idx.msk [tilespmem:v58+s14+$0x0], $0xffff  }
0xd2: {  	v45 =	vld.idx.msk [tilespmem:v59+s14+$0x0], $0xffff  }
0xd3: {  	v46 =	vld.idx.msk [tilespmem:v60+s14+$0x0], $0xffff  }
0xd4: {  	v47 =	vld.idx.msk [tilespmem:v61+s14+$0x0], $0xffff  }
0xd5: {  	v48 =	vld.idx.msk [tilespmem:v62+s14+$0x0], $0xffff  }
0xd6: {  	v33 =	vld.idx.msk [tilespmem:v63+s14+$0x0], $0xffff;
	[tilespmem:v17+s25+$0x300] =	vst.idx.msk $0xffff, v35  }
0xd7: {  	[tilespmem:v18+s25+$0x300] =	vst.idx.msk $0xffff, v36  }
0xd8: {  	[tilespmem:v19+s25+$0x300] =	vst.idx.msk $0xffff, v37  }
0xd9: {  	[tilespmem:v20+s25+$0x300] =	vst.idx.msk $0xffff, v38  }
0xda: {  	[tilespmem:v21+s25+$0x300] =	vst.idx.msk $0xffff, v34  }
0xdb: {  	[tilespmem:v22+s25+$0x300] =	vst.idx.msk $0xffff, v39  }
0xdc: {  	[tilespmem:v23+s25+$0x300] =	vst.idx.msk $0xffff, v33  }
0xdd: {  	[tilespmem:v24+s25+$0x300] =	vst.idx.msk $0xffff, v40  }
0xde: {  	[tilespmem:v25+s25+$0x300] =	vst.idx.msk $0xffff, v41  }
0xdf: {  	[tilespmem:v26+s25+$0x300] =	vst.idx.msk $0xffff, v44  }
0xe0: {  	[tilespmem:v27+s25+$0x300] =	vst.idx.msk $0xffff, v43  }
0xe1: {  	[tilespmem:v28+s25+$0x300] =	vst.idx.msk $0xffff, v46  }
0xe2: {  	[tilespmem:v29+s25+$0x300] =	vst.idx.msk $0xffff, v48  }
0xe3: {  	s26 =	sshrl.u32 @p5 s21, $0x3;
	s24 =	sshll.u32 @!p5 s24, $0xE;
	[tilespmem:v30+s25+$0x300] =	vst.idx.msk $0xffff, v42  }
0xe4: {  	s28 =	simm.s32 @p5 $0xC000;
	s26 =	sadd.s32 @p5 s5, s26;
	s21 =	sadd.s32 @!p5 s21, s24;
	[tilespmem:v31+s25+$0x300] =	vst.idx.msk $0xffff, v45  }
0xe5: {  	s21 =	sshrl.u32 @!p5 s21, $0x3;
	[tilespmem:v32+s25+$0x300] =	vst.idx.msk $0xffff, v47;
	s25 =	sadd.s32 @p5 $0x30800, s26;
	s26 =	simm.s32 @p5 $0x0  }
0xe6: {  	[hbm4b:s25+s26] =	stream.linear.scatter @p5 [tilespmem:s28], [sflag:$0x4], $0x2800, $0x38;
	[tilespmem:$0x10000] =	vst v63  }
0xe7: {  	s24 =	simm.s32 @!p5 $0x0;
	s21 =	sadd.s32 @!p5 s5, s21;
	s25 =	simm.s32 @!p5 $0xC000  }
0xe8: {  	[hbm4b:s21+s24] =	stream.linear.scatter @!p5 [tilespmem:s25], [sflag:$0x4], $0x4000, $0x38;
	[tilespmem:$0x10000] =	vst v63  }
.LBB2_11:
0xe9: {  	p0 =	sgt.u32 @!p3 s23, $0x60  }
0xea: {  	p0 =	por p0, p3  }
0xeb: {  	s21 =	sshrl.u32 @!p0 s22, $0x7  }
0xec: {  	p1 =	por !p6, !p6;
	s21 =	smul.u32 @!p0 $0x187000, s21  }
0xed: {  	p3 =	por p3, p1;
	s23 =	sshll.u32 @!p0 s23, $0xD  }
0xee: {  	s20 =	sadd.s32 $0x1, s20;
	s22 =	sshrl.u32 @!p3 s22, $0x7;
	s21 =	sadd.s32 @!p0 s21, s23  }
0xef: {  	s24 =	simm.s32 @!p0 $0xC3800;
	s25 =	simm.s32 @!p0 $0x4000;
	s21 =	sshrl.u32 @!p0 s21, $0x3  }
0xf0: {  	s22 =	smul.u32 @!p3 $0x187000, s22;
	s23 =	simm.s32 @!p0 $0x2000;
	s21 =	sadd.s32 @!p0 s0, s21  }
0xf1: {  	[tilespmem:s25], [sflag:$0x2] =	stream.strided.gather @!p0 [hbm4b:s21+s23], $0x4000, s24, s23, $0x38;
	[tilespmem:$0x10000] =	vst v63  }
0xf2: {  	s21 =	sshrl.u32 @!p3 s22, $0x3;
	p0 =	sne.s32 s20, $0x34  }
.Ltmp3:
0xf3: {  	s21 =	sadd.s32 @!p3 s0, s21;
	(pc) =	sbr.rel @!p0 .LBB2_12-.Ltmp3, $4  }
0xf4: {  	s23 =	simm.s32 @!p3 $0x0;
	s24 =	simm.s32 @!p3 $0x4000;
	s22 =	sadd.s32 @!p3 $0x18400, s21  }
0xf5: {  	[tilespmem:s24], [sflag:$0x2] =	stream.linear.gather @!p3 [hbm4b:s22+s23], $0x1400, $0x38;
	[tilespmem:$0x10000] =	vst v63  }
0xf6: {  	s21 =	sadd.s32 @!p3 $0x30B00, s21;
	s22 =	simm.s32 @!p3 $0x6000  }
0xf7: {  	[tilespmem:s22], [sflag:$0x2] =	stream.linear.gather @!p3 [hbm4b:s21+s23], $0x1400, $0x38;
	[tilespmem:$0x10000] =	vst v63  }
.LBB2_2:
0xf8: {  	s21 =	simm.s32 $0x0  }
0xf9: {  	v33 =	vmov s21  }
0xfa: {  	v34 =	vor.u32 s21, v16;
	v33 =	vshll.u32 v33, $0x3  }
0xfb: {  	v34 =	vand.u32 $0x4F, v34;
	v33 =	vand.u32 $0x1C00, v33  }
0xfc: {  	_ =	swait.ge [sflag:s15], $0x4000;
	v33 =	vor.u32 v33, v34  }
0xfd: {  	p4 =	seq.s32 s20, $0x0;
	[sflag:s15] =	ssyncset.done $0x0;
	v34 =	vor.u32 v6, v33  }
0xfe: {  	s21 =	simm.s32 @!p4 $0x3;
	[sflag:s15] =	ssyncadd.s32 $0xFFFFC000;
	v35 =	vor.u32 v12, v33  }
0xff: {  	_ =	swait.ge @!p4 [sflag:s21], $0x4000;
	v36 =	vor.u32 v8, v33  }
0x100: {  	[sflag:s21] =	ssyncset.done @!p4 $0x0;
	v37 =	vor.u32 v13, v33  }
0x101: {  	[sflag:s21] =	ssyncadd.s32 @!p4 $0xFFFFC000;
	v38 =	vor.u32 v7, v33  }
0x102: {  	v39 =	vor.u32 v4, v33;
	v34 =	vld.idx.msk [tilespmem:v34+s2+$0x0], $0xffff  }
0x103: {  	v40 =	vor.u32 v5, v33;
	v35 =	vld.idx.msk [tilespmem:v35+s2+$0x0], $0xffff  }
0x104: {  	v41 =	vor.u32 v1, v33;
	v36 =	vld.idx.msk [tilespmem:v36+s2+$0x0], $0xffff  }
0x105: {  	v42 =	vor.u32 v10, v33;
	v37 =	vld.idx.msk [tilespmem:v37+s2+$0x0], $0xffff  }
0x106: {  	v43 =	vor.u32 v3, v33;
	v38 =	vld.idx.msk [tilespmem:v38+s2+$0x0], $0xffff  }
0x107: {  	v44 =	vor.u32 v0, v33;
	v39 =	vld.idx.msk [tilespmem:v39+s2+$0x0], $0xffff  }
0x108: {  	v45 =	vor.u32 v2, v33;
	v40 =	vld.idx.msk [tilespmem:v40+s2+$0x0], $0xffff  }
0x109: {  	v46 =	vor.u32 v11, v33;
	v41 =	vld.idx.msk [tilespmem:v41+s2+$0x0], $0xffff  }
0x10a: {  	v47 =	vor.u32 v14, v33;
	v42 =	vld.idx.msk [tilespmem:v42+s2+$0x0], $0xffff  }
0x10b: {  	v48 =	vor.u32 v9, v33;
	v43 =	vld.idx.msk [tilespmem:v43+s2+$0x0], $0xffff  }
0x10c: {  	v33 =	vor.u32 v15, v33;
	v44 =	vld.idx.msk [tilespmem:v44+s2+$0x0], $0xffff  }
0x10d: {  	v45 =	vld.idx.msk [tilespmem:v45+s2+$0x0], $0xffff  }
0x10e: {  	v46 =	vld.idx.msk [tilespmem:v46+s2+$0x0], $0xffff  }
0x10f: {  	v47 =	vld.idx.msk [tilespmem:v47+s2+$0x0], $0xffff  }
0x110: {  	s21 =	simm.s32 $0x8000;
	v48 =	vld.idx.msk [tilespmem:v48+s2+$0x0], $0xffff  }
0x111: {  	v33 =	vld.idx.msk [tilespmem:v33+s2+$0x0], $0xffff;
	[tilespmem:v17+s21+$0x0] =	vst.idx.msk $0xffff, v44  }
0x112: {  	[tilespmem:v18+s21+$0x0] =	vst.idx.msk $0xffff, v41  }
0x113: {  	[tilespmem:v19+s21+$0x0] =	vst.idx.msk $0xffff, v45  }
0x114: {  	[tilespmem:v20+s21+$0x0] =	vst.idx.msk $0xffff, v43  }
0x115: {  	[tilespmem:v21+s21+$0x0] =	vst.idx.msk $0xffff, v39  }
0x116: {  	[tilespmem:v22+s21+$0x0] =	vst.idx.msk $0xffff, v40  }
0x117: {  	s22 =	simm.s32 $0x10;
	[tilespmem:v23+s21+$0x0] =	vst.idx.msk $0xffff, v34  }
0x118: {  	v44 =	vmov s22;
	[tilespmem:v24+s21+$0x0] =	vst.idx.msk $0xffff, v38  }
0x119: {  	v45 =	vor.u32 s22, v16;
	v34 =	vshll.u32 v44, $0x3;
	[tilespmem:v25+s21+$0x0] =	vst.idx.msk $0xffff, v36  }
0x11a: {  	v49 =	vand.u32 $0x5F, v45;
	v34 =	vand.u32 $0x1C00, v34;
	[tilespmem:v26+s21+$0x0] =	vst.idx.msk $0xffff, v48  }
0x11b: {  	v34 =	vor.u32 v34, v49;
	[tilespmem:v27+s21+$0x0] =	vst.idx.msk $0xffff, v42  }
0x11c: {  	v36 =	vor.u32 v5, v34;
	[tilespmem:v28+s21+$0x0] =	vst.idx.msk $0xffff, v46  }
0x11d: {  	v50 =	vor.u32 v9, v34;
	[tilespmem:v29+s21+$0x0] =	vst.idx.msk $0xffff, v35  }
0x11e: {  	v51 =	vor.u32 v11, v34;
	[tilespmem:v30+s21+$0x0] =	vst.idx.msk $0xffff, v37  }
0x11f: {  	v52 =	vor.u32 v12, v34;
	[tilespmem:v31+s21+$0x0] =	vst.idx.msk $0xffff, v47  }
0x120: {  	v53 =	vor.u32 v13, v34;
	[tilespmem:v32+s21+$0x0] =	vst.idx.msk $0xffff, v33  }
0x121: {  	v54 =	vor.u32 v4, v34;
	v36 =	vld.idx.msk [tilespmem:v36+s2+$0x0], $0xffff  }
0x122: {  	v55 =	vor.u32 v1, v34;
	v35 =	vld.idx.msk [tilespmem:v50+s2+$0x0], $0xffff  }
0x123: {  	v56 =	vor.u32 v2, v34;
	v37 =	vld.idx.msk [tilespmem:v51+s2+$0x0], $0xffff  }
0x124: {  	v57 =	vor.u32 v3, v34;
	v38 =	vld.idx.msk [tilespmem:v52+s2+$0x0], $0xffff  }
0x125: {  	v58 =	vor.u32 v10, v34;
	v33 =	vld.idx.msk [tilespmem:v53+s2+$0x0], $0xffff  }
0x126: {  	v60 =	vor.u32 v0, v34;
	v39 =	vld.idx.msk [tilespmem:v54+s2+$0x0], $0xffff  }
0x127: {  	v59 =	vor.u32 v8, v34;
	v40 =	vld.idx.msk [tilespmem:v55+s2+$0x0], $0xffff  }
0x128: {  	v61 =	vor.u32 v15, v34;
	v41 =	vld.idx.msk [tilespmem:v56+s2+$0x0], $0xffff  }
0x129: {  	v62 =	vor.u32 v14, v34;
	v42 =	vld.idx.msk [tilespmem:v57+s2+$0x0], $0xffff  }
0x12a: {  	v63 =	vor.u32 v6, v34;
	v43 =	vld.idx.msk [tilespmem:v58+s2+$0x0], $0xffff  }
0x12b: {  	v34 =	vor.u32 v7, v34;
	v45 =	vld.idx.msk [tilespmem:v60+s2+$0x0], $0xffff  }
0x12c: {  	v44 =	vld.idx.msk [tilespmem:v59+s2+$0x0], $0xffff  }
0x12d: {  	v46 =	vld.idx.msk [tilespmem:v61+s2+$0x0], $0xffff  }
0x12e: {  	v47 =	vld.idx.msk [tilespmem:v62+s2+$0x0], $0xffff  }
0x12f: {  	v48 =	vld.idx.msk [tilespmem:v63+s2+$0x0], $0xffff  }
0x130: {  	v34 =	vld.idx.msk [tilespmem:v34+s2+$0x0], $0xffff;
	[tilespmem:v17+s21+$0x100] =	vst.idx.msk $0xffff, v45  }
0x131: {  	[tilespmem:v18+s21+$0x100] =	vst.idx.msk $0xffff, v40  }
0x132: {  	[tilespmem:v19+s21+$0x100] =	vst.idx.msk $0xffff, v41  }
0x133: {  	[tilespmem:v20+s21+$0x100] =	vst.idx.msk $0xffff, v42  }
0x134: {  	[tilespmem:v21+s21+$0x100] =	vst.idx.msk $0xffff, v39  }
0x135: {  	[tilespmem:v22+s21+$0x100] =	vst.idx.msk $0xffff, v36  }
0x136: {  	s31 =	simm.s32 $0x20;
	[tilespmem:v23+s21+$0x100] =	vst.idx.msk $0xffff, v48  }
0x137: {  	v49 =	vmov s31;
	[tilespmem:v24+s21+$0x100] =	vst.idx.msk $0xffff, v34  }
0x138: {  	v50 =	vor.u32 s31, v16;
	v34 =	vshll.u32 v49, $0x3;
	[tilespmem:v25+s21+$0x100] =	vst.idx.msk $0xffff, v44  }
0x139: {  	v51 =	vand.u32 $0x6F, v50;
	v34 =	vand.u32 $0x1C00, v34;
	[tilespmem:v26+s21+$0x100] =	vst.idx.msk $0xffff, v35  }
0x13a: {  	v52 =	vor.u32 v34, v51;
	[tilespmem:v27+s21+$0x100] =	vst.idx.msk $0xffff, v43  }
0x13b: {  	v34 =	vor.u32 v0, v52;
	[tilespmem:v28+s21+$0x100] =	vst.idx.msk $0xffff, v37  }
0x13c: {  	v35 =	vor.u32 v9, v52;
	[tilespmem:v29+s21+$0x100] =	vst.idx.msk $0xffff, v38  }
0x13d: {  	v53 =	vor.u32 v2, v52;
	[tilespmem:v30+s21+$0x100] =	vst.idx.msk $0xffff, v33  }
0x13e: {  	v54 =	vor.u32 v15, v52;
	[tilespmem:v31+s21+$0x100] =	vst.idx.msk $0xffff, v47  }
0x13f: {  	v55 =	vor.u32 v14, v52;
	[tilespmem:v32+s21+$0x100] =	vst.idx.msk $0xffff, v46  }
0x140: {  	v56 =	vor.u32 v13, v52;
	v40 =	vld.idx.msk [tilespmem:v34+s2+$0x0], $0xffff  }
0x141: {  	v57 =	vor.u32 v12, v52;
	v35 =	vld.idx.msk [tilespmem:v35+s2+$0x0], $0xffff  }
0x142: {  	v58 =	vor.u32 v11, v52;
	v41 =	vld.idx.msk [tilespmem:v53+s2+$0x0], $0xffff  }
0x143: {  	v59 =	vor.u32 v10, v52;
	v33 =	vld.idx.msk [tilespmem:v54+s2+$0x0], $0xffff  }
0x144: {  	v60 =	vor.u32 v8, v52;
	v34 =	vld.idx.msk [tilespmem:v55+s2+$0x0], $0xffff  }
0x145: {  	v61 =	vor.u32 v7, v52;
	v36 =	vld.idx.msk [tilespmem:v56+s2+$0x0], $0xffff  }
0x146: {  	v62 =	vor.u32 v6, v52;
	v37 =	vld.idx.msk [tilespmem:v57+s2+$0x0], $0xffff  }
0x147: {  	v63 =	vor.u32 v5, v52;
	v38 =	vld.idx.msk [tilespmem:v58+s2+$0x0], $0xffff  }
0x148: {  	v49 =	vor.u32 v1, v52;
	v39 =	vld.idx.msk [tilespmem:v59+s2+$0x0], $0xffff  }
0x149: {  	v42 =	vld.idx.msk [tilespmem:v60+s2+$0x0], $0xffff  }
0x14a: {  	v47 =	vor.u32 v4, v52;
	v43 =	vld.idx.msk [tilespmem:v61+s2+$0x0], $0xffff  }
0x14b: {  	v48 =	vor.u32 v3, v52;
	v44 =	vld.idx.msk [tilespmem:v62+s2+$0x0], $0xffff  }
0x14c: {  	v45 =	vld.idx.msk [tilespmem:v63+s2+$0x0], $0xffff  }
0x14d: {  	s23 =	simm.s32 $0x30;
	s24 =	simm.s32 $0x70;
	s22 =	simm.s32 $0x8000;
	v46 =	vld.idx.msk [tilespmem:v49+s2+$0x0], $0xffff  }
.LBB2_3:
0x14e: {  	p3 =	sne.s32 s24, $0x3F0  }
0x14f: {  	v47 =	vld.idx.msk [tilespmem:v47+s2+$0x0], $0xffff;
	s21 =	sadd.s32 $0x400, s21;
	s25 =	smov.u32 s24;
	s24 =	sadd.s32 $0x40, s24  }
0x150: {  	v48 =	vld.idx.msk [tilespmem:v48+s2+$0x0], $0xffff  }
0x151: {  	[tilespmem:v17+s22+$0x200] =	vst.idx.msk $0xffff, v40;
	_ =	sdelay $0x2  }
0x152: {  	[tilespmem:v18+s22+$0x200] =	vst.idx.msk $0xffff, v46  }
0x153: {  	[tilespmem:v19+s22+$0x200] =	vst.idx.msk $0xffff, v41  }
0x154: {  	[tilespmem:v20+s22+$0x200] =	vst.idx.msk $0xffff, v48  }
0x155: {  	[tilespmem:v21+s22+$0x200] =	vst.idx.msk $0xffff, v47  }
0x156: {  	[tilespmem:v22+s22+$0x200] =	vst.idx.msk $0xffff, v45  }
0x157: {  	[tilespmem:v23+s22+$0x200] =	vst.idx.msk $0xffff, v44  }
0x158: {  	v40 =	vmov s23;
	[tilespmem:v24+s22+$0x200] =	vst.idx.msk $0xffff, v43  }
0x159: {  	v40 =	vshll.u32 v40, $0x3;
	v41 =	vor.u32 s23, v16;
	s23 =	smov.u32 s25;
	[tilespmem:v25+s22+$0x200] =	vst.idx.msk $0xffff, v42  }
0x15a: {  	v40 =	vand.u32 $0x1C00, v40;
	[tilespmem:v26+s22+$0x200] =	vst.idx.msk $0xffff, v35;
	v35 =	vand.u32 $0x7F, v41  }
0x15b: {  	[tilespmem:v27+s22+$0x200] =	vst.idx.msk $0xffff, v39;
	v35 =	vor.u32 v40, v35  }
0x15c: {  	[tilespmem:v28+s22+$0x200] =	vst.idx.msk $0xffff, v38;
	v38 =	vor.u32 v0, v35  }
0x15d: {  	[tilespmem:v29+s22+$0x200] =	vst.idx.msk $0xffff, v37;
	v37 =	vor.u32 v1, v35  }
0x15e: {  	[tilespmem:v30+s22+$0x200] =	vst.idx.msk $0xffff, v36;
	v36 =	vor.u32 v2, v35  }
0x15f: {  	[tilespmem:v31+s22+$0x200] =	vst.idx.msk $0xffff, v34;
	v34 =	vor.u32 v3, v35  }
0x160: {  	[tilespmem:v32+s22+$0x200] =	vst.idx.msk $0xffff, v33;
	v33 =	vor.u32 v4, v35  }
0x161: {  	v39 =	vor.u32 v13, v35;
	v38 =	vld.idx.msk [tilespmem:v38+s2+$0x0], $0xffff  }
0x162: {  	v40 =	vor.u32 v10, v35;
	v37 =	vld.idx.msk [tilespmem:v37+s2+$0x0], $0xffff  }
0x163: {  	v41 =	vor.u32 v5, v35;
	v36 =	vld.idx.msk [tilespmem:v36+s2+$0x0], $0xffff  }
0x164: {  	v42 =	vor.u32 v12, v35;
	v34 =	vld.idx.msk [tilespmem:v34+s2+$0x0], $0xffff  }
0x165: {  	v43 =	vor.u32 v15, v35;
	v33 =	vld.idx.msk [tilespmem:v33+s2+$0x0], $0xffff  }
0x166: {  	v44 =	vor.u32 v14, v35;
	v39 =	vld.idx.msk [tilespmem:v39+s2+$0x0], $0xffff  }
0x167: {  	v45 =	vor.u32 v7, v35;
	v40 =	vld.idx.msk [tilespmem:v40+s2+$0x0], $0xffff  }
0x168: {  	v46 =	vor.u32 v8, v35;
	v41 =	vld.idx.msk [tilespmem:v41+s2+$0x0], $0xffff  }
0x169: {  	v47 =	vor.u32 v9, v35;
	v42 =	vld.idx.msk [tilespmem:v42+s2+$0x0], $0xffff  }
0x16a: {  	v48 =	vor.u32 v11, v35;
	v43 =	vld.idx.msk [tilespmem:v43+s2+$0x0], $0xffff  }
0x16b: {  	v44 =	vld.idx.msk [tilespmem:v44+s2+$0x0], $0xffff  }
0x16c: {  	v45 =	vld.idx.msk [tilespmem:v45+s2+$0x0], $0xffff  }
0x16d: {  	v35 =	vor.u32 v6, v35;
	v46 =	vld.idx.msk [tilespmem:v46+s2+$0x0], $0xffff  }
0x16e: {  	v47 =	vld.idx.msk [tilespmem:v47+s2+$0x0], $0xffff  }
0x16f: {  	v48 =	vld.idx.msk [tilespmem:v48+s2+$0x0], $0xffff;
	_ =	sdelay $0x1  }
0x170: {  	s25 =	sadd.s32 $0xFFFFFFD0, s23  }
0x171: {  	v49 =	vmov s25;
	v50 =	vor.u32 s25, v16;
	v35 =	vld.idx.msk [tilespmem:v35+s2+$0x0], $0xffff  }
0x172: {  	v49 =	vshll.u32 v49, $0x3;
	[tilespmem:v17+s22+$0x300] =	vst.idx.msk $0xffff, v38  }
0x173: {  	v49 =	vand.u32 $0x1C00, v49;
	v38 =	vand.u32 $0x4F, v50;
	[tilespmem:v18+s22+$0x300] =	vst.idx.msk $0xffff, v37  }
0x174: {  	v37 =	vor.u32 v49, v38;
	[tilespmem:v19+s22+$0x300] =	vst.idx.msk $0xffff, v36  }
0x175: {  	v36 =	vor.u32 v0, v37;
	v38 =	vor.u32 v1, v37;
	[tilespmem:v20+s22+$0x300] =	vst.idx.msk $0xffff, v34  }
0x176: {  	v49 =	vor.u32 v4, v37;
	v34 =	vor.u32 v3, v37;
	[tilespmem:v21+s22+$0x300] =	vst.idx.msk $0xffff, v33  }
0x177: {  	v50 =	vor.u32 v7, v37;
	v33 =	vor.u32 v6, v37;
	[tilespmem:v22+s22+$0x300] =	vst.idx.msk $0xffff, v41  }
0x178: {  	v51 =	vor.u32 v10, v37;
	v41 =	vor.u32 v9, v37;
	[tilespmem:v23+s22+$0x300] =	vst.idx.msk $0xffff, v35  }
0x179: {  	v52 =	vor.u32 v13, v37;
	v35 =	vor.u32 v12, v37;
	[tilespmem:v24+s22+$0x300] =	vst.idx.msk $0xffff, v45  }
0x17a: {  	v53 =	vor.u32 v15, v37;
	v45 =	vor.u32 v14, v37;
	[tilespmem:v25+s22+$0x300] =	vst.idx.msk $0xffff, v46  }
0x17b: {  	v54 =	vor.u32 v8, v37;
	v46 =	vor.u32 v5, v37;
	[tilespmem:v26+s22+$0x300] =	vst.idx.msk $0xffff, v47  }
0x17c: {  	[tilespmem:v27+s22+$0x300] =	vst.idx.msk $0xffff, v40  }
0x17d: {  	[tilespmem:v28+s22+$0x300] =	vst.idx.msk $0xffff, v48  }
0x17e: {  	[tilespmem:v29+s22+$0x300] =	vst.idx.msk $0xffff, v42  }
0x17f: {  	[tilespmem:v30+s22+$0x300] =	vst.idx.msk $0xffff, v39  }
0x180: {  	v39 =	vor.u32 v2, v37;
	[tilespmem:v31+s22+$0x300] =	vst.idx.msk $0xffff, v44  }
0x181: {  	v37 =	vor.u32 v11, v37;
	[tilespmem:v32+s22+$0x300] =	vst.idx.msk $0xffff, v43;
	s22 =	smov.u32 s21  }
0x182: {  	v33 =	vld.idx.msk [tilespmem:v33+s2+$0x0], $0xffff  }
0x183: {  	v35 =	vld.idx.msk [tilespmem:v35+s2+$0x0], $0xffff  }
0x184: {  	v40 =	vld.idx.msk [tilespmem:v54+s2+$0x0], $0xffff  }
0x185: {  	v42 =	vld.idx.msk [tilespmem:v52+s2+$0x0], $0xffff  }
0x186: {  	v43 =	vld.idx.msk [tilespmem:v50+s2+$0x0], $0xffff  }
0x187: {  	v44 =	vld.idx.msk [tilespmem:v49+s2+$0x0], $0xffff  }
0x188: {  	v46 =	vld.idx.msk [tilespmem:v46+s2+$0x0], $0xffff  }
0x189: {  	v38 =	vld.idx.msk [tilespmem:v38+s2+$0x0], $0xffff  }
0x18a: {  	v47 =	vld.idx.msk [tilespmem:v51+s2+$0x0], $0xffff  }
0x18b: {  	v34 =	vld.idx.msk [tilespmem:v34+s2+$0x0], $0xffff  }
0x18c: {  	v36 =	vld.idx.msk [tilespmem:v36+s2+$0x0], $0xffff  }
0x18d: {  	v39 =	vld.idx.msk [tilespmem:v39+s2+$0x0], $0xffff  }
0x18e: {  	v37 =	vld.idx.msk [tilespmem:v37+s2+$0x0], $0xffff  }
0x18f: {  	v45 =	vld.idx.msk [tilespmem:v45+s2+$0x0], $0xffff  }
0x190: {  	v41 =	vld.idx.msk [tilespmem:v41+s2+$0x0], $0xffff  }
0x191: {  	v48 =	vld.idx.msk [tilespmem:v53+s2+$0x0], $0xffff  }
0x192: {  	[tilespmem:v17+s21+$0x0] =	vst.idx.msk $0xffff, v36  }
0x193: {  	[tilespmem:v18+s21+$0x0] =	vst.idx.msk $0xffff, v38  }
0x194: {  	[tilespmem:v19+s21+$0x0] =	vst.idx.msk $0xffff, v39  }
0x195: {  	[tilespmem:v20+s21+$0x0] =	vst.idx.msk $0xffff, v34  }
0x196: {  	[tilespmem:v21+s21+$0x0] =	vst.idx.msk $0xffff, v44  }
0x197: {  	[tilespmem:v22+s21+$0x0] =	vst.idx.msk $0xffff, v46  }
0x198: {  	s25 =	sadd.s32 $0xFFFFFFE0, s23;
	[tilespmem:v23+s21+$0x0] =	vst.idx.msk $0xffff, v33  }
0x199: {  	v34 =	vor.u32 s25, v16;
	v33 =	vmov s25;
	[tilespmem:v24+s21+$0x0] =	vst.idx.msk $0xffff, v43  }
0x19a: {  	v33 =	vshll.u32 v33, $0x3;
	[tilespmem:v25+s21+$0x0] =	vst.idx.msk $0xffff, v40  }
0x19b: {  	v34 =	vand.u32 $0x5F, v34;
	v33 =	vand.u32 $0x1C00, v33;
	[tilespmem:v26+s21+$0x0] =	vst.idx.msk $0xffff, v41  }
0x19c: {  	v33 =	vor.u32 v33, v34;
	[tilespmem:v27+s21+$0x0] =	vst.idx.msk $0xffff, v47  }
0x19d: {  	v34 =	vor.u32 v5, v33;
	[tilespmem:v28+s21+$0x0] =	vst.idx.msk $0xffff, v37  }
0x19e: {  	[tilespmem:v29+s21+$0x0] =	vst.idx.msk $0xffff, v35;
	v35 =	vor.u32 v9, v33  }
0x19f: {  	v36 =	vor.u32 v11, v33;
	[tilespmem:v30+s21+$0x0] =	vst.idx.msk $0xffff, v42  }
0x1a0: {  	v37 =	vor.u32 v12, v33;
	[tilespmem:v31+s21+$0x0] =	vst.idx.msk $0xffff, v45  }
0x1a1: {  	v38 =	vor.u32 v13, v33;
	[tilespmem:v32+s21+$0x0] =	vst.idx.msk $0xffff, v48  }
0x1a2: {  	v39 =	vor.u32 v4, v33;
	v34 =	vld.idx.msk [tilespmem:v34+s2+$0x0], $0xffff  }
0x1a3: {  	v40 =	vor.u32 v1, v33;
	v35 =	vld.idx.msk [tilespmem:v35+s2+$0x0], $0xffff  }
0x1a4: {  	v41 =	vor.u32 v2, v33;
	v36 =	vld.idx.msk [tilespmem:v36+s2+$0x0], $0xffff  }
0x1a5: {  	v42 =	vor.u32 v3, v33;
	v37 =	vld.idx.msk [tilespmem:v37+s2+$0x0], $0xffff  }
0x1a6: {  	v43 =	vor.u32 v10, v33;
	v38 =	vld.idx.msk [tilespmem:v38+s2+$0x0], $0xffff  }
0x1a7: {  	v44 =	vor.u32 v8, v33;
	v39 =	vld.idx.msk [tilespmem:v39+s2+$0x0], $0xffff  }
0x1a8: {  	v45 =	vor.u32 v0, v33;
	v40 =	vld.idx.msk [tilespmem:v40+s2+$0x0], $0xffff  }
0x1a9: {  	v41 =	vld.idx.msk [tilespmem:v41+s2+$0x0], $0xffff  }
0x1aa: {  	v46 =	vor.u32 v15, v33;
	v42 =	vld.idx.msk [tilespmem:v42+s2+$0x0], $0xffff  }
0x1ab: {  	v47 =	vor.u32 v14, v33;
	v43 =	vld.idx.msk [tilespmem:v43+s2+$0x0], $0xffff  }
0x1ac: {  	v48 =	vor.u32 v6, v33;
	v44 =	vld.idx.msk [tilespmem:v44+s2+$0x0], $0xffff  }
0x1ad: {  	v33 =	vor.u32 v7, v33;
	v45 =	vld.idx.msk [tilespmem:v45+s2+$0x0], $0xffff;
	_ =	sdelay $0x1  }
0x1ae: {  	v46 =	vld.idx.msk [tilespmem:v46+s2+$0x0], $0xffff  }
0x1af: {  	v47 =	vld.idx.msk [tilespmem:v47+s2+$0x0], $0xffff  }
0x1b0: {  	v48 =	vld.idx.msk [tilespmem:v48+s2+$0x0], $0xffff  }
0x1b1: {  	v33 =	vld.idx.msk [tilespmem:v33+s2+$0x0], $0xffff  }
0x1b2: {  	[tilespmem:v17+s21+$0x100] =	vst.idx.msk $0xffff, v45  }
0x1b3: {  	[tilespmem:v18+s21+$0x100] =	vst.idx.msk $0xffff, v40  }
0x1b4: {  	[tilespmem:v19+s21+$0x100] =	vst.idx.msk $0xffff, v41  }
0x1b5: {  	[tilespmem:v20+s21+$0x100] =	vst.idx.msk $0xffff, v42  }
0x1b6: {  	[tilespmem:v21+s21+$0x100] =	vst.idx.msk $0xffff, v39  }
0x1b7: {  	[tilespmem:v22+s21+$0x100] =	vst.idx.msk $0xffff, v34  }
0x1b8: {  	s25 =	sadd.s32 $0xFFFFFFF0, s23;
	[tilespmem:v23+s21+$0x100] =	vst.idx.msk $0xffff, v48  }
0x1b9: {  	v34 =	vor.u32 s25, v16;
	[tilespmem:v24+s21+$0x100] =	vst.idx.msk $0xffff, v33;
	v33 =	vmov s25  }
0x1ba: {  	[tilespmem:v25+s21+$0x100] =	vst.idx.msk $0xffff, v44;
	v33 =	vshll.u32 v33, $0x3  }
0x1bb: {  	v34 =	vand.u32 $0x6F, v34;
	[tilespmem:v26+s21+$0x100] =	vst.idx.msk $0xffff, v35;
	v33 =	vand.u32 $0x1C00, v33  }
0x1bc: {  	[tilespmem:v27+s21+$0x100] =	vst.idx.msk $0xffff, v43;
	v43 =	vor.u32 v33, v34  }
0x1bd: {  	[tilespmem:v28+s21+$0x100] =	vst.idx.msk $0xffff, v36;
	v33 =	vor.u32 v0, v43  }
0x1be: {  	v34 =	vor.u32 v9, v43;
	[tilespmem:v29+s21+$0x100] =	vst.idx.msk $0xffff, v37  }
0x1bf: {  	v36 =	vor.u32 v2, v43;
	[tilespmem:v30+s21+$0x100] =	vst.idx.msk $0xffff, v38  }
0x1c0: {  	v37 =	vor.u32 v15, v43;
	[tilespmem:v31+s21+$0x100] =	vst.idx.msk $0xffff, v47  }
0x1c1: {  	v38 =	vor.u32 v14, v43;
	[tilespmem:v32+s21+$0x100] =	vst.idx.msk $0xffff, v46  }
0x1c2: {  	v39 =	vor.u32 v13, v43;
	v40 =	vld.idx.msk [tilespmem:v33+s2+$0x0], $0xffff  }
0x1c3: {  	v42 =	vor.u32 v12, v43;
	v35 =	vld.idx.msk [tilespmem:v34+s2+$0x0], $0xffff  }
0x1c4: {  	v44 =	vor.u32 v11, v43;
	v41 =	vld.idx.msk [tilespmem:v36+s2+$0x0], $0xffff  }
0x1c5: {  	v45 =	vor.u32 v10, v43;
	v33 =	vld.idx.msk [tilespmem:v37+s2+$0x0], $0xffff  }
0x1c6: {  	v46 =	vor.u32 v8, v43;
	v34 =	vld.idx.msk [tilespmem:v38+s2+$0x0], $0xffff  }
0x1c7: {  	v49 =	vor.u32 v7, v43;
	v36 =	vld.idx.msk [tilespmem:v39+s2+$0x0], $0xffff  }
0x1c8: {  	v50 =	vor.u32 v6, v43;
	v37 =	vld.idx.msk [tilespmem:v42+s2+$0x0], $0xffff  }
0x1c9: {  	v51 =	vor.u32 v5, v43;
	v38 =	vld.idx.msk [tilespmem:v44+s2+$0x0], $0xffff  }
0x1ca: {  	v52 =	vor.u32 v1, v43;
	v39 =	vld.idx.msk [tilespmem:v45+s2+$0x0], $0xffff  }
.Ltmp4:
0x1cb: {  	v47 =	vor.u32 v4, v43;
	v42 =	vld.idx.msk [tilespmem:v46+s2+$0x0], $0xffff;
	(pc) =	sbr.rel @p3 .LBB2_3-.Ltmp4, $4  }
0x1cc: {  	v48 =	vor.u32 v3, v43;
	v43 =	vld.idx.msk [tilespmem:v49+s2+$0x0], $0xffff  }
0x1cd: {  	v44 =	vld.idx.msk [tilespmem:v50+s2+$0x0], $0xffff  }
0x1ce: {  	v45 =	vld.idx.msk [tilespmem:v51+s2+$0x0], $0xffff  }
0x1cf: {  	v46 =	vld.idx.msk [tilespmem:v52+s2+$0x0], $0xffff  }
0x1d0: {  	_ =	sdelay $0x3  }
0x1d1: {  	v48 =	vld.idx.msk [tilespmem:v48+s2+$0x0], $0xffff  }
0x1d2: {  	v47 =	vld.idx.msk [tilespmem:v47+s2+$0x0], $0xffff  }
0x1d3: {  	[tilespmem:v17+s22+$0x200] =	vst.idx.msk $0xffff, v40  }
0x1d4: {  	[tilespmem:v18+s22+$0x200] =	vst.idx.msk $0xffff, v46  }
0x1d5: {  	[tilespmem:v19+s22+$0x200] =	vst.idx.msk $0xffff, v41  }
0x1d6: {  	[tilespmem:v20+s22+$0x200] =	vst.idx.msk $0xffff, v48  }
0x1d7: {  	[tilespmem:v21+s22+$0x200] =	vst.idx.msk $0xffff, v47  }
0x1d8: {  	[tilespmem:v22+s22+$0x200] =	vst.idx.msk $0xffff, v45  }
0x1d9: {  	[tilespmem:v23+s22+$0x200] =	vst.idx.msk $0xffff, v44  }
0x1da: {  	v47 =	vmov s23;
	[tilespmem:v24+s22+$0x200] =	vst.idx.msk $0xffff, v43  }
0x1db: {  	v48 =	vor.u32 s23, v16;
	v40 =	vshll.u32 v47, $0x3;
	[tilespmem:v25+s22+$0x200] =	vst.idx.msk $0xffff, v42  }
0x1dc: {  	v49 =	vand.u32 $0x7F, v48;
	v40 =	vand.u32 $0x1C00, v40;
	[tilespmem:v26+s22+$0x200] =	vst.idx.msk $0xffff, v35  }
0x1dd: {  	v35 =	vor.u32 v40, v49;
	[tilespmem:v27+s22+$0x200] =	vst.idx.msk $0xffff, v39  }
0x1de: {  	v50 =	vor.u32 v0, v35;
	[tilespmem:v28+s22+$0x200] =	vst.idx.msk $0xffff, v38  }
0x1df: {  	v51 =	vor.u32 v1, v35;
	[tilespmem:v29+s22+$0x200] =	vst.idx.msk $0xffff, v37  }
0x1e0: {  	v52 =	vor.u32 v2, v35;
	[tilespmem:v30+s22+$0x200] =	vst.idx.msk $0xffff, v36  }
0x1e1: {  	v53 =	vor.u32 v3, v35;
	[tilespmem:v31+s22+$0x200] =	vst.idx.msk $0xffff, v34  }
0x1e2: {  	v54 =	vor.u32 v4, v35;
	[tilespmem:v32+s22+$0x200] =	vst.idx.msk $0xffff, v33  }
0x1e3: {  	v55 =	vor.u32 v13, v35;
	v38 =	vld.idx.msk [tilespmem:v50+s2+$0x0], $0xffff  }
0x1e4: {  	v40 =	vor.u32 v10, v35;
	v37 =	vld.idx.msk [tilespmem:v51+s2+$0x0], $0xffff  }
0x1e5: {  	v56 =	vor.u32 v5, v35;
	v36 =	vld.idx.msk [tilespmem:v52+s2+$0x0], $0xffff  }
0x1e6: {  	v57 =	vor.u32 v12, v35;
	v34 =	vld.idx.msk [tilespmem:v53+s2+$0x0], $0xffff  }
0x1e7: {  	v58 =	vor.u32 v15, v35;
	v33 =	vld.idx.msk [tilespmem:v54+s2+$0x0], $0xffff  }
0x1e8: {  	v59 =	vor.u32 v14, v35;
	v39 =	vld.idx.msk [tilespmem:v55+s2+$0x0], $0xffff  }
0x1e9: {  	v60 =	vor.u32 v7, v35;
	v40 =	vld.idx.msk [tilespmem:v40+s2+$0x0], $0xffff  }
0x1ea: {  	v61 =	vor.u32 v8, v35;
	v41 =	vld.idx.msk [tilespmem:v56+s2+$0x0], $0xffff  }
0x1eb: {  	v62 =	vor.u32 v9, v35;
	v42 =	vld.idx.msk [tilespmem:v57+s2+$0x0], $0xffff  }
0x1ec: {  	v63 =	vor.u32 v11, v35;
	v43 =	vld.idx.msk [tilespmem:v58+s2+$0x0], $0xffff  }
0x1ed: {  	v35 =	vor.u32 v6, v35;
	v44 =	vld.idx.msk [tilespmem:v59+s2+$0x0], $0xffff  }
0x1ee: {  	v45 =	vld.idx.msk [tilespmem:v60+s2+$0x0], $0xffff  }
0x1ef: {  	v46 =	vld.idx.msk [tilespmem:v61+s2+$0x0], $0xffff  }
0x1f0: {  	v47 =	vld.idx.msk [tilespmem:v62+s2+$0x0], $0xffff  }
0x1f1: {  	v48 =	vld.idx.msk [tilespmem:v63+s2+$0x0], $0xffff  }
0x1f2: {  	v35 =	vld.idx.msk [tilespmem:v35+s2+$0x0], $0xffff;
	[tilespmem:v17+s22+$0x300] =	vst.idx.msk $0xffff, v38  }
0x1f3: {  	[tilespmem:v18+s22+$0x300] =	vst.idx.msk $0xffff, v37  }
0x1f4: {  	[tilespmem:v19+s22+$0x300] =	vst.idx.msk $0xffff, v36  }
0x1f5: {  	[tilespmem:v20+s22+$0x300] =	vst.idx.msk $0xffff, v34  }
0x1f6: {  	[tilespmem:v21+s22+$0x300] =	vst.idx.msk $0xffff, v33  }
0x1f7: {  	[tilespmem:v22+s22+$0x300] =	vst.idx.msk $0xffff, v41  }
0x1f8: {  	[tilespmem:v23+s22+$0x300] =	vst.idx.msk $0xffff, v35  }
0x1f9: {  	[tilespmem:v24+s22+$0x300] =	vst.idx.msk $0xffff, v45  }
0x1fa: {  	[tilespmem:v25+s22+$0x300] =	vst.idx.msk $0xffff, v46  }
0x1fb: {  	[tilespmem:v26+s22+$0x300] =	vst.idx.msk $0xffff, v47  }
0x1fc: {  	s21 =	sshll.u32 s20, $0x14;
	s26 =	sshrl.u32 s20, $0x1;
	[tilespmem:v27+s22+$0x300] =	vst.idx.msk $0xffff, v40  }
0x1fd: {  	s24 =	sand.u32 $0x100000, s21;
	s21 =	smul.u32 $0x186A00, s26;
	[tilespmem:v28+s22+$0x300] =	vst.idx.msk $0xffff, v48  }
0x1fe: {  	s28 =	sor.u32 s8, s24;
	[tilespmem:v29+s22+$0x300] =	vst.idx.msk $0xffff, v42  }
0x1ff: {  	s23 =	sadd.s32 s21, s28;
	[tilespmem:v30+s22+$0x300] =	vst.idx.msk $0xffff, v39  }
0x200: {  	s23 =	sshrl.u32 s23, $0x3;
	[tilespmem:v31+s22+$0x300] =	vst.idx.msk $0xffff, v44  }
0x201: {  	p3 =	seq.s32 s20, $0x33;
	s29 =	sadd.s32 s5, s23;
	[tilespmem:v32+s22+$0x300] =	vst.idx.msk $0xffff, v43;
	s22 =	sshll.u32 s20, $0x6  }
0x202: {  	[hbm4b:s29+s2] =	stream.linear.scatter [tilespmem:s16], [sflag:$0x3], $0x4000, $0x38;
	[tilespmem:$0x10000] =	vst v63  }
0x203: {  	s23 =	sadd.s32 @!p3 $0x40, s22  }
0x204: {  	s24 =	sor.u32 @!p3 s4, s23;
	s23 =	sshrl.u32 @!p3 s23, $0x7  }
0x205: {  	s23 =	smul.u32 @!p3 $0x187000, s23;
	s24 =	sshll.u32 @!p3 s24, $0xD  }
0x206: {  	s24 =	sand.u32 @!p3 $0xBE000, s24  }
0x207: {  	s23 =	sadd.s32 @!p3 s23, s24  }
0x208: {  	s25 =	simm.s32 @!p3 $0xC3800;
	s26 =	simm.s32 @!p3 $0x0;
	s23 =	sshrl.u32 @!p3 s23, $0x3  }
0x209: {  	s30 =	sand.u32 $0x40, s22;
	s24 =	simm.s32 @!p3 $0x2000;
	s23 =	sadd.s32 @!p3 s0, s23  }
0x20a: {  	[tilespmem:s26], [sflag:$0x1] =	stream.strided.gather @!p3 [hbm4b:s23+s24], $0x4000, s25, s24, $0x38;
	[tilespmem:$0x10000] =	vst v63  }
0x20b: {  	s23 =	sor.u32 s30, s4  }
0x20c: {  	s24 =	sor.u32 $0x20, s23  }
0x20d: {  	p5 =	sgt.u32 s24, $0x60  }
0x20e: {  	p6 =	sne.s32 @p5 s23, $0x41  }
0x20f: {  	p6 =	por p6, !p5  }
0x210: {  	s23 =	simm.s32 @!p6 $0x2  }
0x211: {  	s22 =	sadd.s32 $0x60, s22;
	_ =	swait.ge @!p6 [sflag:s23], $0x2800  }
0x212: {  	s31 =	sand.u32 $0x60, s22;
	[sflag:s23] =	ssyncset.done @!p6 $0x0  }
0x213: {  	[sflag:s23] =	ssyncadd.s32 @!p6 $0xFFFFD800;
	s23 =	sor.u32 s4, s31  }
0x214: {  	p6 =	sgt.u32 @!p4 s23, $0x60  }
0x215: {  	p6 =	por p4, p6  }
.Ltmp5:
0x216: {  	_ = 	snop;
	(pc) =	sbr.rel @p6 .LBB2_6-.Ltmp5, $4  }
0x217: {  	s26 =	simm.s32 @!p5 $0x2  }
0x218: {  	_ =	swait.ge @!p5 [sflag:s26], $0x4000  }
0x219: {  	[sflag:s26] =	ssyncset.done @!p5 $0x0  }
0x21a: {  	[sflag:s26] =	ssyncadd.s32 @!p5 $0xFFFFC000  }
.Ltmp6:
0x21b: {  	(pc) =	sbr.rel .LBB2_7-.Ltmp6, $4  }
0x21c: {  	_ = 	snop  }
0x21d: {  	_ =	swait.ge [sflag:s17], $0x4000  }
0x21e: {  	[sflag:s17] =	ssyncset.done $0x0  }
0x21f: {  	p6 =	por $0x0, $0x0;
	[sflag:s17] =	ssyncadd.s32 $0xFFFFC000  }
.LBB2_6:
0x220: {  	p1 =	sne.s32 @!p4 s23, $0x61  }
0x221: {  	p0 =	por p1, p4  }
0x222: {  	p6 =	seq.s32 s23, $0x61;
	s25 =	simm.s32 @!p0 $0x4  }
0x223: {  	p1 =	por !p1, p4;
	p2 =	por @!p0 $0x1, $0x1;
	_ =	swait.ge @!p0 [sflag:s25], $0x2800  }
0x224: {  	p2 =	por @!p1 p6, p6;
	[sflag:s25] =	ssyncset.done @!p0 $0x0  }
0x225: {  	p6 =	por @!p4 p2, p2;
	[sflag:s25] =	ssyncadd.s32 @!p0 $0xFFFFD800  }
.LBB2_7:
0x226: {  	p0 =	sgt.u32 s24, $0x61  }
.Ltmp7:
0x227: {  	_ = 	snop;
	(pc) =	sbr.rel @p0 .LBB2_11-.Ltmp7, $1  }
0x228: {  	_ =	sdelay $0x3  }
0x229: {  	s25 =	simm.s32 $0x0  }
0x22a: {  	v33 =	vmov s25  }
0x22b: {  	v34 =	vor.u32 s25, v16;
	v33 =	vshll.u32 v33, $0x3  }
0x22c: {  	v34 =	vand.u32 $0x4F, v34;
	v33 =	vand.u32 $0xFFFFFC00, v33  }
0x22d: {  	v33 =	vor.u32 v34, v33  }
0x22e: {  	v34 =	vadd.s32 v6, v33  }
0x22f: {  	v35 =	vadd.s32 v13, v33  }
0x230: {  	v36 =	vadd.s32 v12, v33  }
0x231: {  	v37 =	vadd.s32 v5, v33  }
0x232: {  	v38 =	vadd.s32 v2, v33  }
0x233: {  	v39 =	vadd.s32 v14, v33;
	v34 =	vld.idx.msk [tilespmem:v34+s14+$0x0], $0xffff  }
0x234: {  	v40 =	vadd.s32 v15, v33;
	v35 =	vld.idx.msk [tilespmem:v35+s14+$0x0], $0xffff  }
0x235: {  	v41 =	vadd.s32 v4, v33;
	v36 =	vld.idx.msk [tilespmem:v36+s14+$0x0], $0xffff  }
0x236: {  	v42 =	vadd.s32 v1, v33;
	v37 =	vld.idx.msk [tilespmem:v37+s14+$0x0], $0xffff  }
0x237: {  	v43 =	vadd.s32 v3, v33;
	v38 =	vld.idx.msk [tilespmem:v38+s14+$0x0], $0xffff  }
0x238: {  	v44 =	vadd.s32 v0, v33;
	v39 =	vld.idx.msk [tilespmem:v39+s14+$0x0], $0xffff  }
0x239: {  	v45 =	vadd.s32 v10, v33;
	v40 =	vld.idx.msk [tilespmem:v40+s14+$0x0], $0xffff  }
0x23a: {  	v46 =	vadd.s32 v7, v33;
	v41 =	vld.idx.msk [tilespmem:v41+s14+$0x0], $0xffff  }
0x23b: {  	v47 =	vadd.s32 v9, v33;
	v42 =	vld.idx.msk [tilespmem:v42+s14+$0x0], $0xffff  }
0x23c: {  	v48 =	vadd.s32 v8, v33;
	v43 =	vld.idx.msk [tilespmem:v43+s14+$0x0], $0xffff  }
0x23d: {  	v33 =	vadd.s32 v11, v33;
	v44 =	vld.idx.msk [tilespmem:v44+s14+$0x0], $0xffff  }
0x23e: {  	v45 =	vld.idx.msk [tilespmem:v45+s14+$0x0], $0xffff  }
0x23f: {  	v46 =	vld.idx.msk [tilespmem:v46+s14+$0x0], $0xffff  }
0x240: {  	v47 =	vld.idx.msk [tilespmem:v47+s14+$0x0], $0xffff  }
0x241: {  	s25 =	simm.s32 $0xC000;
	v48 =	vld.idx.msk [tilespmem:v48+s14+$0x0], $0xffff  }
0x242: {  	v33 =	vld.idx.msk [tilespmem:v33+s14+$0x0], $0xffff;
	[tilespmem:v17+s25+$0x0] =	vst.idx.msk $0xffff, v44  }
0x243: {  	[tilespmem:v18+s25+$0x0] =	vst.idx.msk $0xffff, v42  }
0x244: {  	[tilespmem:v19+s25+$0x0] =	vst.idx.msk $0xffff, v38  }
0x245: {  	[tilespmem:v20+s25+$0x0] =	vst.idx.msk $0xffff, v43  }
0x246: {  	[tilespmem:v21+s25+$0x0] =	vst.idx.msk $0xffff, v41  }
0x247: {  	[tilespmem:v22+s25+$0x0] =	vst.idx.msk $0xffff, v37  }
0x248: {  	s26 =	simm.s32 $0x10;
	[tilespmem:v23+s25+$0x0] =	vst.idx.msk $0xffff, v34  }
0x249: {  	[tilespmem:v24+s25+$0x0] =	vst.idx.msk $0xffff, v46;
	v46 =	vmov s26  }
0x24a: {  	v49 =	vor.u32 s26, v16;
	[tilespmem:v25+s25+$0x0] =	vst.idx.msk $0xffff, v48;
	v34 =	vshll.u32 v46, $0x3  }
0x24b: {  	v37 =	vand.u32 $0x5F, v49;
	[tilespmem:v26+s25+$0x0] =	vst.idx.msk $0xffff, v47;
	v34 =	vand.u32 $0xFFFFFC00, v34  }
0x24c: {  	[tilespmem:v27+s25+$0x0] =	vst.idx.msk $0xffff, v45;
	v34 =	vor.u32 v37, v34  }
0x24d: {  	[tilespmem:v28+s25+$0x0] =	vst.idx.msk $0xffff, v33;
	v50 =	vadd.s32 v8, v34  }
0x24e: {  	v51 =	vadd.s32 v13, v34;
	[tilespmem:v29+s25+$0x0] =	vst.idx.msk $0xffff, v36  }
0x24f: {  	v52 =	vadd.s32 v3, v34;
	[tilespmem:v30+s25+$0x0] =	vst.idx.msk $0xffff, v35  }
0x250: {  	v37 =	vadd.s32 v15, v34;
	[tilespmem:v31+s25+$0x0] =	vst.idx.msk $0xffff, v39  }
0x251: {  	v53 =	vadd.s32 v12, v34;
	[tilespmem:v32+s25+$0x0] =	vst.idx.msk $0xffff, v40  }
0x252: {  	v54 =	vadd.s32 v11, v34;
	v33 =	vld.idx.msk [tilespmem:v50+s14+$0x0], $0xffff  }
0x253: {  	v55 =	vadd.s32 v1, v34;
	v36 =	vld.idx.msk [tilespmem:v51+s14+$0x0], $0xffff  }
0x254: {  	v56 =	vadd.s32 v9, v34;
	v35 =	vld.idx.msk [tilespmem:v52+s14+$0x0], $0xffff  }
0x255: {  	v57 =	vadd.s32 v14, v34;
	v37 =	vld.idx.msk [tilespmem:v37+s14+$0x0], $0xffff  }
0x256: {  	v58 =	vadd.s32 v4, v34;
	v38 =	vld.idx.msk [tilespmem:v53+s14+$0x0], $0xffff  }
0x257: {  	v59 =	vadd.s32 v0, v34;
	v39 =	vld.idx.msk [tilespmem:v54+s14+$0x0], $0xffff  }
0x258: {  	v60 =	vadd.s32 v2, v34;
	v40 =	vld.idx.msk [tilespmem:v55+s14+$0x0], $0xffff  }
0x259: {  	v61 =	vadd.s32 v7, v34;
	v41 =	vld.idx.msk [tilespmem:v56+s14+$0x0], $0xffff  }
0x25a: {  	v62 =	vadd.s32 v6, v34;
	v42 =	vld.idx.msk [tilespmem:v57+s14+$0x0], $0xffff  }
0x25b: {  	v63 =	vadd.s32 v5, v34;
	v43 =	vld.idx.msk [tilespmem:v58+s14+$0x0], $0xffff  }
0x25c: {  	v34 =	vadd.s32 v10, v34;
	v44 =	vld.idx.msk [tilespmem:v59+s14+$0x0], $0xffff  }
0x25d: {  	v45 =	vld.idx.msk [tilespmem:v60+s14+$0x0], $0xffff  }
0x25e: {  	v46 =	vld.idx.msk [tilespmem:v61+s14+$0x0], $0xffff  }
0x25f: {  	v47 =	vld.idx.msk [tilespmem:v62+s14+$0x0], $0xffff  }
0x260: {  	v48 =	vld.idx.msk [tilespmem:v63+s14+$0x0], $0xffff  }
0x261: {  	v34 =	vld.idx.msk [tilespmem:v34+s14+$0x0], $0xffff;
	[tilespmem:v17+s25+$0x100] =	vst.idx.msk $0xffff, v44  }
0x262: {  	[tilespmem:v18+s25+$0x100] =	vst.idx.msk $0xffff, v40  }
0x263: {  	[tilespmem:v19+s25+$0x100] =	vst.idx.msk $0xffff, v45  }
0x264: {  	[tilespmem:v20+s25+$0x100] =	vst.idx.msk $0xffff, v35  }
0x265: {  	[tilespmem:v21+s25+$0x100] =	vst.idx.msk $0xffff, v43  }
0x266: {  	[tilespmem:v22+s25+$0x100] =	vst.idx.msk $0xffff, v48  }
0x267: {  	s31 =	simm.s32 $0x20;
	[tilespmem:v23+s25+$0x100] =	vst.idx.msk $0xffff, v47  }
0x268: {  	v48 =	vmov s31;
	[tilespmem:v24+s25+$0x100] =	vst.idx.msk $0xffff, v46  }
0x269: {  	v49 =	vor.u32 s31, v16;
	v50 =	vshll.u32 v48, $0x3;
	[tilespmem:v25+s25+$0x100] =	vst.idx.msk $0xffff, v33  }
0x26a: {  	v51 =	vand.u32 $0x6F, v49;
	v33 =	vand.u32 $0xFFFFFC00, v50;
	[tilespmem:v26+s25+$0x100] =	vst.idx.msk $0xffff, v41  }
0x26b: {  	v46 =	vor.u32 v51, v33;
	[tilespmem:v27+s25+$0x100] =	vst.idx.msk $0xffff, v34  }
0x26c: {  	v33 =	vadd.s32 v15, v46;
	[tilespmem:v28+s25+$0x100] =	vst.idx.msk $0xffff, v39  }
0x26d: {  	v35 =	vadd.s32 v9, v46;
	[tilespmem:v29+s25+$0x100] =	vst.idx.msk $0xffff, v38  }
0x26e: {  	v52 =	vadd.s32 v8, v46;
	[tilespmem:v30+s25+$0x100] =	vst.idx.msk $0xffff, v36  }
0x26f: {  	v53 =	vadd.s32 v7, v46;
	[tilespmem:v31+s25+$0x100] =	vst.idx.msk $0xffff, v42  }
0x270: {  	v54 =	vadd.s32 v6, v46;
	[tilespmem:v32+s25+$0x100] =	vst.idx.msk $0xffff, v37  }
0x271: {  	v55 =	vadd.s32 v5, v46;
	v34 =	vld.idx.msk [tilespmem:v33+s14+$0x0], $0xffff  }
0x272: {  	v56 =	vadd.s32 v3, v46;
	v35 =	vld.idx.msk [tilespmem:v35+s14+$0x0], $0xffff  }
0x273: {  	v57 =	vadd.s32 v2, v46;
	v36 =	vld.idx.msk [tilespmem:v52+s14+$0x0], $0xffff  }
0x274: {  	v58 =	vadd.s32 v14, v46;
	v37 =	vld.idx.msk [tilespmem:v53+s14+$0x0], $0xffff  }
0x275: {  	v59 =	vadd.s32 v1, v46;
	v39 =	vld.idx.msk [tilespmem:v54+s14+$0x0], $0xffff  }
0x276: {  	p0 =	slt.u32 s24, $0x61;
	s28 =	simm.s32 $0x10;
	v60 =	vadd.s32 v0, v46;
	v40 =	vld.idx.msk [tilespmem:v55+s14+$0x0], $0xffff  }
0x277: {  	s28 =	simm.s32 @!p0 $0xA;
	v50 =	vadd.s32 v4, v46;
	v41 =	vld.idx.msk [tilespmem:v56+s14+$0x0], $0xffff  }
0x278: {  	p0 =	sne.s32 s28, $0x1;
	v61 =	vadd.s32 v12, v46;
	v43 =	vld.idx.msk [tilespmem:v57+s14+$0x0], $0xffff  }
.Ltmp8:
0x279: {  	s26 =	simm.s32 $0x30;
	v49 =	vadd.s32 v13, v46;
	v38 =	vld.idx.msk [tilespmem:v58+s14+$0x0], $0xffff;
	(pc) =	sbr.rel @!p0 .LBB2_10-.Ltmp8, $4  }
0x27a: {  	v62 =	vmov s26;
	v48 =	vadd.s32 v10, v46;
	v44 =	vld.idx.msk [tilespmem:v59+s14+$0x0], $0xffff  }
0x27b: {  	v63 =	vor.u32 s26, v16;
	v47 =	vadd.s32 v11, v46;
	v33 =	vshll.u32 v62, $0x3;
	v45 =	vld.idx.msk [tilespmem:v60+s14+$0x0], $0xffff  }
0x27c: {  	v42 =	vand.u32 $0x7F, v63;
	v46 =	vld.idx.msk [tilespmem:v50+s14+$0x0], $0xffff;
	v33 =	vand.u32 $0xFFFFFC00, v33  }
0x27d: {  	s29 =	simm.s32 $0xC000;
	s28 =	sadd.s32 $0xFFFFFFFF, s28;
	v33 =	vor.u32 v42, v33;
	v42 =	vld.idx.msk [tilespmem:v61+s14+$0x0], $0xffff  }
.LBB2_9:
0x27e: {  	p4 =	sne.s32 s28, $0x1;
	v49 =	vld.idx.msk [tilespmem:v49+s14+$0x0], $0xffff;
	s29 =	sadd.s32 $0x400, s29;
	s26 =	sadd.s32 $0x40, s26  }
0x27f: {  	s28 =	sadd.s32 $0xFFFFFFFF, s28;
	v50 =	vmov s26;
	v48 =	vld.idx.msk [tilespmem:v48+s14+$0x0], $0xffff  }
0x280: {  	v51 =	vor.u32 s26, v16;
	v50 =	vshll.u32 v50, $0x3;
	v47 =	vld.idx.msk [tilespmem:v47+s14+$0x0], $0xffff  }
0x281: {  	v51 =	vand.u32 $0x7F, v51;
	v50 =	vand.u32 $0xFFFFFC00, v50;
	[tilespmem:v17+s25+$0x200] =	vst.idx.msk $0xffff, v45  }
0x282: {  	v45 =	vor.u32 v51, v50;
	[tilespmem:v18+s25+$0x200] =	vst.idx.msk $0xffff, v44  }
0x283: {  	[tilespmem:v19+s25+$0x200] =	vst.idx.msk $0xffff, v43  }
0x284: {  	[tilespmem:v20+s25+$0x200] =	vst.idx.msk $0xffff, v41  }
0x285: {  	[tilespmem:v21+s25+$0x200] =	vst.idx.msk $0xffff, v46  }
0x286: {  	[tilespmem:v22+s25+$0x200] =	vst.idx.msk $0xffff, v40  }
0x287: {  	[tilespmem:v23+s25+$0x200] =	vst.idx.msk $0xffff, v39  }
0x288: {  	[tilespmem:v24+s25+$0x200] =	vst.idx.msk $0xffff, v37  }
0x289: {  	[tilespmem:v25+s25+$0x200] =	vst.idx.msk $0xffff, v36  }
0x28a: {  	[tilespmem:v26+s25+$0x200] =	vst.idx.msk $0xffff, v35  }
0x28b: {  	[tilespmem:v27+s25+$0x200] =	vst.idx.msk $0xffff, v48  }
0x28c: {  	v35 =	vadd.s32 v0, v33;
	[tilespmem:v28+s25+$0x200] =	vst.idx.msk $0xffff, v47  }
0x28d: {  	v36 =	vadd.s32 v1, v33;
	[tilespmem:v29+s25+$0x200] =	vst.idx.msk $0xffff, v42  }
0x28e: {  	v37 =	vadd.s32 v2, v33;
	[tilespmem:v30+s25+$0x200] =	vst.idx.msk $0xffff, v49  }
0x28f: {  	[tilespmem:v31+s25+$0x200] =	vst.idx.msk $0xffff, v38;
	v38 =	vadd.s32 v3, v33  }
0x290: {  	[tilespmem:v32+s25+$0x200] =	vst.idx.msk $0xffff, v34;
	v34 =	vadd.s32 v4, v33  }
0x291: {  	v39 =	vadd.s32 v5, v33;
	v35 =	vld.idx.msk [tilespmem:v35+s14+$0x0], $0xffff  }
0x292: {  	v40 =	vadd.s32 v7, v33;
	v36 =	vld.idx.msk [tilespmem:v36+s14+$0x0], $0xffff  }
0x293: {  	v41 =	vadd.s32 v8, v33;
	v37 =	vld.idx.msk [tilespmem:v37+s14+$0x0], $0xffff  }
0x294: {  	v42 =	vadd.s32 v13, v33;
	v38 =	vld.idx.msk [tilespmem:v38+s14+$0x0], $0xffff  }
0x295: {  	v43 =	vadd.s32 v10, v33;
	v34 =	vld.idx.msk [tilespmem:v34+s14+$0x0], $0xffff  }
0x296: {  	v44 =	vadd.s32 v9, v33;
	v39 =	vld.idx.msk [tilespmem:v39+s14+$0x0], $0xffff  }
0x297: {  	v46 =	vadd.s32 v14, v33;
	v40 =	vld.idx.msk [tilespmem:v40+s14+$0x0], $0xffff  }
0x298: {  	v47 =	vadd.s32 v11, v33;
	v41 =	vld.idx.msk [tilespmem:v41+s14+$0x0], $0xffff  }
0x299: {  	v48 =	vadd.s32 v15, v33;
	v42 =	vld.idx.msk [tilespmem:v42+s14+$0x0], $0xffff  }
0x29a: {  	v49 =	vadd.s32 v12, v33;
	v43 =	vld.idx.msk [tilespmem:v43+s14+$0x0], $0xffff  }
0x29b: {  	v50 =	vadd.s32 v6, v33;
	v33 =	vmov v45;
	v44 =	vld.idx.msk [tilespmem:v44+s14+$0x0], $0xffff  }
0x29c: {  	v45 =	vld.idx.msk [tilespmem:v46+s14+$0x0], $0xffff  }
0x29d: {  	s30 =	sadd.s32 $0xFFFFFFD0, s26;
	v46 =	vld.idx.msk [tilespmem:v47+s14+$0x0], $0xffff  }
0x29e: {  	v51 =	vor.u32 s30, v16;
	v47 =	vmov s30;
	v48 =	vld.idx.msk [tilespmem:v48+s14+$0x0], $0xffff  }
0x29f: {  	v47 =	vshll.u32 v47, $0x3;
	v49 =	vld.idx.msk [tilespmem:v49+s14+$0x0], $0xffff  }
0x2a0: {  	v51 =	vand.u32 $0x4F, v51;
	v47 =	vand.u32 $0xFFFFFC00, v47;
	v50 =	vld.idx.msk [tilespmem:v50+s14+$0x0], $0xffff  }
0x2a1: {  	v47 =	vor.u32 v51, v47;
	[tilespmem:v17+s25+$0x300] =	vst.idx.msk $0xffff, v35  }
0x2a2: {  	v35 =	vadd.s32 v0, v47;
	v51 =	vadd.s32 v1, v47;
	[tilespmem:v18+s25+$0x300] =	vst.idx.msk $0xffff, v36  }
0x2a3: {  	v52 =	vadd.s32 v4, v47;
	v36 =	vadd.s32 v3, v47;
	[tilespmem:v19+s25+$0x300] =	vst.idx.msk $0xffff, v37  }
0x2a4: {  	v53 =	vadd.s32 v7, v47;
	v37 =	vadd.s32 v6, v47;
	[tilespmem:v20+s25+$0x300] =	vst.idx.msk $0xffff, v38  }
0x2a5: {  	v54 =	vadd.s32 v10, v47;
	v38 =	vadd.s32 v9, v47;
	[tilespmem:v21+s25+$0x300] =	vst.idx.msk $0xffff, v34  }
0x2a6: {  	v55 =	vadd.s32 v13, v47;
	v34 =	vadd.s32 v12, v47;
	[tilespmem:v22+s25+$0x300] =	vst.idx.msk $0xffff, v39  }
0x2a7: {  	v56 =	vadd.s32 v15, v47;
	v39 =	vadd.s32 v14, v47;
	[tilespmem:v23+s25+$0x300] =	vst.idx.msk $0xffff, v50  }
0x2a8: {  	v57 =	vadd.s32 v8, v47;
	v50 =	vadd.s32 v5, v47;
	[tilespmem:v24+s25+$0x300] =	vst.idx.msk $0xffff, v40  }
0x2a9: {  	[tilespmem:v25+s25+$0x300] =	vst.idx.msk $0xffff, v41  }
0x2aa: {  	[tilespmem:v26+s25+$0x300] =	vst.idx.msk $0xffff, v44  }
0x2ab: {  	[tilespmem:v27+s25+$0x300] =	vst.idx.msk $0xffff, v43  }
0x2ac: {  	[tilespmem:v28+s25+$0x300] =	vst.idx.msk $0xffff, v46  }
0x2ad: {  	v40 =	vadd.s32 v2, v47;
	[tilespmem:v29+s25+$0x300] =	vst.idx.msk $0xffff, v49  }
0x2ae: {  	v41 =	vadd.s32 v11, v47;
	[tilespmem:v30+s25+$0x300] =	vst.idx.msk $0xffff, v42  }
0x2af: {  	[tilespmem:v31+s25+$0x300] =	vst.idx.msk $0xffff, v45  }
0x2b0: {  	[tilespmem:v32+s25+$0x300] =	vst.idx.msk $0xffff, v48;
	s25 =	smov.u32 s29  }
0x2b1: {  	v37 =	vld.idx.msk [tilespmem:v37+s14+$0x0], $0xffff  }
0x2b2: {  	v42 =	vld.idx.msk [tilespmem:v55+s14+$0x0], $0xffff  }
0x2b3: {  	v34 =	vld.idx.msk [tilespmem:v34+s14+$0x0], $0xffff  }
0x2b4: {  	v43 =	vld.idx.msk [tilespmem:v50+s14+$0x0], $0xffff  }
0x2b5: {  	v40 =	vld.idx.msk [tilespmem:v40+s14+$0x0], $0xffff  }
0x2b6: {  	v39 =	vld.idx.msk [tilespmem:v39+s14+$0x0], $0xffff  }
0x2b7: {  	v44 =	vld.idx.msk [tilespmem:v56+s14+$0x0], $0xffff  }
0x2b8: {  	v45 =	vld.idx.msk [tilespmem:v52+s14+$0x0], $0xffff  }
0x2b9: {  	v46 =	vld.idx.msk [tilespmem:v51+s14+$0x0], $0xffff  }
0x2ba: {  	v36 =	vld.idx.msk [tilespmem:v36+s14+$0x0], $0xffff  }
0x2bb: {  	v35 =	vld.idx.msk [tilespmem:v35+s14+$0x0], $0xffff  }
0x2bc: {  	v47 =	vld.idx.msk [tilespmem:v54+s14+$0x0], $0xffff  }
0x2bd: {  	v48 =	vld.idx.msk [tilespmem:v53+s14+$0x0], $0xffff  }
0x2be: {  	v38 =	vld.idx.msk [tilespmem:v38+s14+$0x0], $0xffff  }
0x2bf: {  	v49 =	vld.idx.msk [tilespmem:v57+s14+$0x0], $0xffff  }
0x2c0: {  	v41 =	vld.idx.msk [tilespmem:v41+s14+$0x0], $0xffff  }
0x2c1: {  	[tilespmem:v17+s29+$0x0] =	vst.idx.msk $0xffff, v35  }
0x2c2: {  	[tilespmem:v18+s29+$0x0] =	vst.idx.msk $0xffff, v46  }
0x2c3: {  	[tilespmem:v19+s29+$0x0] =	vst.idx.msk $0xffff, v40  }
0x2c4: {  	[tilespmem:v20+s29+$0x0] =	vst.idx.msk $0xffff, v36  }
0x2c5: {  	[tilespmem:v21+s29+$0x0] =	vst.idx.msk $0xffff, v45  }
0x2c6: {  	[tilespmem:v22+s29+$0x0] =	vst.idx.msk $0xffff, v43  }
0x2c7: {  	s30 =	sadd.s32 $0xFFFFFFE0, s26;
	[tilespmem:v23+s29+$0x0] =	vst.idx.msk $0xffff, v37  }
0x2c8: {  	v35 =	vmov s30;
	v36 =	vor.u32 s30, v16;
	[tilespmem:v24+s29+$0x0] =	vst.idx.msk $0xffff, v48  }
0x2c9: {  	v35 =	vshll.u32 v35, $0x3;
	[tilespmem:v25+s29+$0x0] =	vst.idx.msk $0xffff, v49  }
0x2ca: {  	v35 =	vand.u32 $0xFFFFFC00, v35;
	v36 =	vand.u32 $0x5F, v36;
	[tilespmem:v26+s29+$0x0] =	vst.idx.msk $0xffff, v38  }
0x2cb: {  	v35 =	vor.u32 v36, v35;
	[tilespmem:v27+s29+$0x0] =	vst.idx.msk $0xffff, v47  }
0x2cc: {  	v36 =	vadd.s32 v8, v35;
	[tilespmem:v28+s29+$0x0] =	vst.idx.msk $0xffff, v41  }
0x2cd: {  	[tilespmem:v29+s29+$0x0] =	vst.idx.msk $0xffff, v34;
	v34 =	vadd.s32 v13, v35  }
0x2ce: {  	v37 =	vadd.s32 v3, v35;
	[tilespmem:v30+s29+$0x0] =	vst.idx.msk $0xffff, v42  }
0x2cf: {  	v38 =	vadd.s32 v15, v35;
	[tilespmem:v31+s29+$0x0] =	vst.idx.msk $0xffff, v39  }
0x2d0: {  	v39 =	vadd.s32 v12, v35;
	[tilespmem:v32+s29+$0x0] =	vst.idx.msk $0xffff, v44  }
0x2d1: {  	v40 =	vadd.s32 v11, v35;
	v36 =	vld.idx.msk [tilespmem:v36+s14+$0x0], $0xffff  }
0x2d2: {  	v41 =	vadd.s32 v1, v35;
	v34 =	vld.idx.msk [tilespmem:v34+s14+$0x0], $0xffff  }
0x2d3: {  	v42 =	vadd.s32 v9, v35;
	v37 =	vld.idx.msk [tilespmem:v37+s14+$0x0], $0xffff  }
0x2d4: {  	v43 =	vadd.s32 v14, v35;
	v38 =	vld.idx.msk [tilespmem:v38+s14+$0x0], $0xffff  }
0x2d5: {  	v44 =	vadd.s32 v4, v35;
	v39 =	vld.idx.msk [tilespmem:v39+s14+$0x0], $0xffff  }
0x2d6: {  	v45 =	vadd.s32 v0, v35;
	v40 =	vld.idx.msk [tilespmem:v40+s14+$0x0], $0xffff  }
0x2d7: {  	v46 =	vadd.s32 v2, v35;
	v41 =	vld.idx.msk [tilespmem:v41+s14+$0x0], $0xffff  }
0x2d8: {  	v47 =	vadd.s32 v7, v35;
	v42 =	vld.idx.msk [tilespmem:v42+s14+$0x0], $0xffff  }
0x2d9: {  	v48 =	vadd.s32 v6, v35;
	v43 =	vld.idx.msk [tilespmem:v43+s14+$0x0], $0xffff  }
0x2da: {  	v49 =	vadd.s32 v5, v35;
	v44 =	vld.idx.msk [tilespmem:v44+s14+$0x0], $0xffff  }
0x2db: {  	v35 =	vadd.s32 v10, v35;
	v45 =	vld.idx.msk [tilespmem:v45+s14+$0x0], $0xffff  }
0x2dc: {  	v46 =	vld.idx.msk [tilespmem:v46+s14+$0x0], $0xffff  }
0x2dd: {  	v47 =	vld.idx.msk [tilespmem:v47+s14+$0x0], $0xffff  }
0x2de: {  	v48 =	vld.idx.msk [tilespmem:v48+s14+$0x0], $0xffff  }
0x2df: {  	v49 =	vld.idx.msk [tilespmem:v49+s14+$0x0], $0xffff  }
0x2e0: {  	v35 =	vld.idx.msk [tilespmem:v35+s14+$0x0], $0xffff  }
0x2e1: {  	[tilespmem:v17+s29+$0x100] =	vst.idx.msk $0xffff, v45  }
0x2e2: {  	[tilespmem:v18+s29+$0x100] =	vst.idx.msk $0xffff, v41  }
0x2e3: {  	[tilespmem:v19+s29+$0x100] =	vst.idx.msk $0xffff, v46  }
0x2e4: {  	[tilespmem:v20+s29+$0x100] =	vst.idx.msk $0xffff, v37  }
0x2e5: {  	[tilespmem:v21+s29+$0x100] =	vst.idx.msk $0xffff, v44  }
0x2e6: {  	[tilespmem:v22+s29+$0x100] =	vst.idx.msk $0xffff, v49  }
0x2e7: {  	s30 =	sadd.s32 $0xFFFFFFF0, s26;
	[tilespmem:v23+s29+$0x100] =	vst.idx.msk $0xffff, v48  }
0x2e8: {  	v41 =	vor.u32 s30, v16;
	v37 =	vmov s30;
	[tilespmem:v24+s29+$0x100] =	vst.idx.msk $0xffff, v47  }
0x2e9: {  	[tilespmem:v25+s29+$0x100] =	vst.idx.msk $0xffff, v36;
	v36 =	vshll.u32 v37, $0x3  }
0x2ea: {  	v37 =	vand.u32 $0x6F, v41;
	[tilespmem:v26+s29+$0x100] =	vst.idx.msk $0xffff, v42;
	v36 =	vand.u32 $0xFFFFFC00, v36  }
0x2eb: {  	[tilespmem:v27+s29+$0x100] =	vst.idx.msk $0xffff, v35;
	v42 =	vor.u32 v37, v36  }
0x2ec: {  	[tilespmem:v28+s29+$0x100] =	vst.idx.msk $0xffff, v40;
	v35 =	vadd.s32 v15, v42  }
0x2ed: {  	v36 =	vadd.s32 v9, v42;
	[tilespmem:v29+s29+$0x100] =	vst.idx.msk $0xffff, v39  }
0x2ee: {  	v37 =	vadd.s32 v8, v42;
	[tilespmem:v30+s29+$0x100] =	vst.idx.msk $0xffff, v34  }
0x2ef: {  	v39 =	vadd.s32 v7, v42;
	[tilespmem:v31+s29+$0x100] =	vst.idx.msk $0xffff, v43  }
0x2f0: {  	[tilespmem:v32+s29+$0x100] =	vst.idx.msk $0xffff, v38;
	v38 =	vadd.s32 v6, v42  }
0x2f1: {  	v40 =	vadd.s32 v5, v42;
	v34 =	vld.idx.msk [tilespmem:v35+s14+$0x0], $0xffff  }
0x2f2: {  	v41 =	vadd.s32 v3, v42;
	v35 =	vld.idx.msk [tilespmem:v36+s14+$0x0], $0xffff  }
0x2f3: {  	v43 =	vadd.s32 v2, v42;
	v36 =	vld.idx.msk [tilespmem:v37+s14+$0x0], $0xffff  }
0x2f4: {  	v44 =	vadd.s32 v14, v42;
	v37 =	vld.idx.msk [tilespmem:v39+s14+$0x0], $0xffff  }
0x2f5: {  	v45 =	vadd.s32 v1, v42;
	v39 =	vld.idx.msk [tilespmem:v38+s14+$0x0], $0xffff  }
0x2f6: {  	v46 =	vadd.s32 v0, v42;
	v40 =	vld.idx.msk [tilespmem:v40+s14+$0x0], $0xffff  }
0x2f7: {  	v50 =	vadd.s32 v12, v42;
	v41 =	vld.idx.msk [tilespmem:v41+s14+$0x0], $0xffff  }
0x2f8: {  	v51 =	vadd.s32 v4, v42;
	v43 =	vld.idx.msk [tilespmem:v43+s14+$0x0], $0xffff  }
.Ltmp9:
0x2f9: {  	v49 =	vadd.s32 v13, v42;
	v38 =	vld.idx.msk [tilespmem:v44+s14+$0x0], $0xffff;
	(pc) =	sbr.rel @p4 .LBB2_9-.Ltmp9, $4  }
0x2fa: {  	v48 =	vadd.s32 v10, v42;
	v44 =	vld.idx.msk [tilespmem:v45+s14+$0x0], $0xffff  }
0x2fb: {  	v47 =	vadd.s32 v11, v42;
	v45 =	vld.idx.msk [tilespmem:v46+s14+$0x0], $0xffff  }
0x2fc: {  	v42 =	vld.idx.msk [tilespmem:v50+s14+$0x0], $0xffff  }
0x2fd: {  	v46 =	vld.idx.msk [tilespmem:v51+s14+$0x0], $0xffff  }
.Ltmp10:
0x2fe: {  	_ = 	snop;
	(pc) =	sbr.rel .LBB2_10-.Ltmp10, $1  }
0x2ff: {  	_ =	sdelay $0x3  }
.LBB2_13:
0x300: {  	_ =	sfence.sel $0x180000  }
0x301: {  	[bflag:$0x0] =	sbarrier.arrive $0xFFFF  }
0x302: {  	p0 =	sne.s32 s3, $0x0;
	_ =	strace $0x90000047  }
0x303: {  	s0 =	sadd.s32 @!p0 $0x100000, s1;
	[bflag:$0x2] =	sbarrier.arrive $0xFFFF  }
0x304: {  	[sflag:s0] =	ssyncadd.tile.s32 @!p0 $0x1;
	_ =	shalt  }
.Lfunc_end2:
_tile_overlayer_lowered:
.L_overlay_start_2:
0x305: {  	(tag) =	ssettag $0x2  }
0x306: {  	s0 =	rddreg [dreg:$0x0];
	s2 =	stileid.u32  }
0x307: {  	s1 =	rddreg [dreg:$0x1];
	p0 =	sne.s32 s2, $0x0  }
0x308: {  	s3 =	rddreg [dreg:$0x2];
	[bflag:$0x3] =	sbarrier.arrive $0xFFFF;
	s2 =	simm.s32 @!p0 $0x1C05  }
0x309: {  	[timem:s3], [sflag:s2] =	dma.local @!p0 [hbm:s0], s1  }
0x30a: {  	s0 =	simm.s32 @!p0 $0x5  }
0x30b: {  	_ =	swait.ge @!p0 [sflag:s0], s1  }
0x30c: {  	s1 =	ssub.s32 @!p0 $0x0, s1;
	[sflag:s0] =	ssyncset.done @!p0 $0x0  }
0x30d: {  	[sflag:s0] =	ssyncadd.s32 @!p0 s1  }
0x30e: {  	[bflag:$0x3] =	sbarrier.arrive $0xFFFF  }
0x30f: {  	_ =	shalt  }

</sc_bundles>
